<compile_context>
chip_gen: v7x
topology: tpu7x:2x2x1
jax: 0.10.2.dev20260603
libtpu: 0.0.44.dev20260713+nightly
codegen_flags: <defaults>
</compile_context>

<pallas_src>
import functools

import jax
import jax.numpy as jnp
from jax import lax
from jax.experimental import pallas as pl
from jax.experimental.pallas import tpu as pltpu
from jax.experimental.pallas import tpu_sc as plsc

DIM = 64
NB = 16384
NJ = 20
NC, NS = 2, 16
NW = NC * NS
BBLK = 128
NBB = NB // BBLK
NTC = NJ * NBB
TCW = NTC // NW
RING = 4
TPAD = BBLK + 8


def _make_sc_gather():
    mesh = plsc.VectorSubcoreMesh(
        core_axis_name="c", subcore_axis_name="s", num_cores=NC, num_subcores=NS
    )

    @functools.partial(
        pl.kernel,
        out_type=jax.ShapeDtypeStruct((NJ, 8, NBB, 8, BBLK), jnp.float32),
        mesh=mesh,
        scratch_types=[
            pltpu.VMEM((TCW, BBLK), jnp.int32),
            pltpu.VMEM((RING, BBLK, DIM), jnp.float32),
            pltpu.VMEM((RING, 8, 8, TPAD), jnp.float32),
            pltpu.SemaphoreType.DMA((RING,)),
            pltpu.SemaphoreType.DMA((RING,)),
        ],
        compiler_params=pltpu.CompilerParams(
            use_tc_tiling_on_sc=False, needs_layout_passes=False,
            disable_bounds_checks=True
        ),
    )
    def gather_kernel(table_hbm, idxt_hbm, out_hbm, idx_v, gbuf, tbuf, sem_g, sem_w):
        wid = lax.axis_index("s") * NC + lax.axis_index("c")
        tc0 = wid * TCW

        lane = lax.iota(jnp.int32, 16)
        fvecs = [lane + (16 * fg) for fg in range(4)]
        ffvs = [lax.shift_right_logical(v, 3) for v in fvecs]
        fmvs = [lax.bitwise_and(v, 7) for v in fvecs]

        pltpu.sync_copy(idxt_hbm.at[pl.ds(tc0, TCW), :], idx_v)
        pltpu.async_copy(table_hbm.at[idx_v.at[0]], gbuf.at[0], sem_g.at[0])
        pltpu.async_copy(table_hbm.at[idx_v.at[1]], gbuf.at[1], sem_g.at[1])

        @pl.loop(0, TCW, step=RING)
        def _(t4):
            for par in range(RING):
                t = t4 + par
                tc = tc0 + t
                j = tc // NBB
                bb = tc % NBB

                pltpu.make_async_copy(
                    table_hbm.at[idx_v.at[t]], gbuf.at[par], sem_g.at[par]
                ).wait()

                @pl.when(t + 2 < TCW)
                def _():
                    nxt = (par + 2) % RING
                    pltpu.async_copy(
                        table_hbm.at[idx_v.at[t + 2]], gbuf.at[nxt], sem_g.at[nxt]
                    )

                @pl.when(t >= RING)
                def _():
                    pltpu.make_async_copy(
                        tbuf.at[par, :, :, pl.ds(0, BBLK)],
                        out_hbm.at[j, :, bb],
                        sem_w.at[par],
                    ).wait()

                @pl.loop(0, BBLK, unroll=8)
                def _(c):
                    cv = jnp.full((16,), c, jnp.int32)
                    for fg in range(4):
                        vals = gbuf[par, c, pl.ds(fg * 16, 16)]
                        plsc.store_scatter(
                            tbuf.at[par], [ffvs[fg], fmvs[fg], cv], vals
                        )

                pltpu.async_copy(
                    tbuf.at[par, :, :, pl.ds(0, BBLK)],
                    out_hbm.at[j, :, bb],
                    sem_w.at[par],
                )

        for par in range(RING):
            t = TCW - RING + par
            tc = tc0 + t
            pltpu.make_async_copy(
                tbuf.at[par, :, :, pl.ds(0, BBLK)],
                out_hbm.at[tc // NBB, :, tc % NBB],
                sem_w.at[par],
            ).wait()

    return gather_kernel


_sc_gather = _make_sc_gather()


@jax.jit
def kernel(class_number, embedding):
    idx_t = jnp.transpose(class_number, (1, 0)).astype(jnp.int32).reshape(NTC, BBLK)
    y = _sc_gather(embedding, idx_t)
    return y.transpose(2, 4, 0, 1, 3).reshape(NB, NJ, DIM)

# --- scband reference (transcript-rebuilt; emitter-appended) ---
"""Pipeline reference for scband-latent-shapes-84507776516235 (READ-ONLY COPY).

The authoritative reference and input builder live on the scoring server;
editing this copy changes nothing except your own understanding.
"""

import jax, jax.numpy as jnp
import numpy as np

VOCAB = 100000
DIM = 64
MIN_BOUND = -0.1
MAX_BOUND = 0.1


def setup_inputs(seed: int = 0) -> dict:
    key = jax.random.key(seed)
    k1, k2, k3 = jax.random.split(key, 3)
    latent_shapes = jax.random.normal(k1, (VOCAB, DIM), dtype=jnp.float32)
    noise = MIN_BOUND + jax.random.uniform(k2, (VOCAB, DIM), dtype=jnp.float32) * (MAX_BOUND - MIN_BOUND)
    embedding = latent_shapes + noise
    class_number = jax.random.randint(k3, (16384, 20), 0, VOCAB, dtype=jnp.int64) if jax.config.jax_enable_x64 else jax.random.randint(k3, (16384, 20), 0, VOCAB, dtype=jnp.int32)
    return {"class_number": class_number, "embedding": embedding}


def reference(class_number, embedding):
    # Faithful translation of: return self.embedding[class_number]
    return jnp.take(embedding, class_number, axis=0)

if __name__ == "__main__":
    import jax
    _d = setup_inputs()
    print(jax.jit(kernel)(*tuple(_d.values())))

</pallas_src>

<mosaic_0001>
#map = affine_map<(d0, d1) -> (0, 0)>
#map1 = affine_map<(d0, d1) -> (0, 0, 0, 0, 0)>
module attributes {stable_mosaic.version = 14 : i64} {
  func.func @gather_kernel(%arg0: i32, %arg1: i32, %arg2: memref<100000x64xf32, #tpu.memory_space<hbm>>, %arg3: memref<2560x128xi32, #tpu.memory_space<hbm>>, %arg4: memref<20x8x128x8x128xf32, #tpu.memory_space<hbm>>, %arg5: memref<80x128xi32, #tpu.memory_space<vmem>>, %arg6: memref<4x128x64xf32, #tpu.memory_space<vmem>>, %arg7: memref<4x8x8x136xf32, #tpu.memory_space<vmem>>, %arg8: memref<4x!tpu.dma_semaphore, #tpu.memory_space<semaphore_mem>>, %arg9: memref<4x!tpu.dma_semaphore, #tpu.memory_space<semaphore_mem>>) attributes {dimension_semantics = [#tpu.dimension_semantics<core_parallel>, #tpu.dimension_semantics<subcore_parallel>], iteration_bounds = array<i64: 2, 16>, scalar_prefetch = 0 : i64, scratch_operands = 5 : i64, tpu.core_type = #tpu.core_type<sc_vector_subcore>, window_params = [{transform_indices = #map}, {transform_indices = #map}, {transform_indices = #map1}]} {
    %mul3A = arith.constant 2 : i32
    %mul3A_0 = arith.muli %arg1, %mul3A : i32
    %add3A = arith.addi %mul3A_0, %arg0 : i32
    %mul3A_1 = arith.constant 80 : i32
    %mul3A_2 = arith.muli %add3A, %mul3A_1 : i32
    %iota3A = tpu.iota {dimensions = array<i32: 0>} : vector<16xi32>
    %add3A_3 = arith.constant 0 : i32
    %add3A_4 = vector.broadcast %add3A_3 : i32 to vector<16xi32>
    %add3A_5 = arith.addi %iota3A, %add3A_4 : vector<16xi32>
    %add3A_6 = arith.constant 16 : i32
    %add3A_7 = vector.broadcast %add3A_6 : i32 to vector<16xi32>
    %add3A_8 = arith.addi %iota3A, %add3A_7 : vector<16xi32>
    %add3A_9 = arith.constant 32 : i32
    %add3A_10 = vector.broadcast %add3A_9 : i32 to vector<16xi32>
    %add3A_11 = arith.addi %iota3A, %add3A_10 : vector<16xi32>
    %add3A_12 = arith.constant 48 : i32
    %add3A_13 = vector.broadcast %add3A_12 : i32 to vector<16xi32>
    %add3A_14 = arith.addi %iota3A, %add3A_13 : vector<16xi32>
    %shift_right_logical3A = arith.constant 3 : i32
    %shift_right_logical3A_15 = vector.broadcast %shift_right_logical3A : i32 to vector<16xi32>
    %shift_right_logical3A_16 = arith.shrui %add3A_5, %shift_right_logical3A_15 : vector<16xi32>
    %shift_right_logical3A_17 = arith.constant 3 : i32
    %shift_right_logical3A_18 = vector.broadcast %shift_right_logical3A_17 : i32 to vector<16xi32>
    %shift_right_logical3A_19 = arith.shrui %add3A_8, %shift_right_logical3A_18 : vector<16xi32>
    %shift_right_logical3A_20 = arith.constant 3 : i32
    %shift_right_logical3A_21 = vector.broadcast %shift_right_logical3A_20 : i32 to vector<16xi32>
    %shift_right_logical3A_22 = arith.shrui %add3A_11, %shift_right_logical3A_21 : vector<16xi32>
    %shift_right_logical3A_23 = arith.constant 3 : i32
    %shift_right_logical3A_24 = vector.broadcast %shift_right_logical3A_23 : i32 to vector<16xi32>
    %shift_right_logical3A_25 = arith.shrui %add3A_14, %shift_right_logical3A_24 : vector<16xi32>
    %and3A = arith.constant 7 : i32
    %and3A_26 = vector.broadcast %and3A : i32 to vector<16xi32>
    %and3A_27 = arith.andi %add3A_5, %and3A_26 : vector<16xi32>
    %and3A_28 = arith.constant 7 : i32
    %and3A_29 = vector.broadcast %and3A_28 : i32 to vector<16xi32>
    %and3A_30 = arith.andi %add3A_8, %and3A_29 : vector<16xi32>
    %and3A_31 = arith.constant 7 : i32
    %and3A_32 = vector.broadcast %and3A_31 : i32 to vector<16xi32>
    %and3A_33 = arith.andi %add3A_11, %and3A_32 : vector<16xi32>
    %and3A_34 = arith.constant 7 : i32
    %and3A_35 = vector.broadcast %and3A_34 : i32 to vector<16xi32>
    %and3A_36 = arith.andi %add3A_14, %and3A_35 : vector<16xi32>
    "tpu.region"() ({
      %run_scoped3A = tpu.sem_alloc : memref<!tpu.dma_semaphore, #tpu.memory_space<semaphore_mem>>
      %dma_start3A_324 = arith.constant 0 : i32
      %dma_start3A_325 = tpu.memref_slice %arg3[%mul3A_2, %dma_start3A_324] : memref<2560x128xi32, #tpu.memory_space<hbm>> -> memref<80x128xi32, #tpu.memory_space<hbm>>
      %dma_start3A_326 = arith.constant 0 : i32
      %dma_start3A_327 = tpu.memref_slice %arg3[%mul3A_2, %dma_start3A_326] : memref<2560x128xi32, #tpu.memory_space<hbm>> -> memref<80x128xi32, #tpu.memory_space<hbm>>
      tpu.enqueue_dma source(%dma_start3A_327 : memref<80x128xi32, #tpu.memory_space<hbm>>) target(%arg5 : memref<80x128xi32, #tpu.memory_space<vmem>>) target_semaphore(%run_scoped3A : memref<!tpu.dma_semaphore, #tpu.memory_space<semaphore_mem>>)
      %dma_wait3A_328 = arith.constant 0 : i32
      %dma_wait3A_329 = tpu.memref_slice %arg3[%mul3A_2, %dma_wait3A_328] : memref<2560x128xi32, #tpu.memory_space<hbm>> -> memref<80x128xi32, #tpu.memory_space<hbm>>
      %dma_wait3A_330 = arith.constant 0 : i32
      %dma_wait3A_331 = tpu.memref_slice %arg3[%mul3A_2, %dma_wait3A_330] : memref<2560x128xi32, #tpu.memory_space<hbm>> -> memref<80x128xi32, #tpu.memory_space<hbm>>
      tpu.wait_dma2 semaphore(%run_scoped3A : memref<!tpu.dma_semaphore, #tpu.memory_space<semaphore_mem>>) src(%dma_wait3A_331 : memref<80x128xi32, #tpu.memory_space<hbm>>) dst(%arg5 : memref<80x128xi32, #tpu.memory_space<vmem>>)
      tpu.yield
    }) : () -> ()
    %dma_start3A = arith.constant 0 : i32
    %dma_start3A_37 = arith.constant 0 : i32
    %dma_start3A_38 = arith.constant 0 : i32
    %dma_start3A_39 = arith.constant 0 : i32
    %dma_start3A_40 = arith.constant 0 : i32
    %dma_start3A_41 = tpu.memref_slice %arg6[%dma_start3A_37, %dma_start3A_39, %dma_start3A_40] : memref<4x128x64xf32, #tpu.memory_space<vmem>> -> memref<1x128x64xf32, #tpu.memory_space<vmem>>
    %dma_start3A_42 = tpu.memref_squeeze %dma_start3A_41 : memref<1x128x64xf32, #tpu.memory_space<vmem>> -> memref<128x64xf32, #tpu.memory_space<vmem>>
    %dma_start3A_43 = arith.constant 0 : i32
    %dma_start3A_44 = tpu.memref_slice %arg5[%dma_start3A, %dma_start3A_43] : memref<80x128xi32, #tpu.memory_space<vmem>> -> memref<1x128xi32, #tpu.memory_space<vmem>>
    %dma_start3A_45 = tpu.memref_squeeze %dma_start3A_44 : memref<1x128xi32, #tpu.memory_space<vmem>> -> memref<128xi32, #tpu.memory_space<vmem>>
    %dma_start3A_46 = arith.constant 0 : i32
    %dma_start3A_47 = arith.constant 0 : i32
    %dma_start3A_48 = tpu.memref_slice %arg2[%dma_start3A_46, %dma_start3A_47] : memref<100000x64xf32, #tpu.memory_space<hbm>> -> memref<100000x64xf32, #tpu.memory_space<hbm>>
    %dma_start3A_49 = tpu.memref_slice %arg8[%dma_start3A_38] : memref<4x!tpu.dma_semaphore, #tpu.memory_space<semaphore_mem>> -> memref<1x!tpu.dma_semaphore, #tpu.memory_space<semaphore_mem>>
    %dma_start3A_50 = tpu.memref_squeeze %dma_start3A_49 : memref<1x!tpu.dma_semaphore, #tpu.memory_space<semaphore_mem>> -> memref<!tpu.dma_semaphore, #tpu.memory_space<semaphore_mem>>
    tpu.enqueue_indirect_dma source(%dma_start3A_48 : memref<100000x64xf32, #tpu.memory_space<hbm>>) target(%dma_start3A_42 : memref<128x64xf32, #tpu.memory_space<vmem>>) offsets(%dma_start3A_45 : memref<128xi32, #tpu.memory_space<vmem>>) semaphore(%dma_start3A_50 : memref<!tpu.dma_semaphore, #tpu.memory_space<semaphore_mem>>)
    %dma_start3A_51 = arith.constant 1 : i32
    %dma_start3A_52 = arith.constant 1 : i32
    %dma_start3A_53 = arith.constant 1 : i32
    %dma_start3A_54 = arith.constant 0 : i32
    %dma_start3A_55 = arith.constant 0 : i32
    %dma_start3A_56 = tpu.memref_slice %arg6[%dma_start3A_52, %dma_start3A_54, %dma_start3A_55] : memref<4x128x64xf32, #tpu.memory_space<vmem>> -> memref<1x128x64xf32, #tpu.memory_space<vmem>>
    %dma_start3A_57 = tpu.memref_squeeze %dma_start3A_56 : memref<1x128x64xf32, #tpu.memory_space<vmem>> -> memref<128x64xf32, #tpu.memory_space<vmem>>
    %dma_start3A_58 = arith.constant 0 : i32
    %dma_start3A_59 = tpu.memref_slice %arg5[%dma_start3A_51, %dma_start3A_58] : memref<80x128xi32, #tpu.memory_space<vmem>> -> memref<1x128xi32, #tpu.memory_space<vmem>>
    %dma_start3A_60 = tpu.memref_squeeze %dma_start3A_59 : memref<1x128xi32, #tpu.memory_space<vmem>> -> memref<128xi32, #tpu.memory_space<vmem>>
    %dma_start3A_61 = arith.constant 0 : i32
    %dma_start3A_62 = arith.constant 0 : i32
    %dma_start3A_63 = tpu.memref_slice %arg2[%dma_start3A_61, %dma_start3A_62] : memref<100000x64xf32, #tpu.memory_space<hbm>> -> memref<100000x64xf32, #tpu.memory_space<hbm>>
    %dma_start3A_64 = tpu.memref_slice %arg8[%dma_start3A_53] : memref<4x!tpu.dma_semaphore, #tpu.memory_space<semaphore_mem>> -> memref<1x!tpu.dma_semaphore, #tpu.memory_space<semaphore_mem>>
    %dma_start3A_65 = tpu.memref_squeeze %dma_start3A_64 : memref<1x!tpu.dma_semaphore, #tpu.memory_space<semaphore_mem>> -> memref<!tpu.dma_semaphore, #tpu.memory_space<semaphore_mem>>
    tpu.enqueue_indirect_dma source(%dma_start3A_63 : memref<100000x64xf32, #tpu.memory_space<hbm>>) target(%dma_start3A_57 : memref<128x64xf32, #tpu.memory_space<vmem>>) offsets(%dma_start3A_60 : memref<128xi32, #tpu.memory_space<vmem>>) semaphore(%dma_start3A_65 : memref<!tpu.dma_semaphore, #tpu.memory_space<semaphore_mem>>)
    %scan3A = arith.constant 0 : i32
    %scan3A_66 = arith.constant 20 : i32
    %scan3A_67 = arith.addi %scan3A, %scan3A_66 : i32
    %scan3A_68 = arith.constant 1 : i32
    scf.for %scan3A_324 = %scan3A to %scan3A_67 step %scan3A_68  : i32 {
      %mul3A_325 = arith.constant 4 : i32
      %mul3A_326 = arith.muli %scan3A_324, %mul3A_325 : i32
      %add3A_327 = arith.constant 0 : i32
      %add3A_328 = arith.addi %add3A_327, %mul3A_326 : i32
      %add3A_329 = arith.constant 0 : i32
      %add3A_330 = arith.addi %add3A_328, %add3A_329 : i32
      %add3A_331 = arith.addi %mul3A_2, %add3A_330 : i32
      %jit3A_332 = arith.constant 128 : i32
      %div3A_333 = arith.divsi %add3A_331, %jit3A_332 : i32
      %sign3A_334 = arith.constant 0 : i32
      %sign3A_335 = arith.cmpi sgt, %add3A_331, %sign3A_334 : i32
      %sign3A_336 = arith.extui %sign3A_335 : i1 to i32
      %sign3A_337 = arith.constant 0 : i32
      %sign3A_338 = arith.cmpi slt, %add3A_331, %sign3A_337 : i32
      %sign3A_339 = arith.extui %sign3A_338 : i1 to i32
      %sign3A_340 = arith.subi %sign3A_336, %sign3A_339 : i32
      %sign3A_341 = arith.constant 0 : i32
      %sign3A_342 = arith.cmpi sgt, %jit3A_332, %sign3A_341 : i32
      %sign3A_343 = arith.extui %sign3A_342 : i1 to i32
      %sign3A_344 = arith.constant 0 : i32
      %sign3A_345 = arith.cmpi slt, %jit3A_332, %sign3A_344 : i32
      %sign3A_346 = arith.extui %sign3A_345 : i1 to i32
      %sign3A_347 = arith.subi %sign3A_343, %sign3A_346 : i32
      %ne3A_348 = arith.cmpi ne, %sign3A_340, %sign3A_347 : i32
      %rem3A_349 = arith.remsi %add3A_331, %jit3A_332 : i32
      %ne3A_350 = arith.constant 0 : i32
      %ne3A_351 = arith.cmpi ne, %rem3A_349, %ne3A_350 : i32
      %and3A_352 = arith.andi %ne3A_348, %ne3A_351 : i1
      %sub3A_353 = arith.constant 1 : i32
      %sub3A_354 = arith.subi %div3A_333, %sub3A_353 : i32
      %select_n3A_355 = arith.select %and3A_352, %sub3A_354, %div3A_333 : i32
      %jit3A_356 = arith.constant 128 : i32
      %eq3A_357 = arith.constant 0 : i32
      %eq3A_358 = arith.cmpi eq, %jit3A_356, %eq3A_357 : i32
      %jit3A_359 = arith.constant 1 : i32
      %select_n3A_360 = arith.select %eq3A_358, %jit3A_359, %jit3A_356 : i32
      %rem3A_361 = arith.remsi %add3A_331, %select_n3A_360 : i32
      %ne3A_362 = arith.constant 0 : i32
      %ne3A_363 = arith.cmpi ne, %rem3A_361, %ne3A_362 : i32
      %lt3A_364 = arith.constant 0 : i32
      %lt3A_365 = arith.cmpi slt, %rem3A_361, %lt3A_364 : i32
      %lt3A_366 = arith.constant 0 : i32
      %lt3A_367 = arith.cmpi slt, %select_n3A_360, %lt3A_366 : i32
      %ne3A_368 = arith.xori %lt3A_365, %lt3A_367 : i1
      %and3A_369 = arith.andi %ne3A_368, %ne3A_363 : i1
      %add3A_370 = arith.addi %rem3A_361, %select_n3A_360 : i32
      %select_n3A_371 = arith.select %and3A_369, %add3A_370, %rem3A_361 : i32
      %dma_wait3A_372 = arith.constant 0 : i32
      %dma_wait3A_373 = arith.constant 0 : i32
      %dma_wait3A_374 = arith.constant 0 : i32
      %dma_wait3A_375 = arith.constant 0 : i32
      %dma_wait3A_376 = tpu.memref_slice %arg6[%dma_wait3A_372, %dma_wait3A_374, %dma_wait3A_375] : memref<4x128x64xf32, #tpu.memory_space<vmem>> -> memref<1x128x64xf32, #tpu.memory_space<vmem>>
      %dma_wait3A_377 = tpu.memref_squeeze %dma_wait3A_376 : memref<1x128x64xf32, #tpu.memory_space<vmem>> -> memref<128x64xf32, #tpu.memory_space<vmem>>
      %dma_wait3A_378 = arith.constant 0 : i32
      %dma_wait3A_379 = tpu.memref_slice %arg5[%add3A_330, %dma_wait3A_378] : memref<80x128xi32, #tpu.memory_space<vmem>> -> memref<1x128xi32, #tpu.memory_space<vmem>>
      %dma_wait3A_380 = tpu.memref_squeeze %dma_wait3A_379 : memref<1x128xi32, #tpu.memory_space<vmem>> -> memref<128xi32, #tpu.memory_space<vmem>>
      %dma_wait3A_381 = arith.constant 0 : i32
      %dma_wait3A_382 = arith.constant 0 : i32
      %dma_wait3A_383 = tpu.memref_slice %arg2[%dma_wait3A_381, %dma_wait3A_382] : memref<100000x64xf32, #tpu.memory_space<hbm>> -> memref<100000x64xf32, #tpu.memory_space<hbm>>
      %dma_wait3A_384 = tpu.memref_slice %arg8[%dma_wait3A_373] : memref<4x!tpu.dma_semaphore, #tpu.memory_space<semaphore_mem>> -> memref<1x!tpu.dma_semaphore, #tpu.memory_space<semaphore_mem>>
      %dma_wait3A_385 = tpu.memref_squeeze %dma_wait3A_384 : memref<1x!tpu.dma_semaphore, #tpu.memory_space<semaphore_mem>> -> memref<!tpu.dma_semaphore, #tpu.memory_space<semaphore_mem>>
      tpu.wait_indirect_dma semaphore(%dma_wait3A_385 : memref<!tpu.dma_semaphore, #tpu.memory_space<semaphore_mem>>) src(%dma_wait3A_383 : memref<100000x64xf32, #tpu.memory_space<hbm>>) dst(%dma_wait3A_377 : memref<128x64xf32, #tpu.memory_space<vmem>>)
      %add3A_386 = arith.constant 2 : i32
      %add3A_387 = arith.addi %add3A_330, %add3A_386 : i32
      %lt3A_388 = arith.constant 80 : i32
      %lt3A_389 = arith.cmpi slt, %add3A_387, %lt3A_388 : i32
      %convert_element_type3A = arith.extui %lt3A_389 : i1 to i32
      %cond3A = arith.constant 0 : i32
      %cond3A_390 = arith.cmpi ne, %convert_element_type3A, %cond3A : i32
      scf.if %cond3A_390 {
        %add3A_718 = arith.constant 2 : i32
        %add3A_719 = arith.addi %add3A_330, %add3A_718 : i32
        %dma_start3A_720 = arith.constant 2 : i32
        %dma_start3A_721 = arith.constant 2 : i32
        %dma_start3A_722 = arith.constant 0 : i32
        %dma_start3A_723 = arith.constant 0 : i32
        %dma_start3A_724 = tpu.memref_slice %arg6[%dma_start3A_720, %dma_start3A_722, %dma_start3A_723] : memref<4x128x64xf32, #tpu.memory_space<vmem>> -> memref<1x128x64xf32, #tpu.memory_space<vmem>>
        %dma_start3A_725 = tpu.memref_squeeze %dma_start3A_724 : memref<1x128x64xf32, #tpu.memory_space<vmem>> -> memref<128x64xf32, #tpu.memory_space<vmem>>
        %dma_start3A_726 = arith.constant 0 : i32
        %dma_start3A_727 = tpu.memref_slice %arg5[%add3A_719, %dma_start3A_726] : memref<80x128xi32, #tpu.memory_space<vmem>> -> memref<1x128xi32, #tpu.memory_space<vmem>>
        %dma_start3A_728 = tpu.memref_squeeze %dma_start3A_727 : memref<1x128xi32, #tpu.memory_space<vmem>> -> memref<128xi32, #tpu.memory_space<vmem>>
        %dma_start3A_729 = arith.constant 0 : i32
        %dma_start3A_730 = arith.constant 0 : i32
        %dma_start3A_731 = tpu.memref_slice %arg2[%dma_start3A_729, %dma_start3A_730] : memref<100000x64xf32, #tpu.memory_space<hbm>> -> memref<100000x64xf32, #tpu.memory_space<hbm>>
        %dma_start3A_732 = tpu.memref_slice %arg8[%dma_start3A_721] : memref<4x!tpu.dma_semaphore, #tpu.memory_space<semaphore_mem>> -> memref<1x!tpu.dma_semaphore, #tpu.memory_space<semaphore_mem>>
        %dma_start3A_733 = tpu.memref_squeeze %dma_start3A_732 : memref<1x!tpu.dma_semaphore, #tpu.memory_space<semaphore_mem>> -> memref<!tpu.dma_semaphore, #tpu.memory_space<semaphore_mem>>
        tpu.enqueue_indirect_dma source(%dma_start3A_731 : memref<100000x64xf32, #tpu.memory_space<hbm>>) target(%dma_start3A_725 : memref<128x64xf32, #tpu.memory_space<vmem>>) offsets(%dma_start3A_728 : memref<128xi32, #tpu.memory_space<vmem>>) semaphore(%dma_start3A_733 : memref<!tpu.dma_semaphore, #tpu.memory_space<semaphore_mem>>)
      } else {
      }
      %ge3A = arith.constant 4 : i32
      %ge3A_391 = arith.cmpi sge, %add3A_330, %ge3A : i32
      %convert_element_type3A_392 = arith.extui %ge3A_391 : i1 to i32
      %cond3A_393 = arith.constant 0 : i32
      %cond3A_394 = arith.cmpi ne, %convert_element_type3A_392, %cond3A_393 : i32
      scf.if %cond3A_394 {
        %dma_wait3A_718 = arith.constant 0 : i32
        %dma_wait3A_719 = arith.constant 0 : i32
        %dma_wait3A_720 = arith.constant 0 : i32
        %dma_wait3A_721 = arith.constant 0 : i32
        %dma_wait3A_722 = arith.constant 0 : i32
        %dma_wait3A_723 = tpu.memref_slice %arg7[%dma_wait3A_718, %dma_wait3A_720, %dma_wait3A_721, %dma_wait3A_722] : memref<4x8x8x136xf32, #tpu.memory_space<vmem>> -> memref<1x8x8x128xf32, #tpu.memory_space<vmem>>
        %dma_wait3A_724 = tpu.memref_squeeze %dma_wait3A_723 : memref<1x8x8x128xf32, #tpu.memory_space<vmem>> -> memref<8x8x128xf32, #tpu.memory_space<vmem>>
        %dma_wait3A_725 = arith.constant 0 : i32
        %dma_wait3A_726 = arith.constant 0 : i32
        %dma_wait3A_727 = arith.constant 0 : i32
        %dma_wait3A_728 = tpu.memref_slice %arg4[%select_n3A_355, %dma_wait3A_725, %select_n3A_371, %dma_wait3A_726, %dma_wait3A_727] : memref<20x8x128x8x128xf32, #tpu.memory_space<hbm>> -> memref<1x8x1x8x128xf32, #tpu.memory_space<hbm>>
        %dma_wait3A_729 = tpu.memref_squeeze %dma_wait3A_728 : memref<1x8x1x8x128xf32, #tpu.memory_space<hbm>> -> memref<8x8x128xf32, #tpu.memory_space<hbm>>
        %dma_wait3A_730 = tpu.memref_slice %arg9[%dma_wait3A_719] : memref<4x!tpu.dma_semaphore, #tpu.memory_space<semaphore_mem>> -> memref<1x!tpu.dma_semaphore, #tpu.memory_space<semaphore_mem>>
        %dma_wait3A_731 = tpu.memref_squeeze %dma_wait3A_730 : memref<1x!tpu.dma_semaphore, #tpu.memory_space<semaphore_mem>> -> memref<!tpu.dma_semaphore, #tpu.memory_space<semaphore_mem>>
        %dma_wait3A_732 = arith.constant 0 : i32
        %dma_wait3A_733 = arith.constant 0 : i32
        %dma_wait3A_734 = arith.constant 0 : i32
        %dma_wait3A_735 = tpu.memref_slice %arg4[%select_n3A_355, %dma_wait3A_732, %select_n3A_371, %dma_wait3A_733, %dma_wait3A_734] : memref<20x8x128x8x128xf32, #tpu.memory_space<hbm>> -> memref<1x8x1x8x128xf32, #tpu.memory_space<hbm>>
        %dma_wait3A_736 = tpu.memref_squeeze %dma_wait3A_735 : memref<1x8x1x8x128xf32, #tpu.memory_space<hbm>> -> memref<8x8x128xf32, #tpu.memory_space<hbm>>
        %dma_wait3A_737 = arith.constant 0 : i32
        %dma_wait3A_738 = arith.constant 0 : i32
        %dma_wait3A_739 = arith.constant 0 : i32
        %dma_wait3A_740 = tpu.memref_slice %arg7[%dma_wait3A_718, %dma_wait3A_737, %dma_wait3A_738, %dma_wait3A_739] : memref<4x8x8x136xf32, #tpu.memory_space<vmem>> -> memref<1x8x8x128xf32, #tpu.memory_space<vmem>>
        %dma_wait3A_741 = tpu.memref_squeeze %dma_wait3A_740 : memref<1x8x8x128xf32, #tpu.memory_space<vmem>> -> memref<8x8x128xf32, #tpu.memory_space<vmem>>
        tpu.wait_dma2 semaphore(%dma_wait3A_731 : memref<!tpu.dma_semaphore, #tpu.memory_space<semaphore_mem>>) src(%dma_wait3A_741 : memref<8x8x128xf32, #tpu.memory_space<vmem>>) dst(%dma_wait3A_736 : memref<8x8x128xf32, #tpu.memory_space<hbm>>)
      } else {
      }
      %scan3A_395 = arith.constant 0 : i32
      %scan3A_396 = arith.constant 128 : i32
      %scan3A_397 = arith.addi %scan3A_395, %scan3A_396 : i32
      %scan3A_398 = arith.constant 8 : i32
      scf.for %scan3A_718 = %scan3A_395 to %scan3A_397 step %scan3A_398  : i32 {
        %mul3A_719 = arith.constant 1 : i32
        %mul3A_720 = arith.muli %scan3A_718, %mul3A_719 : i32
        %add3A_721 = arith.constant 0 : i32
        %add3A_722 = arith.addi %add3A_721, %mul3A_720 : i32
        %broadcast_in_dim3A = vector.broadcast %add3A_722 : i32 to vector<16xi32>
        %get3A = arith.constant 0 : i32
        %get3A_723 = arith.index_cast %get3A : i32 to index
        %get3A_724 = arith.index_cast %add3A_722 : i32 to index
        %get3A_725 = arith.constant 0 : index
        %get3A_726 = tpu.vector_load %arg6[%get3A_723, %get3A_724, %get3A_725] {strides = array<i32>} : memref<4x128x64xf32, #tpu.memory_space<vmem>>, vector<16xf32>,
        %scatter3A = arith.constant 0 : i32
        %scatter3A_727 = arith.constant 0 : i32
        %scatter3A_728 = arith.constant 0 : i32
        %scatter3A_729 = arith.constant 0 : i32
        %scatter3A_730 = tpu.memref_slice %arg7[%scatter3A, %scatter3A_727, %scatter3A_728, %scatter3A_729] : memref<4x8x8x136xf32, #tpu.memory_space<vmem>> -> memref<1x8x8x136xf32, #tpu.memory_space<vmem>>
        %scatter3A_731 = tpu.memref_squeeze %scatter3A_730 : memref<1x8x8x136xf32, #tpu.memory_space<vmem>> -> memref<8x8x136xf32, #tpu.memory_space<vmem>>
        tpu.vector_store_idx %scatter3A_731[%shift_right_logical3A_16, %and3A_27, %broadcast_in_dim3A], %get3A_726 : memref<8x8x136xf32, #tpu.memory_space<vmem>>[vector<16xi32>, vector<16xi32>, vector<16xi32>], vector<16xf32>,
        %get3A_732 = arith.constant 0 : i32
        %get3A_733 = arith.index_cast %get3A_732 : i32 to index
        %get3A_734 = arith.index_cast %add3A_722 : i32 to index
        %get3A_735 = arith.constant 16 : index
        %get3A_736 = tpu.vector_load %arg6[%get3A_733, %get3A_734, %get3A_735] {strides = array<i32>} : memref<4x128x64xf32, #tpu.memory_space<vmem>>, vector<16xf32>,
        %scatter3A_737 = arith.constant 0 : i32
        %scatter3A_738 = arith.constant 0 : i32
        %scatter3A_739 = arith.constant 0 : i32
        %scatter3A_740 = arith.constant 0 : i32
        %scatter3A_741 = tpu.memref_slice %arg7[%scatter3A_737, %scatter3A_738, %scatter3A_739, %scatter3A_740] : memref<4x8x8x136xf32, #tpu.memory_space<vmem>> -> memref<1x8x8x136xf32, #tpu.memory_space<vmem>>
        %scatter3A_742 = tpu.memref_squeeze %scatter3A_741 : memref<1x8x8x136xf32, #tpu.memory_space<vmem>> -> memref<8x8x136xf32, #tpu.memory_space<vmem>>
        tpu.vector_store_idx %scatter3A_742[%shift_right_logical3A_19, %and3A_30, %broadcast_in_dim3A], %get3A_736 : memref<8x8x136xf32, #tpu.memory_space<vmem>>[vector<16xi32>, vector<16xi32>, vector<16xi32>], vector<16xf32>,
        %get3A_743 = arith.constant 0 : i32
        %get3A_744 = arith.index_cast %get3A_743 : i32 to index
        %get3A_745 = arith.index_cast %add3A_722 : i32 to index
        %get3A_746 = arith.constant 32 : index
        %get3A_747 = tpu.vector_load %arg6[%get3A_744, %get3A_745, %get3A_746] {strides = array<i32>} : memref<4x128x64xf32, #tpu.memory_space<vmem>>, vector<16xf32>,
        %scatter3A_748 = arith.constant 0 : i32
        %scatter3A_749 = arith.constant 0 : i32
        %scatter3A_750 = arith.constant 0 : i32
        %scatter3A_751 = arith.constant 0 : i32
        %scatter3A_752 = tpu.memref_slice %arg7[%scatter3A_748, %scatter3A_749, %scatter3A_750, %scatter3A_751] : memref<4x8x8x136xf32, #tpu.memory_space<vmem>> -> memref<1x8x8x136xf32, #tpu.memory_space<vmem>>
        %scatter3A_753 = tpu.memref_squeeze %scatter3A_752 : memref<1x8x8x136xf32, #tpu.memory_space<vmem>> -> memref<8x8x136xf32, #tpu.memory_space<vmem>>
        tpu.vector_store_idx %scatter3A_753[%shift_right_logical3A_22, %and3A_33, %broadcast_in_dim3A], %get3A_747 : memref<8x8x136xf32, #tpu.memory_space<vmem>>[vector<16xi32>, vector<16xi32>, vector<16xi32>], vector<16xf32>,
        %get3A_754 = arith.constant 0 : i32
        %get3A_755 = arith.index_cast %get3A_754 : i32 to index
        %get3A_756 = arith.index_cast %add3A_722 : i32 to index
        %get3A_757 = arith.constant 48 : index
        %get3A_758 = tpu.vector_load %arg6[%get3A_755, %get3A_756, %get3A_757] {strides = array<i32>} : memref<4x128x64xf32, #tpu.memory_space<vmem>>, vector<16xf32>,
        %scatter3A_759 = arith.constant 0 : i32
        %scatter3A_760 = arith.constant 0 : i32
        %scatter3A_761 = arith.constant 0 : i32
        %scatter3A_762 = arith.constant 0 : i32
        %scatter3A_763 = tpu.memref_slice %arg7[%scatter3A_759, %scatter3A_760, %scatter3A_761, %scatter3A_762] : memref<4x8x8x136xf32, #tpu.memory_space<vmem>> -> memref<1x8x8x136xf32, #tpu.memory_space<vmem>>
        %scatter3A_764 = tpu.memref_squeeze %scatter3A_763 : memref<1x8x8x136xf32, #tpu.memory_space<vmem>> -> memref<8x8x136xf32, #tpu.memory_space<vmem>>
        tpu.vector_store_idx %scatter3A_764[%shift_right_logical3A_25, %and3A_36, %broadcast_in_dim3A], %get3A_758 : memref<8x8x136xf32, #tpu.memory_space<vmem>>[vector<16xi32>, vector<16xi32>, vector<16xi32>], vector<16xf32>,
        %scan3A_765 = arith.constant 1 : i32
        %scan3A_766 = arith.addi %scan3A_718, %scan3A_765 : i32
        %mul3A_767 = arith.constant 1 : i32
        %mul3A_768 = arith.muli %scan3A_766, %mul3A_767 : i32
        %add3A_769 = arith.constant 0 : i32
        %add3A_770 = arith.addi %add3A_769, %mul3A_768 : i32
        %broadcast_in_dim3A_771 = vector.broadcast %add3A_770 : i32 to vector<16xi32>
        %get3A_772 = arith.constant 0 : i32
        %get3A_773 = arith.index_cast %get3A_772 : i32 to index
        %get3A_774 = arith.index_cast %add3A_770 : i32 to index
        %get3A_775 = arith.constant 0 : index
        %get3A_776 = tpu.vector_load %arg6[%get3A_773, %get3A_774, %get3A_775] {strides = array<i32>} : memref<4x128x64xf32, #tpu.memory_space<vmem>>, vector<16xf32>,
        %scatter3A_777 = arith.constant 0 : i32
        %scatter3A_778 = arith.constant 0 : i32
        %scatter3A_779 = arith.constant 0 : i32
        %scatter3A_780 = arith.constant 0 : i32
        %scatter3A_781 = tpu.memref_slice %arg7[%scatter3A_777, %scatter3A_778, %scatter3A_779, %scatter3A_780] : memref<4x8x8x136xf32, #tpu.memory_space<vmem>> -> memref<1x8x8x136xf32, #tpu.memory_space<vmem>>
        %scatter3A_782 = tpu.memref_squeeze %scatter3A_781 : memref<1x8x8x136xf32, #tpu.memory_space<vmem>> -> memref<8x8x136xf32, #tpu.memory_space<vmem>>
        tpu.vector_store_idx %scatter3A_782[%shift_right_logical3A_16, %and3A_27, %broadcast_in_dim3A_771], %get3A_776 : memref<8x8x136xf32, #tpu.memory_space<vmem>>[vector<16xi32>, vector<16xi32>, vector<16xi32>], vector<16xf32>,
        %get3A_783 = arith.constant 0 : i32
        %get3A_784 = arith.index_cast %get3A_783 : i32 to index
        %get3A_785 = arith.index_cast %add3A_770 : i32 to index
        %get3A_786 = arith.constant 16 : index
        %get3A_787 = tpu.vector_load %arg6[%get3A_784, %get3A_785, %get3A_786] {strides = array<i32>} : memref<4x128x64xf32, #tpu.memory_space<vmem>>, vector<16xf32>,
        %scatter3A_788 = arith.constant 0 : i32
        %scatter3A_789 = arith.constant 0 : i32
        %scatter3A_790 = arith.constant 0 : i32
        %scatter3A_791 = arith.constant 0 : i32
        %scatter3A_792 = tpu.memref_slice %arg7[%scatter3A_788, %scatter3A_789, %scatter3A_790, %scatter3A_791] : memref<4x8x8x136xf32, #tpu.memory_space<vmem>> -> memref<1x8x8x136xf32, #tpu.memory_space<vmem>>
        %scatter3A_793 = tpu.memref_squeeze %scatter3A_792 : memref<1x8x8x136xf32, #tpu.memory_space<vmem>> -> memref<8x8x136xf32, #tpu.memory_space<vmem>>
        tpu.vector_store_idx %scatter3A_793[%shift_right_logical3A_19, %and3A_30, %broadcast_in_dim3A_771], %get3A_787 : memref<8x8x136xf32, #tpu.memory_space<vmem>>[vector<16xi32>, vector<16xi32>, vector<16xi32>], vector<16xf32>,
        %get3A_794 = arith.constant 0 : i32
        %get3A_795 = arith.index_cast %get3A_794 : i32 to index
        %get3A_796 = arith.index_cast %add3A_770 : i32 to index
        %get3A_797 = arith.constant 32 : index
        %get3A_798 = tpu.vector_load %arg6[%get3A_795, %get3A_796, %get3A_797] {strides = array<i32>} : memref<4x128x64xf32, #tpu.memory_space<vmem>>, vector<16xf32>,
        %scatter3A_799 = arith.constant 0 : i32
        %scatter3A_800 = arith.constant 0 : i32
        %scatter3A_801 = arith.constant 0 : i32
        %scatter3A_802 = arith.constant 0 : i32
        %scatter3A_803 = tpu.memref_slice %arg7[%scatter3A_799, %scatter3A_800, %scatter3A_801, %scatter3A_802] : memref<4x8x8x136xf32, #tpu.memory_space<vmem>> -> memref<1x8x8x136xf32, #tpu.memory_space<vmem>>
        %scatter3A_804 = tpu.memref_squeeze %scatter3A_803 : memref<1x8x8x136xf32, #tpu.memory_space<vmem>> -> memref<8x8x136xf32, #tpu.memory_space<vmem>>
        tpu.vector_store_idx %scatter3A_804[%shift_right_logical3A_22, %and3A_33, %broadcast_in_dim3A_771], %get3A_798 : memref<8x8x136xf32, #tpu.memory_space<vmem>>[vector<16xi32>, vector<16xi32>, vector<16xi32>], vector<16xf32>,
        %get3A_805 = arith.constant 0 : i32
        %get3A_806 = arith.index_cast %get3A_805 : i32 to index
        %get3A_807 = arith.index_cast %add3A_770 : i32 to index
        %get3A_808 = arith.constant 48 : index
        %get3A_809 = tpu.vector_load %arg6[%get3A_806, %get3A_807, %get3A_808] {strides = array<i32>} : memref<4x128x64xf32, #tpu.memory_space<vmem>>, vector<16xf32>,
        %scatter3A_810 = arith.constant 0 : i32
        %scatter3A_811 = arith.constant 0 : i32
        %scatter3A_812 = arith.constant 0 : i32
        %scatter3A_813 = arith.constant 0 : i32
        %scatter3A_814 = tpu.memref_slice %arg7[%scatter3A_810, %scatter3A_811, %scatter3A_812, %scatter3A_813] : memref<4x8x8x136xf32, #tpu.memory_space<vmem>> -> memref<1x8x8x136xf32, #tpu.memory_space<vmem>>
        %scatter3A_815 = tpu.memref_squeeze %scatter3A_814 : memref<1x8x8x136xf32, #tpu.memory_space<vmem>> -> memref<8x8x136xf32, #tpu.memory_space<vmem>>
        tpu.vector_store_idx %scatter3A_815[%shift_right_logical3A_25, %and3A_36, %broadcast_in_dim3A_771], %get3A_809 : memref<8x8x136xf32, #tpu.memory_space<vmem>>[vector<16xi32>, vector<16xi32>, vector<16xi32>], vector<16xf32>,
        %scan3A_816 = arith.constant 2 : i32
        %scan3A_817 = arith.addi %scan3A_718, %scan3A_816 : i32
        %mul3A_818 = arith.constant 1 : i32
        %mul3A_819 = arith.muli %scan3A_817, %mul3A_818 : i32
        %add3A_820 = arith.constant 0 : i32
        %add3A_821 = arith.addi %add3A_820, %mul3A_819 : i32
        %broadcast_in_dim3A_822 = vector.broadcast %add3A_821 : i32 to vector<16xi32>
        %get3A_823 = arith.constant 0 : i32
        %get3A_824 = arith.index_cast %get3A_823 : i32 to index
        %get3A_825 = arith.index_cast %add3A_821 : i32 to index
        %get3A_826 = arith.constant 0 : index
        %get3A_827 = tpu.vector_load %arg6[%get3A_824, %get3A_825, %get3A_826] {strides = array<i32>} : memref<4x128x64xf32, #tpu.memory_space<vmem>>, vector<16xf32>,
        %scatter3A_828 = arith.constant 0 : i32
        %scatter3A_829 = arith.constant 0 : i32
        %scatter3A_830 = arith.constant 0 : i32
        %scatter3A_831 = arith.constant 0 : i32
        %scatter3A_832 = tpu.memref_slice %arg7[%scatter3A_828, %scatter3A_829, %scatter3A_830, %scatter3A_831] : memref<4x8x8x136xf32, #tpu.memory_space<vmem>> -> memref<1x8x8x136xf32, #tpu.memory_space<vmem>>
        %scatter3A_833 = tpu.memref_squeeze %scatter3A_832 : memref<1x8x8x136xf32, #tpu.memory_space<vmem>> -> memref<8x8x136xf32, #tpu.memory_space<vmem>>
        tpu.vector_store_idx %scatter3A_833[%shift_right_logical3A_16, %and3A_27, %broadcast_in_dim3A_822], %get3A_827 : memref<8x8x136xf32, #tpu.memory_space<vmem>>[vector<16xi32>, vector<16xi32>, vector<16xi32>], vector<16xf32>,
        %get3A_834 = arith.constant 0 : i32
        %get3A_835 = arith.index_cast %get3A_834 : i32 to index
        %get3A_836 = arith.index_cast %add3A_821 : i32 to index
        %get3A_837 = arith.constant 16 : index
        %get3A_838 = tpu.vector_load %arg6[%get3A_835, %get3A_836, %get3A_837] {strides = array<i32>} : memref<4x128x64xf32, #tpu.memory_space<vmem>>, vector<16xf32>,
        %scatter3A_839 = arith.constant 0 : i32
        %scatter3A_840 = arith.constant 0 : i32
        %scatter3A_841 = arith.constant 0 : i32
        %scatter3A_842 = arith.constant 0 : i32
        %scatter3A_843 = tpu.memref_slice %arg7[%scatter3A_839, %scatter3A_840, %scatter3A_841, %scatter3A_842] : memref<4x8x8x136xf32, #tpu.memory_space<vmem>> -> memref<1x8x8x136xf32, #tpu.memory_space<vmem>>
        %scatter3A_844 = tpu.memref_squeeze %scatter3A_843 : memref<1x8x8x136xf32, #tpu.memory_space<vmem>> -> memref<8x8x136xf32, #tpu.memory_space<vmem>>
        tpu.vector_store_idx %scatter3A_844[%shift_right_logical3A_19, %and3A_30, %broadcast_in_dim3A_822], %get3A_838 : memref<8x8x136xf32, #tpu.memory_space<vmem>>[vector<16xi32>, vector<16xi32>, vector<16xi32>], vector<16xf32>,
        %get3A_845 = arith.constant 0 : i32
        %get3A_846 = arith.index_cast %get3A_845 : i32 to index
        %get3A_847 = arith.index_cast %add3A_821 : i32 to index
        %get3A_848 = arith.constant 32 : index
        %get3A_849 = tpu.vector_load %arg6[%get3A_846, %get3A_847, %get3A_848] {strides = array<i32>} : memref<4x128x64xf32, #tpu.memory_space<vmem>>, vector<16xf32>,
        %scatter3A_850 = arith.constant 0 : i32
        %scatter3A_851 = arith.constant 0 : i32
        %scatter3A_852 = arith.constant 0 : i32
        %scatter3A_853 = arith.constant 0 : i32
        %scatter3A_854 = tpu.memref_slice %arg7[%scatter3A_850, %scatter3A_851, %scatter3A_852, %scatter3A_853] : memref<4x8x8x136xf32, #tpu.memory_space<vmem>> -> memref<1x8x8x136xf32, #tpu.memory_space<vmem>>
        %scatter3A_855 = tpu.memref_squeeze %scatter3A_854 : memref<1x8x8x136xf32, #tpu.memory_space<vmem>> -> memref<8x8x136xf32, #tpu.memory_space<vmem>>
        tpu.vector_store_idx %scatter3A_855[%shift_right_logical3A_22, %and3A_33, %broadcast_in_dim3A_822], %get3A_849 : memref<8x8x136xf32, #tpu.memory_space<vmem>>[vector<16xi32>, vector<16xi32>, vector<16xi32>], vector<16xf32>,
        %get3A_856 = arith.constant 0 : i32
        %get3A_857 = arith.index_cast %get3A_856 : i32 to index
        %get3A_858 = arith.index_cast %add3A_821 : i32 to index
        %get3A_859 = arith.constant 48 : index
        %get3A_860 = tpu.vector_load %arg6[%get3A_857, %get3A_858, %get3A_859] {strides = array<i32>} : memref<4x128x64xf32, #tpu.memory_space<vmem>>, vector<16xf32>,
        %scatter3A_861 = arith.constant 0 : i32
        %scatter3A_862 = arith.constant 0 : i32
        %scatter3A_863 = arith.constant 0 : i32
        %scatter3A_864 = arith.constant 0 : i32
        %scatter3A_865 = tpu.memref_slice %arg7[%scatter3A_861, %scatter3A_862, %scatter3A_863, %scatter3A_864] : memref<4x8x8x136xf32, #tpu.memory_space<vmem>> -> memref<1x8x8x136xf32, #tpu.memory_space<vmem>>
        %scatter3A_866 = tpu.memref_squeeze %scatter3A_865 : memref<1x8x8x136xf32, #tpu.memory_space<vmem>> -> memref<8x8x136xf32, #tpu.memory_space<vmem>>
        tpu.vector_store_idx %scatter3A_866[%shift_right_logical3A_25, %and3A_36, %broadcast_in_dim3A_822], %get3A_860 : memref<8x8x136xf32, #tpu.memory_space<vmem>>[vector<16xi32>, vector<16xi32>, vector<16xi32>], vector<16xf32>,
        %scan3A_867 = arith.constant 3 : i32
        %scan3A_868 = arith.addi %scan3A_718, %scan3A_867 : i32
        %mul3A_869 = arith.constant 1 : i32
        %mul3A_870 = arith.muli %scan3A_868, %mul3A_869 : i32
        %add3A_871 = arith.constant 0 : i32
        %add3A_872 = arith.addi %add3A_871, %mul3A_870 : i32
        %broadcast_in_dim3A_873 = vector.broadcast %add3A_872 : i32 to vector<16xi32>
        %get3A_874 = arith.constant 0 : i32
        %get3A_875 = arith.index_cast %get3A_874 : i32 to index
        %get3A_876 = arith.index_cast %add3A_872 : i32 to index
        %get3A_877 = arith.constant 0 : index
        %get3A_878 = tpu.vector_load %arg6[%get3A_875, %get3A_876, %get3A_877] {strides = array<i32>} : memref<4x128x64xf32, #tpu.memory_space<vmem>>, vector<16xf32>,
        %scatter3A_879 = arith.constant 0 : i32
        %scatter3A_880 = arith.constant 0 : i32
        %scatter3A_881 = arith.constant 0 : i32
        %scatter3A_882 = arith.constant 0 : i32
        %scatter3A_883 = tpu.memref_slice %arg7[%scatter3A_879, %scatter3A_880, %scatter3A_881, %scatter3A_882] : memref<4x8x8x136xf32, #tpu.memory_space<vmem>> -> memref<1x8x8x136xf32, #tpu.memory_space<vmem>>
        %scatter3A_884 = tpu.memref_squeeze %scatter3A_883 : memref<1x8x8x136xf32, #tpu.memory_space<vmem>> -> memref<8x8x136xf32, #tpu.memory_space<vmem>>
        tpu.vector_store_idx %scatter3A_884[%shift_right_logical3A_16, %and3A_27, %broadcast_in_dim3A_873], %get3A_878 : memref<8x8x136xf32, #tpu.memory_space<vmem>>[vector<16xi32>, vector<16xi32>, vector<16xi32>], vector<16xf32>,
        %get3A_885 = arith.constant 0 : i32
        %get3A_886 = arith.index_cast %get3A_885 : i32 to index
        %get3A_887 = arith.index_cast %add3A_872 : i32 to index
        %get3A_888 = arith.constant 16 : index
        %get3A_889 = tpu.vector_load %arg6[%get3A_886, %get3A_887, %get3A_888] {strides = array<i32>} : memref<4x128x64xf32, #tpu.memory_space<vmem>>, vector<16xf32>,
        %scatter3A_890 = arith.constant 0 : i32
        %scatter3A_891 = arith.constant 0 : i32
        %scatter3A_892 = arith.constant 0 : i32
        %scatter3A_893 = arith.constant 0 : i32
        %scatter3A_894 = tpu.memref_slice %arg7[%scatter3A_890, %scatter3A_891, %scatter3A_892, %scatter3A_893] : memref<4x8x8x136xf32, #tpu.memory_space<vmem>> -> memref<1x8x8x136xf32, #tpu.memory_space<vmem>>
        %scatter3A_895 = tpu.memref_squeeze %scatter3A_894 : memref<1x8x8x136xf32, #tpu.memory_space<vmem>> -> memref<8x8x136xf32, #tpu.memory_space<vmem>>
        tpu.vector_store_idx %scatter3A_895[%shift_right_logical3A_19, %and3A_30, %broadcast_in_dim3A_873], %get3A_889 : memref<8x8x136xf32, #tpu.memory_space<vmem>>[vector<16xi32>, vector<16xi32>, vector<16xi32>], vector<16xf32>,
        %get3A_896 = arith.constant 0 : i32
        %get3A_897 = arith.index_cast %get3A_896 : i32 to index
        %get3A_898 = arith.index_cast %add3A_872 : i32 to index
        %get3A_899 = arith.constant 32 : index
        %get3A_900 = tpu.vector_load %arg6[%get3A_897, %get3A_898, %get3A_899] {strides = array<i32>} : memref<4x128x64xf32, #tpu.memory_space<vmem>>, vector<16xf32>,
        %scatter3A_901 = arith.constant 0 : i32
        %scatter3A_902 = arith.constant 0 : i32
        %scatter3A_903 = arith.constant 0 : i32
        %scatter3A_904 = arith.constant 0 : i32
        %scatter3A_905 = tpu.memref_slice %arg7[%scatter3A_901, %scatter3A_902, %scatter3A_903, %scatter3A_904] : memref<4x8x8x136xf32, #tpu.memory_space<vmem>> -> memref<1x8x8x136xf32, #tpu.memory_space<vmem>>
        %scatter3A_906 = tpu.memref_squeeze %scatter3A_905 : memref<1x8x8x136xf32, #tpu.memory_space<vmem>> -> memref<8x8x136xf32, #tpu.memory_space<vmem>>
        tpu.vector_store_idx %scatter3A_906[%shift_right_logical3A_22, %and3A_33, %broadcast_in_dim3A_873], %get3A_900 : memref<8x8x136xf32, #tpu.memory_space<vmem>>[vector<16xi32>, vector<16xi32>, vector<16xi32>], vector<16xf32>,
        %get3A_907 = arith.constant 0 : i32
        %get3A_908 = arith.index_cast %get3A_907 : i32 to index
        %get3A_909 = arith.index_cast %add3A_872 : i32 to index
        %get3A_910 = arith.constant 48 : index
        %get3A_911 = tpu.vector_load %arg6[%get3A_908, %get3A_909, %get3A_910] {strides = array<i32>} : memref<4x128x64xf32, #tpu.memory_space<vmem>>, vector<16xf32>,
        %scatter3A_912 = arith.constant 0 : i32
        %scatter3A_913 = arith.constant 0 : i32
        %scatter3A_914 = arith.constant 0 : i32
        %scatter3A_915 = arith.constant 0 : i32
        %scatter3A_916 = tpu.memref_slice %arg7[%scatter3A_912, %scatter3A_913, %scatter3A_914, %scatter3A_915] : memref<4x8x8x136xf32, #tpu.memory_space<vmem>> -> memref<1x8x8x136xf32, #tpu.memory_space<vmem>>
        %scatter3A_917 = tpu.memref_squeeze %scatter3A_916 : memref<1x8x8x136xf32, #tpu.memory_space<vmem>> -> memref<8x8x136xf32, #tpu.memory_space<vmem>>
        tpu.vector_store_idx %scatter3A_917[%shift_right_logical3A_25, %and3A_36, %broadcast_in_dim3A_873], %get3A_911 : memref<8x8x136xf32, #tpu.memory_space<vmem>>[vector<16xi32>, vector<16xi32>, vector<16xi32>], vector<16xf32>,
        %scan3A_918 = arith.constant 4 : i32
        %scan3A_919 = arith.addi %scan3A_718, %scan3A_918 : i32
        %mul3A_920 = arith.constant 1 : i32
        %mul3A_921 = arith.muli %scan3A_919, %mul3A_920 : i32
        %add3A_922 = arith.constant 0 : i32
        %add3A_923 = arith.addi %add3A_922, %mul3A_921 : i32
        %broadcast_in_dim3A_924 = vector.broadcast %add3A_923 : i32 to vector<16xi32>
        %get3A_925 = arith.constant 0 : i32
        %get3A_926 = arith.index_cast %get3A_925 : i32 to index
        %get3A_927 = arith.index_cast %add3A_923 : i32 to index
        %get3A_928 = arith.constant 0 : index
        %get3A_929 = tpu.vector_load %arg6[%get3A_926, %get3A_927, %get3A_928] {strides = array<i32>} : memref<4x128x64xf32, #tpu.memory_space<vmem>>, vector<16xf32>,
        %scatter3A_930 = arith.constant 0 : i32
        %scatter3A_931 = arith.constant 0 : i32
        %scatter3A_932 = arith.constant 0 : i32
        %scatter3A_933 = arith.constant 0 : i32
        %scatter3A_934 = tpu.memref_slice %arg7[%scatter3A_930, %scatter3A_931, %scatter3A_932, %scatter3A_933] : memref<4x8x8x136xf32, #tpu.memory_space<vmem>> -> memref<1x8x8x136xf32, #tpu.memory_space<vmem>>
        %scatter3A_935 = tpu.memref_squeeze %scatter3A_934 : memref<1x8x8x136xf32, #tpu.memory_space<vmem>> -> memref<8x8x136xf32, #tpu.memory_space<vmem>>
        tpu.vector_store_idx %scatter3A_935[%shift_right_logical3A_16, %and3A_27, %broadcast_in_dim3A_924], %get3A_929 : memref<8x8x136xf32, #tpu.memory_space<vmem>>[vector<16xi32>, vector<16xi32>, vector<16xi32>], vector<16xf32>,
        %get3A_936 = arith.constant 0 : i32
        %get3A_937 = arith.index_cast %get3A_936 : i32 to index
        %get3A_938 = arith.index_cast %add3A_923 : i32 to index
        %get3A_939 = arith.constant 16 : index
        %get3A_940 = tpu.vector_load %arg6[%get3A_937, %get3A_938, %get3A_939] {strides = array<i32>} : memref<4x128x64xf32, #tpu.memory_space<vmem>>, vector<16xf32>,
        %scatter3A_941 = arith.constant 0 : i32
        %scatter3A_942 = arith.constant 0 : i32
        %scatter3A_943 = arith.constant 0 : i32
        %scatter3A_944 = arith.constant 0 : i32
        %scatter3A_945 = tpu.memref_slice %arg7[%scatter3A_941, %scatter3A_942, %scatter3A_943, %scatter3A_944] : memref<4x8x8x136xf32, #tpu.memory_space<vmem>> -> memref<1x8x8x136xf32, #tpu.memory_space<vmem>>
        %scatter3A_946 = tpu.memref_squeeze %scatter3A_945 : memref<1x8x8x136xf32, #tpu.memory_space<vmem>> -> memref<8x8x136xf32, #tpu.memory_space<vmem>>
        tpu.vector_store_idx %scatter3A_946[%shift_right_logical3A_19, %and3A_30, %broadcast_in_dim3A_924], %get3A_940 : memref<8x8x136xf32, #tpu.memory_space<vmem>>[vector<16xi32>, vector<16xi32>, vector<16xi32>], vector<16xf32>,
        %get3A_947 = arith.constant 0 : i32
        %get3A_948 = arith.index_cast %get3A_947 : i32 to index
        %get3A_949 = arith.index_cast %add3A_923 : i32 to index
        %get3A_950 = arith.constant 32 : index
        %get3A_951 = tpu.vector_load %arg6[%get3A_948, %get3A_949, %get3A_950] {strides = array<i32>} : memref<4x128x64xf32, #tpu.memory_space<vmem>>, vector<16xf32>,
        %scatter3A_952 = arith.constant 0 : i32
        %scatter3A_953 = arith.constant 0 : i32
        %scatter3A_954 = arith.constant 0 : i32
        %scatter3A_955 = arith.constant 0 : i32
        %scatter3A_956 = tpu.memref_slice %arg7[%scatter3A_952, %scatter3A_953, %scatter3A_954, %scatter3A_955] : memref<4x8x8x136xf32, #tpu.memory_space<vmem>> -> memref<1x8x8x136xf32, #tpu.memory_space<vmem>>
        %scatter3A_957 = tpu.memref_squeeze %scatter3A_956 : memref<1x8x8x136xf32, #tpu.memory_space<vmem>> -> memref<8x8x136xf32, #tpu.memory_space<vmem>>
        tpu.vector_store_idx %scatter3A_957[%shift_right_logical3A_22, %and3A_33, %broadcast_in_dim3A_924], %get3A_951 : memref<8x8x136xf32, #tpu.memory_space<vmem>>[vector<16xi32>, vector<16xi32>, vector<16xi32>], vector<16xf32>,
        %get3A_958 = arith.constant 0 : i32
        %get3A_959 = arith.index_cast %get3A_958 : i32 to index
        %get3A_960 = arith.index_cast %add3A_923 : i32 to index
        %get3A_961 = arith.constant 48 : index
        %get3A_962 = tpu.vector_load %arg6[%get3A_959, %get3A_960, %get3A_961] {strides = array<i32>} : memref<4x128x64xf32, #tpu.memory_space<vmem>>, vector<16xf32>,
        %scatter3A_963 = arith.constant 0 : i32
        %scatter3A_964 = arith.constant 0 : i32
        %scatter3A_965 = arith.constant 0 : i32
        %scatter3A_966 = arith.constant 0 : i32
        %scatter3A_967 = tpu.memref_slice %arg7[%scatter3A_963, %scatter3A_964, %scatter3A_965, %scatter3A_966] : memref<4x8x8x136xf32, #tpu.memory_space<vmem>> -> memref<1x8x8x136xf32, #tpu.memory_space<vmem>>
        %scatter3A_968 = tpu.memref_squeeze %scatter3A_967 : memref<1x8x8x136xf32, #tpu.memory_space<vmem>> -> memref<8x8x136xf32, #tpu.memory_space<vmem>>
        tpu.vector_store_idx %scatter3A_968[%shift_right_logical3A_25, %and3A_36, %broadcast_in_dim3A_924], %get3A_962 : memref<8x8x136xf32, #tpu.memory_space<vmem>>[vector<16xi32>, vector<16xi32>, vector<16xi32>], vector<16xf32>,
        %scan3A_969 = arith.constant 5 : i32
        %scan3A_970 = arith.addi %scan3A_718, %scan3A_969 : i32
        %mul3A_971 = arith.constant 1 : i32
        %mul3A_972 = arith.muli %scan3A_970, %mul3A_971 : i32
        %add3A_973 = arith.constant 0 : i32
        %add3A_974 = arith.addi %add3A_973, %mul3A_972 : i32
        %broadcast_in_dim3A_975 = vector.broadcast %add3A_974 : i32 to vector<16xi32>
        %get3A_976 = arith.constant 0 : i32
        %get3A_977 = arith.index_cast %get3A_976 : i32 to index
        %get3A_978 = arith.index_cast %add3A_974 : i32 to index
        %get3A_979 = arith.constant 0 : index
        %get3A_980 = tpu.vector_load %arg6[%get3A_977, %get3A_978, %get3A_979] {strides = array<i32>} : memref<4x128x64xf32, #tpu.memory_space<vmem>>, vector<16xf32>,
        %scatter3A_981 = arith.constant 0 : i32
        %scatter3A_982 = arith.constant 0 : i32
        %scatter3A_983 = arith.constant 0 : i32
        %scatter3A_984 = arith.constant 0 : i32
        %scatter3A_985 = tpu.memref_slice %arg7[%scatter3A_981, %scatter3A_982, %scatter3A_983, %scatter3A_984] : memref<4x8x8x136xf32, #tpu.memory_space<vmem>> -> memref<1x8x8x136xf32, #tpu.memory_space<vmem>>
        %scatter3A_986 = tpu.memref_squeeze %scatter3A_985 : memref<1x8x8x136xf32, #tpu.memory_space<vmem>> -> memref<8x8x136xf32, #tpu.memory_space<vmem>>
        tpu.vector_store_idx %scatter3A_986[%shift_right_logical3A_16, %and3A_27, %broadcast_in_dim3A_975], %get3A_980 : memref<8x8x136xf32, #tpu.memory_space<vmem>>[vector<16xi32>, vector<16xi32>, vector<16xi32>], vector<16xf32>,
        %get3A_987 = arith.constant 0 : i32
        %get3A_988 = arith.index_cast %get3A_987 : i32 to index
        %get3A_989 = arith.index_cast %add3A_974 : i32 to index
        %get3A_990 = arith.constant 16 : index
        %get3A_991 = tpu.vector_load %arg6[%get3A_988, %get3A_989, %get3A_990] {strides = array<i32>} : memref<4x128x64xf32, #tpu.memory_space<vmem>>, vector<16xf32>,
        %scatter3A_992 = arith.constant 0 : i32
        %scatter3A_993 = arith.constant 0 : i32
        %scatter3A_994 = arith.constant 0 : i32
        %scatter3A_995 = arith.constant 0 : i32
        %scatter3A_996 = tpu.memref_slice %arg7[%scatter3A_992, %scatter3A_993, %scatter3A_994, %scatter3A_995] : memref<4x8x8x136xf32, #tpu.memory_space<vmem>> -> memref<1x8x8x136xf32, #tpu.memory_space<vmem>>
        %scatter3A_997 = tpu.memref_squeeze %scatter3A_996 : memref<1x8x8x136xf32, #tpu.memory_space<vmem>> -> memref<8x8x136xf32, #tpu.memory_space<vmem>>
        tpu.vector_store_idx %scatter3A_997[%shift_right_logical3A_19, %and3A_30, %broadcast_in_dim3A_975], %get3A_991 : memref<8x8x136xf32, #tpu.memory_space<vmem>>[vector<16xi32>, vector<16xi32>, vector<16xi32>], vector<16xf32>,
        %get3A_998 = arith.constant 0 : i32
        %get3A_999 = arith.index_cast %get3A_998 : i32 to index
        %get3A_1000 = arith.index_cast %add3A_974 : i32 to index
        %get3A_1001 = arith.constant 32 : index
        %get3A_1002 = tpu.vector_load %arg6[%get3A_999, %get3A_1000, %get3A_1001] {strides = array<i32>} : memref<4x128x64xf32, #tpu.memory_space<vmem>>, vector<16xf32>,
        %scatter3A_1003 = arith.constant 0 : i32
        %scatter3A_1004 = arith.constant 0 : i32
        %scatter3A_1005 = arith.constant 0 : i32
        %scatter3A_1006 = arith.constant 0 : i32
        %scatter3A_1007 = tpu.memref_slice %arg7[%scatter3A_1003, %scatter3A_1004, %scatter3A_1005, %scatter3A_1006] : memref<4x8x8x136xf32, #tpu.memory_space<vmem>> -> memref<1x8x8x136xf32, #tpu.memory_space<vmem>>
        %scatter3A_1008 = tpu.memref_squeeze %scatter3A_1007 : memref<1x8x8x136xf32, #tpu.memory_space<vmem>> -> memref<8x8x136xf32, #tpu.memory_space<vmem>>
        tpu.vector_store_idx %scatter3A_1008[%shift_right_logical3A_22, %and3A_33, %broadcast_in_dim3A_975], %get3A_1002 : memref<8x8x136xf32, #tpu.memory_space<vmem>>[vector<16xi32>, vector<16xi32>, vector<16xi32>], vector<16xf32>,
        %get3A_1009 = arith.constant 0 : i32
        %get3A_1010 = arith.index_cast %get3A_1009 : i32 to index
        %get3A_1011 = arith.index_cast %add3A_974 : i32 to index
        %get3A_1012 = arith.constant 48 : index
        %get3A_1013 = tpu.vector_load %arg6[%get3A_1010, %get3A_1011, %get3A_1012] {strides = array<i32>} : memref<4x128x64xf32, #tpu.memory_space<vmem>>, vector<16xf32>,
        %scatter3A_1014 = arith.constant 0 : i32
        %scatter3A_1015 = arith.constant 0 : i32
        %scatter3A_1016 = arith.constant 0 : i32
        %scatter3A_1017 = arith.constant 0 : i32
        %scatter3A_1018 = tpu.memref_slice %arg7[%scatter3A_1014, %scatter3A_1015, %scatter3A_1016, %scatter3A_1017] : memref<4x8x8x136xf32, #tpu.memory_space<vmem>> -> memref<1x8x8x136xf32, #tpu.memory_space<vmem>>
        %scatter3A_1019 = tpu.memref_squeeze %scatter3A_1018 : memref<1x8x8x136xf32, #tpu.memory_space<vmem>> -> memref<8x8x136xf32, #tpu.memory_space<vmem>>
        tpu.vector_store_idx %scatter3A_1019[%shift_right_logical3A_25, %and3A_36, %broadcast_in_dim3A_975], %get3A_1013 : memref<8x8x136xf32, #tpu.memory_space<vmem>>[vector<16xi32>, vector<16xi32>, vector<16xi32>], vector<16xf32>,
        %scan3A_1020 = arith.constant 6 : i32
        %scan3A_1021 = arith.addi %scan3A_718, %scan3A_1020 : i32
        %mul3A_1022 = arith.constant 1 : i32
        %mul3A_1023 = arith.muli %scan3A_1021, %mul3A_1022 : i32
        %add3A_1024 = arith.constant 0 : i32
        %add3A_1025 = arith.addi %add3A_1024, %mul3A_1023 : i32
        %broadcast_in_dim3A_1026 = vector.broadcast %add3A_1025 : i32 to vector<16xi32>
        %get3A_1027 = arith.constant 0 : i32
        %get3A_1028 = arith.index_cast %get3A_1027 : i32 to index
        %get3A_1029 = arith.index_cast %add3A_1025 : i32 to index
        %get3A_1030 = arith.constant 0 : index
        %get3A_1031 = tpu.vector_load %arg6[%get3A_1028, %get3A_1029, %get3A_1030] {strides = array<i32>} : memref<4x128x64xf32, #tpu.memory_space<vmem>>, vector<16xf32>,
        %scatter3A_1032 = arith.constant 0 : i32
        %scatter3A_1033 = arith.constant 0 : i32
        %scatter3A_1034 = arith.constant 0 : i32
        %scatter3A_1035 = arith.constant 0 : i32
        %scatter3A_1036 = tpu.memref_slice %arg7[%scatter3A_1032, %scatter3A_1033, %scatter3A_1034, %scatter3A_1035] : memref<4x8x8x136xf32, #tpu.memory_space<vmem>> -> memref<1x8x8x136xf32, #tpu.memory_space<vmem>>
        %scatter3A_1037 = tpu.memref_squeeze %scatter3A_1036 : memref<1x8x8x136xf32, #tpu.memory_space<vmem>> -> memref<8x8x136xf32, #tpu.memory_space<vmem>>
        tpu.vector_store_idx %scatter3A_1037[%shift_right_logical3A_16, %and3A_27, %broadcast_in_dim3A_1026], %get3A_1031 : memref<8x8x136xf32, #tpu.memory_space<vmem>>[vector<16xi32>, vector<16xi32>, vector<16xi32>], vector<16xf32>,
        %get3A_1038 = arith.constant 0 : i32
        %get3A_1039 = arith.index_cast %get3A_1038 : i32 to index
        %get3A_1040 = arith.index_cast %add3A_1025 : i32 to index
        %get3A_1041 = arith.constant 16 : index
        %get3A_1042 = tpu.vector_load %arg6[%get3A_1039, %get3A_1040, %get3A_1041] {strides = array<i32>} : memref<4x128x64xf32, #tpu.memory_space<vmem>>, vector<16xf32>,
        %scatter3A_1043 = arith.constant 0 : i32
        %scatter3A_1044 = arith.constant 0 : i32
        %scatter3A_1045 = arith.constant 0 : i32
        %scatter3A_1046 = arith.constant 0 : i32
        %scatter3A_1047 = tpu.memref_slice %arg7[%scatter3A_1043, %scatter3A_1044, %scatter3A_1045, %scatter3A_1046] : memref<4x8x8x136xf32, #tpu.memory_space<vmem>> -> memref<1x8x8x136xf32, #tpu.memory_space<vmem>>
        %scatter3A_1048 = tpu.memref_squeeze %scatter3A_1047 : memref<1x8x8x136xf32, #tpu.memory_space<vmem>> -> memref<8x8x136xf32, #tpu.memory_space<vmem>>
        tpu.vector_store_idx %scatter3A_1048[%shift_right_logical3A_19, %and3A_30, %broadcast_in_dim3A_1026], %get3A_1042 : memref<8x8x136xf32, #tpu.memory_space<vmem>>[vector<16xi32>, vector<16xi32>, vector<16xi32>], vector<16xf32>,
        %get3A_1049 = arith.constant 0 : i32
        %get3A_1050 = arith.index_cast %get3A_1049 : i32 to index
        %get3A_1051 = arith.index_cast %add3A_1025 : i32 to index
        %get3A_1052 = arith.constant 32 : index
        %get3A_1053 = tpu.vector_load %arg6[%get3A_1050, %get3A_1051, %get3A_1052] {strides = array<i32>} : memref<4x128x64xf32, #tpu.memory_space<vmem>>, vector<16xf32>,
        %scatter3A_1054 = arith.constant 0 : i32
        %scatter3A_1055 = arith.constant 0 : i32
        %scatter3A_1056 = arith.constant 0 : i32
        %scatter3A_1057 = arith.constant 0 : i32
        %scatter3A_1058 = tpu.memref_slice %arg7[%scatter3A_1054, %scatter3A_1055, %scatter3A_1056, %scatter3A_1057] : memref<4x8x8x136xf32, #tpu.memory_space<vmem>> -> memref<1x8x8x136xf32, #tpu.memory_space<vmem>>
        %scatter3A_1059 = tpu.memref_squeeze %scatter3A_1058 : memref<1x8x8x136xf32, #tpu.memory_space<vmem>> -> memref<8x8x136xf32, #tpu.memory_space<vmem>>
        tpu.vector_store_idx %scatter3A_1059[%shift_right_logical3A_22, %and3A_33, %broadcast_in_dim3A_1026], %get3A_1053 : memref<8x8x136xf32, #tpu.memory_space<vmem>>[vector<16xi32>, vector<16xi32>, vector<16xi32>], vector<16xf32>,
        %get3A_1060 = arith.constant 0 : i32
        %get3A_1061 = arith.index_cast %get3A_1060 : i32 to index
        %get3A_1062 = arith.index_cast %add3A_1025 : i32 to index
        %get3A_1063 = arith.constant 48 : index
        %get3A_1064 = tpu.vector_load %arg6[%get3A_1061, %get3A_1062, %get3A_1063] {strides = array<i32>} : memref<4x128x64xf32, #tpu.memory_space<vmem>>, vector<16xf32>,
        %scatter3A_1065 = arith.constant 0 : i32
        %scatter3A_1066 = arith.constant 0 : i32
        %scatter3A_1067 = arith.constant 0 : i32
        %scatter3A_1068 = arith.constant 0 : i32
        %scatter3A_1069 = tpu.memref_slice %arg7[%scatter3A_1065, %scatter3A_1066, %scatter3A_1067, %scatter3A_1068] : memref<4x8x8x136xf32, #tpu.memory_space<vmem>> -> memref<1x8x8x136xf32, #tpu.memory_space<vmem>>
        %scatter3A_1070 = tpu.memref_squeeze %scatter3A_1069 : memref<1x8x8x136xf32, #tpu.memory_space<vmem>> -> memref<8x8x136xf32, #tpu.memory_space<vmem>>
        tpu.vector_store_idx %scatter3A_1070[%shift_right_logical3A_25, %and3A_36, %broadcast_in_dim3A_1026], %get3A_1064 : memref<8x8x136xf32, #tpu.memory_space<vmem>>[vector<16xi32>, vector<16xi32>, vector<16xi32>], vector<16xf32>,
        %scan3A_1071 = arith.constant 7 : i32
        %scan3A_1072 = arith.addi %scan3A_718, %scan3A_1071 : i32
        %mul3A_1073 = arith.constant 1 : i32
        %mul3A_1074 = arith.muli %scan3A_1072, %mul3A_1073 : i32
        %add3A_1075 = arith.constant 0 : i32
        %add3A_1076 = arith.addi %add3A_1075, %mul3A_1074 : i32
        %broadcast_in_dim3A_1077 = vector.broadcast %add3A_1076 : i32 to vector<16xi32>
        %get3A_1078 = arith.constant 0 : i32
        %get3A_1079 = arith.index_cast %get3A_1078 : i32 to index
        %get3A_1080 = arith.index_cast %add3A_1076 : i32 to index
        %get3A_1081 = arith.constant 0 : index
        %get3A_1082 = tpu.vector_load %arg6[%get3A_1079, %get3A_1080, %get3A_1081] {strides = array<i32>} : memref<4x128x64xf32, #tpu.memory_space<vmem>>, vector<16xf32>,
        %scatter3A_1083 = arith.constant 0 : i32
        %scatter3A_1084 = arith.constant 0 : i32
        %scatter3A_1085 = arith.constant 0 : i32
        %scatter3A_1086 = arith.constant 0 : i32
        %scatter3A_1087 = tpu.memref_slice %arg7[%scatter3A_1083, %scatter3A_1084, %scatter3A_1085, %scatter3A_1086] : memref<4x8x8x136xf32, #tpu.memory_space<vmem>> -> memref<1x8x8x136xf32, #tpu.memory_space<vmem>>
        %scatter3A_1088 = tpu.memref_squeeze %scatter3A_1087 : memref<1x8x8x136xf32, #tpu.memory_space<vmem>> -> memref<8x8x136xf32, #tpu.memory_space<vmem>>
        tpu.vector_store_idx %scatter3A_1088[%shift_right_logical3A_16, %and3A_27, %broadcast_in_dim3A_1077], %get3A_1082 : memref<8x8x136xf32, #tpu.memory_space<vmem>>[vector<16xi32>, vector<16xi32>, vector<16xi32>], vector<16xf32>,
        %get3A_1089 = arith.constant 0 : i32
        %get3A_1090 = arith.index_cast %get3A_1089 : i32 to index
        %get3A_1091 = arith.index_cast %add3A_1076 : i32 to index
        %get3A_1092 = arith.constant 16 : index
        %get3A_1093 = tpu.vector_load %arg6[%get3A_1090, %get3A_1091, %get3A_1092] {strides = array<i32>} : memref<4x128x64xf32, #tpu.memory_space<vmem>>, vector<16xf32>,
        %scatter3A_1094 = arith.constant 0 : i32
        %scatter3A_1095 = arith.constant 0 : i32
        %scatter3A_1096 = arith.constant 0 : i32
        %scatter3A_1097 = arith.constant 0 : i32
        %scatter3A_1098 = tpu.memref_slice %arg7[%scatter3A_1094, %scatter3A_1095, %scatter3A_1096, %scatter3A_1097] : memref<4x8x8x136xf32, #tpu.memory_space<vmem>> -> memref<1x8x8x136xf32, #tpu.memory_space<vmem>>
        %scatter3A_1099 = tpu.memref_squeeze %scatter3A_1098 : memref<1x8x8x136xf32, #tpu.memory_space<vmem>> -> memref<8x8x136xf32, #tpu.memory_space<vmem>>
        tpu.vector_store_idx %scatter3A_1099[%shift_right_logical3A_19, %and3A_30, %broadcast_in_dim3A_1077], %get3A_1093 : memref<8x8x136xf32, #tpu.memory_space<vmem>>[vector<16xi32>, vector<16xi32>, vector<16xi32>], vector<16xf32>,
        %get3A_1100 = arith.constant 0 : i32
        %get3A_1101 = arith.index_cast %get3A_1100 : i32 to index
        %get3A_1102 = arith.index_cast %add3A_1076 : i32 to index
        %get3A_1103 = arith.constant 32 : index
        %get3A_1104 = tpu.vector_load %arg6[%get3A_1101, %get3A_1102, %get3A_1103] {strides = array<i32>} : memref<4x128x64xf32, #tpu.memory_space<vmem>>, vector<16xf32>,
        %scatter3A_1105 = arith.constant 0 : i32
        %scatter3A_1106 = arith.constant 0 : i32
        %scatter3A_1107 = arith.constant 0 : i32
        %scatter3A_1108 = arith.constant 0 : i32
        %scatter3A_1109 = tpu.memref_slice %arg7[%scatter3A_1105, %scatter3A_1106, %scatter3A_1107, %scatter3A_1108] : memref<4x8x8x136xf32, #tpu.memory_space<vmem>> -> memref<1x8x8x136xf32, #tpu.memory_space<vmem>>
        %scatter3A_1110 = tpu.memref_squeeze %scatter3A_1109 : memref<1x8x8x136xf32, #tpu.memory_space<vmem>> -> memref<8x8x136xf32, #tpu.memory_space<vmem>>
        tpu.vector_store_idx %scatter3A_1110[%shift_right_logical3A_22, %and3A_33, %broadcast_in_dim3A_1077], %get3A_1104 : memref<8x8x136xf32, #tpu.memory_space<vmem>>[vector<16xi32>, vector<16xi32>, vector<16xi32>], vector<16xf32>,
        %get3A_1111 = arith.constant 0 : i32
        %get3A_1112 = arith.index_cast %get3A_1111 : i32 to index
        %get3A_1113 = arith.index_cast %add3A_1076 : i32 to index
        %get3A_1114 = arith.constant 48 : index
        %get3A_1115 = tpu.vector_load %arg6[%get3A_1112, %get3A_1113, %get3A_1114] {strides = array<i32>} : memref<4x128x64xf32, #tpu.memory_space<vmem>>, vector<16xf32>,
        %scatter3A_1116 = arith.constant 0 : i32
        %scatter3A_1117 = arith.constant 0 : i32
        %scatter3A_1118 = arith.constant 0 : i32
        %scatter3A_1119 = arith.constant 0 : i32
        %scatter3A_1120 = tpu.memref_slice %arg7[%scatter3A_1116, %scatter3A_1117, %scatter3A_1118, %scatter3A_1119] : memref<4x8x8x136xf32, #tpu.memory_space<vmem>> -> memref<1x8x8x136xf32, #tpu.memory_space<vmem>>
        %scatter3A_1121 = tpu.memref_squeeze %scatter3A_1120 : memref<1x8x8x136xf32, #tpu.memory_space<vmem>> -> memref<8x8x136xf32, #tpu.memory_space<vmem>>
        tpu.vector_store_idx %scatter3A_1121[%shift_right_logical3A_25, %and3A_36, %broadcast_in_dim3A_1077], %get3A_1115 : memref<8x8x136xf32, #tpu.memory_space<vmem>>[vector<16xi32>, vector<16xi32>, vector<16xi32>], vector<16xf32>,
      }
      %scan3A_399 = arith.constant 128 : i32
      %dma_start3A_400 = arith.constant 0 : i32
      %dma_start3A_401 = arith.constant 0 : i32
      %dma_start3A_402 = arith.constant 0 : i32
      %dma_start3A_403 = arith.constant 0 : i32
      %dma_start3A_404 = arith.constant 0 : i32
      %dma_start3A_405 = tpu.memref_slice %arg7[%dma_start3A_400, %dma_start3A_402, %dma_start3A_403, %dma_start3A_404] : memref<4x8x8x136xf32, #tpu.memory_space<vmem>> -> memref<1x8x8x128xf32, #tpu.memory_space<vmem>>
      %dma_start3A_406 = tpu.memref_squeeze %dma_start3A_405 : memref<1x8x8x128xf32, #tpu.memory_space<vmem>> -> memref<8x8x128xf32, #tpu.memory_space<vmem>>
      %dma_start3A_407 = arith.constant 0 : i32
      %dma_start3A_408 = arith.constant 0 : i32
      %dma_start3A_409 = arith.constant 0 : i32
      %dma_start3A_410 = tpu.memref_slice %arg4[%select_n3A_355, %dma_start3A_407, %select_n3A_371, %dma_start3A_408, %dma_start3A_409] : memref<20x8x128x8x128xf32, #tpu.memory_space<hbm>> -> memref<1x8x1x8x128xf32, #tpu.memory_space<hbm>>
      %dma_start3A_411 = tpu.memref_squeeze %dma_start3A_410 : memref<1x8x1x8x128xf32, #tpu.memory_space<hbm>> -> memref<8x8x128xf32, #tpu.memory_space<hbm>>
      %dma_start3A_412 = tpu.memref_slice %arg9[%dma_start3A_401] : memref<4x!tpu.dma_semaphore, #tpu.memory_space<semaphore_mem>> -> memref<1x!tpu.dma_semaphore, #tpu.memory_space<semaphore_mem>>
      %dma_start3A_413 = tpu.memref_squeeze %dma_start3A_412 : memref<1x!tpu.dma_semaphore, #tpu.memory_space<semaphore_mem>> -> memref<!tpu.dma_semaphore, #tpu.memory_space<semaphore_mem>>
      %dma_start3A_414 = arith.constant 0 : i32
      %dma_start3A_415 = arith.constant 0 : i32
      %dma_start3A_416 = arith.constant 0 : i32
      %dma_start3A_417 = tpu.memref_slice %arg4[%select_n3A_355, %dma_start3A_414, %select_n3A_371, %dma_start3A_415, %dma_start3A_416] : memref<20x8x128x8x128xf32, #tpu.memory_space<hbm>> -> memref<1x8x1x8x128xf32, #tpu.memory_space<hbm>>
      %dma_start3A_418 = tpu.memref_squeeze %dma_start3A_417 : memref<1x8x1x8x128xf32, #tpu.memory_space<hbm>> -> memref<8x8x128xf32, #tpu.memory_space<hbm>>
      %dma_start3A_419 = arith.constant 0 : i32
      %dma_start3A_420 = arith.constant 0 : i32
      %dma_start3A_421 = arith.constant 0 : i32
      %dma_start3A_422 = tpu.memref_slice %arg7[%dma_start3A_400, %dma_start3A_419, %dma_start3A_420, %dma_start3A_421] : memref<4x8x8x136xf32, #tpu.memory_space<vmem>> -> memref<1x8x8x128xf32, #tpu.memory_space<vmem>>
      %dma_start3A_423 = tpu.memref_squeeze %dma_start3A_422 : memref<1x8x8x128xf32, #tpu.memory_space<vmem>> -> memref<8x8x128xf32, #tpu.memory_space<vmem>>
      tpu.enqueue_dma source(%dma_start3A_423 : memref<8x8x128xf32, #tpu.memory_space<vmem>>) target(%dma_start3A_418 : memref<8x8x128xf32, #tpu.memory_space<hbm>>) target_semaphore(%dma_start3A_413 : memref<!tpu.dma_semaphore, #tpu.memory_space<semaphore_mem>>)
      %add3A_424 = arith.constant 1 : i32
      %add3A_425 = arith.addi %add3A_328, %add3A_424 : i32
      %add3A_426 = arith.addi %mul3A_2, %add3A_425 : i32
      %jit3A_427 = arith.constant 128 : i32
      %div3A_428 = arith.divsi %add3A_426, %jit3A_427 : i32
      %sign3A_429 = arith.constant 0 : i32
      %sign3A_430 = arith.cmpi sgt, %add3A_426, %sign3A_429 : i32
      %sign3A_431 = arith.extui %sign3A_430 : i1 to i32
      %sign3A_432 = arith.constant 0 : i32
      %sign3A_433 = arith.cmpi slt, %add3A_426, %sign3A_432 : i32
      %sign3A_434 = arith.extui %sign3A_433 : i1 to i32
      %sign3A_435 = arith.subi %sign3A_431, %sign3A_434 : i32
      %sign3A_436 = arith.constant 0 : i32
      %sign3A_437 = arith.cmpi sgt, %jit3A_427, %sign3A_436 : i32
      %sign3A_438 = arith.extui %sign3A_437 : i1 to i32
      %sign3A_439 = arith.constant 0 : i32
      %sign3A_440 = arith.cmpi slt, %jit3A_427, %sign3A_439 : i32
      %sign3A_441 = arith.extui %sign3A_440 : i1 to i32
      %sign3A_442 = arith.subi %sign3A_438, %sign3A_441 : i32
      %ne3A_443 = arith.cmpi ne, %sign3A_435, %sign3A_442 : i32
      %rem3A_444 = arith.remsi %add3A_426, %jit3A_427 : i32
      %ne3A_445 = arith.constant 0 : i32
      %ne3A_446 = arith.cmpi ne, %rem3A_444, %ne3A_445 : i32
      %and3A_447 = arith.andi %ne3A_443, %ne3A_446 : i1
      %sub3A_448 = arith.constant 1 : i32
      %sub3A_449 = arith.subi %div3A_428, %sub3A_448 : i32
      %select_n3A_450 = arith.select %and3A_447, %sub3A_449, %div3A_428 : i32
      %jit3A_451 = arith.constant 128 : i32
      %eq3A_452 = arith.constant 0 : i32
      %eq3A_453 = arith.cmpi eq, %jit3A_451, %eq3A_452 : i32
      %jit3A_454 = arith.constant 1 : i32
      %select_n3A_455 = arith.select %eq3A_453, %jit3A_454, %jit3A_451 : i32
      %rem3A_456 = arith.remsi %add3A_426, %select_n3A_455 : i32
      %ne3A_457 = arith.constant 0 : i32
      %ne3A_458 = arith.cmpi ne, %rem3A_456, %ne3A_457 : i32
      %lt3A_459 = arith.constant 0 : i32
      %lt3A_460 = arith.cmpi slt, %rem3A_456, %lt3A_459 : i32
      %lt3A_461 = arith.constant 0 : i32
      %lt3A_462 = arith.cmpi slt, %select_n3A_455, %lt3A_461 : i32
      %ne3A_463 = arith.xori %lt3A_460, %lt3A_462 : i1
      %and3A_464 = arith.andi %ne3A_463, %ne3A_458 : i1
      %add3A_465 = arith.addi %rem3A_456, %select_n3A_455 : i32
      %select_n3A_466 = arith.select %and3A_464, %add3A_465, %rem3A_456 : i32
      %dma_wait3A_467 = arith.constant 1 : i32
      %dma_wait3A_468 = arith.constant 1 : i32
      %dma_wait3A_469 = arith.constant 0 : i32
      %dma_wait3A_470 = arith.constant 0 : i32
      %dma_wait3A_471 = tpu.memref_slice %arg6[%dma_wait3A_467, %dma_wait3A_469, %dma_wait3A_470] : memref<4x128x64xf32, #tpu.memory_space<vmem>> -> memref<1x128x64xf32, #tpu.memory_space<vmem>>
      %dma_wait3A_472 = tpu.memref_squeeze %dma_wait3A_471 : memref<1x128x64xf32, #tpu.memory_space<vmem>> -> memref<128x64xf32, #tpu.memory_space<vmem>>
      %dma_wait3A_473 = arith.constant 0 : i32
      %dma_wait3A_474 = tpu.memref_slice %arg5[%add3A_425, %dma_wait3A_473] : memref<80x128xi32, #tpu.memory_space<vmem>> -> memref<1x128xi32, #tpu.memory_space<vmem>>
      %dma_wait3A_475 = tpu.memref_squeeze %dma_wait3A_474 : memref<1x128xi32, #tpu.memory_space<vmem>> -> memref<128xi32, #tpu.memory_space<vmem>>
      %dma_wait3A_476 = arith.constant 0 : i32
      %dma_wait3A_477 = arith.constant 0 : i32
      %dma_wait3A_478 = tpu.memref_slice %arg2[%dma_wait3A_476, %dma_wait3A_477] : memref<100000x64xf32, #tpu.memory_space<hbm>> -> memref<100000x64xf32, #tpu.memory_space<hbm>>
      %dma_wait3A_479 = tpu.memref_slice %arg8[%dma_wait3A_468] : memref<4x!tpu.dma_semaphore, #tpu.memory_space<semaphore_mem>> -> memref<1x!tpu.dma_semaphore, #tpu.memory_space<semaphore_mem>>
      %dma_wait3A_480 = tpu.memref_squeeze %dma_wait3A_479 : memref<1x!tpu.dma_semaphore, #tpu.memory_space<semaphore_mem>> -> memref<!tpu.dma_semaphore, #tpu.memory_space<semaphore_mem>>
      tpu.wait_indirect_dma semaphore(%dma_wait3A_480 : memref<!tpu.dma_semaphore, #tpu.memory_space<semaphore_mem>>) src(%dma_wait3A_478 : memref<100000x64xf32, #tpu.memory_space<hbm>>) dst(%dma_wait3A_472 : memref<128x64xf32, #tpu.memory_space<vmem>>)
      %add3A_481 = arith.constant 2 : i32
      %add3A_482 = arith.addi %add3A_425, %add3A_481 : i32
      %lt3A_483 = arith.constant 80 : i32
      %lt3A_484 = arith.cmpi slt, %add3A_482, %lt3A_483 : i32
      %convert_element_type3A_485 = arith.extui %lt3A_484 : i1 to i32
      %cond3A_486 = arith.constant 0 : i32
      %cond3A_487 = arith.cmpi ne, %convert_element_type3A_485, %cond3A_486 : i32
      scf.if %cond3A_487 {
        %add3A_718 = arith.constant 2 : i32
        %add3A_719 = arith.addi %add3A_425, %add3A_718 : i32
        %dma_start3A_720 = arith.constant 3 : i32
        %dma_start3A_721 = arith.constant 3 : i32
        %dma_start3A_722 = arith.constant 0 : i32
        %dma_start3A_723 = arith.constant 0 : i32
        %dma_start3A_724 = tpu.memref_slice %arg6[%dma_start3A_720, %dma_start3A_722, %dma_start3A_723] : memref<4x128x64xf32, #tpu.memory_space<vmem>> -> memref<1x128x64xf32, #tpu.memory_space<vmem>>
        %dma_start3A_725 = tpu.memref_squeeze %dma_start3A_724 : memref<1x128x64xf32, #tpu.memory_space<vmem>> -> memref<128x64xf32, #tpu.memory_space<vmem>>
        %dma_start3A_726 = arith.constant 0 : i32
        %dma_start3A_727 = tpu.memref_slice %arg5[%add3A_719, %dma_start3A_726] : memref<80x128xi32, #tpu.memory_space<vmem>> -> memref<1x128xi32, #tpu.memory_space<vmem>>
        %dma_start3A_728 = tpu.memref_squeeze %dma_start3A_727 : memref<1x128xi32, #tpu.memory_space<vmem>> -> memref<128xi32, #tpu.memory_space<vmem>>
        %dma_start3A_729 = arith.constant 0 : i32
        %dma_start3A_730 = arith.constant 0 : i32
        %dma_start3A_731 = tpu.memref_slice %arg2[%dma_start3A_729, %dma_start3A_730] : memref<100000x64xf32, #tpu.memory_space<hbm>> -> memref<100000x64xf32, #tpu.memory_space<hbm>>
        %dma_start3A_732 = tpu.memref_slice %arg8[%dma_start3A_721] : memref<4x!tpu.dma_semaphore, #tpu.memory_space<semaphore_mem>> -> memref<1x!tpu.dma_semaphore, #tpu.memory_space<semaphore_mem>>
        %dma_start3A_733 = tpu.memref_squeeze %dma_start3A_732 : memref<1x!tpu.dma_semaphore, #tpu.memory_space<semaphore_mem>> -> memref<!tpu.dma_semaphore, #tpu.memory_space<semaphore_mem>>
        tpu.enqueue_indirect_dma source(%dma_start3A_731 : memref<100000x64xf32, #tpu.memory_space<hbm>>) target(%dma_start3A_725 : memref<128x64xf32, #tpu.memory_space<vmem>>) offsets(%dma_start3A_728 : memref<128xi32, #tpu.memory_space<vmem>>) semaphore(%dma_start3A_733 : memref<!tpu.dma_semaphore, #tpu.memory_space<semaphore_mem>>)
      } else {
      }
      %ge3A_488 = arith.constant 4 : i32
      %ge3A_489 = arith.cmpi sge, %add3A_425, %ge3A_488 : i32
      %convert_element_type3A_490 = arith.extui %ge3A_489 : i1 to i32
      %cond3A_491 = arith.constant 0 : i32
      %cond3A_492 = arith.cmpi ne, %convert_element_type3A_490, %cond3A_491 : i32
      scf.if %cond3A_492 {
        %dma_wait3A_718 = arith.constant 1 : i32
        %dma_wait3A_719 = arith.constant 1 : i32
        %dma_wait3A_720 = arith.constant 0 : i32
        %dma_wait3A_721 = arith.constant 0 : i32
        %dma_wait3A_722 = arith.constant 0 : i32
        %dma_wait3A_723 = tpu.memref_slice %arg7[%dma_wait3A_718, %dma_wait3A_720, %dma_wait3A_721, %dma_wait3A_722] : memref<4x8x8x136xf32, #tpu.memory_space<vmem>> -> memref<1x8x8x128xf32, #tpu.memory_space<vmem>>
        %dma_wait3A_724 = tpu.memref_squeeze %dma_wait3A_723 : memref<1x8x8x128xf32, #tpu.memory_space<vmem>> -> memref<8x8x128xf32, #tpu.memory_space<vmem>>
        %dma_wait3A_725 = arith.constant 0 : i32
        %dma_wait3A_726 = arith.constant 0 : i32
        %dma_wait3A_727 = arith.constant 0 : i32
        %dma_wait3A_728 = tpu.memref_slice %arg4[%select_n3A_450, %dma_wait3A_725, %select_n3A_466, %dma_wait3A_726, %dma_wait3A_727] : memref<20x8x128x8x128xf32, #tpu.memory_space<hbm>> -> memref<1x8x1x8x128xf32, #tpu.memory_space<hbm>>
        %dma_wait3A_729 = tpu.memref_squeeze %dma_wait3A_728 : memref<1x8x1x8x128xf32, #tpu.memory_space<hbm>> -> memref<8x8x128xf32, #tpu.memory_space<hbm>>
        %dma_wait3A_730 = tpu.memref_slice %arg9[%dma_wait3A_719] : memref<4x!tpu.dma_semaphore, #tpu.memory_space<semaphore_mem>> -> memref<1x!tpu.dma_semaphore, #tpu.memory_space<semaphore_mem>>
        %dma_wait3A_731 = tpu.memref_squeeze %dma_wait3A_730 : memref<1x!tpu.dma_semaphore, #tpu.memory_space<semaphore_mem>> -> memref<!tpu.dma_semaphore, #tpu.memory_space<semaphore_mem>>
        %dma_wait3A_732 = arith.constant 0 : i32
        %dma_wait3A_733 = arith.constant 0 : i32
        %dma_wait3A_734 = arith.constant 0 : i32
        %dma_wait3A_735 = tpu.memref_slice %arg4[%select_n3A_450, %dma_wait3A_732, %select_n3A_466, %dma_wait3A_733, %dma_wait3A_734] : memref<20x8x128x8x128xf32, #tpu.memory_space<hbm>> -> memref<1x8x1x8x128xf32, #tpu.memory_space<hbm>>
        %dma_wait3A_736 = tpu.memref_squeeze %dma_wait3A_735 : memref<1x8x1x8x128xf32, #tpu.memory_space<hbm>> -> memref<8x8x128xf32, #tpu.memory_space<hbm>>
        %dma_wait3A_737 = arith.constant 0 : i32
        %dma_wait3A_738 = arith.constant 0 : i32
        %dma_wait3A_739 = arith.constant 0 : i32
        %dma_wait3A_740 = tpu.memref_slice %arg7[%dma_wait3A_718, %dma_wait3A_737, %dma_wait3A_738, %dma_wait3A_739] : memref<4x8x8x136xf32, #tpu.memory_space<vmem>> -> memref<1x8x8x128xf32, #tpu.memory_space<vmem>>
        %dma_wait3A_741 = tpu.memref_squeeze %dma_wait3A_740 : memref<1x8x8x128xf32, #tpu.memory_space<vmem>> -> memref<8x8x128xf32, #tpu.memory_space<vmem>>
        tpu.wait_dma2 semaphore(%dma_wait3A_731 : memref<!tpu.dma_semaphore, #tpu.memory_space<semaphore_mem>>) src(%dma_wait3A_741 : memref<8x8x128xf32, #tpu.memory_space<vmem>>) dst(%dma_wait3A_736 : memref<8x8x128xf32, #tpu.memory_space<hbm>>)
      } else {
      }
      %scan3A_493 = arith.constant 0 : i32
      %scan3A_494 = arith.constant 128 : i32
      %scan3A_495 = arith.addi %scan3A_493, %scan3A_494 : i32
      %scan3A_496 = arith.constant 8 : i32
      scf.for %scan3A_718 = %scan3A_493 to %scan3A_495 step %scan3A_496  : i32 {
        %mul3A_719 = arith.constant 1 : i32
        %mul3A_720 = arith.muli %scan3A_718, %mul3A_719 : i32
        %add3A_721 = arith.constant 0 : i32
        %add3A_722 = arith.addi %add3A_721, %mul3A_720 : i32
        %broadcast_in_dim3A = vector.broadcast %add3A_722 : i32 to vector<16xi32>
        %get3A = arith.constant 1 : i32
        %get3A_723 = arith.index_cast %get3A : i32 to index
        %get3A_724 = arith.index_cast %add3A_722 : i32 to index
        %get3A_725 = arith.constant 0 : index
        %get3A_726 = tpu.vector_load %arg6[%get3A_723, %get3A_724, %get3A_725] {strides = array<i32>} : memref<4x128x64xf32, #tpu.memory_space<vmem>>, vector<16xf32>,
        %scatter3A = arith.constant 1 : i32
        %scatter3A_727 = arith.constant 0 : i32
        %scatter3A_728 = arith.constant 0 : i32
        %scatter3A_729 = arith.constant 0 : i32
        %scatter3A_730 = tpu.memref_slice %arg7[%scatter3A, %scatter3A_727, %scatter3A_728, %scatter3A_729] : memref<4x8x8x136xf32, #tpu.memory_space<vmem>> -> memref<1x8x8x136xf32, #tpu.memory_space<vmem>>
        %scatter3A_731 = tpu.memref_squeeze %scatter3A_730 : memref<1x8x8x136xf32, #tpu.memory_space<vmem>> -> memref<8x8x136xf32, #tpu.memory_space<vmem>>
        tpu.vector_store_idx %scatter3A_731[%shift_right_logical3A_16, %and3A_27, %broadcast_in_dim3A], %get3A_726 : memref<8x8x136xf32, #tpu.memory_space<vmem>>[vector<16xi32>, vector<16xi32>, vector<16xi32>], vector<16xf32>,
        %get3A_732 = arith.constant 1 : i32
        %get3A_733 = arith.index_cast %get3A_732 : i32 to index
        %get3A_734 = arith.index_cast %add3A_722 : i32 to index
        %get3A_735 = arith.constant 16 : index
        %get3A_736 = tpu.vector_load %arg6[%get3A_733, %get3A_734, %get3A_735] {strides = array<i32>} : memref<4x128x64xf32, #tpu.memory_space<vmem>>, vector<16xf32>,
        %scatter3A_737 = arith.constant 1 : i32
        %scatter3A_738 = arith.constant 0 : i32
        %scatter3A_739 = arith.constant 0 : i32
        %scatter3A_740 = arith.constant 0 : i32
        %scatter3A_741 = tpu.memref_slice %arg7[%scatter3A_737, %scatter3A_738, %scatter3A_739, %scatter3A_740] : memref<4x8x8x136xf32, #tpu.memory_space<vmem>> -> memref<1x8x8x136xf32, #tpu.memory_space<vmem>>
        %scatter3A_742 = tpu.memref_squeeze %scatter3A_741 : memref<1x8x8x136xf32, #tpu.memory_space<vmem>> -> memref<8x8x136xf32, #tpu.memory_space<vmem>>
        tpu.vector_store_idx %scatter3A_742[%shift_right_logical3A_19, %and3A_30, %broadcast_in_dim3A], %get3A_736 : memref<8x8x136xf32, #tpu.memory_space<vmem>>[vector<16xi32>, vector<16xi32>, vector<16xi32>], vector<16xf32>,
        %get3A_743 = arith.constant 1 : i32
        %get3A_744 = arith.index_cast %get3A_743 : i32 to index
        %get3A_745 = arith.index_cast %add3A_722 : i32 to index
        %get3A_746 = arith.constant 32 : index
        %get3A_747 = tpu.vector_load %arg6[%get3A_744, %get3A_745, %get3A_746] {strides = array<i32>} : memref<4x128x64xf32, #tpu.memory_space<vmem>>, vector<16xf32>,
        %scatter3A_748 = arith.constant 1 : i32
        %scatter3A_749 = arith.constant 0 : i32
        %scatter3A_750 = arith.constant 0 : i32
        %scatter3A_751 = arith.constant 0 : i32
        %scatter3A_752 = tpu.memref_slice %arg7[%scatter3A_748, %scatter3A_749, %scatter3A_750, %scatter3A_751] : memref<4x8x8x136xf32, #tpu.memory_space<vmem>> -> memref<1x8x8x136xf32, #tpu.memory_space<vmem>>
        %scatter3A_753 = tpu.memref_squeeze %scatter3A_752 : memref<1x8x8x136xf32, #tpu.memory_space<vmem>> -> memref<8x8x136xf32, #tpu.memory_space<vmem>>
        tpu.vector_store_idx %scatter3A_753[%shift_right_logical3A_22, %and3A_33, %broadcast_in_dim3A], %get3A_747 : memref<8x8x136xf32, #tpu.memory_space<vmem>>[vector<16xi32>, vector<16xi32>, vector<16xi32>], vector<16xf32>,
        %get3A_754 = arith.constant 1 : i32
        %get3A_755 = arith.index_cast %get3A_754 : i32 to index
        %get3A_756 = arith.index_cast %add3A_722 : i32 to index
        %get3A_757 = arith.constant 48 : index
        %get3A_758 = tpu.vector_load %arg6[%get3A_755, %get3A_756, %get3A_757] {strides = array<i32>} : memref<4x128x64xf32, #tpu.memory_space<vmem>>, vector<16xf32>,
        %scatter3A_759 = arith.constant 1 : i32
        %scatter3A_760 = arith.constant 0 : i32
        %scatter3A_761 = arith.constant 0 : i32
        %scatter3A_762 = arith.constant 0 : i32
        %scatter3A_763 = tpu.memref_slice %arg7[%scatter3A_759, %scatter3A_760, %scatter3A_761, %scatter3A_762] : memref<4x8x8x136xf32, #tpu.memory_space<vmem>> -> memref<1x8x8x136xf32, #tpu.memory_space<vmem>>
        %scatter3A_764 = tpu.memref_squeeze %scatter3A_763 : memref<1x8x8x136xf32, #tpu.memory_space<vmem>> -> memref<8x8x136xf32, #tpu.memory_space<vmem>>
        tpu.vector_store_idx %scatter3A_764[%shift_right_logical3A_25, %and3A_36, %broadcast_in_dim3A], %get3A_758 : memref<8x8x136xf32, #tpu.memory_space<vmem>>[vector<16xi32>, vector<16xi32>, vector<16xi32>], vector<16xf32>,
        %scan3A_765 = arith.constant 1 : i32
        %scan3A_766 = arith.addi %scan3A_718, %scan3A_765 : i32
        %mul3A_767 = arith.constant 1 : i32
        %mul3A_768 = arith.muli %scan3A_766, %mul3A_767 : i32
        %add3A_769 = arith.constant 0 : i32
        %add3A_770 = arith.addi %add3A_769, %mul3A_768 : i32
        %broadcast_in_dim3A_771 = vector.broadcast %add3A_770 : i32 to vector<16xi32>
        %get3A_772 = arith.constant 1 : i32
        %get3A_773 = arith.index_cast %get3A_772 : i32 to index
        %get3A_774 = arith.index_cast %add3A_770 : i32 to index
        %get3A_775 = arith.constant 0 : index
        %get3A_776 = tpu.vector_load %arg6[%get3A_773, %get3A_774, %get3A_775] {strides = array<i32>} : memref<4x128x64xf32, #tpu.memory_space<vmem>>, vector<16xf32>,
        %scatter3A_777 = arith.constant 1 : i32
        %scatter3A_778 = arith.constant 0 : i32
        %scatter3A_779 = arith.constant 0 : i32
        %scatter3A_780 = arith.constant 0 : i32
        %scatter3A_781 = tpu.memref_slice %arg7[%scatter3A_777, %scatter3A_778, %scatter3A_779, %scatter3A_780] : memref<4x8x8x136xf32, #tpu.memory_space<vmem>> -> memref<1x8x8x136xf32, #tpu.memory_space<vmem>>
        %scatter3A_782 = tpu.memref_squeeze %scatter3A_781 : memref<1x8x8x136xf32, #tpu.memory_space<vmem>> -> memref<8x8x136xf32, #tpu.memory_space<vmem>>
        tpu.vector_store_idx %scatter3A_782[%shift_right_logical3A_16, %and3A_27, %broadcast_in_dim3A_771], %get3A_776 : memref<8x8x136xf32, #tpu.memory_space<vmem>>[vector<16xi32>, vector<16xi32>, vector<16xi32>], vector<16xf32>,
        %get3A_783 = arith.constant 1 : i32
        %get3A_784 = arith.index_cast %get3A_783 : i32 to index
        %get3A_785 = arith.index_cast %add3A_770 : i32 to index
        %get3A_786 = arith.constant 16 : index
        %get3A_787 = tpu.vector_load %arg6[%get3A_784, %get3A_785, %get3A_786] {strides = array<i32>} : memref<4x128x64xf32, #tpu.memory_space<vmem>>, vector<16xf32>,
        %scatter3A_788 = arith.constant 1 : i32
        %scatter3A_789 = arith.constant 0 : i32
        %scatter3A_790 = arith.constant 0 : i32
        %scatter3A_791 = arith.constant 0 : i32
        %scatter3A_792 = tpu.memref_slice %arg7[%scatter3A_788, %scatter3A_789, %scatter3A_790, %scatter3A_791] : memref<4x8x8x136xf32, #tpu.memory_space<vmem>> -> memref<1x8x8x136xf32, #tpu.memory_space<vmem>>
        %scatter3A_793 = tpu.memref_squeeze %scatter3A_792 : memref<1x8x8x136xf32, #tpu.memory_space<vmem>> -> memref<8x8x136xf32, #tpu.memory_space<vmem>>
        tpu.vector_store_idx %scatter3A_793[%shift_right_logical3A_19, %and3A_30, %broadcast_in_dim3A_771], %get3A_787 : memref<8x8x136xf32, #tpu.memory_space<vmem>>[vector<16xi32>, vector<16xi32>, vector<16xi32>], vector<16xf32>,
        %get3A_794 = arith.constant 1 : i32
        %get3A_795 = arith.index_cast %get3A_794 : i32 to index
        %get3A_796 = arith.index_cast %add3A_770 : i32 to index
        %get3A_797 = arith.constant 32 : index
        %get3A_798 = tpu.vector_load %arg6[%get3A_795, %get3A_796, %get3A_797] {strides = array<i32>} : memref<4x128x64xf32, #tpu.memory_space<vmem>>, vector<16xf32>,
        %scatter3A_799 = arith.constant 1 : i32
        %scatter3A_800 = arith.constant 0 : i32
        %scatter3A_801 = arith.constant 0 : i32
        %scatter3A_802 = arith.constant 0 : i32
        %scatter3A_803 = tpu.memref_slice %arg7[%scatter3A_799, %scatter3A_800, %scatter3A_801, %scatter3A_802] : memref<4x8x8x136xf32, #tpu.memory_space<vmem>> -> memref<1x8x8x136xf32, #tpu.memory_space<vmem>>
        %scatter3A_804 = tpu.memref_squeeze %scatter3A_803 : memref<1x8x8x136xf32, #tpu.memory_space<vmem>> -> memref<8x8x136xf32, #tpu.memory_space<vmem>>
        tpu.vector_store_idx %scatter3A_804[%shift_right_logical3A_22, %and3A_33, %broadcast_in_dim3A_771], %get3A_798 : memref<8x8x136xf32, #tpu.memory_space<vmem>>[vector<16xi32>, vector<16xi32>, vector<16xi32>], vector<16xf32>,
        %get3A_805 = arith.constant 1 : i32
        %get3A_806 = arith.index_cast %get3A_805 : i32 to index
        %get3A_807 = arith.index_cast %add3A_770 : i32 to index
        %get3A_808 = arith.constant 48 : index
        %get3A_809 = tpu.vector_load %arg6[%get3A_806, %get3A_807, %get3A_808] {strides = array<i32>} : memref<4x128x64xf32, #tpu.memory_space<vmem>>, vector<16xf32>,
        %scatter3A_810 = arith.constant 1 : i32
        %scatter3A_811 = arith.constant 0 : i32
        %scatter3A_812 = arith.constant 0 : i32
        %scatter3A_813 = arith.constant 0 : i32
        %scatter3A_814 = tpu.memref_slice %arg7[%scatter3A_810, %scatter3A_811, %scatter3A_812, %scatter3A_813] : memref<4x8x8x136xf32, #tpu.memory_space<vmem>> -> memref<1x8x8x136xf32, #tpu.memory_space<vmem>>
        %scatter3A_815 = tpu.memref_squeeze %scatter3A_814 : memref<1x8x8x136xf32, #tpu.memory_space<vmem>> -> memref<8x8x136xf32, #tpu.memory_space<vmem>>
        tpu.vector_store_idx %scatter3A_815[%shift_right_logical3A_25, %and3A_36, %broadcast_in_dim3A_771], %get3A_809 : memref<8x8x136xf32, #tpu.memory_space<vmem>>[vector<16xi32>, vector<16xi32>, vector<16xi32>], vector<16xf32>,
        %scan3A_816 = arith.constant 2 : i32
        %scan3A_817 = arith.addi %scan3A_718, %scan3A_816 : i32
        %mul3A_818 = arith.constant 1 : i32
        %mul3A_819 = arith.muli %scan3A_817, %mul3A_818 : i32
        %add3A_820 = arith.constant 0 : i32
        %add3A_821 = arith.addi %add3A_820, %mul3A_819 : i32
        %broadcast_in_dim3A_822 = vector.broadcast %add3A_821 : i32 to vector<16xi32>
        %get3A_823 = arith.constant 1 : i32
        %get3A_824 = arith.index_cast %get3A_823 : i32 to index
        %get3A_825 = arith.index_cast %add3A_821 : i32 to index
        %get3A_826 = arith.constant 0 : index
        %get3A_827 = tpu.vector_load %arg6[%get3A_824, %get3A_825, %get3A_826] {strides = array<i32>} : memref<4x128x64xf32, #tpu.memory_space<vmem>>, vector<16xf32>,
        %scatter3A_828 = arith.constant 1 : i32
        %scatter3A_829 = arith.constant 0 : i32
        %scatter3A_830 = arith.constant 0 : i32
        %scatter3A_831 = arith.constant 0 : i32
        %scatter3A_832 = tpu.memref_slice %arg7[%scatter3A_828, %scatter3A_829, %scatter3A_830, %scatter3A_831] : memref<4x8x8x136xf32, #tpu.memory_space<vmem>> -> memref<1x8x8x136xf32, #tpu.memory_space<vmem>>
        %scatter3A_833 = tpu.memref_squeeze %scatter3A_832 : memref<1x8x8x136xf32, #tpu.memory_space<vmem>> -> memref<8x8x136xf32, #tpu.memory_space<vmem>>
        tpu.vector_store_idx %scatter3A_833[%shift_right_logical3A_16, %and3A_27, %broadcast_in_dim3A_822], %get3A_827 : memref<8x8x136xf32, #tpu.memory_space<vmem>>[vector<16xi32>, vector<16xi32>, vector<16xi32>], vector<16xf32>,
        %get3A_834 = arith.constant 1 : i32
        %get3A_835 = arith.index_cast %get3A_834 : i32 to index
        %get3A_836 = arith.index_cast %add3A_821 : i32 to index
        %get3A_837 = arith.constant 16 : index
        %get3A_838 = tpu.vector_load %arg6[%get3A_835, %get3A_836, %get3A_837] {strides = array<i32>} : memref<4x128x64xf32, #tpu.memory_space<vmem>>, vector<16xf32>,
        %scatter3A_839 = arith.constant 1 : i32
        %scatter3A_840 = arith.constant 0 : i32
        %scatter3A_841 = arith.constant 0 : i32
        %scatter3A_842 = arith.constant 0 : i32
        %scatter3A_843 = tpu.memref_slice %arg7[%scatter3A_839, %scatter3A_840, %scatter3A_841, %scatter3A_842] : memref<4x8x8x136xf32, #tpu.memory_space<vmem>> -> memref<1x8x8x136xf32, #tpu.memory_space<vmem>>
        %scatter3A_844 = tpu.memref_squeeze %scatter3A_843 : memref<1x8x8x136xf32, #tpu.memory_space<vmem>> -> memref<8x8x136xf32, #tpu.memory_space<vmem>>
        tpu.vector_store_idx %scatter3A_844[%shift_right_logical3A_19, %and3A_30, %broadcast_in_dim3A_822], %get3A_838 : memref<8x8x136xf32, #tpu.memory_space<vmem>>[vector<16xi32>, vector<16xi32>, vector<16xi32>], vector<16xf32>,
        %get3A_845 = arith.constant 1 : i32
        %get3A_846 = arith.index_cast %get3A_845 : i32 to index
        %get3A_847 = arith.index_cast %add3A_821 : i32 to index
        %get3A_848 = arith.constant 32 : index
        %get3A_849 = tpu.vector_load %arg6[%get3A_846, %get3A_847, %get3A_848] {strides = array<i32>} : memref<4x128x64xf32, #tpu.memory_space<vmem>>, vector<16xf32>,
        %scatter3A_850 = arith.constant 1 : i32
        %scatter3A_851 = arith.constant 0 : i32
        %scatter3A_852 = arith.constant 0 : i32
        %scatter3A_853 = arith.constant 0 : i32
        %scatter3A_854 = tpu.memref_slice %arg7[%scatter3A_850, %scatter3A_851, %scatter3A_852, %scatter3A_853] : memref<4x8x8x136xf32, #tpu.memory_space<vmem>> -> memref<1x8x8x136xf32, #tpu.memory_space<vmem>>
        %scatter3A_855 = tpu.memref_squeeze %scatter3A_854 : memref<1x8x8x136xf32, #tpu.memory_space<vmem>> -> memref<8x8x136xf32, #tpu.memory_space<vmem>>
        tpu.vector_store_idx %scatter3A_855[%shift_right_logical3A_22, %and3A_33, %broadcast_in_dim3A_822], %get3A_849 : memref<8x8x136xf32, #tpu.memory_space<vmem>>[vector<16xi32>, vector<16xi32>, vector<16xi32>], vector<16xf32>,
        %get3A_856 = arith.constant 1 : i32
        %get3A_857 = arith.index_cast %get3A_856 : i32 to index
        %get3A_858 = arith.index_cast %add3A_821 : i32 to index
        %get3A_859 = arith.constant 48 : index
        %get3A_860 = tpu.vector_load %arg6[%get3A_857, %get3A_858, %get3A_859] {strides = array<i32>} : memref<4x128x64xf32, #tpu.memory_space<vmem>>, vector<16xf32>,
        %scatter3A_861 = arith.constant 1 : i32
        %scatter3A_862 = arith.constant 0 : i32
        %scatter3A_863 = arith.constant 0 : i32
        %scatter3A_864 = arith.constant 0 : i32
        %scatter3A_865 = tpu.memref_slice %arg7[%scatter3A_861, %scatter3A_862, %scatter3A_863, %scatter3A_864] : memref<4x8x8x136xf32, #tpu.memory_space<vmem>> -> memref<1x8x8x136xf32, #tpu.memory_space<vmem>>
        %scatter3A_866 = tpu.memref_squeeze %scatter3A_865 : memref<1x8x8x136xf32, #tpu.memory_space<vmem>> -> memref<8x8x136xf32, #tpu.memory_space<vmem>>
        tpu.vector_store_idx %scatter3A_866[%shift_right_logical3A_25, %and3A_36, %broadcast_in_dim3A_822], %get3A_860 : memref<8x8x136xf32, #tpu.memory_space<vmem>>[vector<16xi32>, vector<16xi32>, vector<16xi32>], vector<16xf32>,
        %scan3A_867 = arith.constant 3 : i32
        %scan3A_868 = arith.addi %scan3A_718, %scan3A_867 : i32
        %mul3A_869 = arith.constant 1 : i32
        %mul3A_870 = arith.muli %scan3A_868, %mul3A_869 : i32
        %add3A_871 = arith.constant 0 : i32
        %add3A_872 = arith.addi %add3A_871, %mul3A_870 : i32
        %broadcast_in_dim3A_873 = vector.broadcast %add3A_872 : i32 to vector<16xi32>
        %get3A_874 = arith.constant 1 : i32
        %get3A_875 = arith.index_cast %get3A_874 : i32 to index
        %get3A_876 = arith.index_cast %add3A_872 : i32 to index
        %get3A_877 = arith.constant 0 : index
        %get3A_878 = tpu.vector_load %arg6[%get3A_875, %get3A_876, %get3A_877] {strides = array<i32>} : memref<4x128x64xf32, #tpu.memory_space<vmem>>, vector<16xf32>,
        %scatter3A_879 = arith.constant 1 : i32
        %scatter3A_880 = arith.constant 0 : i32
        %scatter3A_881 = arith.constant 0 : i32
        %scatter3A_882 = arith.constant 0 : i32
        %scatter3A_883 = tpu.memref_slice %arg7[%scatter3A_879, %scatter3A_880, %scatter3A_881, %scatter3A_882] : memref<4x8x8x136xf32, #tpu.memory_space<vmem>> -> memref<1x8x8x136xf32, #tpu.memory_space<vmem>>
        %scatter3A_884 = tpu.memref_squeeze %scatter3A_883 : memref<1x8x8x136xf32, #tpu.memory_space<vmem>> -> memref<8x8x136xf32, #tpu.memory_space<vmem>>
        tpu.vector_store_idx %scatter3A_884[%shift_right_logical3A_16, %and3A_27, %broadcast_in_dim3A_873], %get3A_878 : memref<8x8x136xf32, #tpu.memory_space<vmem>>[vector<16xi32>, vector<16xi32>, vector<16xi32>], vector<16xf32>,
        %get3A_885 = arith.constant 1 : i32
        %get3A_886 = arith.index_cast %get3A_885 : i32 to index
        %get3A_887 = arith.index_cast %add3A_872 : i32 to index
        %get3A_888 = arith.constant 16 : index
        %get3A_889 = tpu.vector_load %arg6[%get3A_886, %get3A_887, %get3A_888] {strides = array<i32>} : memref<4x128x64xf32, #tpu.memory_space<vmem>>, vector<16xf32>,
        %scatter3A_890 = arith.constant 1 : i32
        %scatter3A_891 = arith.constant 0 : i32
        %scatter3A_892 = arith.constant 0 : i32
        %scatter3A_893 = arith.constant 0 : i32
        %scatter3A_894 = tpu.memref_slice %arg7[%scatter3A_890, %scatter3A_891, %scatter3A_892, %scatter3A_893] : memref<4x8x8x136xf32, #tpu.memory_space<vmem>> -> memref<1x8x8x136xf32, #tpu.memory_space<vmem>>
        %scatter3A_895 = tpu.memref_squeeze %scatter3A_894 : memref<1x8x8x136xf32, #tpu.memory_space<vmem>> -> memref<8x8x136xf32, #tpu.memory_space<vmem>>
        tpu.vector_store_idx %scatter3A_895[%shift_right_logical3A_19, %and3A_30, %broadcast_in_dim3A_873], %get3A_889 : memref<8x8x136xf32, #tpu.memory_space<vmem>>[vector<16xi32>, vector<16xi32>, vector<16xi32>], vector<16xf32>,
        %get3A_896 = arith.constant 1 : i32
        %get3A_897 = arith.index_cast %get3A_896 : i32 to index
        %get3A_898 = arith.index_cast %add3A_872 : i32 to index
        %get3A_899 = arith.constant 32 : index
        %get3A_900 = tpu.vector_load %arg6[%get3A_897, %get3A_898, %get3A_899] {strides = array<i32>} : memref<4x128x64xf32, #tpu.memory_space<vmem>>, vector<16xf32>,
        %scatter3A_901 = arith.constant 1 : i32
        %scatter3A_902 = arith.constant 0 : i32
        %scatter3A_903 = arith.constant 0 : i32
        %scatter3A_904 = arith.constant 0 : i32
        %scatter3A_905 = tpu.memref_slice %arg7[%scatter3A_901, %scatter3A_902, %scatter3A_903, %scatter3A_904] : memref<4x8x8x136xf32, #tpu.memory_space<vmem>> -> memref<1x8x8x136xf32, #tpu.memory_space<vmem>>
        %scatter3A_906 = tpu.memref_squeeze %scatter3A_905 : memref<1x8x8x136xf32, #tpu.memory_space<vmem>> -> memref<8x8x136xf32, #tpu.memory_space<vmem>>
        tpu.vector_store_idx %scatter3A_906[%shift_right_logical3A_22, %and3A_33, %broadcast_in_dim3A_873], %get3A_900 : memref<8x8x136xf32, #tpu.memory_space<vmem>>[vector<16xi32>, vector<16xi32>, vector<16xi32>], vector<16xf32>,
        %get3A_907 = arith.constant 1 : i32
        %get3A_908 = arith.index_cast %get3A_907 : i32 to index
        %get3A_909 = arith.index_cast %add3A_872 : i32 to index
        %get3A_910 = arith.constant 48 : index
        %get3A_911 = tpu.vector_load %arg6[%get3A_908, %get3A_909, %get3A_910] {strides = array<i32>} : memref<4x128x64xf32, #tpu.memory_space<vmem>>, vector<16xf32>,
        %scatter3A_912 = arith.constant 1 : i32
        %scatter3A_913 = arith.constant 0 : i32
        %scatter3A_914 = arith.constant 0 : i32
        %scatter3A_915 = arith.constant 0 : i32
        %scatter3A_916 = tpu.memref_slice %arg7[%scatter3A_912, %scatter3A_913, %scatter3A_914, %scatter3A_915] : memref<4x8x8x136xf32, #tpu.memory_space<vmem>> -> memref<1x8x8x136xf32, #tpu.memory_space<vmem>>
        %scatter3A_917 = tpu.memref_squeeze %scatter3A_916 : memref<1x8x8x136xf32, #tpu.memory_space<vmem>> -> memref<8x8x136xf32, #tpu.memory_space<vmem>>
        tpu.vector_store_idx %scatter3A_917[%shift_right_logical3A_25, %and3A_36, %broadcast_in_dim3A_873], %get3A_911 : memref<8x8x136xf32, #tpu.memory_space<vmem>>[vector<16xi32>, vector<16xi32>, vector<16xi32>], vector<16xf32>,
        %scan3A_918 = arith.constant 4 : i32
        %scan3A_919 = arith.addi %scan3A_718, %scan3A_918 : i32
        %mul3A_920 = arith.constant 1 : i32
        %mul3A_921 = arith.muli %scan3A_919, %mul3A_920 : i32
        %add3A_922 = arith.constant 0 : i32
        %add3A_923 = arith.addi %add3A_922, %mul3A_921 : i32
        %broadcast_in_dim3A_924 = vector.broadcast %add3A_923 : i32 to vector<16xi32>
        %get3A_925 = arith.constant 1 : i32
        %get3A_926 = arith.index_cast %get3A_925 : i32 to index
        %get3A_927 = arith.index_cast %add3A_923 : i32 to index
        %get3A_928 = arith.constant 0 : index
        %get3A_929 = tpu.vector_load %arg6[%get3A_926, %get3A_927, %get3A_928] {strides = array<i32>} : memref<4x128x64xf32, #tpu.memory_space<vmem>>, vector<16xf32>,
        %scatter3A_930 = arith.constant 1 : i32
        %scatter3A_931 = arith.constant 0 : i32
        %scatter3A_932 = arith.constant 0 : i32
        %scatter3A_933 = arith.constant 0 : i32
        %scatter3A_934 = tpu.memref_slice %arg7[%scatter3A_930, %scatter3A_931, %scatter3A_932, %scatter3A_933] : memref<4x8x8x136xf32, #tpu.memory_space<vmem>> -> memref<1x8x8x136xf32, #tpu.memory_space<vmem>>
        %scatter3A_935 = tpu.memref_squeeze %scatter3A_934 : memref<1x8x8x136xf32, #tpu.memory_space<vmem>> -> memref<8x8x136xf32, #tpu.memory_space<vmem>>
        tpu.vector_store_idx %scatter3A_935[%shift_right_logical3A_16, %and3A_27, %broadcast_in_dim3A_924], %get3A_929 : memref<8x8x136xf32, #tpu.memory_space<vmem>>[vector<16xi32>, vector<16xi32>, vector<16xi32>], vector<16xf32>,
        %get3A_936 = arith.constant 1 : i32
        %get3A_937 = arith.index_cast %get3A_936 : i32 to index
        %get3A_938 = arith.index_cast %add3A_923 : i32 to index
        %get3A_939 = arith.constant 16 : index
        %get3A_940 = tpu.vector_load %arg6[%get3A_937, %get3A_938, %get3A_939] {strides = array<i32>} : memref<4x128x64xf32, #tpu.memory_space<vmem>>, vector<16xf32>,
        %scatter3A_941 = arith.constant 1 : i32
        %scatter3A_942 = arith.constant 0 : i32
        %scatter3A_943 = arith.constant 0 : i32
        %scatter3A_944 = arith.constant 0 : i32
        %scatter3A_945 = tpu.memref_slice %arg7[%scatter3A_941, %scatter3A_942, %scatter3A_943, %scatter3A_944] : memref<4x8x8x136xf32, #tpu.memory_space<vmem>> -> memref<1x8x8x136xf32, #tpu.memory_space<vmem>>
        %scatter3A_946 = tpu.memref_squeeze %scatter3A_945 : memref<1x8x8x136xf32, #tpu.memory_space<vmem>> -> memref<8x8x136xf32, #tpu.memory_space<vmem>>
        tpu.vector_store_idx %scatter3A_946[%shift_right_logical3A_19, %and3A_30, %broadcast_in_dim3A_924], %get3A_940 : memref<8x8x136xf32, #tpu.memory_space<vmem>>[vector<16xi32>, vector<16xi32>, vector<16xi32>], vector<16xf32>,
        %get3A_947 = arith.constant 1 : i32
        %get3A_948 = arith.index_cast %get3A_947 : i32 to index
        %get3A_949 = arith.index_cast %add3A_923 : i32 to index
        %get3A_950 = arith.constant 32 : index
        %get3A_951 = tpu.vector_load %arg6[%get3A_948, %get3A_949, %get3A_950] {strides = array<i32>} : memref<4x128x64xf32, #tpu.memory_space<vmem>>, vector<16xf32>,
        %scatter3A_952 = arith.constant 1 : i32
        %scatter3A_953 = arith.constant 0 : i32
        %scatter3A_954 = arith.constant 0 : i32
        %scatter3A_955 = arith.constant 0 : i32
        %scatter3A_956 = tpu.memref_slice %arg7[%scatter3A_952, %scatter3A_953, %scatter3A_954, %scatter3A_955] : memref<4x8x8x136xf32, #tpu.memory_space<vmem>> -> memref<1x8x8x136xf32, #tpu.memory_space<vmem>>
        %scatter3A_957 = tpu.memref_squeeze %scatter3A_956 : memref<1x8x8x136xf32, #tpu.memory_space<vmem>> -> memref<8x8x136xf32, #tpu.memory_space<vmem>>
        tpu.vector_store_idx %scatter3A_957[%shift_right_logical3A_22, %and3A_33, %broadcast_in_dim3A_924], %get3A_951 : memref<8x8x136xf32, #tpu.memory_space<vmem>>[vector<16xi32>, vector<16xi32>, vector<16xi32>], vector<16xf32>,
        %get3A_958 = arith.constant 1 : i32
        %get3A_959 = arith.index_cast %get3A_958 : i32 to index
        %get3A_960 = arith.index_cast %add3A_923 : i32 to index
        %get3A_961 = arith.constant 48 : index
        %get3A_962 = tpu.vector_load %arg6[%get3A_959, %get3A_960, %get3A_961] {strides = array<i32>} : memref<4x128x64xf32, #tpu.memory_space<vmem>>, vector<16xf32>,
        %scatter3A_963 = arith.constant 1 : i32
        %scatter3A_964 = arith.constant 0 : i32
        %scatter3A_965 = arith.constant 0 : i32
        %scatter3A_966 = arith.constant 0 : i32
        %scatter3A_967 = tpu.memref_slice %arg7[%scatter3A_963, %scatter3A_964, %scatter3A_965, %scatter3A_966] : memref<4x8x8x136xf32, #tpu.memory_space<vmem>> -> memref<1x8x8x136xf32, #tpu.memory_space<vmem>>
        %scatter3A_968 = tpu.memref_squeeze %scatter3A_967 : memref<1x8x8x136xf32, #tpu.memory_space<vmem>> -> memref<8x8x136xf32, #tpu.memory_space<vmem>>
        tpu.vector_store_idx %scatter3A_968[%shift_right_logical3A_25, %and3A_36, %broadcast_in_dim3A_924], %get3A_962 : memref<8x8x136xf32, #tpu.memory_space<vmem>>[vector<16xi32>, vector<16xi32>, vector<16xi32>], vector<16xf32>,
        %scan3A_969 = arith.constant 5 : i32
        %scan3A_970 = arith.addi %scan3A_718, %scan3A_969 : i32
        %mul3A_971 = arith.constant 1 : i32
        %mul3A_972 = arith.muli %scan3A_970, %mul3A_971 : i32
        %add3A_973 = arith.constant 0 : i32
        %add3A_974 = arith.addi %add3A_973, %mul3A_972 : i32
        %broadcast_in_dim3A_975 = vector.broadcast %add3A_974 : i32 to vector<16xi32>
        %get3A_976 = arith.constant 1 : i32
        %get3A_977 = arith.index_cast %get3A_976 : i32 to index
        %get3A_978 = arith.index_cast %add3A_974 : i32 to index
        %get3A_979 = arith.constant 0 : index
        %get3A_980 = tpu.vector_load %arg6[%get3A_977, %get3A_978, %get3A_979] {strides = array<i32>} : memref<4x128x64xf32, #tpu.memory_space<vmem>>, vector<16xf32>,
        %scatter3A_981 = arith.constant 1 : i32
        %scatter3A_982 = arith.constant 0 : i32
        %scatter3A_983 = arith.constant 0 : i32
        %scatter3A_984 = arith.constant 0 : i32
        %scatter3A_985 = tpu.memref_slice %arg7[%scatter3A_981, %scatter3A_982, %scatter3A_983, %scatter3A_984] : memref<4x8x8x136xf32, #tpu.memory_space<vmem>> -> memref<1x8x8x136xf32, #tpu.memory_space<vmem>>
        %scatter3A_986 = tpu.memref_squeeze %scatter3A_985 : memref<1x8x8x136xf32, #tpu.memory_space<vmem>> -> memref<8x8x136xf32, #tpu.memory_space<vmem>>
        tpu.vector_store_idx %scatter3A_986[%shift_right_logical3A_16, %and3A_27, %broadcast_in_dim3A_975], %get3A_980 : memref<8x8x136xf32, #tpu.memory_space<vmem>>[vector<16xi32>, vector<16xi32>, vector<16xi32>], vector<16xf32>,
        %get3A_987 = arith.constant 1 : i32
        %get3A_988 = arith.index_cast %get3A_987 : i32 to index
        %get3A_989 = arith.index_cast %add3A_974 : i32 to index
        %get3A_990 = arith.constant 16 : index
        %get3A_991 = tpu.vector_load %arg6[%get3A_988, %get3A_989, %get3A_990] {strides = array<i32>} : memref<4x128x64xf32, #tpu.memory_space<vmem>>, vector<16xf32>,
        %scatter3A_992 = arith.constant 1 : i32
        %scatter3A_993 = arith.constant 0 : i32
        %scatter3A_994 = arith.constant 0 : i32
        %scatter3A_995 = arith.constant 0 : i32
        %scatter3A_996 = tpu.memref_slice %arg7[%scatter3A_992, %scatter3A_993, %scatter3A_994, %scatter3A_995] : memref<4x8x8x136xf32, #tpu.memory_space<vmem>> -> memref<1x8x8x136xf32, #tpu.memory_space<vmem>>
        %scatter3A_997 = tpu.memref_squeeze %scatter3A_996 : memref<1x8x8x136xf32, #tpu.memory_space<vmem>> -> memref<8x8x136xf32, #tpu.memory_space<vmem>>
        tpu.vector_store_idx %scatter3A_997[%shift_right_logical3A_19, %and3A_30, %broadcast_in_dim3A_975], %get3A_991 : memref<8x8x136xf32, #tpu.memory_space<vmem>>[vector<16xi32>, vector<16xi32>, vector<16xi32>], vector<16xf32>,
        %get3A_998 = arith.constant 1 : i32
        %get3A_999 = arith.index_cast %get3A_998 : i32 to index
        %get3A_1000 = arith.index_cast %add3A_974 : i32 to index
        %get3A_1001 = arith.constant 32 : index
        %get3A_1002 = tpu.vector_load %arg6[%get3A_999, %get3A_1000, %get3A_1001] {strides = array<i32>} : memref<4x128x64xf32, #tpu.memory_space<vmem>>, vector<16xf32>,
        %scatter3A_1003 = arith.constant 1 : i32
        %scatter3A_1004 = arith.constant 0 : i32
        %scatter3A_1005 = arith.constant 0 : i32
        %scatter3A_1006 = arith.constant 0 : i32
        %scatter3A_1007 = tpu.memref_slice %arg7[%scatter3A_1003, %scatter3A_1004, %scatter3A_1005, %scatter3A_1006] : memref<4x8x8x136xf32, #tpu.memory_space<vmem>> -> memref<1x8x8x136xf32, #tpu.memory_space<vmem>>
        %scatter3A_1008 = tpu.memref_squeeze %scatter3A_1007 : memref<1x8x8x136xf32, #tpu.memory_space<vmem>> -> memref<8x8x136xf32, #tpu.memory_space<vmem>>
        tpu.vector_store_idx %scatter3A_1008[%shift_right_logical3A_22, %and3A_33, %broadcast_in_dim3A_975], %get3A_1002 : memref<8x8x136xf32, #tpu.memory_space<vmem>>[vector<16xi32>, vector<16xi32>, vector<16xi32>], vector<16xf32>,
        %get3A_1009 = arith.constant 1 : i32
        %get3A_1010 = arith.index_cast %get3A_1009 : i32 to index
        %get3A_1011 = arith.index_cast %add3A_974 : i32 to index
        %get3A_1012 = arith.constant 48 : index
        %get3A_1013 = tpu.vector_load %arg6[%get3A_1010, %get3A_1011, %get3A_1012] {strides = array<i32>} : memref<4x128x64xf32, #tpu.memory_space<vmem>>, vector<16xf32>,
        %scatter3A_1014 = arith.constant 1 : i32
        %scatter3A_1015 = arith.constant 0 : i32
        %scatter3A_1016 = arith.constant 0 : i32
        %scatter3A_1017 = arith.constant 0 : i32
        %scatter3A_1018 = tpu.memref_slice %arg7[%scatter3A_1014, %scatter3A_1015, %scatter3A_1016, %scatter3A_1017] : memref<4x8x8x136xf32, #tpu.memory_space<vmem>> -> memref<1x8x8x136xf32, #tpu.memory_space<vmem>>
        %scatter3A_1019 = tpu.memref_squeeze %scatter3A_1018 : memref<1x8x8x136xf32, #tpu.memory_space<vmem>> -> memref<8x8x136xf32, #tpu.memory_space<vmem>>
        tpu.vector_store_idx %scatter3A_1019[%shift_right_logical3A_25, %and3A_36, %broadcast_in_dim3A_975], %get3A_1013 : memref<8x8x136xf32, #tpu.memory_space<vmem>>[vector<16xi32>, vector<16xi32>, vector<16xi32>], vector<16xf32>,
        %scan3A_1020 = arith.constant 6 : i32
        %scan3A_1021 = arith.addi %scan3A_718, %scan3A_1020 : i32
        %mul3A_1022 = arith.constant 1 : i32
        %mul3A_1023 = arith.muli %scan3A_1021, %mul3A_1022 : i32
        %add3A_1024 = arith.constant 0 : i32
        %add3A_1025 = arith.addi %add3A_1024, %mul3A_1023 : i32
        %broadcast_in_dim3A_1026 = vector.broadcast %add3A_1025 : i32 to vector<16xi32>
        %get3A_1027 = arith.constant 1 : i32
        %get3A_1028 = arith.index_cast %get3A_1027 : i32 to index
        %get3A_1029 = arith.index_cast %add3A_1025 : i32 to index
        %get3A_1030 = arith.constant 0 : index
        %get3A_1031 = tpu.vector_load %arg6[%get3A_1028, %get3A_1029, %get3A_1030] {strides = array<i32>} : memref<4x128x64xf32, #tpu.memory_space<vmem>>, vector<16xf32>,
        %scatter3A_1032 = arith.constant 1 : i32
        %scatter3A_1033 = arith.constant 0 : i32
        %scatter3A_1034 = arith.constant 0 : i32
        %scatter3A_1035 = arith.constant 0 : i32
        %scatter3A_1036 = tpu.memref_slice %arg7[%scatter3A_1032, %scatter3A_1033, %scatter3A_1034, %scatter3A_1035] : memref<4x8x8x136xf32, #tpu.memory_space<vmem>> -> memref<1x8x8x136xf32, #tpu.memory_space<vmem>>
        %scatter3A_1037 = tpu.memref_squeeze %scatter3A_1036 : memref<1x8x8x136xf32, #tpu.memory_space<vmem>> -> memref<8x8x136xf32, #tpu.memory_space<vmem>>
        tpu.vector_store_idx %scatter3A_1037[%shift_right_logical3A_16, %and3A_27, %broadcast_in_dim3A_1026], %get3A_1031 : memref<8x8x136xf32, #tpu.memory_space<vmem>>[vector<16xi32>, vector<16xi32>, vector<16xi32>], vector<16xf32>,
        %get3A_1038 = arith.constant 1 : i32
        %get3A_1039 = arith.index_cast %get3A_1038 : i32 to index
        %get3A_1040 = arith.index_cast %add3A_1025 : i32 to index
        %get3A_1041 = arith.constant 16 : index
        %get3A_1042 = tpu.vector_load %arg6[%get3A_1039, %get3A_1040, %get3A_1041] {strides = array<i32>} : memref<4x128x64xf32, #tpu.memory_space<vmem>>, vector<16xf32>,
        %scatter3A_1043 = arith.constant 1 : i32
        %scatter3A_1044 = arith.constant 0 : i32
        %scatter3A_1045 = arith.constant 0 : i32
        %scatter3A_1046 = arith.constant 0 : i32
        %scatter3A_1047 = tpu.memref_slice %arg7[%scatter3A_1043, %scatter3A_1044, %scatter3A_1045, %scatter3A_1046] : memref<4x8x8x136xf32, #tpu.memory_space<vmem>> -> memref<1x8x8x136xf32, #tpu.memory_space<vmem>>
        %scatter3A_1048 = tpu.memref_squeeze %scatter3A_1047 : memref<1x8x8x136xf32, #tpu.memory_space<vmem>> -> memref<8x8x136xf32, #tpu.memory_space<vmem>>
        tpu.vector_store_idx %scatter3A_1048[%shift_right_logical3A_19, %and3A_30, %broadcast_in_dim3A_1026], %get3A_1042 : memref<8x8x136xf32, #tpu.memory_space<vmem>>[vector<16xi32>, vector<16xi32>, vector<16xi32>], vector<16xf32>,
        %get3A_1049 = arith.constant 1 : i32
        %get3A_1050 = arith.index_cast %get3A_1049 : i32 to index
        %get3A_1051 = arith.index_cast %add3A_1025 : i32 to index
        %get3A_1052 = arith.constant 32 : index
        %get3A_1053 = tpu.vector_load %arg6[%get3A_1050, %get3A_1051, %get3A_1052] {strides = array<i32>} : memref<4x128x64xf32, #tpu.memory_space<vmem>>, vector<16xf32>,
        %scatter3A_1054 = arith.constant 1 : i32
        %scatter3A_1055 = arith.constant 0 : i32
        %scatter3A_1056 = arith.constant 0 : i32
        %scatter3A_1057 = arith.constant 0 : i32
        %scatter3A_1058 = tpu.memref_slice %arg7[%scatter3A_1054, %scatter3A_1055, %scatter3A_1056, %scatter3A_1057] : memref<4x8x8x136xf32, #tpu.memory_space<vmem>> -> memref<1x8x8x136xf32, #tpu.memory_space<vmem>>
        %scatter3A_1059 = tpu.memref_squeeze %scatter3A_1058 : memref<1x8x8x136xf32, #tpu.memory_space<vmem>> -> memref<8x8x136xf32, #tpu.memory_space<vmem>>
        tpu.vector_store_idx %scatter3A_1059[%shift_right_logical3A_22, %and3A_33, %broadcast_in_dim3A_1026], %get3A_1053 : memref<8x8x136xf32, #tpu.memory_space<vmem>>[vector<16xi32>, vector<16xi32>, vector<16xi32>], vector<16xf32>,
        %get3A_1060 = arith.constant 1 : i32
        %get3A_1061 = arith.index_cast %get3A_1060 : i32 to index
        %get3A_1062 = arith.index_cast %add3A_1025 : i32 to index
        %get3A_1063 = arith.constant 48 : index
        %get3A_1064 = tpu.vector_load %arg6[%get3A_1061, %get3A_1062, %get3A_1063] {strides = array<i32>} : memref<4x128x64xf32, #tpu.memory_space<vmem>>, vector<16xf32>,
        %scatter3A_1065 = arith.constant 1 : i32
        %scatter3A_1066 = arith.constant 0 : i32
        %scatter3A_1067 = arith.constant 0 : i32
        %scatter3A_1068 = arith.constant 0 : i32
        %scatter3A_1069 = tpu.memref_slice %arg7[%scatter3A_1065, %scatter3A_1066, %scatter3A_1067, %scatter3A_1068] : memref<4x8x8x136xf32, #tpu.memory_space<vmem>> -> memref<1x8x8x136xf32, #tpu.memory_space<vmem>>
        %scatter3A_1070 = tpu.memref_squeeze %scatter3A_1069 : memref<1x8x8x136xf32, #tpu.memory_space<vmem>> -> memref<8x8x136xf32, #tpu.memory_space<vmem>>
        tpu.vector_store_idx %scatter3A_1070[%shift_right_logical3A_25, %and3A_36, %broadcast_in_dim3A_1026], %get3A_1064 : memref<8x8x136xf32, #tpu.memory_space<vmem>>[vector<16xi32>, vector<16xi32>, vector<16xi32>], vector<16xf32>,
        %scan3A_1071 = arith.constant 7 : i32
        %scan3A_1072 = arith.addi %scan3A_718, %scan3A_1071 : i32
        %mul3A_1073 = arith.constant 1 : i32
        %mul3A_1074 = arith.muli %scan3A_1072, %mul3A_1073 : i32
        %add3A_1075 = arith.constant 0 : i32
        %add3A_1076 = arith.addi %add3A_1075, %mul3A_1074 : i32
        %broadcast_in_dim3A_1077 = vector.broadcast %add3A_1076 : i32 to vector<16xi32>
        %get3A_1078 = arith.constant 1 : i32
        %get3A_1079 = arith.index_cast %get3A_1078 : i32 to index
        %get3A_1080 = arith.index_cast %add3A_1076 : i32 to index
        %get3A_1081 = arith.constant 0 : index
        %get3A_1082 = tpu.vector_load %arg6[%get3A_1079, %get3A_1080, %get3A_1081] {strides = array<i32>} : memref<4x128x64xf32, #tpu.memory_space<vmem>>, vector<16xf32>,
        %scatter3A_1083 = arith.constant 1 : i32
        %scatter3A_1084 = arith.constant 0 : i32
        %scatter3A_1085 = arith.constant 0 : i32
        %scatter3A_1086 = arith.constant 0 : i32
        %scatter3A_1087 = tpu.memref_slice %arg7[%scatter3A_1083, %scatter3A_1084, %scatter3A_1085, %scatter3A_1086] : memref<4x8x8x136xf32, #tpu.memory_space<vmem>> -> memref<1x8x8x136xf32, #tpu.memory_space<vmem>>
        %scatter3A_1088 = tpu.memref_squeeze %scatter3A_1087 : memref<1x8x8x136xf32, #tpu.memory_space<vmem>> -> memref<8x8x136xf32, #tpu.memory_space<vmem>>
        tpu.vector_store_idx %scatter3A_1088[%shift_right_logical3A_16, %and3A_27, %broadcast_in_dim3A_1077], %get3A_1082 : memref<8x8x136xf32, #tpu.memory_space<vmem>>[vector<16xi32>, vector<16xi32>, vector<16xi32>], vector<16xf32>,
        %get3A_1089 = arith.constant 1 : i32
        %get3A_1090 = arith.index_cast %get3A_1089 : i32 to index
        %get3A_1091 = arith.index_cast %add3A_1076 : i32 to index
        %get3A_1092 = arith.constant 16 : index
        %get3A_1093 = tpu.vector_load %arg6[%get3A_1090, %get3A_1091, %get3A_1092] {strides = array<i32>} : memref<4x128x64xf32, #tpu.memory_space<vmem>>, vector<16xf32>,
        %scatter3A_1094 = arith.constant 1 : i32
        %scatter3A_1095 = arith.constant 0 : i32
        %scatter3A_1096 = arith.constant 0 : i32
        %scatter3A_1097 = arith.constant 0 : i32
        %scatter3A_1098 = tpu.memref_slice %arg7[%scatter3A_1094, %scatter3A_1095, %scatter3A_1096, %scatter3A_1097] : memref<4x8x8x136xf32, #tpu.memory_space<vmem>> -> memref<1x8x8x136xf32, #tpu.memory_space<vmem>>
        %scatter3A_1099 = tpu.memref_squeeze %scatter3A_1098 : memref<1x8x8x136xf32, #tpu.memory_space<vmem>> -> memref<8x8x136xf32, #tpu.memory_space<vmem>>
        tpu.vector_store_idx %scatter3A_1099[%shift_right_logical3A_19, %and3A_30, %broadcast_in_dim3A_1077], %get3A_1093 : memref<8x8x136xf32, #tpu.memory_space<vmem>>[vector<16xi32>, vector<16xi32>, vector<16xi32>], vector<16xf32>,
        %get3A_1100 = arith.constant 1 : i32
        %get3A_1101 = arith.index_cast %get3A_1100 : i32 to index
        %get3A_1102 = arith.index_cast %add3A_1076 : i32 to index
        %get3A_1103 = arith.constant 32 : index
        %get3A_1104 = tpu.vector_load %arg6[%get3A_1101, %get3A_1102, %get3A_1103] {strides = array<i32>} : memref<4x128x64xf32, #tpu.memory_space<vmem>>, vector<16xf32>,
        %scatter3A_1105 = arith.constant 1 : i32
        %scatter3A_1106 = arith.constant 0 : i32
        %scatter3A_1107 = arith.constant 0 : i32
        %scatter3A_1108 = arith.constant 0 : i32
        %scatter3A_1109 = tpu.memref_slice %arg7[%scatter3A_1105, %scatter3A_1106, %scatter3A_1107, %scatter3A_1108] : memref<4x8x8x136xf32, #tpu.memory_space<vmem>> -> memref<1x8x8x136xf32, #tpu.memory_space<vmem>>
        %scatter3A_1110 = tpu.memref_squeeze %scatter3A_1109 : memref<1x8x8x136xf32, #tpu.memory_space<vmem>> -> memref<8x8x136xf32, #tpu.memory_space<vmem>>
        tpu.vector_store_idx %scatter3A_1110[%shift_right_logical3A_22, %and3A_33, %broadcast_in_dim3A_1077], %get3A_1104 : memref<8x8x136xf32, #tpu.memory_space<vmem>>[vector<16xi32>, vector<16xi32>, vector<16xi32>], vector<16xf32>,
        %get3A_1111 = arith.constant 1 : i32
        %get3A_1112 = arith.index_cast %get3A_1111 : i32 to index
        %get3A_1113 = arith.index_cast %add3A_1076 : i32 to index
        %get3A_1114 = arith.constant 48 : index
        %get3A_1115 = tpu.vector_load %arg6[%get3A_1112, %get3A_1113, %get3A_1114] {strides = array<i32>} : memref<4x128x64xf32, #tpu.memory_space<vmem>>, vector<16xf32>,
        %scatter3A_1116 = arith.constant 1 : i32
        %scatter3A_1117 = arith.constant 0 : i32
        %scatter3A_1118 = arith.constant 0 : i32
        %scatter3A_1119 = arith.constant 0 : i32
        %scatter3A_1120 = tpu.memref_slice %arg7[%scatter3A_1116, %scatter3A_1117, %scatter3A_1118, %scatter3A_1119] : memref<4x8x8x136xf32, #tpu.memory_space<vmem>> -> memref<1x8x8x136xf32, #tpu.memory_space<vmem>>
        %scatter3A_1121 = tpu.memref_squeeze %scatter3A_1120 : memref<1x8x8x136xf32, #tpu.memory_space<vmem>> -> memref<8x8x136xf32, #tpu.memory_space<vmem>>
        tpu.vector_store_idx %scatter3A_1121[%shift_right_logical3A_25, %and3A_36, %broadcast_in_dim3A_1077], %get3A_1115 : memref<8x8x136xf32, #tpu.memory_space<vmem>>[vector<16xi32>, vector<16xi32>, vector<16xi32>], vector<16xf32>,
      }
      %scan3A_497 = arith.constant 128 : i32
      %dma_start3A_498 = arith.constant 1 : i32
      %dma_start3A_499 = arith.constant 1 : i32
      %dma_start3A_500 = arith.constant 0 : i32
      %dma_start3A_501 = arith.constant 0 : i32
      %dma_start3A_502 = arith.constant 0 : i32
      %dma_start3A_503 = tpu.memref_slice %arg7[%dma_start3A_498, %dma_start3A_500, %dma_start3A_501, %dma_start3A_502] : memref<4x8x8x136xf32, #tpu.memory_space<vmem>> -> memref<1x8x8x128xf32, #tpu.memory_space<vmem>>
      %dma_start3A_504 = tpu.memref_squeeze %dma_start3A_503 : memref<1x8x8x128xf32, #tpu.memory_space<vmem>> -> memref<8x8x128xf32, #tpu.memory_space<vmem>>
      %dma_start3A_505 = arith.constant 0 : i32
      %dma_start3A_506 = arith.constant 0 : i32
      %dma_start3A_507 = arith.constant 0 : i32
      %dma_start3A_508 = tpu.memref_slice %arg4[%select_n3A_450, %dma_start3A_505, %select_n3A_466, %dma_start3A_506, %dma_start3A_507] : memref<20x8x128x8x128xf32, #tpu.memory_space<hbm>> -> memref<1x8x1x8x128xf32, #tpu.memory_space<hbm>>
      %dma_start3A_509 = tpu.memref_squeeze %dma_start3A_508 : memref<1x8x1x8x128xf32, #tpu.memory_space<hbm>> -> memref<8x8x128xf32, #tpu.memory_space<hbm>>
      %dma_start3A_510 = tpu.memref_slice %arg9[%dma_start3A_499] : memref<4x!tpu.dma_semaphore, #tpu.memory_space<semaphore_mem>> -> memref<1x!tpu.dma_semaphore, #tpu.memory_space<semaphore_mem>>
      %dma_start3A_511 = tpu.memref_squeeze %dma_start3A_510 : memref<1x!tpu.dma_semaphore, #tpu.memory_space<semaphore_mem>> -> memref<!tpu.dma_semaphore, #tpu.memory_space<semaphore_mem>>
      %dma_start3A_512 = arith.constant 0 : i32
      %dma_start3A_513 = arith.constant 0 : i32
      %dma_start3A_514 = arith.constant 0 : i32
      %dma_start3A_515 = tpu.memref_slice %arg4[%select_n3A_450, %dma_start3A_512, %select_n3A_466, %dma_start3A_513, %dma_start3A_514] : memref<20x8x128x8x128xf32, #tpu.memory_space<hbm>> -> memref<1x8x1x8x128xf32, #tpu.memory_space<hbm>>
      %dma_start3A_516 = tpu.memref_squeeze %dma_start3A_515 : memref<1x8x1x8x128xf32, #tpu.memory_space<hbm>> -> memref<8x8x128xf32, #tpu.memory_space<hbm>>
      %dma_start3A_517 = arith.constant 0 : i32
      %dma_start3A_518 = arith.constant 0 : i32
      %dma_start3A_519 = arith.constant 0 : i32
      %dma_start3A_520 = tpu.memref_slice %arg7[%dma_start3A_498, %dma_start3A_517, %dma_start3A_518, %dma_start3A_519] : memref<4x8x8x136xf32, #tpu.memory_space<vmem>> -> memref<1x8x8x128xf32, #tpu.memory_space<vmem>>
      %dma_start3A_521 = tpu.memref_squeeze %dma_start3A_520 : memref<1x8x8x128xf32, #tpu.memory_space<vmem>> -> memref<8x8x128xf32, #tpu.memory_space<vmem>>
      tpu.enqueue_dma source(%dma_start3A_521 : memref<8x8x128xf32, #tpu.memory_space<vmem>>) target(%dma_start3A_516 : memref<8x8x128xf32, #tpu.memory_space<hbm>>) target_semaphore(%dma_start3A_511 : memref<!tpu.dma_semaphore, #tpu.memory_space<semaphore_mem>>)
      %add3A_522 = arith.constant 2 : i32
      %add3A_523 = arith.addi %add3A_328, %add3A_522 : i32
      %add3A_524 = arith.addi %mul3A_2, %add3A_523 : i32
      %jit3A_525 = arith.constant 128 : i32
      %div3A_526 = arith.divsi %add3A_524, %jit3A_525 : i32
      %sign3A_527 = arith.constant 0 : i32
      %sign3A_528 = arith.cmpi sgt, %add3A_524, %sign3A_527 : i32
      %sign3A_529 = arith.extui %sign3A_528 : i1 to i32
      %sign3A_530 = arith.constant 0 : i32
      %sign3A_531 = arith.cmpi slt, %add3A_524, %sign3A_530 : i32
      %sign3A_532 = arith.extui %sign3A_531 : i1 to i32
      %sign3A_533 = arith.subi %sign3A_529, %sign3A_532 : i32
      %sign3A_534 = arith.constant 0 : i32
      %sign3A_535 = arith.cmpi sgt, %jit3A_525, %sign3A_534 : i32
      %sign3A_536 = arith.extui %sign3A_535 : i1 to i32
      %sign3A_537 = arith.constant 0 : i32
      %sign3A_538 = arith.cmpi slt, %jit3A_525, %sign3A_537 : i32
      %sign3A_539 = arith.extui %sign3A_538 : i1 to i32
      %sign3A_540 = arith.subi %sign3A_536, %sign3A_539 : i32
      %ne3A_541 = arith.cmpi ne, %sign3A_533, %sign3A_540 : i32
      %rem3A_542 = arith.remsi %add3A_524, %jit3A_525 : i32
      %ne3A_543 = arith.constant 0 : i32
      %ne3A_544 = arith.cmpi ne, %rem3A_542, %ne3A_543 : i32
      %and3A_545 = arith.andi %ne3A_541, %ne3A_544 : i1
      %sub3A_546 = arith.constant 1 : i32
      %sub3A_547 = arith.subi %div3A_526, %sub3A_546 : i32
      %select_n3A_548 = arith.select %and3A_545, %sub3A_547, %div3A_526 : i32
      %jit3A_549 = arith.constant 128 : i32
      %eq3A_550 = arith.constant 0 : i32
      %eq3A_551 = arith.cmpi eq, %jit3A_549, %eq3A_550 : i32
      %jit3A_552 = arith.constant 1 : i32
      %select_n3A_553 = arith.select %eq3A_551, %jit3A_552, %jit3A_549 : i32
      %rem3A_554 = arith.remsi %add3A_524, %select_n3A_553 : i32
      %ne3A_555 = arith.constant 0 : i32
      %ne3A_556 = arith.cmpi ne, %rem3A_554, %ne3A_555 : i32
      %lt3A_557 = arith.constant 0 : i32
      %lt3A_558 = arith.cmpi slt, %rem3A_554, %lt3A_557 : i32
      %lt3A_559 = arith.constant 0 : i32
      %lt3A_560 = arith.cmpi slt, %select_n3A_553, %lt3A_559 : i32
      %ne3A_561 = arith.xori %lt3A_558, %lt3A_560 : i1
      %and3A_562 = arith.andi %ne3A_561, %ne3A_556 : i1
      %add3A_563 = arith.addi %rem3A_554, %select_n3A_553 : i32
      %select_n3A_564 = arith.select %and3A_562, %add3A_563, %rem3A_554 : i32
      %dma_wait3A_565 = arith.constant 2 : i32
      %dma_wait3A_566 = arith.constant 2 : i32
      %dma_wait3A_567 = arith.constant 0 : i32
      %dma_wait3A_568 = arith.constant 0 : i32
      %dma_wait3A_569 = tpu.memref_slice %arg6[%dma_wait3A_565, %dma_wait3A_567, %dma_wait3A_568] : memref<4x128x64xf32, #tpu.memory_space<vmem>> -> memref<1x128x64xf32, #tpu.memory_space<vmem>>
      %dma_wait3A_570 = tpu.memref_squeeze %dma_wait3A_569 : memref<1x128x64xf32, #tpu.memory_space<vmem>> -> memref<128x64xf32, #tpu.memory_space<vmem>>
      %dma_wait3A_571 = arith.constant 0 : i32
      %dma_wait3A_572 = tpu.memref_slice %arg5[%add3A_523, %dma_wait3A_571] : memref<80x128xi32, #tpu.memory_space<vmem>> -> memref<1x128xi32, #tpu.memory_space<vmem>>
      %dma_wait3A_573 = tpu.memref_squeeze %dma_wait3A_572 : memref<1x128xi32, #tpu.memory_space<vmem>> -> memref<128xi32, #tpu.memory_space<vmem>>
      %dma_wait3A_574 = arith.constant 0 : i32
      %dma_wait3A_575 = arith.constant 0 : i32
      %dma_wait3A_576 = tpu.memref_slice %arg2[%dma_wait3A_574, %dma_wait3A_575] : memref<100000x64xf32, #tpu.memory_space<hbm>> -> memref<100000x64xf32, #tpu.memory_space<hbm>>
      %dma_wait3A_577 = tpu.memref_slice %arg8[%dma_wait3A_566] : memref<4x!tpu.dma_semaphore, #tpu.memory_space<semaphore_mem>> -> memref<1x!tpu.dma_semaphore, #tpu.memory_space<semaphore_mem>>
      %dma_wait3A_578 = tpu.memref_squeeze %dma_wait3A_577 : memref<1x!tpu.dma_semaphore, #tpu.memory_space<semaphore_mem>> -> memref<!tpu.dma_semaphore, #tpu.memory_space<semaphore_mem>>
      tpu.wait_indirect_dma semaphore(%dma_wait3A_578 : memref<!tpu.dma_semaphore, #tpu.memory_space<semaphore_mem>>) src(%dma_wait3A_576 : memref<100000x64xf32, #tpu.memory_space<hbm>>) dst(%dma_wait3A_570 : memref<128x64xf32, #tpu.memory_space<vmem>>)
      %add3A_579 = arith.constant 2 : i32
      %add3A_580 = arith.addi %add3A_523, %add3A_579 : i32
      %lt3A_581 = arith.constant 80 : i32
      %lt3A_582 = arith.cmpi slt, %add3A_580, %lt3A_581 : i32
      %convert_element_type3A_583 = arith.extui %lt3A_582 : i1 to i32
      %cond3A_584 = arith.constant 0 : i32
      %cond3A_585 = arith.cmpi ne, %convert_element_type3A_583, %cond3A_584 : i32
      scf.if %cond3A_585 {
        %add3A_718 = arith.constant 2 : i32
        %add3A_719 = arith.addi %add3A_523, %add3A_718 : i32
        %dma_start3A_720 = arith.constant 0 : i32
        %dma_start3A_721 = arith.constant 0 : i32
        %dma_start3A_722 = arith.constant 0 : i32
        %dma_start3A_723 = arith.constant 0 : i32
        %dma_start3A_724 = tpu.memref_slice %arg6[%dma_start3A_720, %dma_start3A_722, %dma_start3A_723] : memref<4x128x64xf32, #tpu.memory_space<vmem>> -> memref<1x128x64xf32, #tpu.memory_space<vmem>>
        %dma_start3A_725 = tpu.memref_squeeze %dma_start3A_724 : memref<1x128x64xf32, #tpu.memory_space<vmem>> -> memref<128x64xf32, #tpu.memory_space<vmem>>
        %dma_start3A_726 = arith.constant 0 : i32
        %dma_start3A_727 = tpu.memref_slice %arg5[%add3A_719, %dma_start3A_726] : memref<80x128xi32, #tpu.memory_space<vmem>> -> memref<1x128xi32, #tpu.memory_space<vmem>>
        %dma_start3A_728 = tpu.memref_squeeze %dma_start3A_727 : memref<1x128xi32, #tpu.memory_space<vmem>> -> memref<128xi32, #tpu.memory_space<vmem>>
        %dma_start3A_729 = arith.constant 0 : i32
        %dma_start3A_730 = arith.constant 0 : i32
        %dma_start3A_731 = tpu.memref_slice %arg2[%dma_start3A_729, %dma_start3A_730] : memref<100000x64xf32, #tpu.memory_space<hbm>> -> memref<100000x64xf32, #tpu.memory_space<hbm>>
        %dma_start3A_732 = tpu.memref_slice %arg8[%dma_start3A_721] : memref<4x!tpu.dma_semaphore, #tpu.memory_space<semaphore_mem>> -> memref<1x!tpu.dma_semaphore, #tpu.memory_space<semaphore_mem>>
        %dma_start3A_733 = tpu.memref_squeeze %dma_start3A_732 : memref<1x!tpu.dma_semaphore, #tpu.memory_space<semaphore_mem>> -> memref<!tpu.dma_semaphore, #tpu.memory_space<semaphore_mem>>
        tpu.enqueue_indirect_dma source(%dma_start3A_731 : memref<100000x64xf32, #tpu.memory_space<hbm>>) target(%dma_start3A_725 : memref<128x64xf32, #tpu.memory_space<vmem>>) offsets(%dma_start3A_728 : memref<128xi32, #tpu.memory_space<vmem>>) semaphore(%dma_start3A_733 : memref<!tpu.dma_semaphore, #tpu.memory_space<semaphore_mem>>)
      } else {
      }
      %ge3A_586 = arith.constant 4 : i32
      %ge3A_587 = arith.cmpi sge, %add3A_523, %ge3A_586 : i32
      %convert_element_type3A_588 = arith.extui %ge3A_587 : i1 to i32
      %cond3A_589 = arith.constant 0 : i32
      %cond3A_590 = arith.cmpi ne, %convert_element_type3A_588, %cond3A_589 : i32
      scf.if %cond3A_590 {
        %dma_wait3A_718 = arith.constant 2 : i32
        %dma_wait3A_719 = arith.constant 2 : i32
        %dma_wait3A_720 = arith.constant 0 : i32
        %dma_wait3A_721 = arith.constant 0 : i32
        %dma_wait3A_722 = arith.constant 0 : i32
        %dma_wait3A_723 = tpu.memref_slice %arg7[%dma_wait3A_718, %dma_wait3A_720, %dma_wait3A_721, %dma_wait3A_722] : memref<4x8x8x136xf32, #tpu.memory_space<vmem>> -> memref<1x8x8x128xf32, #tpu.memory_space<vmem>>
        %dma_wait3A_724 = tpu.memref_squeeze %dma_wait3A_723 : memref<1x8x8x128xf32, #tpu.memory_space<vmem>> -> memref<8x8x128xf32, #tpu.memory_space<vmem>>
        %dma_wait3A_725 = arith.constant 0 : i32
        %dma_wait3A_726 = arith.constant 0 : i32
        %dma_wait3A_727 = arith.constant 0 : i32
        %dma_wait3A_728 = tpu.memref_slice %arg4[%select_n3A_548, %dma_wait3A_725, %select_n3A_564, %dma_wait3A_726, %dma_wait3A_727] : memref<20x8x128x8x128xf32, #tpu.memory_space<hbm>> -> memref<1x8x1x8x128xf32, #tpu.memory_space<hbm>>
        %dma_wait3A_729 = tpu.memref_squeeze %dma_wait3A_728 : memref<1x8x1x8x128xf32, #tpu.memory_space<hbm>> -> memref<8x8x128xf32, #tpu.memory_space<hbm>>
        %dma_wait3A_730 = tpu.memref_slice %arg9[%dma_wait3A_719] : memref<4x!tpu.dma_semaphore, #tpu.memory_space<semaphore_mem>> -> memref<1x!tpu.dma_semaphore, #tpu.memory_space<semaphore_mem>>
        %dma_wait3A_731 = tpu.memref_squeeze %dma_wait3A_730 : memref<1x!tpu.dma_semaphore, #tpu.memory_space<semaphore_mem>> -> memref<!tpu.dma_semaphore, #tpu.memory_space<semaphore_mem>>
        %dma_wait3A_732 = arith.constant 0 : i32
        %dma_wait3A_733 = arith.constant 0 : i32
        %dma_wait3A_734 = arith.constant 0 : i32
        %dma_wait3A_735 = tpu.memref_slice %arg4[%select_n3A_548, %dma_wait3A_732, %select_n3A_564, %dma_wait3A_733, %dma_wait3A_734] : memref<20x8x128x8x128xf32, #tpu.memory_space<hbm>> -> memref<1x8x1x8x128xf32, #tpu.memory_space<hbm>>
        %dma_wait3A_736 = tpu.memref_squeeze %dma_wait3A_735 : memref<1x8x1x8x128xf32, #tpu.memory_space<hbm>> -> memref<8x8x128xf32, #tpu.memory_space<hbm>>
        %dma_wait3A_737 = arith.constant 0 : i32
        %dma_wait3A_738 = arith.constant 0 : i32
        %dma_wait3A_739 = arith.constant 0 : i32
        %dma_wait3A_740 = tpu.memref_slice %arg7[%dma_wait3A_718, %dma_wait3A_737, %dma_wait3A_738, %dma_wait3A_739] : memref<4x8x8x136xf32, #tpu.memory_space<vmem>> -> memref<1x8x8x128xf32, #tpu.memory_space<vmem>>
        %dma_wait3A_741 = tpu.memref_squeeze %dma_wait3A_740 : memref<1x8x8x128xf32, #tpu.memory_space<vmem>> -> memref<8x8x128xf32, #tpu.memory_space<vmem>>
        tpu.wait_dma2 semaphore(%dma_wait3A_731 : memref<!tpu.dma_semaphore, #tpu.memory_space<semaphore_mem>>) src(%dma_wait3A_741 : memref<8x8x128xf32, #tpu.memory_space<vmem>>) dst(%dma_wait3A_736 : memref<8x8x128xf32, #tpu.memory_space<hbm>>)
      } else {
      }
      %scan3A_591 = arith.constant 0 : i32
      %scan3A_592 = arith.constant 128 : i32
      %scan3A_593 = arith.addi %scan3A_591, %scan3A_592 : i32
      %scan3A_594 = arith.constant 8 : i32
      scf.for %scan3A_718 = %scan3A_591 to %scan3A_593 step %scan3A_594  : i32 {
        %mul3A_719 = arith.constant 1 : i32
        %mul3A_720 = arith.muli %scan3A_718, %mul3A_719 : i32
        %add3A_721 = arith.constant 0 : i32
        %add3A_722 = arith.addi %add3A_721, %mul3A_720 : i32
        %broadcast_in_dim3A = vector.broadcast %add3A_722 : i32 to vector<16xi32>
        %get3A = arith.constant 2 : i32
        %get3A_723 = arith.index_cast %get3A : i32 to index
        %get3A_724 = arith.index_cast %add3A_722 : i32 to index
        %get3A_725 = arith.constant 0 : index
        %get3A_726 = tpu.vector_load %arg6[%get3A_723, %get3A_724, %get3A_725] {strides = array<i32>} : memref<4x128x64xf32, #tpu.memory_space<vmem>>, vector<16xf32>,
        %scatter3A = arith.constant 2 : i32
        %scatter3A_727 = arith.constant 0 : i32
        %scatter3A_728 = arith.constant 0 : i32
        %scatter3A_729 = arith.constant 0 : i32
        %scatter3A_730 = tpu.memref_slice %arg7[%scatter3A, %scatter3A_727, %scatter3A_728, %scatter3A_729] : memref<4x8x8x136xf32, #tpu.memory_space<vmem>> -> memref<1x8x8x136xf32, #tpu.memory_space<vmem>>
        %scatter3A_731 = tpu.memref_squeeze %scatter3A_730 : memref<1x8x8x136xf32, #tpu.memory_space<vmem>> -> memref<8x8x136xf32, #tpu.memory_space<vmem>>
        tpu.vector_store_idx %scatter3A_731[%shift_right_logical3A_16, %and3A_27, %broadcast_in_dim3A], %get3A_726 : memref<8x8x136xf32, #tpu.memory_space<vmem>>[vector<16xi32>, vector<16xi32>, vector<16xi32>], vector<16xf32>,
        %get3A_732 = arith.constant 2 : i32
        %get3A_733 = arith.index_cast %get3A_732 : i32 to index
        %get3A_734 = arith.index_cast %add3A_722 : i32 to index
        %get3A_735 = arith.constant 16 : index
        %get3A_736 = tpu.vector_load %arg6[%get3A_733, %get3A_734, %get3A_735] {strides = array<i32>} : memref<4x128x64xf32, #tpu.memory_space<vmem>>, vector<16xf32>,
        %scatter3A_737 = arith.constant 2 : i32
        %scatter3A_738 = arith.constant 0 : i32
        %scatter3A_739 = arith.constant 0 : i32
        %scatter3A_740 = arith.constant 0 : i32
        %scatter3A_741 = tpu.memref_slice %arg7[%scatter3A_737, %scatter3A_738, %scatter3A_739, %scatter3A_740] : memref<4x8x8x136xf32, #tpu.memory_space<vmem>> -> memref<1x8x8x136xf32, #tpu.memory_space<vmem>>
        %scatter3A_742 = tpu.memref_squeeze %scatter3A_741 : memref<1x8x8x136xf32, #tpu.memory_space<vmem>> -> memref<8x8x136xf32, #tpu.memory_space<vmem>>
        tpu.vector_store_idx %scatter3A_742[%shift_right_logical3A_19, %and3A_30, %broadcast_in_dim3A], %get3A_736 : memref<8x8x136xf32, #tpu.memory_space<vmem>>[vector<16xi32>, vector<16xi32>, vector<16xi32>], vector<16xf32>,
        %get3A_743 = arith.constant 2 : i32
        %get3A_744 = arith.index_cast %get3A_743 : i32 to index
        %get3A_745 = arith.index_cast %add3A_722 : i32 to index
        %get3A_746 = arith.constant 32 : index
        %get3A_747 = tpu.vector_load %arg6[%get3A_744, %get3A_745, %get3A_746] {strides = array<i32>} : memref<4x128x64xf32, #tpu.memory_space<vmem>>, vector<16xf32>,
        %scatter3A_748 = arith.constant 2 : i32
        %scatter3A_749 = arith.constant 0 : i32
        %scatter3A_750 = arith.constant 0 : i32
        %scatter3A_751 = arith.constant 0 : i32
        %scatter3A_752 = tpu.memref_slice %arg7[%scatter3A_748, %scatter3A_749, %scatter3A_750, %scatter3A_751] : memref<4x8x8x136xf32, #tpu.memory_space<vmem>> -> memref<1x8x8x136xf32, #tpu.memory_space<vmem>>
        %scatter3A_753 = tpu.memref_squeeze %scatter3A_752 : memref<1x8x8x136xf32, #tpu.memory_space<vmem>> -> memref<8x8x136xf32, #tpu.memory_space<vmem>>
        tpu.vector_store_idx %scatter3A_753[%shift_right_logical3A_22, %and3A_33, %broadcast_in_dim3A], %get3A_747 : memref<8x8x136xf32, #tpu.memory_space<vmem>>[vector<16xi32>, vector<16xi32>, vector<16xi32>], vector<16xf32>,
        %get3A_754 = arith.constant 2 : i32
        %get3A_755 = arith.index_cast %get3A_754 : i32 to index
        %get3A_756 = arith.index_cast %add3A_722 : i32 to index
        %get3A_757 = arith.constant 48 : index
        %get3A_758 = tpu.vector_load %arg6[%get3A_755, %get3A_756, %get3A_757] {strides = array<i32>} : memref<4x128x64xf32, #tpu.memory_space<vmem>>, vector<16xf32>,
        %scatter3A_759 = arith.constant 2 : i32
        %scatter3A_760 = arith.constant 0 : i32
        %scatter3A_761 = arith.constant 0 : i32
        %scatter3A_762 = arith.constant 0 : i32
        %scatter3A_763 = tpu.memref_slice %arg7[%scatter3A_759, %scatter3A_760, %scatter3A_761, %scatter3A_762] : memref<4x8x8x136xf32, #tpu.memory_space<vmem>> -> memref<1x8x8x136xf32, #tpu.memory_space<vmem>>
        %scatter3A_764 = tpu.memref_squeeze %scatter3A_763 : memref<1x8x8x136xf32, #tpu.memory_space<vmem>> -> memref<8x8x136xf32, #tpu.memory_space<vmem>>
        tpu.vector_store_idx %scatter3A_764[%shift_right_logical3A_25, %and3A_36, %broadcast_in_dim3A], %get3A_758 : memref<8x8x136xf32, #tpu.memory_space<vmem>>[vector<16xi32>, vector<16xi32>, vector<16xi32>], vector<16xf32>,
        %scan3A_765 = arith.constant 1 : i32
        %scan3A_766 = arith.addi %scan3A_718, %scan3A_765 : i32
        %mul3A_767 = arith.constant 1 : i32
        %mul3A_768 = arith.muli %scan3A_766, %mul3A_767 : i32
        %add3A_769 = arith.constant 0 : i32
        %add3A_770 = arith.addi %add3A_769, %mul3A_768 : i32
        %broadcast_in_dim3A_771 = vector.broadcast %add3A_770 : i32 to vector<16xi32>
        %get3A_772 = arith.constant 2 : i32
        %get3A_773 = arith.index_cast %get3A_772 : i32 to index
        %get3A_774 = arith.index_cast %add3A_770 : i32 to index
        %get3A_775 = arith.constant 0 : index
        %get3A_776 = tpu.vector_load %arg6[%get3A_773, %get3A_774, %get3A_775] {strides = array<i32>} : memref<4x128x64xf32, #tpu.memory_space<vmem>>, vector<16xf32>,
        %scatter3A_777 = arith.constant 2 : i32
        %scatter3A_778 = arith.constant 0 : i32
        %scatter3A_779 = arith.constant 0 : i32
        %scatter3A_780 = arith.constant 0 : i32
        %scatter3A_781 = tpu.memref_slice %arg7[%scatter3A_777, %scatter3A_778, %scatter3A_779, %scatter3A_780] : memref<4x8x8x136xf32, #tpu.memory_space<vmem>> -> memref<1x8x8x136xf32, #tpu.memory_space<vmem>>
        %scatter3A_782 = tpu.memref_squeeze %scatter3A_781 : memref<1x8x8x136xf32, #tpu.memory_space<vmem>> -> memref<8x8x136xf32, #tpu.memory_space<vmem>>
        tpu.vector_store_idx %scatter3A_782[%shift_right_logical3A_16, %and3A_27, %broadcast_in_dim3A_771], %get3A_776 : memref<8x8x136xf32, #tpu.memory_space<vmem>>[vector<16xi32>, vector<16xi32>, vector<16xi32>], vector<16xf32>,
        %get3A_783 = arith.constant 2 : i32
        %get3A_784 = arith.index_cast %get3A_783 : i32 to index
        %get3A_785 = arith.index_cast %add3A_770 : i32 to index
        %get3A_786 = arith.constant 16 : index
        %get3A_787 = tpu.vector_load %arg6[%get3A_784, %get3A_785, %get3A_786] {strides = array<i32>} : memref<4x128x64xf32, #tpu.memory_space<vmem>>, vector<16xf32>,
        %scatter3A_788 = arith.constant 2 : i32
        %scatter3A_789 = arith.constant 0 : i32
        %scatter3A_790 = arith.constant 0 : i32
        %scatter3A_791 = arith.constant 0 : i32
        %scatter3A_792 = tpu.memref_slice %arg7[%scatter3A_788, %scatter3A_789, %scatter3A_790, %scatter3A_791] : memref<4x8x8x136xf32, #tpu.memory_space<vmem>> -> memref<1x8x8x136xf32, #tpu.memory_space<vmem>>
        %scatter3A_793 = tpu.memref_squeeze %scatter3A_792 : memref<1x8x8x136xf32, #tpu.memory_space<vmem>> -> memref<8x8x136xf32, #tpu.memory_space<vmem>>
        tpu.vector_store_idx %scatter3A_793[%shift_right_logical3A_19, %and3A_30, %broadcast_in_dim3A_771], %get3A_787 : memref<8x8x136xf32, #tpu.memory_space<vmem>>[vector<16xi32>, vector<16xi32>, vector<16xi32>], vector<16xf32>,
        %get3A_794 = arith.constant 2 : i32
        %get3A_795 = arith.index_cast %get3A_794 : i32 to index
        %get3A_796 = arith.index_cast %add3A_770 : i32 to index
        %get3A_797 = arith.constant 32 : index
        %get3A_798 = tpu.vector_load %arg6[%get3A_795, %get3A_796, %get3A_797] {strides = array<i32>} : memref<4x128x64xf32, #tpu.memory_space<vmem>>, vector<16xf32>,
        %scatter3A_799 = arith.constant 2 : i32
        %scatter3A_800 = arith.constant 0 : i32
        %scatter3A_801 = arith.constant 0 : i32
        %scatter3A_802 = arith.constant 0 : i32
        %scatter3A_803 = tpu.memref_slice %arg7[%scatter3A_799, %scatter3A_800, %scatter3A_801, %scatter3A_802] : memref<4x8x8x136xf32, #tpu.memory_space<vmem>> -> memref<1x8x8x136xf32, #tpu.memory_space<vmem>>
        %scatter3A_804 = tpu.memref_squeeze %scatter3A_803 : memref<1x8x8x136xf32, #tpu.memory_space<vmem>> -> memref<8x8x136xf32, #tpu.memory_space<vmem>>
        tpu.vector_store_idx %scatter3A_804[%shift_right_logical3A_22, %and3A_33, %broadcast_in_dim3A_771], %get3A_798 : memref<8x8x136xf32, #tpu.memory_space<vmem>>[vector<16xi32>, vector<16xi32>, vector<16xi32>], vector<16xf32>,
        %get3A_805 = arith.constant 2 : i32
        %get3A_806 = arith.index_cast %get3A_805 : i32 to index
        %get3A_807 = arith.index_cast %add3A_770 : i32 to index
        %get3A_808 = arith.constant 48 : index
        %get3A_809 = tpu.vector_load %arg6[%get3A_806, %get3A_807, %get3A_808] {strides = array<i32>} : memref<4x128x64xf32, #tpu.memory_space<vmem>>, vector<16xf32>,
        %scatter3A_810 = arith.constant 2 : i32
        %scatter3A_811 = arith.constant 0 : i32
        %scatter3A_812 = arith.constant 0 : i32
        %scatter3A_813 = arith.constant 0 : i32
        %scatter3A_814 = tpu.memref_slice %arg7[%scatter3A_810, %scatter3A_811, %scatter3A_812, %scatter3A_813] : memref<4x8x8x136xf32, #tpu.memory_space<vmem>> -> memref<1x8x8x136xf32, #tpu.memory_space<vmem>>
        %scatter3A_815 = tpu.memref_squeeze %scatter3A_814 : memref<1x8x8x136xf32, #tpu.memory_space<vmem>> -> memref<8x8x136xf32, #tpu.memory_space<vmem>>
        tpu.vector_store_idx %scatter3A_815[%shift_right_logical3A_25, %and3A_36, %broadcast_in_dim3A_771], %get3A_809 : memref<8x8x136xf32, #tpu.memory_space<vmem>>[vector<16xi32>, vector<16xi32>, vector<16xi32>], vector<16xf32>,
        %scan3A_816 = arith.constant 2 : i32
        %scan3A_817 = arith.addi %scan3A_718, %scan3A_816 : i32
        %mul3A_818 = arith.constant 1 : i32
        %mul3A_819 = arith.muli %scan3A_817, %mul3A_818 : i32
        %add3A_820 = arith.constant 0 : i32
        %add3A_821 = arith.addi %add3A_820, %mul3A_819 : i32
        %broadcast_in_dim3A_822 = vector.broadcast %add3A_821 : i32 to vector<16xi32>
        %get3A_823 = arith.constant 2 : i32
        %get3A_824 = arith.index_cast %get3A_823 : i32 to index
        %get3A_825 = arith.index_cast %add3A_821 : i32 to index
        %get3A_826 = arith.constant 0 : index
        %get3A_827 = tpu.vector_load %arg6[%get3A_824, %get3A_825, %get3A_826] {strides = array<i32>} : memref<4x128x64xf32, #tpu.memory_space<vmem>>, vector<16xf32>,
        %scatter3A_828 = arith.constant 2 : i32
        %scatter3A_829 = arith.constant 0 : i32
        %scatter3A_830 = arith.constant 0 : i32
        %scatter3A_831 = arith.constant 0 : i32
        %scatter3A_832 = tpu.memref_slice %arg7[%scatter3A_828, %scatter3A_829, %scatter3A_830, %scatter3A_831] : memref<4x8x8x136xf32, #tpu.memory_space<vmem>> -> memref<1x8x8x136xf32, #tpu.memory_space<vmem>>
        %scatter3A_833 = tpu.memref_squeeze %scatter3A_832 : memref<1x8x8x136xf32, #tpu.memory_space<vmem>> -> memref<8x8x136xf32, #tpu.memory_space<vmem>>
        tpu.vector_store_idx %scatter3A_833[%shift_right_logical3A_16, %and3A_27, %broadcast_in_dim3A_822], %get3A_827 : memref<8x8x136xf32, #tpu.memory_space<vmem>>[vector<16xi32>, vector<16xi32>, vector<16xi32>], vector<16xf32>,
        %get3A_834 = arith.constant 2 : i32
        %get3A_835 = arith.index_cast %get3A_834 : i32 to index
        %get3A_836 = arith.index_cast %add3A_821 : i32 to index
        %get3A_837 = arith.constant 16 : index
        %get3A_838 = tpu.vector_load %arg6[%get3A_835, %get3A_836, %get3A_837] {strides = array<i32>} : memref<4x128x64xf32, #tpu.memory_space<vmem>>, vector<16xf32>,
        %scatter3A_839 = arith.constant 2 : i32
        %scatter3A_840 = arith.constant 0 : i32
        %scatter3A_841 = arith.constant 0 : i32
        %scatter3A_842 = arith.constant 0 : i32
        %scatter3A_843 = tpu.memref_slice %arg7[%scatter3A_839, %scatter3A_840, %scatter3A_841, %scatter3A_842] : memref<4x8x8x136xf32, #tpu.memory_space<vmem>> -> memref<1x8x8x136xf32, #tpu.memory_space<vmem>>
        %scatter3A_844 = tpu.memref_squeeze %scatter3A_843 : memref<1x8x8x136xf32, #tpu.memory_space<vmem>> -> memref<8x8x136xf32, #tpu.memory_space<vmem>>
        tpu.vector_store_idx %scatter3A_844[%shift_right_logical3A_19, %and3A_30, %broadcast_in_dim3A_822], %get3A_838 : memref<8x8x136xf32, #tpu.memory_space<vmem>>[vector<16xi32>, vector<16xi32>, vector<16xi32>], vector<16xf32>,
        %get3A_845 = arith.constant 2 : i32
        %get3A_846 = arith.index_cast %get3A_845 : i32 to index
        %get3A_847 = arith.index_cast %add3A_821 : i32 to index
        %get3A_848 = arith.constant 32 : index
        %get3A_849 = tpu.vector_load %arg6[%get3A_846, %get3A_847, %get3A_848] {strides = array<i32>} : memref<4x128x64xf32, #tpu.memory_space<vmem>>, vector<16xf32>,
        %scatter3A_850 = arith.constant 2 : i32
        %scatter3A_851 = arith.constant 0 : i32
        %scatter3A_852 = arith.constant 0 : i32
        %scatter3A_853 = arith.constant 0 : i32
        %scatter3A_854 = tpu.memref_slice %arg7[%scatter3A_850, %scatter3A_851, %scatter3A_852, %scatter3A_853] : memref<4x8x8x136xf32, #tpu.memory_space<vmem>> -> memref<1x8x8x136xf32, #tpu.memory_space<vmem>>
        %scatter3A_855 = tpu.memref_squeeze %scatter3A_854 : memref<1x8x8x136xf32, #tpu.memory_space<vmem>> -> memref<8x8x136xf32, #tpu.memory_space<vmem>>
        tpu.vector_store_idx %scatter3A_855[%shift_right_logical3A_22, %and3A_33, %broadcast_in_dim3A_822], %get3A_849 : memref<8x8x136xf32, #tpu.memory_space<vmem>>[vector<16xi32>, vector<16xi32>, vector<16xi32>], vector<16xf32>,
        %get3A_856 = arith.constant 2 : i32
        %get3A_857 = arith.index_cast %get3A_856 : i32 to index
        %get3A_858 = arith.index_cast %add3A_821 : i32 to index
        %get3A_859 = arith.constant 48 : index
        %get3A_860 = tpu.vector_load %arg6[%get3A_857, %get3A_858, %get3A_859] {strides = array<i32>} : memref<4x128x64xf32, #tpu.memory_space<vmem>>, vector<16xf32>,
        %scatter3A_861 = arith.constant 2 : i32
        %scatter3A_862 = arith.constant 0 : i32
        %scatter3A_863 = arith.constant 0 : i32
        %scatter3A_864 = arith.constant 0 : i32
        %scatter3A_865 = tpu.memref_slice %arg7[%scatter3A_861, %scatter3A_862, %scatter3A_863, %scatter3A_864] : memref<4x8x8x136xf32, #tpu.memory_space<vmem>> -> memref<1x8x8x136xf32, #tpu.memory_space<vmem>>
        %scatter3A_866 = tpu.memref_squeeze %scatter3A_865 : memref<1x8x8x136xf32, #tpu.memory_space<vmem>> -> memref<8x8x136xf32, #tpu.memory_space<vmem>>
        tpu.vector_store_idx %scatter3A_866[%shift_right_logical3A_25, %and3A_36, %broadcast_in_dim3A_822], %get3A_860 : memref<8x8x136xf32, #tpu.memory_space<vmem>>[vector<16xi32>, vector<16xi32>, vector<16xi32>], vector<16xf32>,
        %scan3A_867 = arith.constant 3 : i32
        %scan3A_868 = arith.addi %scan3A_718, %scan3A_867 : i32
        %mul3A_869 = arith.constant 1 : i32
        %mul3A_870 = arith.muli %scan3A_868, %mul3A_869 : i32
        %add3A_871 = arith.constant 0 : i32
        %add3A_872 = arith.addi %add3A_871, %mul3A_870 : i32
        %broadcast_in_dim3A_873 = vector.broadcast %add3A_872 : i32 to vector<16xi32>
        %get3A_874 = arith.constant 2 : i32
        %get3A_875 = arith.index_cast %get3A_874 : i32 to index
        %get3A_876 = arith.index_cast %add3A_872 : i32 to index
        %get3A_877 = arith.constant 0 : index
        %get3A_878 = tpu.vector_load %arg6[%get3A_875, %get3A_876, %get3A_877] {strides = array<i32>} : memref<4x128x64xf32, #tpu.memory_space<vmem>>, vector<16xf32>,
        %scatter3A_879 = arith.constant 2 : i32
        %scatter3A_880 = arith.constant 0 : i32
        %scatter3A_881 = arith.constant 0 : i32
        %scatter3A_882 = arith.constant 0 : i32
        %scatter3A_883 = tpu.memref_slice %arg7[%scatter3A_879, %scatter3A_880, %scatter3A_881, %scatter3A_882] : memref<4x8x8x136xf32, #tpu.memory_space<vmem>> -> memref<1x8x8x136xf32, #tpu.memory_space<vmem>>
        %scatter3A_884 = tpu.memref_squeeze %scatter3A_883 : memref<1x8x8x136xf32, #tpu.memory_space<vmem>> -> memref<8x8x136xf32, #tpu.memory_space<vmem>>
        tpu.vector_store_idx %scatter3A_884[%shift_right_logical3A_16, %and3A_27, %broadcast_in_dim3A_873], %get3A_878 : memref<8x8x136xf32, #tpu.memory_space<vmem>>[vector<16xi32>, vector<16xi32>, vector<16xi32>], vector<16xf32>,
        %get3A_885 = arith.constant 2 : i32
        %get3A_886 = arith.index_cast %get3A_885 : i32 to index
        %get3A_887 = arith.index_cast %add3A_872 : i32 to index
        %get3A_888 = arith.constant 16 : index
        %get3A_889 = tpu.vector_load %arg6[%get3A_886, %get3A_887, %get3A_888] {strides = array<i32>} : memref<4x128x64xf32, #tpu.memory_space<vmem>>, vector<16xf32>,
        %scatter3A_890 = arith.constant 2 : i32
        %scatter3A_891 = arith.constant 0 : i32
        %scatter3A_892 = arith.constant 0 : i32
        %scatter3A_893 = arith.constant 0 : i32
        %scatter3A_894 = tpu.memref_slice %arg7[%scatter3A_890, %scatter3A_891, %scatter3A_892, %scatter3A_893] : memref<4x8x8x136xf32, #tpu.memory_space<vmem>> -> memref<1x8x8x136xf32, #tpu.memory_space<vmem>>
        %scatter3A_895 = tpu.memref_squeeze %scatter3A_894 : memref<1x8x8x136xf32, #tpu.memory_space<vmem>> -> memref<8x8x136xf32, #tpu.memory_space<vmem>>
        tpu.vector_store_idx %scatter3A_895[%shift_right_logical3A_19, %and3A_30, %broadcast_in_dim3A_873], %get3A_889 : memref<8x8x136xf32, #tpu.memory_space<vmem>>[vector<16xi32>, vector<16xi32>, vector<16xi32>], vector<16xf32>,
        %get3A_896 = arith.constant 2 : i32
        %get3A_897 = arith.index_cast %get3A_896 : i32 to index
        %get3A_898 = arith.index_cast %add3A_872 : i32 to index
        %get3A_899 = arith.constant 32 : index
        %get3A_900 = tpu.vector_load %arg6[%get3A_897, %get3A_898, %get3A_899] {strides = array<i32>} : memref<4x128x64xf32, #tpu.memory_space<vmem>>, vector<16xf32>,
        %scatter3A_901 = arith.constant 2 : i32
        %scatter3A_902 = arith.constant 0 : i32
        %scatter3A_903 = arith.constant 0 : i32
        %scatter3A_904 = arith.constant 0 : i32
        %scatter3A_905 = tpu.memref_slice %arg7[%scatter3A_901, %scatter3A_902, %scatter3A_903, %scatter3A_904] : memref<4x8x8x136xf32, #tpu.memory_space<vmem>> -> memref<1x8x8x136xf32, #tpu.memory_space<vmem>>
        %scatter3A_906 = tpu.memref_squeeze %scatter3A_905 : memref<1x8x8x136xf32, #tpu.memory_space<vmem>> -> memref<8x8x136xf32, #tpu.memory_space<vmem>>
        tpu.vector_store_idx %scatter3A_906[%shift_right_logical3A_22, %and3A_33, %broadcast_in_dim3A_873], %get3A_900 : memref<8x8x136xf32, #tpu.memory_space<vmem>>[vector<16xi32>, vector<16xi32>, vector<16xi32>], vector<16xf32>,
        %get3A_907 = arith.constant 2 : i32
        %get3A_908 = arith.index_cast %get3A_907 : i32 to index
        %get3A_909 = arith.index_cast %add3A_872 : i32 to index
        %get3A_910 = arith.constant 48 : index
        %get3A_911 = tpu.vector_load %arg6[%get3A_908, %get3A_909, %get3A_910] {strides = array<i32>} : memref<4x128x64xf32, #tpu.memory_space<vmem>>, vector<16xf32>,
        %scatter3A_912 = arith.constant 2 : i32
        %scatter3A_913 = arith.constant 0 : i32
        %scatter3A_914 = arith.constant 0 : i32
        %scatter3A_915 = arith.constant 0 : i32
        %scatter3A_916 = tpu.memref_slice %arg7[%scatter3A_912, %scatter3A_913, %scatter3A_914, %scatter3A_915] : memref<4x8x8x136xf32, #tpu.memory_space<vmem>> -> memref<1x8x8x136xf32, #tpu.memory_space<vmem>>
        %scatter3A_917 = tpu.memref_squeeze %scatter3A_916 : memref<1x8x8x136xf32, #tpu.memory_space<vmem>> -> memref<8x8x136xf32, #tpu.memory_space<vmem>>
        tpu.vector_store_idx %scatter3A_917[%shift_right_logical3A_25, %and3A_36, %broadcast_in_dim3A_873], %get3A_911 : memref<8x8x136xf32, #tpu.memory_space<vmem>>[vector<16xi32>, vector<16xi32>, vector<16xi32>], vector<16xf32>,
        %scan3A_918 = arith.constant 4 : i32
        %scan3A_919 = arith.addi %scan3A_718, %scan3A_918 : i32
        %mul3A_920 = arith.constant 1 : i32
        %mul3A_921 = arith.muli %scan3A_919, %mul3A_920 : i32
        %add3A_922 = arith.constant 0 : i32
        %add3A_923 = arith.addi %add3A_922, %mul3A_921 : i32
        %broadcast_in_dim3A_924 = vector.broadcast %add3A_923 : i32 to vector<16xi32>
        %get3A_925 = arith.constant 2 : i32
        %get3A_926 = arith.index_cast %get3A_925 : i32 to index
        %get3A_927 = arith.index_cast %add3A_923 : i32 to index
        %get3A_928 = arith.constant 0 : index
        %get3A_929 = tpu.vector_load %arg6[%get3A_926, %get3A_927, %get3A_928] {strides = array<i32>} : memref<4x128x64xf32, #tpu.memory_space<vmem>>, vector<16xf32>,
        %scatter3A_930 = arith.constant 2 : i32
        %scatter3A_931 = arith.constant 0 : i32
        %scatter3A_932 = arith.constant 0 : i32
        %scatter3A_933 = arith.constant 0 : i32
        %scatter3A_934 = tpu.memref_slice %arg7[%scatter3A_930, %scatter3A_931, %scatter3A_932, %scatter3A_933] : memref<4x8x8x136xf32, #tpu.memory_space<vmem>> -> memref<1x8x8x136xf32, #tpu.memory_space<vmem>>
        %scatter3A_935 = tpu.memref_squeeze %scatter3A_934 : memref<1x8x8x136xf32, #tpu.memory_space<vmem>> -> memref<8x8x136xf32, #tpu.memory_space<vmem>>
        tpu.vector_store_idx %scatter3A_935[%shift_right_logical3A_16, %and3A_27, %broadcast_in_dim3A_924], %get3A_929 : memref<8x8x136xf32, #tpu.memory_space<vmem>>[vector<16xi32>, vector<16xi32>, vector<16xi32>], vector<16xf32>,
        %get3A_936 = arith.constant 2 : i32
        %get3A_937 = arith.index_cast %get3A_936 : i32 to index
        %get3A_938 = arith.index_cast %add3A_923 : i32 to index
        %get3A_939 = arith.constant 16 : index
        %get3A_940 = tpu.vector_load %arg6[%get3A_937, %get3A_938, %get3A_939] {strides = array<i32>} : memref<4x128x64xf32, #tpu.memory_space<vmem>>, vector<16xf32>,
        %scatter3A_941 = arith.constant 2 : i32
        %scatter3A_942 = arith.constant 0 : i32
        %scatter3A_943 = arith.constant 0 : i32
        %scatter3A_944 = arith.constant 0 : i32
        %scatter3A_945 = tpu.memref_slice %arg7[%scatter3A_941, %scatter3A_942, %scatter3A_943, %scatter3A_944] : memref<4x8x8x136xf32, #tpu.memory_space<vmem>> -> memref<1x8x8x136xf32, #tpu.memory_space<vmem>>
        %scatter3A_946 = tpu.memref_squeeze %scatter3A_945 : memref<1x8x8x136xf32, #tpu.memory_space<vmem>> -> memref<8x8x136xf32, #tpu.memory_space<vmem>>
        tpu.vector_store_idx %scatter3A_946[%shift_right_logical3A_19, %and3A_30, %broadcast_in_dim3A_924], %get3A_940 : memref<8x8x136xf32, #tpu.memory_space<vmem>>[vector<16xi32>, vector<16xi32>, vector<16xi32>], vector<16xf32>,
        %get3A_947 = arith.constant 2 : i32
        %get3A_948 = arith.index_cast %get3A_947 : i32 to index
        %get3A_949 = arith.index_cast %add3A_923 : i32 to index
        %get3A_950 = arith.constant 32 : index
        %get3A_951 = tpu.vector_load %arg6[%get3A_948, %get3A_949, %get3A_950] {strides = array<i32>} : memref<4x128x64xf32, #tpu.memory_space<vmem>>, vector<16xf32>,
        %scatter3A_952 = arith.constant 2 : i32
        %scatter3A_953 = arith.constant 0 : i32
        %scatter3A_954 = arith.constant 0 : i32
        %scatter3A_955 = arith.constant 0 : i32
        %scatter3A_956 = tpu.memref_slice %arg7[%scatter3A_952, %scatter3A_953, %scatter3A_954, %scatter3A_955] : memref<4x8x8x136xf32, #tpu.memory_space<vmem>> -> memref<1x8x8x136xf32, #tpu.memory_space<vmem>>
        %scatter3A_957 = tpu.memref_squeeze %scatter3A_956 : memref<1x8x8x136xf32, #tpu.memory_space<vmem>> -> memref<8x8x136xf32, #tpu.memory_space<vmem>>
        tpu.vector_store_idx %scatter3A_957[%shift_right_logical3A_22, %and3A_33, %broadcast_in_dim3A_924], %get3A_951 : memref<8x8x136xf32, #tpu.memory_space<vmem>>[vector<16xi32>, vector<16xi32>, vector<16xi32>], vector<16xf32>,
        %get3A_958 = arith.constant 2 : i32
        %get3A_959 = arith.index_cast %get3A_958 : i32 to index
        %get3A_960 = arith.index_cast %add3A_923 : i32 to index
        %get3A_961 = arith.constant 48 : index
        %get3A_962 = tpu.vector_load %arg6[%get3A_959, %get3A_960, %get3A_961] {strides = array<i32>} : memref<4x128x64xf32, #tpu.memory_space<vmem>>, vector<16xf32>,
        %scatter3A_963 = arith.constant 2 : i32
        %scatter3A_964 = arith.constant 0 : i32
        %scatter3A_965 = arith.constant 0 : i32
        %scatter3A_966 = arith.constant 0 : i32
        %scatter3A_967 = tpu.memref_slice %arg7[%scatter3A_963, %scatter3A_964, %scatter3A_965, %scatter3A_966] : memref<4x8x8x136xf32, #tpu.memory_space<vmem>> -> memref<1x8x8x136xf32, #tpu.memory_space<vmem>>
        %scatter3A_968 = tpu.memref_squeeze %scatter3A_967 : memref<1x8x8x136xf32, #tpu.memory_space<vmem>> -> memref<8x8x136xf32, #tpu.memory_space<vmem>>
        tpu.vector_store_idx %scatter3A_968[%shift_right_logical3A_25, %and3A_36, %broadcast_in_dim3A_924], %get3A_962 : memref<8x8x136xf32, #tpu.memory_space<vmem>>[vector<16xi32>, vector<16xi32>, vector<16xi32>], vector<16xf32>,
        %scan3A_969 = arith.constant 5 : i32
        %scan3A_970 = arith.addi %scan3A_718, %scan3A_969 : i32
        %mul3A_971 = arith.constant 1 : i32
        %mul3A_972 = arith.muli %scan3A_970, %mul3A_971 : i32
        %add3A_973 = arith.constant 0 : i32
        %add3A_974 = arith.addi %add3A_973, %mul3A_972 : i32
        %broadcast_in_dim3A_975 = vector.broadcast %add3A_974 : i32 to vector<16xi32>
        %get3A_976 = arith.constant 2 : i32
        %get3A_977 = arith.index_cast %get3A_976 : i32 to index
        %get3A_978 = arith.index_cast %add3A_974 : i32 to index
        %get3A_979 = arith.constant 0 : index
        %get3A_980 = tpu.vector_load %arg6[%get3A_977, %get3A_978, %get3A_979] {strides = array<i32>} : memref<4x128x64xf32, #tpu.memory_space<vmem>>, vector<16xf32>,
        %scatter3A_981 = arith.constant 2 : i32
        %scatter3A_982 = arith.constant 0 : i32
        %scatter3A_983 = arith.constant 0 : i32
        %scatter3A_984 = arith.constant 0 : i32
        %scatter3A_985 = tpu.memref_slice %arg7[%scatter3A_981, %scatter3A_982, %scatter3A_983, %scatter3A_984] : memref<4x8x8x136xf32, #tpu.memory_space<vmem>> -> memref<1x8x8x136xf32, #tpu.memory_space<vmem>>
        %scatter3A_986 = tpu.memref_squeeze %scatter3A_985 : memref<1x8x8x136xf32, #tpu.memory_space<vmem>> -> memref<8x8x136xf32, #tpu.memory_space<vmem>>
        tpu.vector_store_idx %scatter3A_986[%shift_right_logical3A_16, %and3A_27, %broadcast_in_dim3A_975], %get3A_980 : memref<8x8x136xf32, #tpu.memory_space<vmem>>[vector<16xi32>, vector<16xi32>, vector<16xi32>], vector<16xf32>,
        %get3A_987 = arith.constant 2 : i32
        %get3A_988 = arith.index_cast %get3A_987 : i32 to index
        %get3A_989 = arith.index_cast %add3A_974 : i32 to index
        %get3A_990 = arith.constant 16 : index
        %get3A_991 = tpu.vector_load %arg6[%get3A_988, %get3A_989, %get3A_990] {strides = array<i32>} : memref<4x128x64xf32, #tpu.memory_space<vmem>>, vector<16xf32>,
        %scatter3A_992 = arith.constant 2 : i32
        %scatter3A_993 = arith.constant 0 : i32
        %scatter3A_994 = arith.constant 0 : i32
        %scatter3A_995 = arith.constant 0 : i32
        %scatter3A_996 = tpu.memref_slice %arg7[%scatter3A_992, %scatter3A_993, %scatter3A_994, %scatter3A_995] : memref<4x8x8x136xf32, #tpu.memory_space<vmem>> -> memref<1x8x8x136xf32, #tpu.memory_space<vmem>>
        %scatter3A_997 = tpu.memref_squeeze %scatter3A_996 : memref<1x8x8x136xf32, #tpu.memory_space<vmem>> -> memref<8x8x136xf32, #tpu.memory_space<vmem>>
        tpu.vector_store_idx %scatter3A_997[%shift_right_logical3A_19, %and3A_30, %broadcast_in_dim3A_975], %get3A_991 : memref<8x8x136xf32, #tpu.memory_space<vmem>>[vector<16xi32>, vector<16xi32>, vector<16xi32>], vector<16xf32>,
        %get3A_998 = arith.constant 2 : i32
        %get3A_999 = arith.index_cast %get3A_998 : i32 to index
        %get3A_1000 = arith.index_cast %add3A_974 : i32 to index
        %get3A_1001 = arith.constant 32 : index
        %get3A_1002 = tpu.vector_load %arg6[%get3A_999, %get3A_1000, %get3A_1001] {strides = array<i32>} : memref<4x128x64xf32, #tpu.memory_space<vmem>>, vector<16xf32>,
        %scatter3A_1003 = arith.constant 2 : i32
        %scatter3A_1004 = arith.constant 0 : i32
        %scatter3A_1005 = arith.constant 0 : i32
        %scatter3A_1006 = arith.constant 0 : i32
        %scatter3A_1007 = tpu.memref_slice %arg7[%scatter3A_1003, %scatter3A_1004, %scatter3A_1005, %scatter3A_1006] : memref<4x8x8x136xf32, #tpu.memory_space<vmem>> -> memref<1x8x8x136xf32, #tpu.memory_space<vmem>>
        %scatter3A_1008 = tpu.memref_squeeze %scatter3A_1007 : memref<1x8x8x136xf32, #tpu.memory_space<vmem>> -> memref<8x8x136xf32, #tpu.memory_space<vmem>>
        tpu.vector_store_idx %scatter3A_1008[%shift_right_logical3A_22, %and3A_33, %broadcast_in_dim3A_975], %get3A_1002 : memref<8x8x136xf32, #tpu.memory_space<vmem>>[vector<16xi32>, vector<16xi32>, vector<16xi32>], vector<16xf32>,
        %get3A_1009 = arith.constant 2 : i32
        %get3A_1010 = arith.index_cast %get3A_1009 : i32 to index
        %get3A_1011 = arith.index_cast %add3A_974 : i32 to index
        %get3A_1012 = arith.constant 48 : index
        %get3A_1013 = tpu.vector_load %arg6[%get3A_1010, %get3A_1011, %get3A_1012] {strides = array<i32>} : memref<4x128x64xf32, #tpu.memory_space<vmem>>, vector<16xf32>,
        %scatter3A_1014 = arith.constant 2 : i32
        %scatter3A_1015 = arith.constant 0 : i32
        %scatter3A_1016 = arith.constant 0 : i32
        %scatter3A_1017 = arith.constant 0 : i32
        %scatter3A_1018 = tpu.memref_slice %arg7[%scatter3A_1014, %scatter3A_1015, %scatter3A_1016, %scatter3A_1017] : memref<4x8x8x136xf32, #tpu.memory_space<vmem>> -> memref<1x8x8x136xf32, #tpu.memory_space<vmem>>
        %scatter3A_1019 = tpu.memref_squeeze %scatter3A_1018 : memref<1x8x8x136xf32, #tpu.memory_space<vmem>> -> memref<8x8x136xf32, #tpu.memory_space<vmem>>
        tpu.vector_store_idx %scatter3A_1019[%shift_right_logical3A_25, %and3A_36, %broadcast_in_dim3A_975], %get3A_1013 : memref<8x8x136xf32, #tpu.memory_space<vmem>>[vector<16xi32>, vector<16xi32>, vector<16xi32>], vector<16xf32>,
        %scan3A_1020 = arith.constant 6 : i32
        %scan3A_1021 = arith.addi %scan3A_718, %scan3A_1020 : i32
        %mul3A_1022 = arith.constant 1 : i32
        %mul3A_1023 = arith.muli %scan3A_1021, %mul3A_1022 : i32
        %add3A_1024 = arith.constant 0 : i32
        %add3A_1025 = arith.addi %add3A_1024, %mul3A_1023 : i32
        %broadcast_in_dim3A_1026 = vector.broadcast %add3A_1025 : i32 to vector<16xi32>
        %get3A_1027 = arith.constant 2 : i32
        %get3A_1028 = arith.index_cast %get3A_1027 : i32 to index
        %get3A_1029 = arith.index_cast %add3A_1025 : i32 to index
        %get3A_1030 = arith.constant 0 : index
        %get3A_1031 = tpu.vector_load %arg6[%get3A_1028, %get3A_1029, %get3A_1030] {strides = array<i32>} : memref<4x128x64xf32, #tpu.memory_space<vmem>>, vector<16xf32>,
        %scatter3A_1032 = arith.constant 2 : i32
        %scatter3A_1033 = arith.constant 0 : i32
        %scatter3A_1034 = arith.constant 0 : i32
        %scatter3A_1035 = arith.constant 0 : i32
        %scatter3A_1036 = tpu.memref_slice %arg7[%scatter3A_1032, %scatter3A_1033, %scatter3A_1034, %scatter3A_1035] : memref<4x8x8x136xf32, #tpu.memory_space<vmem>> -> memref<1x8x8x136xf32, #tpu.memory_space<vmem>>
        %scatter3A_1037 = tpu.memref_squeeze %scatter3A_1036 : memref<1x8x8x136xf32, #tpu.memory_space<vmem>> -> memref<8x8x136xf32, #tpu.memory_space<vmem>>
        tpu.vector_store_idx %scatter3A_1037[%shift_right_logical3A_16, %and3A_27, %broadcast_in_dim3A_1026], %get3A_1031 : memref<8x8x136xf32, #tpu.memory_space<vmem>>[vector<16xi32>, vector<16xi32>, vector<16xi32>], vector<16xf32>,
        %get3A_1038 = arith.constant 2 : i32
        %get3A_1039 = arith.index_cast %get3A_1038 : i32 to index
        %get3A_1040 = arith.index_cast %add3A_1025 : i32 to index
        %get3A_1041 = arith.constant 16 : index
        %get3A_1042 = tpu.vector_load %arg6[%get3A_1039, %get3A_1040, %get3A_1041] {strides = array<i32>} : memref<4x128x64xf32, #tpu.memory_space<vmem>>, vector<16xf32>,
        %scatter3A_1043 = arith.constant 2 : i32
        %scatter3A_1044 = arith.constant 0 : i32
        %scatter3A_1045 = arith.constant 0 : i32
        %scatter3A_1046 = arith.constant 0 : i32
        %scatter3A_1047 = tpu.memref_slice %arg7[%scatter3A_1043, %scatter3A_1044, %scatter3A_1045, %scatter3A_1046] : memref<4x8x8x136xf32, #tpu.memory_space<vmem>> -> memref<1x8x8x136xf32, #tpu.memory_space<vmem>>
        %scatter3A_1048 = tpu.memref_squeeze %scatter3A_1047 : memref<1x8x8x136xf32, #tpu.memory_space<vmem>> -> memref<8x8x136xf32, #tpu.memory_space<vmem>>
        tpu.vector_store_idx %scatter3A_1048[%shift_right_logical3A_19, %and3A_30, %broadcast_in_dim3A_1026], %get3A_1042 : memref<8x8x136xf32, #tpu.memory_space<vmem>>[vector<16xi32>, vector<16xi32>, vector<16xi32>], vector<16xf32>,
        %get3A_1049 = arith.constant 2 : i32
        %get3A_1050 = arith.index_cast %get3A_1049 : i32 to index
        %get3A_1051 = arith.index_cast %add3A_1025 : i32 to index
        %get3A_1052 = arith.constant 32 : index
        %get3A_1053 = tpu.vector_load %arg6[%get3A_1050, %get3A_1051, %get3A_1052] {strides = array<i32>} : memref<4x128x64xf32, #tpu.memory_space<vmem>>, vector<16xf32>,
        %scatter3A_1054 = arith.constant 2 : i32
        %scatter3A_1055 = arith.constant 0 : i32
        %scatter3A_1056 = arith.constant 0 : i32
        %scatter3A_1057 = arith.constant 0 : i32
        %scatter3A_1058 = tpu.memref_slice %arg7[%scatter3A_1054, %scatter3A_1055, %scatter3A_1056, %scatter3A_1057] : memref<4x8x8x136xf32, #tpu.memory_space<vmem>> -> memref<1x8x8x136xf32, #tpu.memory_space<vmem>>
        %scatter3A_1059 = tpu.memref_squeeze %scatter3A_1058 : memref<1x8x8x136xf32, #tpu.memory_space<vmem>> -> memref<8x8x136xf32, #tpu.memory_space<vmem>>
        tpu.vector_store_idx %scatter3A_1059[%shift_right_logical3A_22, %and3A_33, %broadcast_in_dim3A_1026], %get3A_1053 : memref<8x8x136xf32, #tpu.memory_space<vmem>>[vector<16xi32>, vector<16xi32>, vector<16xi32>], vector<16xf32>,
        %get3A_1060 = arith.constant 2 : i32
        %get3A_1061 = arith.index_cast %get3A_1060 : i32 to index
        %get3A_1062 = arith.index_cast %add3A_1025 : i32 to index
        %get3A_1063 = arith.constant 48 : index
        %get3A_1064 = tpu.vector_load %arg6[%get3A_1061, %get3A_1062, %get3A_1063] {strides = array<i32>} : memref<4x128x64xf32, #tpu.memory_space<vmem>>, vector<16xf32>,
        %scatter3A_1065 = arith.constant 2 : i32
        %scatter3A_1066 = arith.constant 0 : i32
        %scatter3A_1067 = arith.constant 0 : i32
        %scatter3A_1068 = arith.constant 0 : i32
        %scatter3A_1069 = tpu.memref_slice %arg7[%scatter3A_1065, %scatter3A_1066, %scatter3A_1067, %scatter3A_1068] : memref<4x8x8x136xf32, #tpu.memory_space<vmem>> -> memref<1x8x8x136xf32, #tpu.memory_space<vmem>>
        %scatter3A_1070 = tpu.memref_squeeze %scatter3A_1069 : memref<1x8x8x136xf32, #tpu.memory_space<vmem>> -> memref<8x8x136xf32, #tpu.memory_space<vmem>>
        tpu.vector_store_idx %scatter3A_1070[%shift_right_logical3A_25, %and3A_36, %broadcast_in_dim3A_1026], %get3A_1064 : memref<8x8x136xf32, #tpu.memory_space<vmem>>[vector<16xi32>, vector<16xi32>, vector<16xi32>], vector<16xf32>,
        %scan3A_1071 = arith.constant 7 : i32
        %scan3A_1072 = arith.addi %scan3A_718, %scan3A_1071 : i32
        %mul3A_1073 = arith.constant 1 : i32
        %mul3A_1074 = arith.muli %scan3A_1072, %mul3A_1073 : i32
        %add3A_1075 = arith.constant 0 : i32
        %add3A_1076 = arith.addi %add3A_1075, %mul3A_1074 : i32
        %broadcast_in_dim3A_1077 = vector.broadcast %add3A_1076 : i32 to vector<16xi32>
        %get3A_1078 = arith.constant 2 : i32
        %get3A_1079 = arith.index_cast %get3A_1078 : i32 to index
        %get3A_1080 = arith.index_cast %add3A_1076 : i32 to index
        %get3A_1081 = arith.constant 0 : index
        %get3A_1082 = tpu.vector_load %arg6[%get3A_1079, %get3A_1080, %get3A_1081] {strides = array<i32>} : memref<4x128x64xf32, #tpu.memory_space<vmem>>, vector<16xf32>,
        %scatter3A_1083 = arith.constant 2 : i32
        %scatter3A_1084 = arith.constant 0 : i32
        %scatter3A_1085 = arith.constant 0 : i32
        %scatter3A_1086 = arith.constant 0 : i32
        %scatter3A_1087 = tpu.memref_slice %arg7[%scatter3A_1083, %scatter3A_1084, %scatter3A_1085, %scatter3A_1086] : memref<4x8x8x136xf32, #tpu.memory_space<vmem>> -> memref<1x8x8x136xf32, #tpu.memory_space<vmem>>
        %scatter3A_1088 = tpu.memref_squeeze %scatter3A_1087 : memref<1x8x8x136xf32, #tpu.memory_space<vmem>> -> memref<8x8x136xf32, #tpu.memory_space<vmem>>
        tpu.vector_store_idx %scatter3A_1088[%shift_right_logical3A_16, %and3A_27, %broadcast_in_dim3A_1077], %get3A_1082 : memref<8x8x136xf32, #tpu.memory_space<vmem>>[vector<16xi32>, vector<16xi32>, vector<16xi32>], vector<16xf32>,
        %get3A_1089 = arith.constant 2 : i32
        %get3A_1090 = arith.index_cast %get3A_1089 : i32 to index
        %get3A_1091 = arith.index_cast %add3A_1076 : i32 to index
        %get3A_1092 = arith.constant 16 : index
        %get3A_1093 = tpu.vector_load %arg6[%get3A_1090, %get3A_1091, %get3A_1092] {strides = array<i32>} : memref<4x128x64xf32, #tpu.memory_space<vmem>>, vector<16xf32>,
        %scatter3A_1094 = arith.constant 2 : i32
        %scatter3A_1095 = arith.constant 0 : i32
        %scatter3A_1096 = arith.constant 0 : i32
        %scatter3A_1097 = arith.constant 0 : i32
        %scatter3A_1098 = tpu.memref_slice %arg7[%scatter3A_1094, %scatter3A_1095, %scatter3A_1096, %scatter3A_1097] : memref<4x8x8x136xf32, #tpu.memory_space<vmem>> -> memref<1x8x8x136xf32, #tpu.memory_space<vmem>>
        %scatter3A_1099 = tpu.memref_squeeze %scatter3A_1098 : memref<1x8x8x136xf32, #tpu.memory_space<vmem>> -> memref<8x8x136xf32, #tpu.memory_space<vmem>>
        tpu.vector_store_idx %scatter3A_1099[%shift_right_logical3A_19, %and3A_30, %broadcast_in_dim3A_1077], %get3A_1093 : memref<8x8x136xf32, #tpu.memory_space<vmem>>[vector<16xi32>, vector<16xi32>, vector<16xi32>], vector<16xf32>,
        %get3A_1100 = arith.constant 2 : i32
        %get3A_1101 = arith.index_cast %get3A_1100 : i32 to index
        %get3A_1102 = arith.index_cast %add3A_1076 : i32 to index
        %get3A_1103 = arith.constant 32 : index
        %get3A_1104 = tpu.vector_load %arg6[%get3A_1101, %get3A_1102, %get3A_1103] {strides = array<i32>} : memref<4x128x64xf32, #tpu.memory_space<vmem>>, vector<16xf32>,
        %scatter3A_1105 = arith.constant 2 : i32
        %scatter3A_1106 = arith.constant 0 : i32
        %scatter3A_1107 = arith.constant 0 : i32
        %scatter3A_1108 = arith.constant 0 : i32
        %scatter3A_1109 = tpu.memref_slice %arg7[%scatter3A_1105, %scatter3A_1106, %scatter3A_1107, %scatter3A_1108] : memref<4x8x8x136xf32, #tpu.memory_space<vmem>> -> memref<1x8x8x136xf32, #tpu.memory_space<vmem>>
        %scatter3A_1110 = tpu.memref_squeeze %scatter3A_1109 : memref<1x8x8x136xf32, #tpu.memory_space<vmem>> -> memref<8x8x136xf32, #tpu.memory_space<vmem>>
        tpu.vector_store_idx %scatter3A_1110[%shift_right_logical3A_22, %and3A_33, %broadcast_in_dim3A_1077], %get3A_1104 : memref<8x8x136xf32, #tpu.memory_space<vmem>>[vector<16xi32>, vector<16xi32>, vector<16xi32>], vector<16xf32>,
        %get3A_1111 = arith.constant 2 : i32
        %get3A_1112 = arith.index_cast %get3A_1111 : i32 to index
        %get3A_1113 = arith.index_cast %add3A_1076 : i32 to index
        %get3A_1114 = arith.constant 48 : index
        %get3A_1115 = tpu.vector_load %arg6[%get3A_1112, %get3A_1113, %get3A_1114] {strides = array<i32>} : memref<4x128x64xf32, #tpu.memory_space<vmem>>, vector<16xf32>,
        %scatter3A_1116 = arith.constant 2 : i32
        %scatter3A_1117 = arith.constant 0 : i32
        %scatter3A_1118 = arith.constant 0 : i32
        %scatter3A_1119 = arith.constant 0 : i32
        %scatter3A_1120 = tpu.memref_slice %arg7[%scatter3A_1116, %scatter3A_1117, %scatter3A_1118, %scatter3A_1119] : memref<4x8x8x136xf32, #tpu.memory_space<vmem>> -> memref<1x8x8x136xf32, #tpu.memory_space<vmem>>
        %scatter3A_1121 = tpu.memref_squeeze %scatter3A_1120 : memref<1x8x8x136xf32, #tpu.memory_space<vmem>> -> memref<8x8x136xf32, #tpu.memory_space<vmem>>
        tpu.vector_store_idx %scatter3A_1121[%shift_right_logical3A_25, %and3A_36, %broadcast_in_dim3A_1077], %get3A_1115 : memref<8x8x136xf32, #tpu.memory_space<vmem>>[vector<16xi32>, vector<16xi32>, vector<16xi32>], vector<16xf32>,
      }
      %scan3A_595 = arith.constant 128 : i32
      %dma_start3A_596 = arith.constant 2 : i32
      %dma_start3A_597 = arith.constant 2 : i32
      %dma_start3A_598 = arith.constant 0 : i32
      %dma_start3A_599 = arith.constant 0 : i32
      %dma_start3A_600 = arith.constant 0 : i32
      %dma_start3A_601 = tpu.memref_slice %arg7[%dma_start3A_596, %dma_start3A_598, %dma_start3A_599, %dma_start3A_600] : memref<4x8x8x136xf32, #tpu.memory_space<vmem>> -> memref<1x8x8x128xf32, #tpu.memory_space<vmem>>
      %dma_start3A_602 = tpu.memref_squeeze %dma_start3A_601 : memref<1x8x8x128xf32, #tpu.memory_space<vmem>> -> memref<8x8x128xf32, #tpu.memory_space<vmem>>
      %dma_start3A_603 = arith.constant 0 : i32
      %dma_start3A_604 = arith.constant 0 : i32
      %dma_start3A_605 = arith.constant 0 : i32
      %dma_start3A_606 = tpu.memref_slice %arg4[%select_n3A_548, %dma_start3A_603, %select_n3A_564, %dma_start3A_604, %dma_start3A_605] : memref<20x8x128x8x128xf32, #tpu.memory_space<hbm>> -> memref<1x8x1x8x128xf32, #tpu.memory_space<hbm>>
      %dma_start3A_607 = tpu.memref_squeeze %dma_start3A_606 : memref<1x8x1x8x128xf32, #tpu.memory_space<hbm>> -> memref<8x8x128xf32, #tpu.memory_space<hbm>>
      %dma_start3A_608 = tpu.memref_slice %arg9[%dma_start3A_597] : memref<4x!tpu.dma_semaphore, #tpu.memory_space<semaphore_mem>> -> memref<1x!tpu.dma_semaphore, #tpu.memory_space<semaphore_mem>>
      %dma_start3A_609 = tpu.memref_squeeze %dma_start3A_608 : memref<1x!tpu.dma_semaphore, #tpu.memory_space<semaphore_mem>> -> memref<!tpu.dma_semaphore, #tpu.memory_space<semaphore_mem>>
      %dma_start3A_610 = arith.constant 0 : i32
      %dma_start3A_611 = arith.constant 0 : i32
      %dma_start3A_612 = arith.constant 0 : i32
      %dma_start3A_613 = tpu.memref_slice %arg4[%select_n3A_548, %dma_start3A_610, %select_n3A_564, %dma_start3A_611, %dma_start3A_612] : memref<20x8x128x8x128xf32, #tpu.memory_space<hbm>> -> memref<1x8x1x8x128xf32, #tpu.memory_space<hbm>>
      %dma_start3A_614 = tpu.memref_squeeze %dma_start3A_613 : memref<1x8x1x8x128xf32, #tpu.memory_space<hbm>> -> memref<8x8x128xf32, #tpu.memory_space<hbm>>
      %dma_start3A_615 = arith.constant 0 : i32
      %dma_start3A_616 = arith.constant 0 : i32
      %dma_start3A_617 = arith.constant 0 : i32
      %dma_start3A_618 = tpu.memref_slice %arg7[%dma_start3A_596, %dma_start3A_615, %dma_start3A_616, %dma_start3A_617] : memref<4x8x8x136xf32, #tpu.memory_space<vmem>> -> memref<1x8x8x128xf32, #tpu.memory_space<vmem>>
      %dma_start3A_619 = tpu.memref_squeeze %dma_start3A_618 : memref<1x8x8x128xf32, #tpu.memory_space<vmem>> -> memref<8x8x128xf32, #tpu.memory_space<vmem>>
      tpu.enqueue_dma source(%dma_start3A_619 : memref<8x8x128xf32, #tpu.memory_space<vmem>>) target(%dma_start3A_614 : memref<8x8x128xf32, #tpu.memory_space<hbm>>) target_semaphore(%dma_start3A_609 : memref<!tpu.dma_semaphore, #tpu.memory_space<semaphore_mem>>)
      %add3A_620 = arith.constant 3 : i32
      %add3A_621 = arith.addi %add3A_328, %add3A_620 : i32
      %add3A_622 = arith.addi %mul3A_2, %add3A_621 : i32
      %jit3A_623 = arith.constant 128 : i32
      %div3A_624 = arith.divsi %add3A_622, %jit3A_623 : i32
      %sign3A_625 = arith.constant 0 : i32
      %sign3A_626 = arith.cmpi sgt, %add3A_622, %sign3A_625 : i32
      %sign3A_627 = arith.extui %sign3A_626 : i1 to i32
      %sign3A_628 = arith.constant 0 : i32
      %sign3A_629 = arith.cmpi slt, %add3A_622, %sign3A_628 : i32
      %sign3A_630 = arith.extui %sign3A_629 : i1 to i32
      %sign3A_631 = arith.subi %sign3A_627, %sign3A_630 : i32
      %sign3A_632 = arith.constant 0 : i32
      %sign3A_633 = arith.cmpi sgt, %jit3A_623, %sign3A_632 : i32
      %sign3A_634 = arith.extui %sign3A_633 : i1 to i32
      %sign3A_635 = arith.constant 0 : i32
      %sign3A_636 = arith.cmpi slt, %jit3A_623, %sign3A_635 : i32
      %sign3A_637 = arith.extui %sign3A_636 : i1 to i32
      %sign3A_638 = arith.subi %sign3A_634, %sign3A_637 : i32
      %ne3A_639 = arith.cmpi ne, %sign3A_631, %sign3A_638 : i32
      %rem3A_640 = arith.remsi %add3A_622, %jit3A_623 : i32
      %ne3A_641 = arith.constant 0 : i32
      %ne3A_642 = arith.cmpi ne, %rem3A_640, %ne3A_641 : i32
      %and3A_643 = arith.andi %ne3A_639, %ne3A_642 : i1
      %sub3A_644 = arith.constant 1 : i32
      %sub3A_645 = arith.subi %div3A_624, %sub3A_644 : i32
      %select_n3A_646 = arith.select %and3A_643, %sub3A_645, %div3A_624 : i32
      %jit3A_647 = arith.constant 128 : i32
      %eq3A_648 = arith.constant 0 : i32
      %eq3A_649 = arith.cmpi eq, %jit3A_647, %eq3A_648 : i32
      %jit3A_650 = arith.constant 1 : i32
      %select_n3A_651 = arith.select %eq3A_649, %jit3A_650, %jit3A_647 : i32
      %rem3A_652 = arith.remsi %add3A_622, %select_n3A_651 : i32
      %ne3A_653 = arith.constant 0 : i32
      %ne3A_654 = arith.cmpi ne, %rem3A_652, %ne3A_653 : i32
      %lt3A_655 = arith.constant 0 : i32
      %lt3A_656 = arith.cmpi slt, %rem3A_652, %lt3A_655 : i32
      %lt3A_657 = arith.constant 0 : i32
      %lt3A_658 = arith.cmpi slt, %select_n3A_651, %lt3A_657 : i32
      %ne3A_659 = arith.xori %lt3A_656, %lt3A_658 : i1
      %and3A_660 = arith.andi %ne3A_659, %ne3A_654 : i1
      %add3A_661 = arith.addi %rem3A_652, %select_n3A_651 : i32
      %select_n3A_662 = arith.select %and3A_660, %add3A_661, %rem3A_652 : i32
      %dma_wait3A_663 = arith.constant 3 : i32
      %dma_wait3A_664 = arith.constant 3 : i32
      %dma_wait3A_665 = arith.constant 0 : i32
      %dma_wait3A_666 = arith.constant 0 : i32
      %dma_wait3A_667 = tpu.memref_slice %arg6[%dma_wait3A_663, %dma_wait3A_665, %dma_wait3A_666] : memref<4x128x64xf32, #tpu.memory_space<vmem>> -> memref<1x128x64xf32, #tpu.memory_space<vmem>>
      %dma_wait3A_668 = tpu.memref_squeeze %dma_wait3A_667 : memref<1x128x64xf32, #tpu.memory_space<vmem>> -> memref<128x64xf32, #tpu.memory_space<vmem>>
      %dma_wait3A_669 = arith.constant 0 : i32
      %dma_wait3A_670 = tpu.memref_slice %arg5[%add3A_621, %dma_wait3A_669] : memref<80x128xi32, #tpu.memory_space<vmem>> -> memref<1x128xi32, #tpu.memory_space<vmem>>
      %dma_wait3A_671 = tpu.memref_squeeze %dma_wait3A_670 : memref<1x128xi32, #tpu.memory_space<vmem>> -> memref<128xi32, #tpu.memory_space<vmem>>
      %dma_wait3A_672 = arith.constant 0 : i32
      %dma_wait3A_673 = arith.constant 0 : i32
      %dma_wait3A_674 = tpu.memref_slice %arg2[%dma_wait3A_672, %dma_wait3A_673] : memref<100000x64xf32, #tpu.memory_space<hbm>> -> memref<100000x64xf32, #tpu.memory_space<hbm>>
      %dma_wait3A_675 = tpu.memref_slice %arg8[%dma_wait3A_664] : memref<4x!tpu.dma_semaphore, #tpu.memory_space<semaphore_mem>> -> memref<1x!tpu.dma_semaphore, #tpu.memory_space<semaphore_mem>>
      %dma_wait3A_676 = tpu.memref_squeeze %dma_wait3A_675 : memref<1x!tpu.dma_semaphore, #tpu.memory_space<semaphore_mem>> -> memref<!tpu.dma_semaphore, #tpu.memory_space<semaphore_mem>>
      tpu.wait_indirect_dma semaphore(%dma_wait3A_676 : memref<!tpu.dma_semaphore, #tpu.memory_space<semaphore_mem>>) src(%dma_wait3A_674 : memref<100000x64xf32, #tpu.memory_space<hbm>>) dst(%dma_wait3A_668 : memref<128x64xf32, #tpu.memory_space<vmem>>)
      %add3A_677 = arith.constant 2 : i32
      %add3A_678 = arith.addi %add3A_621, %add3A_677 : i32
      %lt3A_679 = arith.constant 80 : i32
      %lt3A_680 = arith.cmpi slt, %add3A_678, %lt3A_679 : i32
      %convert_element_type3A_681 = arith.extui %lt3A_680 : i1 to i32
      %cond3A_682 = arith.constant 0 : i32
      %cond3A_683 = arith.cmpi ne, %convert_element_type3A_681, %cond3A_682 : i32
      scf.if %cond3A_683 {
        %add3A_718 = arith.constant 2 : i32
        %add3A_719 = arith.addi %add3A_621, %add3A_718 : i32
        %dma_start3A_720 = arith.constant 1 : i32
        %dma_start3A_721 = arith.constant 1 : i32
        %dma_start3A_722 = arith.constant 0 : i32
        %dma_start3A_723 = arith.constant 0 : i32
        %dma_start3A_724 = tpu.memref_slice %arg6[%dma_start3A_720, %dma_start3A_722, %dma_start3A_723] : memref<4x128x64xf32, #tpu.memory_space<vmem>> -> memref<1x128x64xf32, #tpu.memory_space<vmem>>
        %dma_start3A_725 = tpu.memref_squeeze %dma_start3A_724 : memref<1x128x64xf32, #tpu.memory_space<vmem>> -> memref<128x64xf32, #tpu.memory_space<vmem>>
        %dma_start3A_726 = arith.constant 0 : i32
        %dma_start3A_727 = tpu.memref_slice %arg5[%add3A_719, %dma_start3A_726] : memref<80x128xi32, #tpu.memory_space<vmem>> -> memref<1x128xi32, #tpu.memory_space<vmem>>
        %dma_start3A_728 = tpu.memref_squeeze %dma_start3A_727 : memref<1x128xi32, #tpu.memory_space<vmem>> -> memref<128xi32, #tpu.memory_space<vmem>>
        %dma_start3A_729 = arith.constant 0 : i32
        %dma_start3A_730 = arith.constant 0 : i32
        %dma_start3A_731 = tpu.memref_slice %arg2[%dma_start3A_729, %dma_start3A_730] : memref<100000x64xf32, #tpu.memory_space<hbm>> -> memref<100000x64xf32, #tpu.memory_space<hbm>>
        %dma_start3A_732 = tpu.memref_slice %arg8[%dma_start3A_721] : memref<4x!tpu.dma_semaphore, #tpu.memory_space<semaphore_mem>> -> memref<1x!tpu.dma_semaphore, #tpu.memory_space<semaphore_mem>>
        %dma_start3A_733 = tpu.memref_squeeze %dma_start3A_732 : memref<1x!tpu.dma_semaphore, #tpu.memory_space<semaphore_mem>> -> memref<!tpu.dma_semaphore, #tpu.memory_space<semaphore_mem>>
        tpu.enqueue_indirect_dma source(%dma_start3A_731 : memref<100000x64xf32, #tpu.memory_space<hbm>>) target(%dma_start3A_725 : memref<128x64xf32, #tpu.memory_space<vmem>>) offsets(%dma_start3A_728 : memref<128xi32, #tpu.memory_space<vmem>>) semaphore(%dma_start3A_733 : memref<!tpu.dma_semaphore, #tpu.memory_space<semaphore_mem>>)
      } else {
      }
      %ge3A_684 = arith.constant 4 : i32
      %ge3A_685 = arith.cmpi sge, %add3A_621, %ge3A_684 : i32
      %convert_element_type3A_686 = arith.extui %ge3A_685 : i1 to i32
      %cond3A_687 = arith.constant 0 : i32
      %cond3A_688 = arith.cmpi ne, %convert_element_type3A_686, %cond3A_687 : i32
      scf.if %cond3A_688 {
        %dma_wait3A_718 = arith.constant 3 : i32
        %dma_wait3A_719 = arith.constant 3 : i32
        %dma_wait3A_720 = arith.constant 0 : i32
        %dma_wait3A_721 = arith.constant 0 : i32
        %dma_wait3A_722 = arith.constant 0 : i32
        %dma_wait3A_723 = tpu.memref_slice %arg7[%dma_wait3A_718, %dma_wait3A_720, %dma_wait3A_721, %dma_wait3A_722] : memref<4x8x8x136xf32, #tpu.memory_space<vmem>> -> memref<1x8x8x128xf32, #tpu.memory_space<vmem>>
        %dma_wait3A_724 = tpu.memref_squeeze %dma_wait3A_723 : memref<1x8x8x128xf32, #tpu.memory_space<vmem>> -> memref<8x8x128xf32, #tpu.memory_space<vmem>>
        %dma_wait3A_725 = arith.constant 0 : i32
        %dma_wait3A_726 = arith.constant 0 : i32
        %dma_wait3A_727 = arith.constant 0 : i32
        %dma_wait3A_728 = tpu.memref_slice %arg4[%select_n3A_646, %dma_wait3A_725, %select_n3A_662, %dma_wait3A_726, %dma_wait3A_727] : memref<20x8x128x8x128xf32, #tpu.memory_space<hbm>> -> memref<1x8x1x8x128xf32, #tpu.memory_space<hbm>>
        %dma_wait3A_729 = tpu.memref_squeeze %dma_wait3A_728 : memref<1x8x1x8x128xf32, #tpu.memory_space<hbm>> -> memref<8x8x128xf32, #tpu.memory_space<hbm>>
        %dma_wait3A_730 = tpu.memref_slice %arg9[%dma_wait3A_719] : memref<4x!tpu.dma_semaphore, #tpu.memory_space<semaphore_mem>> -> memref<1x!tpu.dma_semaphore, #tpu.memory_space<semaphore_mem>>
        %dma_wait3A_731 = tpu.memref_squeeze %dma_wait3A_730 : memref<1x!tpu.dma_semaphore, #tpu.memory_space<semaphore_mem>> -> memref<!tpu.dma_semaphore, #tpu.memory_space<semaphore_mem>>
        %dma_wait3A_732 = arith.constant 0 : i32
        %dma_wait3A_733 = arith.constant 0 : i32
        %dma_wait3A_734 = arith.constant 0 : i32
        %dma_wait3A_735 = tpu.memref_slice %arg4[%select_n3A_646, %dma_wait3A_732, %select_n3A_662, %dma_wait3A_733, %dma_wait3A_734] : memref<20x8x128x8x128xf32, #tpu.memory_space<hbm>> -> memref<1x8x1x8x128xf32, #tpu.memory_space<hbm>>
        %dma_wait3A_736 = tpu.memref_squeeze %dma_wait3A_735 : memref<1x8x1x8x128xf32, #tpu.memory_space<hbm>> -> memref<8x8x128xf32, #tpu.memory_space<hbm>>
        %dma_wait3A_737 = arith.constant 0 : i32
        %dma_wait3A_738 = arith.constant 0 : i32
        %dma_wait3A_739 = arith.constant 0 : i32
        %dma_wait3A_740 = tpu.memref_slice %arg7[%dma_wait3A_718, %dma_wait3A_737, %dma_wait3A_738, %dma_wait3A_739] : memref<4x8x8x136xf32, #tpu.memory_space<vmem>> -> memref<1x8x8x128xf32, #tpu.memory_space<vmem>>
        %dma_wait3A_741 = tpu.memref_squeeze %dma_wait3A_740 : memref<1x8x8x128xf32, #tpu.memory_space<vmem>> -> memref<8x8x128xf32, #tpu.memory_space<vmem>>
        tpu.wait_dma2 semaphore(%dma_wait3A_731 : memref<!tpu.dma_semaphore, #tpu.memory_space<semaphore_mem>>) src(%dma_wait3A_741 : memref<8x8x128xf32, #tpu.memory_space<vmem>>) dst(%dma_wait3A_736 : memref<8x8x128xf32, #tpu.memory_space<hbm>>)
      } else {
      }
      %scan3A_689 = arith.constant 0 : i32
      %scan3A_690 = arith.constant 128 : i32
      %scan3A_691 = arith.addi %scan3A_689, %scan3A_690 : i32
      %scan3A_692 = arith.constant 8 : i32
      scf.for %scan3A_718 = %scan3A_689 to %scan3A_691 step %scan3A_692  : i32 {
        %mul3A_719 = arith.constant 1 : i32
        %mul3A_720 = arith.muli %scan3A_718, %mul3A_719 : i32
        %add3A_721 = arith.constant 0 : i32
        %add3A_722 = arith.addi %add3A_721, %mul3A_720 : i32
        %broadcast_in_dim3A = vector.broadcast %add3A_722 : i32 to vector<16xi32>
        %get3A = arith.constant 3 : i32
        %get3A_723 = arith.index_cast %get3A : i32 to index
        %get3A_724 = arith.index_cast %add3A_722 : i32 to index
        %get3A_725 = arith.constant 0 : index
        %get3A_726 = tpu.vector_load %arg6[%get3A_723, %get3A_724, %get3A_725] {strides = array<i32>} : memref<4x128x64xf32, #tpu.memory_space<vmem>>, vector<16xf32>,
        %scatter3A = arith.constant 3 : i32
        %scatter3A_727 = arith.constant 0 : i32
        %scatter3A_728 = arith.constant 0 : i32
        %scatter3A_729 = arith.constant 0 : i32
        %scatter3A_730 = tpu.memref_slice %arg7[%scatter3A, %scatter3A_727, %scatter3A_728, %scatter3A_729] : memref<4x8x8x136xf32, #tpu.memory_space<vmem>> -> memref<1x8x8x136xf32, #tpu.memory_space<vmem>>
        %scatter3A_731 = tpu.memref_squeeze %scatter3A_730 : memref<1x8x8x136xf32, #tpu.memory_space<vmem>> -> memref<8x8x136xf32, #tpu.memory_space<vmem>>
        tpu.vector_store_idx %scatter3A_731[%shift_right_logical3A_16, %and3A_27, %broadcast_in_dim3A], %get3A_726 : memref<8x8x136xf32, #tpu.memory_space<vmem>>[vector<16xi32>, vector<16xi32>, vector<16xi32>], vector<16xf32>,
        %get3A_732 = arith.constant 3 : i32
        %get3A_733 = arith.index_cast %get3A_732 : i32 to index
        %get3A_734 = arith.index_cast %add3A_722 : i32 to index
        %get3A_735 = arith.constant 16 : index
        %get3A_736 = tpu.vector_load %arg6[%get3A_733, %get3A_734, %get3A_735] {strides = array<i32>} : memref<4x128x64xf32, #tpu.memory_space<vmem>>, vector<16xf32>,
        %scatter3A_737 = arith.constant 3 : i32
        %scatter3A_738 = arith.constant 0 : i32
        %scatter3A_739 = arith.constant 0 : i32
        %scatter3A_740 = arith.constant 0 : i32
        %scatter3A_741 = tpu.memref_slice %arg7[%scatter3A_737, %scatter3A_738, %scatter3A_739, %scatter3A_740] : memref<4x8x8x136xf32, #tpu.memory_space<vmem>> -> memref<1x8x8x136xf32, #tpu.memory_space<vmem>>
        %scatter3A_742 = tpu.memref_squeeze %scatter3A_741 : memref<1x8x8x136xf32, #tpu.memory_space<vmem>> -> memref<8x8x136xf32, #tpu.memory_space<vmem>>
        tpu.vector_store_idx %scatter3A_742[%shift_right_logical3A_19, %and3A_30, %broadcast_in_dim3A], %get3A_736 : memref<8x8x136xf32, #tpu.memory_space<vmem>>[vector<16xi32>, vector<16xi32>, vector<16xi32>], vector<16xf32>,
        %get3A_743 = arith.constant 3 : i32
        %get3A_744 = arith.index_cast %get3A_743 : i32 to index
        %get3A_745 = arith.index_cast %add3A_722 : i32 to index
        %get3A_746 = arith.constant 32 : index
        %get3A_747 = tpu.vector_load %arg6[%get3A_744, %get3A_745, %get3A_746] {strides = array<i32>} : memref<4x128x64xf32, #tpu.memory_space<vmem>>, vector<16xf32>,
        %scatter3A_748 = arith.constant 3 : i32
        %scatter3A_749 = arith.constant 0 : i32
        %scatter3A_750 = arith.constant 0 : i32
        %scatter3A_751 = arith.constant 0 : i32
        %scatter3A_752 = tpu.memref_slice %arg7[%scatter3A_748, %scatter3A_749, %scatter3A_750, %scatter3A_751] : memref<4x8x8x136xf32, #tpu.memory_space<vmem>> -> memref<1x8x8x136xf32, #tpu.memory_space<vmem>>
        %scatter3A_753 = tpu.memref_squeeze %scatter3A_752 : memref<1x8x8x136xf32, #tpu.memory_space<vmem>> -> memref<8x8x136xf32, #tpu.memory_space<vmem>>
        tpu.vector_store_idx %scatter3A_753[%shift_right_logical3A_22, %and3A_33, %broadcast_in_dim3A], %get3A_747 : memref<8x8x136xf32, #tpu.memory_space<vmem>>[vector<16xi32>, vector<16xi32>, vector<16xi32>], vector<16xf32>,
        %get3A_754 = arith.constant 3 : i32
        %get3A_755 = arith.index_cast %get3A_754 : i32 to index
        %get3A_756 = arith.index_cast %add3A_722 : i32 to index
        %get3A_757 = arith.constant 48 : index
        %get3A_758 = tpu.vector_load %arg6[%get3A_755, %get3A_756, %get3A_757] {strides = array<i32>} : memref<4x128x64xf32, #tpu.memory_space<vmem>>, vector<16xf32>,
        %scatter3A_759 = arith.constant 3 : i32
        %scatter3A_760 = arith.constant 0 : i32
        %scatter3A_761 = arith.constant 0 : i32
        %scatter3A_762 = arith.constant 0 : i32
        %scatter3A_763 = tpu.memref_slice %arg7[%scatter3A_759, %scatter3A_760, %scatter3A_761, %scatter3A_762] : memref<4x8x8x136xf32, #tpu.memory_space<vmem>> -> memref<1x8x8x136xf32, #tpu.memory_space<vmem>>
        %scatter3A_764 = tpu.memref_squeeze %scatter3A_763 : memref<1x8x8x136xf32, #tpu.memory_space<vmem>> -> memref<8x8x136xf32, #tpu.memory_space<vmem>>
        tpu.vector_store_idx %scatter3A_764[%shift_right_logical3A_25, %and3A_36, %broadcast_in_dim3A], %get3A_758 : memref<8x8x136xf32, #tpu.memory_space<vmem>>[vector<16xi32>, vector<16xi32>, vector<16xi32>], vector<16xf32>,
        %scan3A_765 = arith.constant 1 : i32
        %scan3A_766 = arith.addi %scan3A_718, %scan3A_765 : i32
        %mul3A_767 = arith.constant 1 : i32
        %mul3A_768 = arith.muli %scan3A_766, %mul3A_767 : i32
        %add3A_769 = arith.constant 0 : i32
        %add3A_770 = arith.addi %add3A_769, %mul3A_768 : i32
        %broadcast_in_dim3A_771 = vector.broadcast %add3A_770 : i32 to vector<16xi32>
        %get3A_772 = arith.constant 3 : i32
        %get3A_773 = arith.index_cast %get3A_772 : i32 to index
        %get3A_774 = arith.index_cast %add3A_770 : i32 to index
        %get3A_775 = arith.constant 0 : index
        %get3A_776 = tpu.vector_load %arg6[%get3A_773, %get3A_774, %get3A_775] {strides = array<i32>} : memref<4x128x64xf32, #tpu.memory_space<vmem>>, vector<16xf32>,
        %scatter3A_777 = arith.constant 3 : i32
        %scatter3A_778 = arith.constant 0 : i32
        %scatter3A_779 = arith.constant 0 : i32
        %scatter3A_780 = arith.constant 0 : i32
        %scatter3A_781 = tpu.memref_slice %arg7[%scatter3A_777, %scatter3A_778, %scatter3A_779, %scatter3A_780] : memref<4x8x8x136xf32, #tpu.memory_space<vmem>> -> memref<1x8x8x136xf32, #tpu.memory_space<vmem>>
        %scatter3A_782 = tpu.memref_squeeze %scatter3A_781 : memref<1x8x8x136xf32, #tpu.memory_space<vmem>> -> memref<8x8x136xf32, #tpu.memory_space<vmem>>
        tpu.vector_store_idx %scatter3A_782[%shift_right_logical3A_16, %and3A_27, %broadcast_in_dim3A_771], %get3A_776 : memref<8x8x136xf32, #tpu.memory_space<vmem>>[vector<16xi32>, vector<16xi32>, vector<16xi32>], vector<16xf32>,
        %get3A_783 = arith.constant 3 : i32
        %get3A_784 = arith.index_cast %get3A_783 : i32 to index
        %get3A_785 = arith.index_cast %add3A_770 : i32 to index
        %get3A_786 = arith.constant 16 : index
        %get3A_787 = tpu.vector_load %arg6[%get3A_784, %get3A_785, %get3A_786] {strides = array<i32>} : memref<4x128x64xf32, #tpu.memory_space<vmem>>, vector<16xf32>,
        %scatter3A_788 = arith.constant 3 : i32
        %scatter3A_789 = arith.constant 0 : i32
        %scatter3A_790 = arith.constant 0 : i32
        %scatter3A_791 = arith.constant 0 : i32
        %scatter3A_792 = tpu.memref_slice %arg7[%scatter3A_788, %scatter3A_789, %scatter3A_790, %scatter3A_791] : memref<4x8x8x136xf32, #tpu.memory_space<vmem>> -> memref<1x8x8x136xf32, #tpu.memory_space<vmem>>
        %scatter3A_793 = tpu.memref_squeeze %scatter3A_792 : memref<1x8x8x136xf32, #tpu.memory_space<vmem>> -> memref<8x8x136xf32, #tpu.memory_space<vmem>>
        tpu.vector_store_idx %scatter3A_793[%shift_right_logical3A_19, %and3A_30, %broadcast_in_dim3A_771], %get3A_787 : memref<8x8x136xf32, #tpu.memory_space<vmem>>[vector<16xi32>, vector<16xi32>, vector<16xi32>], vector<16xf32>,
        %get3A_794 = arith.constant 3 : i32
        %get3A_795 = arith.index_cast %get3A_794 : i32 to index
        %get3A_796 = arith.index_cast %add3A_770 : i32 to index
        %get3A_797 = arith.constant 32 : index
        %get3A_798 = tpu.vector_load %arg6[%get3A_795, %get3A_796, %get3A_797] {strides = array<i32>} : memref<4x128x64xf32, #tpu.memory_space<vmem>>, vector<16xf32>,
        %scatter3A_799 = arith.constant 3 : i32
        %scatter3A_800 = arith.constant 0 : i32
        %scatter3A_801 = arith.constant 0 : i32
        %scatter3A_802 = arith.constant 0 : i32
        %scatter3A_803 = tpu.memref_slice %arg7[%scatter3A_799, %scatter3A_800, %scatter3A_801, %scatter3A_802] : memref<4x8x8x136xf32, #tpu.memory_space<vmem>> -> memref<1x8x8x136xf32, #tpu.memory_space<vmem>>
        %scatter3A_804 = tpu.memref_squeeze %scatter3A_803 : memref<1x8x8x136xf32, #tpu.memory_space<vmem>> -> memref<8x8x136xf32, #tpu.memory_space<vmem>>
        tpu.vector_store_idx %scatter3A_804[%shift_right_logical3A_22, %and3A_33, %broadcast_in_dim3A_771], %get3A_798 : memref<8x8x136xf32, #tpu.memory_space<vmem>>[vector<16xi32>, vector<16xi32>, vector<16xi32>], vector<16xf32>,
        %get3A_805 = arith.constant 3 : i32
        %get3A_806 = arith.index_cast %get3A_805 : i32 to index
        %get3A_807 = arith.index_cast %add3A_770 : i32 to index
        %get3A_808 = arith.constant 48 : index
        %get3A_809 = tpu.vector_load %arg6[%get3A_806, %get3A_807, %get3A_808] {strides = array<i32>} : memref<4x128x64xf32, #tpu.memory_space<vmem>>, vector<16xf32>,
        %scatter3A_810 = arith.constant 3 : i32
        %scatter3A_811 = arith.constant 0 : i32
        %scatter3A_812 = arith.constant 0 : i32
        %scatter3A_813 = arith.constant 0 : i32
        %scatter3A_814 = tpu.memref_slice %arg7[%scatter3A_810, %scatter3A_811, %scatter3A_812, %scatter3A_813] : memref<4x8x8x136xf32, #tpu.memory_space<vmem>> -> memref<1x8x8x136xf32, #tpu.memory_space<vmem>>
        %scatter3A_815 = tpu.memref_squeeze %scatter3A_814 : memref<1x8x8x136xf32, #tpu.memory_space<vmem>> -> memref<8x8x136xf32, #tpu.memory_space<vmem>>
        tpu.vector_store_idx %scatter3A_815[%shift_right_logical3A_25, %and3A_36, %broadcast_in_dim3A_771], %get3A_809 : memref<8x8x136xf32, #tpu.memory_space<vmem>>[vector<16xi32>, vector<16xi32>, vector<16xi32>], vector<16xf32>,
        %scan3A_816 = arith.constant 2 : i32
        %scan3A_817 = arith.addi %scan3A_718, %scan3A_816 : i32
        %mul3A_818 = arith.constant 1 : i32
        %mul3A_819 = arith.muli %scan3A_817, %mul3A_818 : i32
        %add3A_820 = arith.constant 0 : i32
        %add3A_821 = arith.addi %add3A_820, %mul3A_819 : i32
        %broadcast_in_dim3A_822 = vector.broadcast %add3A_821 : i32 to vector<16xi32>
        %get3A_823 = arith.constant 3 : i32
        %get3A_824 = arith.index_cast %get3A_823 : i32 to index
        %get3A_825 = arith.index_cast %add3A_821 : i32 to index
        %get3A_826 = arith.constant 0 : index
        %get3A_827 = tpu.vector_load %arg6[%get3A_824, %get3A_825, %get3A_826] {strides = array<i32>} : memref<4x128x64xf32, #tpu.memory_space<vmem>>, vector<16xf32>,
        %scatter3A_828 = arith.constant 3 : i32
        %scatter3A_829 = arith.constant 0 : i32
        %scatter3A_830 = arith.constant 0 : i32
        %scatter3A_831 = arith.constant 0 : i32
        %scatter3A_832 = tpu.memref_slice %arg7[%scatter3A_828, %scatter3A_829, %scatter3A_830, %scatter3A_831] : memref<4x8x8x136xf32, #tpu.memory_space<vmem>> -> memref<1x8x8x136xf32, #tpu.memory_space<vmem>>
        %scatter3A_833 = tpu.memref_squeeze %scatter3A_832 : memref<1x8x8x136xf32, #tpu.memory_space<vmem>> -> memref<8x8x136xf32, #tpu.memory_space<vmem>>
        tpu.vector_store_idx %scatter3A_833[%shift_right_logical3A_16, %and3A_27, %broadcast_in_dim3A_822], %get3A_827 : memref<8x8x136xf32, #tpu.memory_space<vmem>>[vector<16xi32>, vector<16xi32>, vector<16xi32>], vector<16xf32>,
        %get3A_834 = arith.constant 3 : i32
        %get3A_835 = arith.index_cast %get3A_834 : i32 to index
        %get3A_836 = arith.index_cast %add3A_821 : i32 to index
        %get3A_837 = arith.constant 16 : index
        %get3A_838 = tpu.vector_load %arg6[%get3A_835, %get3A_836, %get3A_837] {strides = array<i32>} : memref<4x128x64xf32, #tpu.memory_space<vmem>>, vector<16xf32>,
        %scatter3A_839 = arith.constant 3 : i32
        %scatter3A_840 = arith.constant 0 : i32
        %scatter3A_841 = arith.constant 0 : i32
        %scatter3A_842 = arith.constant 0 : i32
        %scatter3A_843 = tpu.memref_slice %arg7[%scatter3A_839, %scatter3A_840, %scatter3A_841, %scatter3A_842] : memref<4x8x8x136xf32, #tpu.memory_space<vmem>> -> memref<1x8x8x136xf32, #tpu.memory_space<vmem>>
        %scatter3A_844 = tpu.memref_squeeze %scatter3A_843 : memref<1x8x8x136xf32, #tpu.memory_space<vmem>> -> memref<8x8x136xf32, #tpu.memory_space<vmem>>
        tpu.vector_store_idx %scatter3A_844[%shift_right_logical3A_19, %and3A_30, %broadcast_in_dim3A_822], %get3A_838 : memref<8x8x136xf32, #tpu.memory_space<vmem>>[vector<16xi32>, vector<16xi32>, vector<16xi32>], vector<16xf32>,
        %get3A_845 = arith.constant 3 : i32
        %get3A_846 = arith.index_cast %get3A_845 : i32 to index
        %get3A_847 = arith.index_cast %add3A_821 : i32 to index
        %get3A_848 = arith.constant 32 : index
        %get3A_849 = tpu.vector_load %arg6[%get3A_846, %get3A_847, %get3A_848] {strides = array<i32>} : memref<4x128x64xf32, #tpu.memory_space<vmem>>, vector<16xf32>,
        %scatter3A_850 = arith.constant 3 : i32
        %scatter3A_851 = arith.constant 0 : i32
        %scatter3A_852 = arith.constant 0 : i32
        %scatter3A_853 = arith.constant 0 : i32
        %scatter3A_854 = tpu.memref_slice %arg7[%scatter3A_850, %scatter3A_851, %scatter3A_852, %scatter3A_853] : memref<4x8x8x136xf32, #tpu.memory_space<vmem>> -> memref<1x8x8x136xf32, #tpu.memory_space<vmem>>
        %scatter3A_855 = tpu.memref_squeeze %scatter3A_854 : memref<1x8x8x136xf32, #tpu.memory_space<vmem>> -> memref<8x8x136xf32, #tpu.memory_space<vmem>>
        tpu.vector_store_idx %scatter3A_855[%shift_right_logical3A_22, %and3A_33, %broadcast_in_dim3A_822], %get3A_849 : memref<8x8x136xf32, #tpu.memory_space<vmem>>[vector<16xi32>, vector<16xi32>, vector<16xi32>], vector<16xf32>,
        %get3A_856 = arith.constant 3 : i32
        %get3A_857 = arith.index_cast %get3A_856 : i32 to index
        %get3A_858 = arith.index_cast %add3A_821 : i32 to index
        %get3A_859 = arith.constant 48 : index
        %get3A_860 = tpu.vector_load %arg6[%get3A_857, %get3A_858, %get3A_859] {strides = array<i32>} : memref<4x128x64xf32, #tpu.memory_space<vmem>>, vector<16xf32>,
        %scatter3A_861 = arith.constant 3 : i32
        %scatter3A_862 = arith.constant 0 : i32
        %scatter3A_863 = arith.constant 0 : i32
        %scatter3A_864 = arith.constant 0 : i32
        %scatter3A_865 = tpu.memref_slice %arg7[%scatter3A_861, %scatter3A_862, %scatter3A_863, %scatter3A_864] : memref<4x8x8x136xf32, #tpu.memory_space<vmem>> -> memref<1x8x8x136xf32, #tpu.memory_space<vmem>>
        %scatter3A_866 = tpu.memref_squeeze %scatter3A_865 : memref<1x8x8x136xf32, #tpu.memory_space<vmem>> -> memref<8x8x136xf32, #tpu.memory_space<vmem>>
        tpu.vector_store_idx %scatter3A_866[%shift_right_logical3A_25, %and3A_36, %broadcast_in_dim3A_822], %get3A_860 : memref<8x8x136xf32, #tpu.memory_space<vmem>>[vector<16xi32>, vector<16xi32>, vector<16xi32>], vector<16xf32>,
        %scan3A_867 = arith.constant 3 : i32
        %scan3A_868 = arith.addi %scan3A_718, %scan3A_867 : i32
        %mul3A_869 = arith.constant 1 : i32
        %mul3A_870 = arith.muli %scan3A_868, %mul3A_869 : i32
        %add3A_871 = arith.constant 0 : i32
        %add3A_872 = arith.addi %add3A_871, %mul3A_870 : i32
        %broadcast_in_dim3A_873 = vector.broadcast %add3A_872 : i32 to vector<16xi32>
        %get3A_874 = arith.constant 3 : i32
        %get3A_875 = arith.index_cast %get3A_874 : i32 to index
        %get3A_876 = arith.index_cast %add3A_872 : i32 to index
        %get3A_877 = arith.constant 0 : index
        %get3A_878 = tpu.vector_load %arg6[%get3A_875, %get3A_876, %get3A_877] {strides = array<i32>} : memref<4x128x64xf32, #tpu.memory_space<vmem>>, vector<16xf32>,
        %scatter3A_879 = arith.constant 3 : i32
        %scatter3A_880 = arith.constant 0 : i32
        %scatter3A_881 = arith.constant 0 : i32
        %scatter3A_882 = arith.constant 0 : i32
        %scatter3A_883 = tpu.memref_slice %arg7[%scatter3A_879, %scatter3A_880, %scatter3A_881, %scatter3A_882] : memref<4x8x8x136xf32, #tpu.memory_space<vmem>> -> memref<1x8x8x136xf32, #tpu.memory_space<vmem>>
        %scatter3A_884 = tpu.memref_squeeze %scatter3A_883 : memref<1x8x8x136xf32, #tpu.memory_space<vmem>> -> memref<8x8x136xf32, #tpu.memory_space<vmem>>
        tpu.vector_store_idx %scatter3A_884[%shift_right_logical3A_16, %and3A_27, %broadcast_in_dim3A_873], %get3A_878 : memref<8x8x136xf32, #tpu.memory_space<vmem>>[vector<16xi32>, vector<16xi32>, vector<16xi32>], vector<16xf32>,
        %get3A_885 = arith.constant 3 : i32
        %get3A_886 = arith.index_cast %get3A_885 : i32 to index
        %get3A_887 = arith.index_cast %add3A_872 : i32 to index
        %get3A_888 = arith.constant 16 : index
        %get3A_889 = tpu.vector_load %arg6[%get3A_886, %get3A_887, %get3A_888] {strides = array<i32>} : memref<4x128x64xf32, #tpu.memory_space<vmem>>, vector<16xf32>,
        %scatter3A_890 = arith.constant 3 : i32
        %scatter3A_891 = arith.constant 0 : i32
        %scatter3A_892 = arith.constant 0 : i32
        %scatter3A_893 = arith.constant 0 : i32
        %scatter3A_894 = tpu.memref_slice %arg7[%scatter3A_890, %scatter3A_891, %scatter3A_892, %scatter3A_893] : memref<4x8x8x136xf32, #tpu.memory_space<vmem>> -> memref<1x8x8x136xf32, #tpu.memory_space<vmem>>
        %scatter3A_895 = tpu.memref_squeeze %scatter3A_894 : memref<1x8x8x136xf32, #tpu.memory_space<vmem>> -> memref<8x8x136xf32, #tpu.memory_space<vmem>>
        tpu.vector_store_idx %scatter3A_895[%shift_right_logical3A_19, %and3A_30, %broadcast_in_dim3A_873], %get3A_889 : memref<8x8x136xf32, #tpu.memory_space<vmem>>[vector<16xi32>, vector<16xi32>, vector<16xi32>], vector<16xf32>,
        %get3A_896 = arith.constant 3 : i32
        %get3A_897 = arith.index_cast %get3A_896 : i32 to index
        %get3A_898 = arith.index_cast %add3A_872 : i32 to index
        %get3A_899 = arith.constant 32 : index
        %get3A_900 = tpu.vector_load %arg6[%get3A_897, %get3A_898, %get3A_899] {strides = array<i32>} : memref<4x128x64xf32, #tpu.memory_space<vmem>>, vector<16xf32>,
        %scatter3A_901 = arith.constant 3 : i32
        %scatter3A_902 = arith.constant 0 : i32
        %scatter3A_903 = arith.constant 0 : i32
        %scatter3A_904 = arith.constant 0 : i32
        %scatter3A_905 = tpu.memref_slice %arg7[%scatter3A_901, %scatter3A_902, %scatter3A_903, %scatter3A_904] : memref<4x8x8x136xf32, #tpu.memory_space<vmem>> -> memref<1x8x8x136xf32, #tpu.memory_space<vmem>>
        %scatter3A_906 = tpu.memref_squeeze %scatter3A_905 : memref<1x8x8x136xf32, #tpu.memory_space<vmem>> -> memref<8x8x136xf32, #tpu.memory_space<vmem>>
        tpu.vector_store_idx %scatter3A_906[%shift_right_logical3A_22, %and3A_33, %broadcast_in_dim3A_873], %get3A_900 : memref<8x8x136xf32, #tpu.memory_space<vmem>>[vector<16xi32>, vector<16xi32>, vector<16xi32>], vector<16xf32>,
        %get3A_907 = arith.constant 3 : i32
        %get3A_908 = arith.index_cast %get3A_907 : i32 to index
        %get3A_909 = arith.index_cast %add3A_872 : i32 to index
        %get3A_910 = arith.constant 48 : index
        %get3A_911 = tpu.vector_load %arg6[%get3A_908, %get3A_909, %get3A_910] {strides = array<i32>} : memref<4x128x64xf32, #tpu.memory_space<vmem>>, vector<16xf32>,
        %scatter3A_912 = arith.constant 3 : i32
        %scatter3A_913 = arith.constant 0 : i32
        %scatter3A_914 = arith.constant 0 : i32
        %scatter3A_915 = arith.constant 0 : i32
        %scatter3A_916 = tpu.memref_slice %arg7[%scatter3A_912, %scatter3A_913, %scatter3A_914, %scatter3A_915] : memref<4x8x8x136xf32, #tpu.memory_space<vmem>> -> memref<1x8x8x136xf32, #tpu.memory_space<vmem>>
        %scatter3A_917 = tpu.memref_squeeze %scatter3A_916 : memref<1x8x8x136xf32, #tpu.memory_space<vmem>> -> memref<8x8x136xf32, #tpu.memory_space<vmem>>
        tpu.vector_store_idx %scatter3A_917[%shift_right_logical3A_25, %and3A_36, %broadcast_in_dim3A_873], %get3A_911 : memref<8x8x136xf32, #tpu.memory_space<vmem>>[vector<16xi32>, vector<16xi32>, vector<16xi32>], vector<16xf32>,
        %scan3A_918 = arith.constant 4 : i32
        %scan3A_919 = arith.addi %scan3A_718, %scan3A_918 : i32
        %mul3A_920 = arith.constant 1 : i32
        %mul3A_921 = arith.muli %scan3A_919, %mul3A_920 : i32
        %add3A_922 = arith.constant 0 : i32
        %add3A_923 = arith.addi %add3A_922, %mul3A_921 : i32
        %broadcast_in_dim3A_924 = vector.broadcast %add3A_923 : i32 to vector<16xi32>
        %get3A_925 = arith.constant 3 : i32
        %get3A_926 = arith.index_cast %get3A_925 : i32 to index
        %get3A_927 = arith.index_cast %add3A_923 : i32 to index
        %get3A_928 = arith.constant 0 : index
        %get3A_929 = tpu.vector_load %arg6[%get3A_926, %get3A_927, %get3A_928] {strides = array<i32>} : memref<4x128x64xf32, #tpu.memory_space<vmem>>, vector<16xf32>,
        %scatter3A_930 = arith.constant 3 : i32
        %scatter3A_931 = arith.constant 0 : i32
        %scatter3A_932 = arith.constant 0 : i32
        %scatter3A_933 = arith.constant 0 : i32
        %scatter3A_934 = tpu.memref_slice %arg7[%scatter3A_930, %scatter3A_931, %scatter3A_932, %scatter3A_933] : memref<4x8x8x136xf32, #tpu.memory_space<vmem>> -> memref<1x8x8x136xf32, #tpu.memory_space<vmem>>
        %scatter3A_935 = tpu.memref_squeeze %scatter3A_934 : memref<1x8x8x136xf32, #tpu.memory_space<vmem>> -> memref<8x8x136xf32, #tpu.memory_space<vmem>>
        tpu.vector_store_idx %scatter3A_935[%shift_right_logical3A_16, %and3A_27, %broadcast_in_dim3A_924], %get3A_929 : memref<8x8x136xf32, #tpu.memory_space<vmem>>[vector<16xi32>, vector<16xi32>, vector<16xi32>], vector<16xf32>,
        %get3A_936 = arith.constant 3 : i32
        %get3A_937 = arith.index_cast %get3A_936 : i32 to index
        %get3A_938 = arith.index_cast %add3A_923 : i32 to index
        %get3A_939 = arith.constant 16 : index
        %get3A_940 = tpu.vector_load %arg6[%get3A_937, %get3A_938, %get3A_939] {strides = array<i32>} : memref<4x128x64xf32, #tpu.memory_space<vmem>>, vector<16xf32>,
        %scatter3A_941 = arith.constant 3 : i32
        %scatter3A_942 = arith.constant 0 : i32
        %scatter3A_943 = arith.constant 0 : i32
        %scatter3A_944 = arith.constant 0 : i32
        %scatter3A_945 = tpu.memref_slice %arg7[%scatter3A_941, %scatter3A_942, %scatter3A_943, %scatter3A_944] : memref<4x8x8x136xf32, #tpu.memory_space<vmem>> -> memref<1x8x8x136xf32, #tpu.memory_space<vmem>>
        %scatter3A_946 = tpu.memref_squeeze %scatter3A_945 : memref<1x8x8x136xf32, #tpu.memory_space<vmem>> -> memref<8x8x136xf32, #tpu.memory_space<vmem>>
        tpu.vector_store_idx %scatter3A_946[%shift_right_logical3A_19, %and3A_30, %broadcast_in_dim3A_924], %get3A_940 : memref<8x8x136xf32, #tpu.memory_space<vmem>>[vector<16xi32>, vector<16xi32>, vector<16xi32>], vector<16xf32>,
        %get3A_947 = arith.constant 3 : i32
        %get3A_948 = arith.index_cast %get3A_947 : i32 to index
        %get3A_949 = arith.index_cast %add3A_923 : i32 to index
        %get3A_950 = arith.constant 32 : index
        %get3A_951 = tpu.vector_load %arg6[%get3A_948, %get3A_949, %get3A_950] {strides = array<i32>} : memref<4x128x64xf32, #tpu.memory_space<vmem>>, vector<16xf32>,
        %scatter3A_952 = arith.constant 3 : i32
        %scatter3A_953 = arith.constant 0 : i32
        %scatter3A_954 = arith.constant 0 : i32
        %scatter3A_955 = arith.constant 0 : i32
        %scatter3A_956 = tpu.memref_slice %arg7[%scatter3A_952, %scatter3A_953, %scatter3A_954, %scatter3A_955] : memref<4x8x8x136xf32, #tpu.memory_space<vmem>> -> memref<1x8x8x136xf32, #tpu.memory_space<vmem>>
        %scatter3A_957 = tpu.memref_squeeze %scatter3A_956 : memref<1x8x8x136xf32, #tpu.memory_space<vmem>> -> memref<8x8x136xf32, #tpu.memory_space<vmem>>
        tpu.vector_store_idx %scatter3A_957[%shift_right_logical3A_22, %and3A_33, %broadcast_in_dim3A_924], %get3A_951 : memref<8x8x136xf32, #tpu.memory_space<vmem>>[vector<16xi32>, vector<16xi32>, vector<16xi32>], vector<16xf32>,
        %get3A_958 = arith.constant 3 : i32
        %get3A_959 = arith.index_cast %get3A_958 : i32 to index
        %get3A_960 = arith.index_cast %add3A_923 : i32 to index
        %get3A_961 = arith.constant 48 : index
        %get3A_962 = tpu.vector_load %arg6[%get3A_959, %get3A_960, %get3A_961] {strides = array<i32>} : memref<4x128x64xf32, #tpu.memory_space<vmem>>, vector<16xf32>,
        %scatter3A_963 = arith.constant 3 : i32
        %scatter3A_964 = arith.constant 0 : i32
        %scatter3A_965 = arith.constant 0 : i32
        %scatter3A_966 = arith.constant 0 : i32
        %scatter3A_967 = tpu.memref_slice %arg7[%scatter3A_963, %scatter3A_964, %scatter3A_965, %scatter3A_966] : memref<4x8x8x136xf32, #tpu.memory_space<vmem>> -> memref<1x8x8x136xf32, #tpu.memory_space<vmem>>
        %scatter3A_968 = tpu.memref_squeeze %scatter3A_967 : memref<1x8x8x136xf32, #tpu.memory_space<vmem>> -> memref<8x8x136xf32, #tpu.memory_space<vmem>>
        tpu.vector_store_idx %scatter3A_968[%shift_right_logical3A_25, %and3A_36, %broadcast_in_dim3A_924], %get3A_962 : memref<8x8x136xf32, #tpu.memory_space<vmem>>[vector<16xi32>, vector<16xi32>, vector<16xi32>], vector<16xf32>,
        %scan3A_969 = arith.constant 5 : i32
        %scan3A_970 = arith.addi %scan3A_718, %scan3A_969 : i32
        %mul3A_971 = arith.constant 1 : i32
        %mul3A_972 = arith.muli %scan3A_970, %mul3A_971 : i32
        %add3A_973 = arith.constant 0 : i32
        %add3A_974 = arith.addi %add3A_973, %mul3A_972 : i32
        %broadcast_in_dim3A_975 = vector.broadcast %add3A_974 : i32 to vector<16xi32>
        %get3A_976 = arith.constant 3 : i32
        %get3A_977 = arith.index_cast %get3A_976 : i32 to index
        %get3A_978 = arith.index_cast %add3A_974 : i32 to index
        %get3A_979 = arith.constant 0 : index
        %get3A_980 = tpu.vector_load %arg6[%get3A_977, %get3A_978, %get3A_979] {strides = array<i32>} : memref<4x128x64xf32, #tpu.memory_space<vmem>>, vector<16xf32>,
        %scatter3A_981 = arith.constant 3 : i32
        %scatter3A_982 = arith.constant 0 : i32
        %scatter3A_983 = arith.constant 0 : i32
        %scatter3A_984 = arith.constant 0 : i32
        %scatter3A_985 = tpu.memref_slice %arg7[%scatter3A_981, %scatter3A_982, %scatter3A_983, %scatter3A_984] : memref<4x8x8x136xf32, #tpu.memory_space<vmem>> -> memref<1x8x8x136xf32, #tpu.memory_space<vmem>>
        %scatter3A_986 = tpu.memref_squeeze %scatter3A_985 : memref<1x8x8x136xf32, #tpu.memory_space<vmem>> -> memref<8x8x136xf32, #tpu.memory_space<vmem>>
        tpu.vector_store_idx %scatter3A_986[%shift_right_logical3A_16, %and3A_27, %broadcast_in_dim3A_975], %get3A_980 : memref<8x8x136xf32, #tpu.memory_space<vmem>>[vector<16xi32>, vector<16xi32>, vector<16xi32>], vector<16xf32>,
        %get3A_987 = arith.constant 3 : i32
        %get3A_988 = arith.index_cast %get3A_987 : i32 to index
        %get3A_989 = arith.index_cast %add3A_974 : i32 to index
        %get3A_990 = arith.constant 16 : index
        %get3A_991 = tpu.vector_load %arg6[%get3A_988, %get3A_989, %get3A_990] {strides = array<i32>} : memref<4x128x64xf32, #tpu.memory_space<vmem>>, vector<16xf32>,
        %scatter3A_992 = arith.constant 3 : i32
        %scatter3A_993 = arith.constant 0 : i32
        %scatter3A_994 = arith.constant 0 : i32
        %scatter3A_995 = arith.constant 0 : i32
        %scatter3A_996 = tpu.memref_slice %arg7[%scatter3A_992, %scatter3A_993, %scatter3A_994, %scatter3A_995] : memref<4x8x8x136xf32, #tpu.memory_space<vmem>> -> memref<1x8x8x136xf32, #tpu.memory_space<vmem>>
        %scatter3A_997 = tpu.memref_squeeze %scatter3A_996 : memref<1x8x8x136xf32, #tpu.memory_space<vmem>> -> memref<8x8x136xf32, #tpu.memory_space<vmem>>
        tpu.vector_store_idx %scatter3A_997[%shift_right_logical3A_19, %and3A_30, %broadcast_in_dim3A_975], %get3A_991 : memref<8x8x136xf32, #tpu.memory_space<vmem>>[vector<16xi32>, vector<16xi32>, vector<16xi32>], vector<16xf32>,
        %get3A_998 = arith.constant 3 : i32
        %get3A_999 = arith.index_cast %get3A_998 : i32 to index
        %get3A_1000 = arith.index_cast %add3A_974 : i32 to index
        %get3A_1001 = arith.constant 32 : index
        %get3A_1002 = tpu.vector_load %arg6[%get3A_999, %get3A_1000, %get3A_1001] {strides = array<i32>} : memref<4x128x64xf32, #tpu.memory_space<vmem>>, vector<16xf32>,
        %scatter3A_1003 = arith.constant 3 : i32
        %scatter3A_1004 = arith.constant 0 : i32
        %scatter3A_1005 = arith.constant 0 : i32
        %scatter3A_1006 = arith.constant 0 : i32
        %scatter3A_1007 = tpu.memref_slice %arg7[%scatter3A_1003, %scatter3A_1004, %scatter3A_1005, %scatter3A_1006] : memref<4x8x8x136xf32, #tpu.memory_space<vmem>> -> memref<1x8x8x136xf32, #tpu.memory_space<vmem>>
        %scatter3A_1008 = tpu.memref_squeeze %scatter3A_1007 : memref<1x8x8x136xf32, #tpu.memory_space<vmem>> -> memref<8x8x136xf32, #tpu.memory_space<vmem>>
        tpu.vector_store_idx %scatter3A_1008[%shift_right_logical3A_22, %and3A_33, %broadcast_in_dim3A_975], %get3A_1002 : memref<8x8x136xf32, #tpu.memory_space<vmem>>[vector<16xi32>, vector<16xi32>, vector<16xi32>], vector<16xf32>,
        %get3A_1009 = arith.constant 3 : i32
        %get3A_1010 = arith.index_cast %get3A_1009 : i32 to index
        %get3A_1011 = arith.index_cast %add3A_974 : i32 to index
        %get3A_1012 = arith.constant 48 : index
        %get3A_1013 = tpu.vector_load %arg6[%get3A_1010, %get3A_1011, %get3A_1012] {strides = array<i32>} : memref<4x128x64xf32, #tpu.memory_space<vmem>>, vector<16xf32>,
        %scatter3A_1014 = arith.constant 3 : i32
        %scatter3A_1015 = arith.constant 0 : i32
        %scatter3A_1016 = arith.constant 0 : i32
        %scatter3A_1017 = arith.constant 0 : i32
        %scatter3A_1018 = tpu.memref_slice %arg7[%scatter3A_1014, %scatter3A_1015, %scatter3A_1016, %scatter3A_1017] : memref<4x8x8x136xf32, #tpu.memory_space<vmem>> -> memref<1x8x8x136xf32, #tpu.memory_space<vmem>>
        %scatter3A_1019 = tpu.memref_squeeze %scatter3A_1018 : memref<1x8x8x136xf32, #tpu.memory_space<vmem>> -> memref<8x8x136xf32, #tpu.memory_space<vmem>>
        tpu.vector_store_idx %scatter3A_1019[%shift_right_logical3A_25, %and3A_36, %broadcast_in_dim3A_975], %get3A_1013 : memref<8x8x136xf32, #tpu.memory_space<vmem>>[vector<16xi32>, vector<16xi32>, vector<16xi32>], vector<16xf32>,
        %scan3A_1020 = arith.constant 6 : i32
        %scan3A_1021 = arith.addi %scan3A_718, %scan3A_1020 : i32
        %mul3A_1022 = arith.constant 1 : i32
        %mul3A_1023 = arith.muli %scan3A_1021, %mul3A_1022 : i32
        %add3A_1024 = arith.constant 0 : i32
        %add3A_1025 = arith.addi %add3A_1024, %mul3A_1023 : i32
        %broadcast_in_dim3A_1026 = vector.broadcast %add3A_1025 : i32 to vector<16xi32>
        %get3A_1027 = arith.constant 3 : i32
        %get3A_1028 = arith.index_cast %get3A_1027 : i32 to index
        %get3A_1029 = arith.index_cast %add3A_1025 : i32 to index
        %get3A_1030 = arith.constant 0 : index
        %get3A_1031 = tpu.vector_load %arg6[%get3A_1028, %get3A_1029, %get3A_1030] {strides = array<i32>} : memref<4x128x64xf32, #tpu.memory_space<vmem>>, vector<16xf32>,
        %scatter3A_1032 = arith.constant 3 : i32
        %scatter3A_1033 = arith.constant 0 : i32
        %scatter3A_1034 = arith.constant 0 : i32
        %scatter3A_1035 = arith.constant 0 : i32
        %scatter3A_1036 = tpu.memref_slice %arg7[%scatter3A_1032, %scatter3A_1033, %scatter3A_1034, %scatter3A_1035] : memref<4x8x8x136xf32, #tpu.memory_space<vmem>> -> memref<1x8x8x136xf32, #tpu.memory_space<vmem>>
        %scatter3A_1037 = tpu.memref_squeeze %scatter3A_1036 : memref<1x8x8x136xf32, #tpu.memory_space<vmem>> -> memref<8x8x136xf32, #tpu.memory_space<vmem>>
        tpu.vector_store_idx %scatter3A_1037[%shift_right_logical3A_16, %and3A_27, %broadcast_in_dim3A_1026], %get3A_1031 : memref<8x8x136xf32, #tpu.memory_space<vmem>>[vector<16xi32>, vector<16xi32>, vector<16xi32>], vector<16xf32>,
        %get3A_1038 = arith.constant 3 : i32
        %get3A_1039 = arith.index_cast %get3A_1038 : i32 to index
        %get3A_1040 = arith.index_cast %add3A_1025 : i32 to index
        %get3A_1041 = arith.constant 16 : index
        %get3A_1042 = tpu.vector_load %arg6[%get3A_1039, %get3A_1040, %get3A_1041] {strides = array<i32>} : memref<4x128x64xf32, #tpu.memory_space<vmem>>, vector<16xf32>,
        %scatter3A_1043 = arith.constant 3 : i32
        %scatter3A_1044 = arith.constant 0 : i32
        %scatter3A_1045 = arith.constant 0 : i32
        %scatter3A_1046 = arith.constant 0 : i32
        %scatter3A_1047 = tpu.memref_slice %arg7[%scatter3A_1043, %scatter3A_1044, %scatter3A_1045, %scatter3A_1046] : memref<4x8x8x136xf32, #tpu.memory_space<vmem>> -> memref<1x8x8x136xf32, #tpu.memory_space<vmem>>
        %scatter3A_1048 = tpu.memref_squeeze %scatter3A_1047 : memref<1x8x8x136xf32, #tpu.memory_space<vmem>> -> memref<8x8x136xf32, #tpu.memory_space<vmem>>
        tpu.vector_store_idx %scatter3A_1048[%shift_right_logical3A_19, %and3A_30, %broadcast_in_dim3A_1026], %get3A_1042 : memref<8x8x136xf32, #tpu.memory_space<vmem>>[vector<16xi32>, vector<16xi32>, vector<16xi32>], vector<16xf32>,
        %get3A_1049 = arith.constant 3 : i32
        %get3A_1050 = arith.index_cast %get3A_1049 : i32 to index
        %get3A_1051 = arith.index_cast %add3A_1025 : i32 to index
        %get3A_1052 = arith.constant 32 : index
        %get3A_1053 = tpu.vector_load %arg6[%get3A_1050, %get3A_1051, %get3A_1052] {strides = array<i32>} : memref<4x128x64xf32, #tpu.memory_space<vmem>>, vector<16xf32>,
        %scatter3A_1054 = arith.constant 3 : i32
        %scatter3A_1055 = arith.constant 0 : i32
        %scatter3A_1056 = arith.constant 0 : i32
        %scatter3A_1057 = arith.constant 0 : i32
        %scatter3A_1058 = tpu.memref_slice %arg7[%scatter3A_1054, %scatter3A_1055, %scatter3A_1056, %scatter3A_1057] : memref<4x8x8x136xf32, #tpu.memory_space<vmem>> -> memref<1x8x8x136xf32, #tpu.memory_space<vmem>>
        %scatter3A_1059 = tpu.memref_squeeze %scatter3A_1058 : memref<1x8x8x136xf32, #tpu.memory_space<vmem>> -> memref<8x8x136xf32, #tpu.memory_space<vmem>>
        tpu.vector_store_idx %scatter3A_1059[%shift_right_logical3A_22, %and3A_33, %broadcast_in_dim3A_1026], %get3A_1053 : memref<8x8x136xf32, #tpu.memory_space<vmem>>[vector<16xi32>, vector<16xi32>, vector<16xi32>], vector<16xf32>,
        %get3A_1060 = arith.constant 3 : i32
        %get3A_1061 = arith.index_cast %get3A_1060 : i32 to index
        %get3A_1062 = arith.index_cast %add3A_1025 : i32 to index
        %get3A_1063 = arith.constant 48 : index
        %get3A_1064 = tpu.vector_load %arg6[%get3A_1061, %get3A_1062, %get3A_1063] {strides = array<i32>} : memref<4x128x64xf32, #tpu.memory_space<vmem>>, vector<16xf32>,
        %scatter3A_1065 = arith.constant 3 : i32
        %scatter3A_1066 = arith.constant 0 : i32
        %scatter3A_1067 = arith.constant 0 : i32
        %scatter3A_1068 = arith.constant 0 : i32
        %scatter3A_1069 = tpu.memref_slice %arg7[%scatter3A_1065, %scatter3A_1066, %scatter3A_1067, %scatter3A_1068] : memref<4x8x8x136xf32, #tpu.memory_space<vmem>> -> memref<1x8x8x136xf32, #tpu.memory_space<vmem>>
        %scatter3A_1070 = tpu.memref_squeeze %scatter3A_1069 : memref<1x8x8x136xf32, #tpu.memory_space<vmem>> -> memref<8x8x136xf32, #tpu.memory_space<vmem>>
        tpu.vector_store_idx %scatter3A_1070[%shift_right_logical3A_25, %and3A_36, %broadcast_in_dim3A_1026], %get3A_1064 : memref<8x8x136xf32, #tpu.memory_space<vmem>>[vector<16xi32>, vector<16xi32>, vector<16xi32>], vector<16xf32>,
        %scan3A_1071 = arith.constant 7 : i32
        %scan3A_1072 = arith.addi %scan3A_718, %scan3A_1071 : i32
        %mul3A_1073 = arith.constant 1 : i32
        %mul3A_1074 = arith.muli %scan3A_1072, %mul3A_1073 : i32
        %add3A_1075 = arith.constant 0 : i32
        %add3A_1076 = arith.addi %add3A_1075, %mul3A_1074 : i32
        %broadcast_in_dim3A_1077 = vector.broadcast %add3A_1076 : i32 to vector<16xi32>
        %get3A_1078 = arith.constant 3 : i32
        %get3A_1079 = arith.index_cast %get3A_1078 : i32 to index
        %get3A_1080 = arith.index_cast %add3A_1076 : i32 to index
        %get3A_1081 = arith.constant 0 : index
        %get3A_1082 = tpu.vector_load %arg6[%get3A_1079, %get3A_1080, %get3A_1081] {strides = array<i32>} : memref<4x128x64xf32, #tpu.memory_space<vmem>>, vector<16xf32>,
        %scatter3A_1083 = arith.constant 3 : i32
        %scatter3A_1084 = arith.constant 0 : i32
        %scatter3A_1085 = arith.constant 0 : i32
        %scatter3A_1086 = arith.constant 0 : i32
        %scatter3A_1087 = tpu.memref_slice %arg7[%scatter3A_1083, %scatter3A_1084, %scatter3A_1085, %scatter3A_1086] : memref<4x8x8x136xf32, #tpu.memory_space<vmem>> -> memref<1x8x8x136xf32, #tpu.memory_space<vmem>>
        %scatter3A_1088 = tpu.memref_squeeze %scatter3A_1087 : memref<1x8x8x136xf32, #tpu.memory_space<vmem>> -> memref<8x8x136xf32, #tpu.memory_space<vmem>>
        tpu.vector_store_idx %scatter3A_1088[%shift_right_logical3A_16, %and3A_27, %broadcast_in_dim3A_1077], %get3A_1082 : memref<8x8x136xf32, #tpu.memory_space<vmem>>[vector<16xi32>, vector<16xi32>, vector<16xi32>], vector<16xf32>,
        %get3A_1089 = arith.constant 3 : i32
        %get3A_1090 = arith.index_cast %get3A_1089 : i32 to index
        %get3A_1091 = arith.index_cast %add3A_1076 : i32 to index
        %get3A_1092 = arith.constant 16 : index
        %get3A_1093 = tpu.vector_load %arg6[%get3A_1090, %get3A_1091, %get3A_1092] {strides = array<i32>} : memref<4x128x64xf32, #tpu.memory_space<vmem>>, vector<16xf32>,
        %scatter3A_1094 = arith.constant 3 : i32
        %scatter3A_1095 = arith.constant 0 : i32
        %scatter3A_1096 = arith.constant 0 : i32
        %scatter3A_1097 = arith.constant 0 : i32
        %scatter3A_1098 = tpu.memref_slice %arg7[%scatter3A_1094, %scatter3A_1095, %scatter3A_1096, %scatter3A_1097] : memref<4x8x8x136xf32, #tpu.memory_space<vmem>> -> memref<1x8x8x136xf32, #tpu.memory_space<vmem>>
        %scatter3A_1099 = tpu.memref_squeeze %scatter3A_1098 : memref<1x8x8x136xf32, #tpu.memory_space<vmem>> -> memref<8x8x136xf32, #tpu.memory_space<vmem>>
        tpu.vector_store_idx %scatter3A_1099[%shift_right_logical3A_19, %and3A_30, %broadcast_in_dim3A_1077], %get3A_1093 : memref<8x8x136xf32, #tpu.memory_space<vmem>>[vector<16xi32>, vector<16xi32>, vector<16xi32>], vector<16xf32>,
        %get3A_1100 = arith.constant 3 : i32
        %get3A_1101 = arith.index_cast %get3A_1100 : i32 to index
        %get3A_1102 = arith.index_cast %add3A_1076 : i32 to index
        %get3A_1103 = arith.constant 32 : index
        %get3A_1104 = tpu.vector_load %arg6[%get3A_1101, %get3A_1102, %get3A_1103] {strides = array<i32>} : memref<4x128x64xf32, #tpu.memory_space<vmem>>, vector<16xf32>,
        %scatter3A_1105 = arith.constant 3 : i32
        %scatter3A_1106 = arith.constant 0 : i32
        %scatter3A_1107 = arith.constant 0 : i32
        %scatter3A_1108 = arith.constant 0 : i32
        %scatter3A_1109 = tpu.memref_slice %arg7[%scatter3A_1105, %scatter3A_1106, %scatter3A_1107, %scatter3A_1108] : memref<4x8x8x136xf32, #tpu.memory_space<vmem>> -> memref<1x8x8x136xf32, #tpu.memory_space<vmem>>
        %scatter3A_1110 = tpu.memref_squeeze %scatter3A_1109 : memref<1x8x8x136xf32, #tpu.memory_space<vmem>> -> memref<8x8x136xf32, #tpu.memory_space<vmem>>
        tpu.vector_store_idx %scatter3A_1110[%shift_right_logical3A_22, %and3A_33, %broadcast_in_dim3A_1077], %get3A_1104 : memref<8x8x136xf32, #tpu.memory_space<vmem>>[vector<16xi32>, vector<16xi32>, vector<16xi32>], vector<16xf32>,
        %get3A_1111 = arith.constant 3 : i32
        %get3A_1112 = arith.index_cast %get3A_1111 : i32 to index
        %get3A_1113 = arith.index_cast %add3A_1076 : i32 to index
        %get3A_1114 = arith.constant 48 : index
        %get3A_1115 = tpu.vector_load %arg6[%get3A_1112, %get3A_1113, %get3A_1114] {strides = array<i32>} : memref<4x128x64xf32, #tpu.memory_space<vmem>>, vector<16xf32>,
        %scatter3A_1116 = arith.constant 3 : i32
        %scatter3A_1117 = arith.constant 0 : i32
        %scatter3A_1118 = arith.constant 0 : i32
        %scatter3A_1119 = arith.constant 0 : i32
        %scatter3A_1120 = tpu.memref_slice %arg7[%scatter3A_1116, %scatter3A_1117, %scatter3A_1118, %scatter3A_1119] : memref<4x8x8x136xf32, #tpu.memory_space<vmem>> -> memref<1x8x8x136xf32, #tpu.memory_space<vmem>>
        %scatter3A_1121 = tpu.memref_squeeze %scatter3A_1120 : memref<1x8x8x136xf32, #tpu.memory_space<vmem>> -> memref<8x8x136xf32, #tpu.memory_space<vmem>>
        tpu.vector_store_idx %scatter3A_1121[%shift_right_logical3A_25, %and3A_36, %broadcast_in_dim3A_1077], %get3A_1115 : memref<8x8x136xf32, #tpu.memory_space<vmem>>[vector<16xi32>, vector<16xi32>, vector<16xi32>], vector<16xf32>,
      }
      %scan3A_693 = arith.constant 128 : i32
      %dma_start3A_694 = arith.constant 3 : i32
      %dma_start3A_695 = arith.constant 3 : i32
      %dma_start3A_696 = arith.constant 0 : i32
      %dma_start3A_697 = arith.constant 0 : i32
      %dma_start3A_698 = arith.constant 0 : i32
      %dma_start3A_699 = tpu.memref_slice %arg7[%dma_start3A_694, %dma_start3A_696, %dma_start3A_697, %dma_start3A_698] : memref<4x8x8x136xf32, #tpu.memory_space<vmem>> -> memref<1x8x8x128xf32, #tpu.memory_space<vmem>>
      %dma_start3A_700 = tpu.memref_squeeze %dma_start3A_699 : memref<1x8x8x128xf32, #tpu.memory_space<vmem>> -> memref<8x8x128xf32, #tpu.memory_space<vmem>>
      %dma_start3A_701 = arith.constant 0 : i32
      %dma_start3A_702 = arith.constant 0 : i32
      %dma_start3A_703 = arith.constant 0 : i32
      %dma_start3A_704 = tpu.memref_slice %arg4[%select_n3A_646, %dma_start3A_701, %select_n3A_662, %dma_start3A_702, %dma_start3A_703] : memref<20x8x128x8x128xf32, #tpu.memory_space<hbm>> -> memref<1x8x1x8x128xf32, #tpu.memory_space<hbm>>
      %dma_start3A_705 = tpu.memref_squeeze %dma_start3A_704 : memref<1x8x1x8x128xf32, #tpu.memory_space<hbm>> -> memref<8x8x128xf32, #tpu.memory_space<hbm>>
      %dma_start3A_706 = tpu.memref_slice %arg9[%dma_start3A_695] : memref<4x!tpu.dma_semaphore, #tpu.memory_space<semaphore_mem>> -> memref<1x!tpu.dma_semaphore, #tpu.memory_space<semaphore_mem>>
      %dma_start3A_707 = tpu.memref_squeeze %dma_start3A_706 : memref<1x!tpu.dma_semaphore, #tpu.memory_space<semaphore_mem>> -> memref<!tpu.dma_semaphore, #tpu.memory_space<semaphore_mem>>
      %dma_start3A_708 = arith.constant 0 : i32
      %dma_start3A_709 = arith.constant 0 : i32
      %dma_start3A_710 = arith.constant 0 : i32
      %dma_start3A_711 = tpu.memref_slice %arg4[%select_n3A_646, %dma_start3A_708, %select_n3A_662, %dma_start3A_709, %dma_start3A_710] : memref<20x8x128x8x128xf32, #tpu.memory_space<hbm>> -> memref<1x8x1x8x128xf32, #tpu.memory_space<hbm>>
      %dma_start3A_712 = tpu.memref_squeeze %dma_start3A_711 : memref<1x8x1x8x128xf32, #tpu.memory_space<hbm>> -> memref<8x8x128xf32, #tpu.memory_space<hbm>>
      %dma_start3A_713 = arith.constant 0 : i32
      %dma_start3A_714 = arith.constant 0 : i32
      %dma_start3A_715 = arith.constant 0 : i32
      %dma_start3A_716 = tpu.memref_slice %arg7[%dma_start3A_694, %dma_start3A_713, %dma_start3A_714, %dma_start3A_715] : memref<4x8x8x136xf32, #tpu.memory_space<vmem>> -> memref<1x8x8x128xf32, #tpu.memory_space<vmem>>
      %dma_start3A_717 = tpu.memref_squeeze %dma_start3A_716 : memref<1x8x8x128xf32, #tpu.memory_space<vmem>> -> memref<8x8x128xf32, #tpu.memory_space<vmem>>
      tpu.enqueue_dma source(%dma_start3A_717 : memref<8x8x128xf32, #tpu.memory_space<vmem>>) target(%dma_start3A_712 : memref<8x8x128xf32, #tpu.memory_space<hbm>>) target_semaphore(%dma_start3A_707 : memref<!tpu.dma_semaphore, #tpu.memory_space<semaphore_mem>>)
    }
    %scan3A_69 = arith.constant 20 : i32
    %add3A_70 = arith.constant 76 : i32
    %add3A_71 = arith.addi %mul3A_2, %add3A_70 : i32
    %jit3A = arith.constant 128 : i32
    %div3A = arith.divsi %add3A_71, %jit3A : i32
    %sign3A = arith.constant 0 : i32
    %sign3A_72 = arith.cmpi sgt, %add3A_71, %sign3A : i32
    %sign3A_73 = arith.extui %sign3A_72 : i1 to i32
    %sign3A_74 = arith.constant 0 : i32
    %sign3A_75 = arith.cmpi slt, %add3A_71, %sign3A_74 : i32
    %sign3A_76 = arith.extui %sign3A_75 : i1 to i32
    %sign3A_77 = arith.subi %sign3A_73, %sign3A_76 : i32
    %sign3A_78 = arith.constant 0 : i32
    %sign3A_79 = arith.cmpi sgt, %jit3A, %sign3A_78 : i32
    %sign3A_80 = arith.extui %sign3A_79 : i1 to i32
    %sign3A_81 = arith.constant 0 : i32
    %sign3A_82 = arith.cmpi slt, %jit3A, %sign3A_81 : i32
    %sign3A_83 = arith.extui %sign3A_82 : i1 to i32
    %sign3A_84 = arith.subi %sign3A_80, %sign3A_83 : i32
    %ne3A = arith.cmpi ne, %sign3A_77, %sign3A_84 : i32
    %rem3A = arith.remsi %add3A_71, %jit3A : i32
    %ne3A_85 = arith.constant 0 : i32
    %ne3A_86 = arith.cmpi ne, %rem3A, %ne3A_85 : i32
    %and3A_87 = arith.andi %ne3A, %ne3A_86 : i1
    %sub3A = arith.constant 1 : i32
    %sub3A_88 = arith.subi %div3A, %sub3A : i32
    %select_n3A = arith.select %and3A_87, %sub3A_88, %div3A : i32
    %jit3A_89 = arith.constant 128 : i32
    %eq3A = arith.constant 0 : i32
    %eq3A_90 = arith.cmpi eq, %jit3A_89, %eq3A : i32
    %jit3A_91 = arith.constant 1 : i32
    %select_n3A_92 = arith.select %eq3A_90, %jit3A_91, %jit3A_89 : i32
    %rem3A_93 = arith.remsi %add3A_71, %select_n3A_92 : i32
    %ne3A_94 = arith.constant 0 : i32
    %ne3A_95 = arith.cmpi ne, %rem3A_93, %ne3A_94 : i32
    %lt3A = arith.constant 0 : i32
    %lt3A_96 = arith.cmpi slt, %rem3A_93, %lt3A : i32
    %lt3A_97 = arith.constant 0 : i32
    %lt3A_98 = arith.cmpi slt, %select_n3A_92, %lt3A_97 : i32
    %ne3A_99 = arith.xori %lt3A_96, %lt3A_98 : i1
    %and3A_100 = arith.andi %ne3A_99, %ne3A_95 : i1
    %add3A_101 = arith.addi %rem3A_93, %select_n3A_92 : i32
    %select_n3A_102 = arith.select %and3A_100, %add3A_101, %rem3A_93 : i32
    %dma_wait3A = arith.constant 0 : i32
    %dma_wait3A_103 = arith.constant 0 : i32
    %dma_wait3A_104 = arith.constant 0 : i32
    %dma_wait3A_105 = arith.constant 0 : i32
    %dma_wait3A_106 = arith.constant 0 : i32
    %dma_wait3A_107 = tpu.memref_slice %arg7[%dma_wait3A, %dma_wait3A_104, %dma_wait3A_105, %dma_wait3A_106] : memref<4x8x8x136xf32, #tpu.memory_space<vmem>> -> memref<1x8x8x128xf32, #tpu.memory_space<vmem>>
    %dma_wait3A_108 = tpu.memref_squeeze %dma_wait3A_107 : memref<1x8x8x128xf32, #tpu.memory_space<vmem>> -> memref<8x8x128xf32, #tpu.memory_space<vmem>>
    %dma_wait3A_109 = arith.constant 0 : i32
    %dma_wait3A_110 = arith.constant 0 : i32
    %dma_wait3A_111 = arith.constant 0 : i32
    %dma_wait3A_112 = tpu.memref_slice %arg4[%select_n3A, %dma_wait3A_109, %select_n3A_102, %dma_wait3A_110, %dma_wait3A_111] : memref<20x8x128x8x128xf32, #tpu.memory_space<hbm>> -> memref<1x8x1x8x128xf32, #tpu.memory_space<hbm>>
    %dma_wait3A_113 = tpu.memref_squeeze %dma_wait3A_112 : memref<1x8x1x8x128xf32, #tpu.memory_space<hbm>> -> memref<8x8x128xf32, #tpu.memory_space<hbm>>
    %dma_wait3A_114 = tpu.memref_slice %arg9[%dma_wait3A_103] : memref<4x!tpu.dma_semaphore, #tpu.memory_space<semaphore_mem>> -> memref<1x!tpu.dma_semaphore, #tpu.memory_space<semaphore_mem>>
    %dma_wait3A_115 = tpu.memref_squeeze %dma_wait3A_114 : memref<1x!tpu.dma_semaphore, #tpu.memory_space<semaphore_mem>> -> memref<!tpu.dma_semaphore, #tpu.memory_space<semaphore_mem>>
    %dma_wait3A_116 = arith.constant 0 : i32
    %dma_wait3A_117 = arith.constant 0 : i32
    %dma_wait3A_118 = arith.constant 0 : i32
    %dma_wait3A_119 = tpu.memref_slice %arg4[%select_n3A, %dma_wait3A_116, %select_n3A_102, %dma_wait3A_117, %dma_wait3A_118] : memref<20x8x128x8x128xf32, #tpu.memory_space<hbm>> -> memref<1x8x1x8x128xf32, #tpu.memory_space<hbm>>
    %dma_wait3A_120 = tpu.memref_squeeze %dma_wait3A_119 : memref<1x8x1x8x128xf32, #tpu.memory_space<hbm>> -> memref<8x8x128xf32, #tpu.memory_space<hbm>>
    %dma_wait3A_121 = arith.constant 0 : i32
    %dma_wait3A_122 = arith.constant 0 : i32
    %dma_wait3A_123 = arith.constant 0 : i32
    %dma_wait3A_124 = tpu.memref_slice %arg7[%dma_wait3A, %dma_wait3A_121, %dma_wait3A_122, %dma_wait3A_123] : memref<4x8x8x136xf32, #tpu.memory_space<vmem>> -> memref<1x8x8x128xf32, #tpu.memory_space<vmem>>
    %dma_wait3A_125 = tpu.memref_squeeze %dma_wait3A_124 : memref<1x8x8x128xf32, #tpu.memory_space<vmem>> -> memref<8x8x128xf32, #tpu.memory_space<vmem>>
    tpu.wait_dma2 semaphore(%dma_wait3A_115 : memref<!tpu.dma_semaphore, #tpu.memory_space<semaphore_mem>>) src(%dma_wait3A_125 : memref<8x8x128xf32, #tpu.memory_space<vmem>>) dst(%dma_wait3A_120 : memref<8x8x128xf32, #tpu.memory_space<hbm>>)
    %add3A_126 = arith.constant 77 : i32
    %add3A_127 = arith.addi %mul3A_2, %add3A_126 : i32
    %jit3A_128 = arith.constant 128 : i32
    %div3A_129 = arith.divsi %add3A_127, %jit3A_128 : i32
    %sign3A_130 = arith.constant 0 : i32
    %sign3A_131 = arith.cmpi sgt, %add3A_127, %sign3A_130 : i32
    %sign3A_132 = arith.extui %sign3A_131 : i1 to i32
    %sign3A_133 = arith.constant 0 : i32
    %sign3A_134 = arith.cmpi slt, %add3A_127, %sign3A_133 : i32
    %sign3A_135 = arith.extui %sign3A_134 : i1 to i32
    %sign3A_136 = arith.subi %sign3A_132, %sign3A_135 : i32
    %sign3A_137 = arith.constant 0 : i32
    %sign3A_138 = arith.cmpi sgt, %jit3A_128, %sign3A_137 : i32
    %sign3A_139 = arith.extui %sign3A_138 : i1 to i32
    %sign3A_140 = arith.constant 0 : i32
    %sign3A_141 = arith.cmpi slt, %jit3A_128, %sign3A_140 : i32
    %sign3A_142 = arith.extui %sign3A_141 : i1 to i32
    %sign3A_143 = arith.subi %sign3A_139, %sign3A_142 : i32
    %ne3A_144 = arith.cmpi ne, %sign3A_136, %sign3A_143 : i32
    %rem3A_145 = arith.remsi %add3A_127, %jit3A_128 : i32
    %ne3A_146 = arith.constant 0 : i32
    %ne3A_147 = arith.cmpi ne, %rem3A_145, %ne3A_146 : i32
    %and3A_148 = arith.andi %ne3A_144, %ne3A_147 : i1
    %sub3A_149 = arith.constant 1 : i32
    %sub3A_150 = arith.subi %div3A_129, %sub3A_149 : i32
    %select_n3A_151 = arith.select %and3A_148, %sub3A_150, %div3A_129 : i32
    %jit3A_152 = arith.constant 128 : i32
    %eq3A_153 = arith.constant 0 : i32
    %eq3A_154 = arith.cmpi eq, %jit3A_152, %eq3A_153 : i32
    %jit3A_155 = arith.constant 1 : i32
    %select_n3A_156 = arith.select %eq3A_154, %jit3A_155, %jit3A_152 : i32
    %rem3A_157 = arith.remsi %add3A_127, %select_n3A_156 : i32
    %ne3A_158 = arith.constant 0 : i32
    %ne3A_159 = arith.cmpi ne, %rem3A_157, %ne3A_158 : i32
    %lt3A_160 = arith.constant 0 : i32
    %lt3A_161 = arith.cmpi slt, %rem3A_157, %lt3A_160 : i32
    %lt3A_162 = arith.constant 0 : i32
    %lt3A_163 = arith.cmpi slt, %select_n3A_156, %lt3A_162 : i32
    %ne3A_164 = arith.xori %lt3A_161, %lt3A_163 : i1
    %and3A_165 = arith.andi %ne3A_164, %ne3A_159 : i1
    %add3A_166 = arith.addi %rem3A_157, %select_n3A_156 : i32
    %select_n3A_167 = arith.select %and3A_165, %add3A_166, %rem3A_157 : i32
    %dma_wait3A_168 = arith.constant 1 : i32
    %dma_wait3A_169 = arith.constant 1 : i32
    %dma_wait3A_170 = arith.constant 0 : i32
    %dma_wait3A_171 = arith.constant 0 : i32
    %dma_wait3A_172 = arith.constant 0 : i32
    %dma_wait3A_173 = tpu.memref_slice %arg7[%dma_wait3A_168, %dma_wait3A_170, %dma_wait3A_171, %dma_wait3A_172] : memref<4x8x8x136xf32, #tpu.memory_space<vmem>> -> memref<1x8x8x128xf32, #tpu.memory_space<vmem>>
    %dma_wait3A_174 = tpu.memref_squeeze %dma_wait3A_173 : memref<1x8x8x128xf32, #tpu.memory_space<vmem>> -> memref<8x8x128xf32, #tpu.memory_space<vmem>>
    %dma_wait3A_175 = arith.constant 0 : i32
    %dma_wait3A_176 = arith.constant 0 : i32
    %dma_wait3A_177 = arith.constant 0 : i32
    %dma_wait3A_178 = tpu.memref_slice %arg4[%select_n3A_151, %dma_wait3A_175, %select_n3A_167, %dma_wait3A_176, %dma_wait3A_177] : memref<20x8x128x8x128xf32, #tpu.memory_space<hbm>> -> memref<1x8x1x8x128xf32, #tpu.memory_space<hbm>>
    %dma_wait3A_179 = tpu.memref_squeeze %dma_wait3A_178 : memref<1x8x1x8x128xf32, #tpu.memory_space<hbm>> -> memref<8x8x128xf32, #tpu.memory_space<hbm>>
    %dma_wait3A_180 = tpu.memref_slice %arg9[%dma_wait3A_169] : memref<4x!tpu.dma_semaphore, #tpu.memory_space<semaphore_mem>> -> memref<1x!tpu.dma_semaphore, #tpu.memory_space<semaphore_mem>>
    %dma_wait3A_181 = tpu.memref_squeeze %dma_wait3A_180 : memref<1x!tpu.dma_semaphore, #tpu.memory_space<semaphore_mem>> -> memref<!tpu.dma_semaphore, #tpu.memory_space<semaphore_mem>>
    %dma_wait3A_182 = arith.constant 0 : i32
    %dma_wait3A_183 = arith.constant 0 : i32
    %dma_wait3A_184 = arith.constant 0 : i32
    %dma_wait3A_185 = tpu.memref_slice %arg4[%select_n3A_151, %dma_wait3A_182, %select_n3A_167, %dma_wait3A_183, %dma_wait3A_184] : memref<20x8x128x8x128xf32, #tpu.memory_space<hbm>> -> memref<1x8x1x8x128xf32, #tpu.memory_space<hbm>>
    %dma_wait3A_186 = tpu.memref_squeeze %dma_wait3A_185 : memref<1x8x1x8x128xf32, #tpu.memory_space<hbm>> -> memref<8x8x128xf32, #tpu.memory_space<hbm>>
    %dma_wait3A_187 = arith.constant 0 : i32
    %dma_wait3A_188 = arith.constant 0 : i32
    %dma_wait3A_189 = arith.constant 0 : i32
    %dma_wait3A_190 = tpu.memref_slice %arg7[%dma_wait3A_168, %dma_wait3A_187, %dma_wait3A_188, %dma_wait3A_189] : memref<4x8x8x136xf32, #tpu.memory_space<vmem>> -> memref<1x8x8x128xf32, #tpu.memory_space<vmem>>
    %dma_wait3A_191 = tpu.memref_squeeze %dma_wait3A_190 : memref<1x8x8x128xf32, #tpu.memory_space<vmem>> -> memref<8x8x128xf32, #tpu.memory_space<vmem>>
    tpu.wait_dma2 semaphore(%dma_wait3A_181 : memref<!tpu.dma_semaphore, #tpu.memory_space<semaphore_mem>>) src(%dma_wait3A_191 : memref<8x8x128xf32, #tpu.memory_space<vmem>>) dst(%dma_wait3A_186 : memref<8x8x128xf32, #tpu.memory_space<hbm>>)
    %add3A_192 = arith.constant 78 : i32
    %add3A_193 = arith.addi %mul3A_2, %add3A_192 : i32
    %jit3A_194 = arith.constant 128 : i32
    %div3A_195 = arith.divsi %add3A_193, %jit3A_194 : i32
    %sign3A_196 = arith.constant 0 : i32
    %sign3A_197 = arith.cmpi sgt, %add3A_193, %sign3A_196 : i32
    %sign3A_198 = arith.extui %sign3A_197 : i1 to i32
    %sign3A_199 = arith.constant 0 : i32
    %sign3A_200 = arith.cmpi slt, %add3A_193, %sign3A_199 : i32
    %sign3A_201 = arith.extui %sign3A_200 : i1 to i32
    %sign3A_202 = arith.subi %sign3A_198, %sign3A_201 : i32
    %sign3A_203 = arith.constant 0 : i32
    %sign3A_204 = arith.cmpi sgt, %jit3A_194, %sign3A_203 : i32
    %sign3A_205 = arith.extui %sign3A_204 : i1 to i32
    %sign3A_206 = arith.constant 0 : i32
    %sign3A_207 = arith.cmpi slt, %jit3A_194, %sign3A_206 : i32
    %sign3A_208 = arith.extui %sign3A_207 : i1 to i32
    %sign3A_209 = arith.subi %sign3A_205, %sign3A_208 : i32
    %ne3A_210 = arith.cmpi ne, %sign3A_202, %sign3A_209 : i32
    %rem3A_211 = arith.remsi %add3A_193, %jit3A_194 : i32
    %ne3A_212 = arith.constant 0 : i32
    %ne3A_213 = arith.cmpi ne, %rem3A_211, %ne3A_212 : i32
    %and3A_214 = arith.andi %ne3A_210, %ne3A_213 : i1
    %sub3A_215 = arith.constant 1 : i32
    %sub3A_216 = arith.subi %div3A_195, %sub3A_215 : i32
    %select_n3A_217 = arith.select %and3A_214, %sub3A_216, %div3A_195 : i32
    %jit3A_218 = arith.constant 128 : i32
    %eq3A_219 = arith.constant 0 : i32
    %eq3A_220 = arith.cmpi eq, %jit3A_218, %eq3A_219 : i32
    %jit3A_221 = arith.constant 1 : i32
    %select_n3A_222 = arith.select %eq3A_220, %jit3A_221, %jit3A_218 : i32
    %rem3A_223 = arith.remsi %add3A_193, %select_n3A_222 : i32
    %ne3A_224 = arith.constant 0 : i32
    %ne3A_225 = arith.cmpi ne, %rem3A_223, %ne3A_224 : i32
    %lt3A_226 = arith.constant 0 : i32
    %lt3A_227 = arith.cmpi slt, %rem3A_223, %lt3A_226 : i32
    %lt3A_228 = arith.constant 0 : i32
    %lt3A_229 = arith.cmpi slt, %select_n3A_222, %lt3A_228 : i32
    %ne3A_230 = arith.xori %lt3A_227, %lt3A_229 : i1
    %and3A_231 = arith.andi %ne3A_230, %ne3A_225 : i1
    %add3A_232 = arith.addi %rem3A_223, %select_n3A_222 : i32
    %select_n3A_233 = arith.select %and3A_231, %add3A_232, %rem3A_223 : i32
    %dma_wait3A_234 = arith.constant 2 : i32
    %dma_wait3A_235 = arith.constant 2 : i32
    %dma_wait3A_236 = arith.constant 0 : i32
    %dma_wait3A_237 = arith.constant 0 : i32
    %dma_wait3A_238 = arith.constant 0 : i32
    %dma_wait3A_239 = tpu.memref_slice %arg7[%dma_wait3A_234, %dma_wait3A_236, %dma_wait3A_237, %dma_wait3A_238] : memref<4x8x8x136xf32, #tpu.memory_space<vmem>> -> memref<1x8x8x128xf32, #tpu.memory_space<vmem>>
    %dma_wait3A_240 = tpu.memref_squeeze %dma_wait3A_239 : memref<1x8x8x128xf32, #tpu.memory_space<vmem>> -> memref<8x8x128xf32, #tpu.memory_space<vmem>>
    %dma_wait3A_241 = arith.constant 0 : i32
    %dma_wait3A_242 = arith.constant 0 : i32
    %dma_wait3A_243 = arith.constant 0 : i32
    %dma_wait3A_244 = tpu.memref_slice %arg4[%select_n3A_217, %dma_wait3A_241, %select_n3A_233, %dma_wait3A_242, %dma_wait3A_243] : memref<20x8x128x8x128xf32, #tpu.memory_space<hbm>> -> memref<1x8x1x8x128xf32, #tpu.memory_space<hbm>>
    %dma_wait3A_245 = tpu.memref_squeeze %dma_wait3A_244 : memref<1x8x1x8x128xf32, #tpu.memory_space<hbm>> -> memref<8x8x128xf32, #tpu.memory_space<hbm>>
    %dma_wait3A_246 = tpu.memref_slice %arg9[%dma_wait3A_235] : memref<4x!tpu.dma_semaphore, #tpu.memory_space<semaphore_mem>> -> memref<1x!tpu.dma_semaphore, #tpu.memory_space<semaphore_mem>>
    %dma_wait3A_247 = tpu.memref_squeeze %dma_wait3A_246 : memref<1x!tpu.dma_semaphore, #tpu.memory_space<semaphore_mem>> -> memref<!tpu.dma_semaphore, #tpu.memory_space<semaphore_mem>>
    %dma_wait3A_248 = arith.constant 0 : i32
    %dma_wait3A_249 = arith.constant 0 : i32
    %dma_wait3A_250 = arith.constant 0 : i32
    %dma_wait3A_251 = tpu.memref_slice %arg4[%select_n3A_217, %dma_wait3A_248, %select_n3A_233, %dma_wait3A_249, %dma_wait3A_250] : memref<20x8x128x8x128xf32, #tpu.memory_space<hbm>> -> memref<1x8x1x8x128xf32, #tpu.memory_space<hbm>>
    %dma_wait3A_252 = tpu.memref_squeeze %dma_wait3A_251 : memref<1x8x1x8x128xf32, #tpu.memory_space<hbm>> -> memref<8x8x128xf32, #tpu.memory_space<hbm>>
    %dma_wait3A_253 = arith.constant 0 : i32
    %dma_wait3A_254 = arith.constant 0 : i32
    %dma_wait3A_255 = arith.constant 0 : i32
    %dma_wait3A_256 = tpu.memref_slice %arg7[%dma_wait3A_234, %dma_wait3A_253, %dma_wait3A_254, %dma_wait3A_255] : memref<4x8x8x136xf32, #tpu.memory_space<vmem>> -> memref<1x8x8x128xf32, #tpu.memory_space<vmem>>
    %dma_wait3A_257 = tpu.memref_squeeze %dma_wait3A_256 : memref<1x8x8x128xf32, #tpu.memory_space<vmem>> -> memref<8x8x128xf32, #tpu.memory_space<vmem>>
    tpu.wait_dma2 semaphore(%dma_wait3A_247 : memref<!tpu.dma_semaphore, #tpu.memory_space<semaphore_mem>>) src(%dma_wait3A_257 : memref<8x8x128xf32, #tpu.memory_space<vmem>>) dst(%dma_wait3A_252 : memref<8x8x128xf32, #tpu.memory_space<hbm>>)
    %add3A_258 = arith.constant 79 : i32
    %add3A_259 = arith.addi %mul3A_2, %add3A_258 : i32
    %jit3A_260 = arith.constant 128 : i32
    %div3A_261 = arith.divsi %add3A_259, %jit3A_260 : i32
    %sign3A_262 = arith.constant 0 : i32
    %sign3A_263 = arith.cmpi sgt, %add3A_259, %sign3A_262 : i32
    %sign3A_264 = arith.extui %sign3A_263 : i1 to i32
    %sign3A_265 = arith.constant 0 : i32
    %sign3A_266 = arith.cmpi slt, %add3A_259, %sign3A_265 : i32
    %sign3A_267 = arith.extui %sign3A_266 : i1 to i32
    %sign3A_268 = arith.subi %sign3A_264, %sign3A_267 : i32
    %sign3A_269 = arith.constant 0 : i32
    %sign3A_270 = arith.cmpi sgt, %jit3A_260, %sign3A_269 : i32
    %sign3A_271 = arith.extui %sign3A_270 : i1 to i32
    %sign3A_272 = arith.constant 0 : i32
    %sign3A_273 = arith.cmpi slt, %jit3A_260, %sign3A_272 : i32
    %sign3A_274 = arith.extui %sign3A_273 : i1 to i32
    %sign3A_275 = arith.subi %sign3A_271, %sign3A_274 : i32
    %ne3A_276 = arith.cmpi ne, %sign3A_268, %sign3A_275 : i32
    %rem3A_277 = arith.remsi %add3A_259, %jit3A_260 : i32
    %ne3A_278 = arith.constant 0 : i32
    %ne3A_279 = arith.cmpi ne, %rem3A_277, %ne3A_278 : i32
    %and3A_280 = arith.andi %ne3A_276, %ne3A_279 : i1
    %sub3A_281 = arith.constant 1 : i32
    %sub3A_282 = arith.subi %div3A_261, %sub3A_281 : i32
    %select_n3A_283 = arith.select %and3A_280, %sub3A_282, %div3A_261 : i32
    %jit3A_284 = arith.constant 128 : i32
    %eq3A_285 = arith.constant 0 : i32
    %eq3A_286 = arith.cmpi eq, %jit3A_284, %eq3A_285 : i32
    %jit3A_287 = arith.constant 1 : i32
    %select_n3A_288 = arith.select %eq3A_286, %jit3A_287, %jit3A_284 : i32
    %rem3A_289 = arith.remsi %add3A_259, %select_n3A_288 : i32
    %ne3A_290 = arith.constant 0 : i32
    %ne3A_291 = arith.cmpi ne, %rem3A_289, %ne3A_290 : i32
    %lt3A_292 = arith.constant 0 : i32
    %lt3A_293 = arith.cmpi slt, %rem3A_289, %lt3A_292 : i32
    %lt3A_294 = arith.constant 0 : i32
    %lt3A_295 = arith.cmpi slt, %select_n3A_288, %lt3A_294 : i32
    %ne3A_296 = arith.xori %lt3A_293, %lt3A_295 : i1
    %and3A_297 = arith.andi %ne3A_296, %ne3A_291 : i1
    %add3A_298 = arith.addi %rem3A_289, %select_n3A_288 : i32
    %select_n3A_299 = arith.select %and3A_297, %add3A_298, %rem3A_289 : i32
    %dma_wait3A_300 = arith.constant 3 : i32
    %dma_wait3A_301 = arith.constant 3 : i32
    %dma_wait3A_302 = arith.constant 0 : i32
    %dma_wait3A_303 = arith.constant 0 : i32
    %dma_wait3A_304 = arith.constant 0 : i32
    %dma_wait3A_305 = tpu.memref_slice %arg7[%dma_wait3A_300, %dma_wait3A_302, %dma_wait3A_303, %dma_wait3A_304] : memref<4x8x8x136xf32, #tpu.memory_space<vmem>> -> memref<1x8x8x128xf32, #tpu.memory_space<vmem>>
    %dma_wait3A_306 = tpu.memref_squeeze %dma_wait3A_305 : memref<1x8x8x128xf32, #tpu.memory_space<vmem>> -> memref<8x8x128xf32, #tpu.memory_space<vmem>>
    %dma_wait3A_307 = arith.constant 0 : i32
    %dma_wait3A_308 = arith.constant 0 : i32
    %dma_wait3A_309 = arith.constant 0 : i32
    %dma_wait3A_310 = tpu.memref_slice %arg4[%select_n3A_283, %dma_wait3A_307, %select_n3A_299, %dma_wait3A_308, %dma_wait3A_309] : memref<20x8x128x8x128xf32, #tpu.memory_space<hbm>> -> memref<1x8x1x8x128xf32, #tpu.memory_space<hbm>>
    %dma_wait3A_311 = tpu.memref_squeeze %dma_wait3A_310 : memref<1x8x1x8x128xf32, #tpu.memory_space<hbm>> -> memref<8x8x128xf32, #tpu.memory_space<hbm>>
    %dma_wait3A_312 = tpu.memref_slice %arg9[%dma_wait3A_301] : memref<4x!tpu.dma_semaphore, #tpu.memory_space<semaphore_mem>> -> memref<1x!tpu.dma_semaphore, #tpu.memory_space<semaphore_mem>>
    %dma_wait3A_313 = tpu.memref_squeeze %dma_wait3A_312 : memref<1x!tpu.dma_semaphore, #tpu.memory_space<semaphore_mem>> -> memref<!tpu.dma_semaphore, #tpu.memory_space<semaphore_mem>>
    %dma_wait3A_314 = arith.constant 0 : i32
    %dma_wait3A_315 = arith.constant 0 : i32
    %dma_wait3A_316 = arith.constant 0 : i32
    %dma_wait3A_317 = tpu.memref_slice %arg4[%select_n3A_283, %dma_wait3A_314, %select_n3A_299, %dma_wait3A_315, %dma_wait3A_316] : memref<20x8x128x8x128xf32, #tpu.memory_space<hbm>> -> memref<1x8x1x8x128xf32, #tpu.memory_space<hbm>>
    %dma_wait3A_318 = tpu.memref_squeeze %dma_wait3A_317 : memref<1x8x1x8x128xf32, #tpu.memory_space<hbm>> -> memref<8x8x128xf32, #tpu.memory_space<hbm>>
    %dma_wait3A_319 = arith.constant 0 : i32
    %dma_wait3A_320 = arith.constant 0 : i32
    %dma_wait3A_321 = arith.constant 0 : i32
    %dma_wait3A_322 = tpu.memref_slice %arg7[%dma_wait3A_300, %dma_wait3A_319, %dma_wait3A_320, %dma_wait3A_321] : memref<4x8x8x136xf32, #tpu.memory_space<vmem>> -> memref<1x8x8x128xf32, #tpu.memory_space<vmem>>
    %dma_wait3A_323 = tpu.memref_squeeze %dma_wait3A_322 : memref<1x8x8x128xf32, #tpu.memory_space<vmem>> -> memref<8x8x128xf32, #tpu.memory_space<vmem>>
    tpu.wait_dma2 semaphore(%dma_wait3A_313 : memref<!tpu.dma_semaphore, #tpu.memory_space<semaphore_mem>>) src(%dma_wait3A_323 : memref<8x8x128xf32, #tpu.memory_space<vmem>>) dst(%dma_wait3A_318 : memref<8x8x128xf32, #tpu.memory_space<hbm>>)
    return
  }
}

</mosaic_0001>

<sc_bundles>
// kernel: kernel.3.cloned.1.call-start
scs
__scs_entry_jumppad:
0x0: {  	(pc) =	sbr.rel $0x88, $3  }
0x1: {  	(tag) =	ssettag $0x0;
	lr =	simm.s32 $0x1  }
0x2: {  	[smem:$0x3F9F] =	sst lr;
	_ =	strace $0xD0000000  }
0x3: {  	_ = 	snop  }
0x4: {  	_ = 	snop  }
0x5: {  	_ = 	snop  }
0x6: {  	_ = 	snop  }
0x7: {  	_ = 	snop  }
__scs_overlays_trampoline_lowered:
0x8: {  	[smem:$0x3FAE] =	sst s0  }
0x9: {  	[smem:$0x3FAF] =	sst s1  }
0xa: {  	[smem:$0x3FB0] =	sst s2  }
0xb: {  	[smem:$0x3FB1] =	sst s3  }
0xc: {  	[smem:$0x3FB2] =	sst s4  }
0xd: {  	[smem:$0x3FB3] =	sst s5  }
0xe: {  	[smem:$0x3FB4] =	sst s6  }
0xf: {  	[smem:$0x3FB5] =	sst s7  }
0x10: {  	[smem:$0x3FB6] =	sst s8  }
0x11: {  	[smem:$0x3FB7] =	sst s9;
	s0 =	simm.s32 @!p0 $0x0  }
0x12: {  	s1 =	sld [smem:$0x3F9D];
	s0 =	simm.s32 @p0 $0x1  }
0x13: {  	[smem:$0x3FB8] =	sst s0;
	s0 =	simm.s32 @!p1 $0x0  }
0x14: {  	s2 =	sld [smem:$0x3F9C];
	s0 =	simm.s32 @p1 $0x1  }
0x15: {  	[smem:$0x3FB9] =	sst s0;
	s0 =	simm.s32 @!p2 $0x0  }
0x16: {  	s3 =	sld [smem:$0x3FDB];
	s0 =	simm.s32 @p2 $0x1  }
0x17: {  	s4 =	simm.s32 $0x1BF5;
	[smem:$0x3FBB] =	sst s0  }
0x18: {  	s0 =	sld [smem:$0x3F9E];
	_ =	swait.ge [sflag:s4], $0x0  }
0x19: {  	s7 =	sld [smem:$0x3F9F]  }
0x1a: {  	s8 =	sadd.s32 $0xFFFFE003, lr  }
0x1b: {  	s9 =	sadd.s32 $0xFFFFFEF7, lr;
	s5 =	simm.s32 $0xFFFFFFFF;
	p2 =	slt.u32 s8, $0xFFFFF086  }
0x1c: {  	p1 =	slt.u32 s9, $0xF7A;
	s5 =	simm.s32 @!p2 $0x0  }
0x1d: {  	s5 =	simm.s32 @p1 $0x1;
	p0 =	seq.s32 s7, s2  }
0x1e: {  	s7 =	smul.u32 @!p0 $0xF7A, s2;
	p2 =	seq.s32 @!p0 s5, $0x0  }
0x1f: {  	s9 =	smul.u32 $0xF7A, s1;
	s8 =	simm.s32 @!p0 $0x1BF5;
	p2 =	por !p2, p0  }
0x20: {  	[sflag:s8] =	ssyncset.s32 @!p0 $0xFFFFF086;
	s6 =	sadd.s32 @!p0 s3, s7;
	s7 =	simm.s32 @!p0 $0x108  }
0x21: {  	s3 =	sadd.s32 s3, s9;
	s6 =	sadd.s32 @!p0 $0x88, s6;
	s7 =	simm.s32 @p2 $0x1082  }
0x22: {  	[simem:s7], [sflag:s8] =	dma.local @!p0 [hbm:s6], $0xF7A  }
0x23: {  	s9 =	sor.u32 $0xD0000000, s2;
	s6 =	simm.s32 $0x108;
	_ =	swait.ge @!p0 [sflag:s8], $0x0  }
0x24: {  	s3 =	sadd.s32 $0x88, s3;
	s6 =	simm.s32 @!p1 $0x1082;
	[sflag:s4] =	ssyncset.s32 $0xFFFFF086  }
0x25: {  	[simem:s6], [sflag:s4] =	dma.local [hbm:s3], $0xF7A  }
0x26: {  	[smem:$0x3F9F] =	sst s1;
	(tag) =	ssettag s2;
	_ =	strace s9  }
0x27: {  	s1 =	sld [smem:$0x3FAF]  }
0x28: {  	s2 =	sld [smem:$0x3FB0]  }
0x29: {  	s4 =	sld [smem:$0x3FB2]  }
0x2a: {  	p0 =	seq.s32 s5, $0x0;
	s5 =	sld [smem:$0x3FB3]  }
0x2b: {  	s6 =	sld [smem:$0x3FB4]  }
0x2c: {  	s7 =	sld [smem:$0x3FB5]  }
0x2d: {  	s3 =	simm.s32 $0x108;
	s8 =	sld [smem:$0x3FB6]  }
0x2e: {  	s3 =	simm.s32 @!p0 $0x1082;
	s9 =	sld [smem:$0x3FB7]  }
0x2f: {  	lr =	sadd.s32 s0, s3;
	s0 =	sld [smem:$0x3FAE]  }
0x30: {  	s3 =	sld [smem:$0x3FB1]  }
0x31: {  	[smem:$0x3FBA] =	sst s10  }
0x32: {  	s10 =	sld [smem:$0x3FB8];
	_ =	sdelay $0x3  }
0x33: {  	p0 =	seq.s32 s10, $0x1;
	s10 =	sld [smem:$0x3FBA];
	_ =	sdelay $0x3  }
0x34: {  	[smem:$0x3FBA] =	sst s10  }
0x35: {  	s10 =	sld [smem:$0x3FB9];
	_ =	sdelay $0x3  }
0x36: {  	p1 =	seq.s32 s10, $0x1;
	s10 =	sld [smem:$0x3FBA];
	_ =	sdelay $0x3  }
0x37: {  	[smem:$0x3FBA] =	sst s10  }
0x38: {  	s10 =	sld [smem:$0x3FBB]  }
0x39: {  	_ = 	snop;
	(pc) =	sbr.ind lr, $3  }
0x3a: {  	_ = 	snop  }
0x3b: {  	_ = 	snop  }
0x3c: {  	p2 =	seq.s32 s10, $0x1;
	s10 =	sld [smem:$0x3FBA]  }
0x3d: {  	_ =	shalt  }
0x3e: {  	_ =	shalt  }
0x3f: {  	_ =	shalt  }
0x40: {  	_ =	shalt  }
0x41: {  	_ =	shalt  }
0x42: {  	_ =	shalt  }
0x43: {  	_ =	shalt  }
0x44: {  	_ =	shalt  }
0x45: {  	_ =	shalt  }
0x46: {  	_ =	shalt  }
0x47: {  	_ =	shalt  }
0x48: {  	_ =	shalt  }
0x49: {  	_ =	shalt  }
0x4a: {  	_ =	shalt  }
0x4b: {  	_ =	shalt  }
0x4c: {  	_ =	shalt  }
0x4d: {  	_ =	shalt  }
0x4e: {  	_ =	shalt  }
0x4f: {  	_ =	shalt  }
0x50: {  	_ =	shalt  }
0x51: {  	_ =	shalt  }
0x52: {  	_ =	shalt  }
0x53: {  	_ =	shalt  }
0x54: {  	_ =	shalt  }
0x55: {  	_ =	shalt  }
0x56: {  	_ =	shalt  }
0x57: {  	_ =	shalt  }
0x58: {  	_ =	shalt  }
0x59: {  	_ =	shalt  }
0x5a: {  	_ =	shalt  }
0x5b: {  	_ =	shalt  }
0x5c: {  	_ =	shalt  }
0x5d: {  	_ =	shalt  }
0x5e: {  	_ =	shalt  }
0x5f: {  	_ =	shalt  }
0x60: {  	_ =	shalt  }
0x61: {  	_ =	shalt  }
0x62: {  	_ =	shalt  }
0x63: {  	_ =	shalt  }
0x64: {  	_ =	shalt  }
0x65: {  	_ =	shalt  }
0x66: {  	_ =	shalt  }
0x67: {  	_ =	shalt  }
0x68: {  	_ =	shalt  }
0x69: {  	_ =	shalt  }
0x6a: {  	_ =	shalt  }
0x6b: {  	_ =	shalt  }
0x6c: {  	_ =	shalt  }
0x6d: {  	_ =	shalt  }
0x6e: {  	_ =	shalt  }
0x6f: {  	_ =	shalt  }
0x70: {  	_ =	shalt  }
0x71: {  	_ =	shalt  }
0x72: {  	_ =	shalt  }
0x73: {  	_ =	shalt  }
0x74: {  	_ =	shalt  }
0x75: {  	_ =	shalt  }
0x76: {  	_ =	shalt  }
0x77: {  	_ =	shalt  }
0x78: {  	_ =	shalt  }
0x79: {  	_ =	shalt  }
0x7a: {  	_ =	shalt  }
0x7b: {  	_ =	shalt  }
0x7c: {  	_ =	shalt  }
0x7d: {  	_ =	shalt  }
0x7e: {  	_ =	shalt  }
0x7f: {  	_ =	shalt  }
0x80: {  	_ =	shalt  }
0x81: {  	_ =	shalt  }
0x82: {  	_ =	shalt  }
0x83: {  	_ =	shalt  }
0x84: {  	_ =	shalt  }
0x85: {  	_ =	shalt  }
0x86: {  	_ =	shalt  }
0x87: {  	_ =	shalt  }
.Lfunc_end0:
.L_simem_size_0:
called_computation_lowered:
.L_overlay_start_0:
0x88: {  	s2 =	sld [smem:$0x3FD9]  }
0x89: {  	s3 =	sld [smem:$0x3FFE];
	_ =	sdelay $0x1  }
0x8a: {  	s1 =	srdreg.scid  }
0x8b: {  	s0 =	sand.u32 $0x1, s1  }
0x8c: {  	s17 =	sshll.u32 s0, $0xA;
	s2 =	sadd.s32 s3, s2  }
0x8d: {  	s2 =	sadd.s32 s2, s17  }
0x8e: {  	[smem:$0x3FC6] =	sst s2  }
0x8f: {  	_ = 	snop  }
0x90: {  	s2 =	sld [smem:$0x3FD0];
	(tm) =	ssettm $0x1  }
0x91: {  	s18 =	sld [smem:$0x3FFB];
	_ =	sdelay $0x3  }
0x92: {  	_ =	strace s18  }
0x93: {  	s3 =	sld [smem:$0x3FFC];
	_ =	sdelay $0x3  }
0x94: {  	_ =	strace s3  }
0x95: {  	s3 =	sld [smem:$0x3FFD];
	_ =	sdelay $0x3  }
0x96: {  	_ =	strace s3  }
0x97: {  	_ =	strace $0x8FFFFFFF  }
0x98: {  	s19 =	sld [smem:$0x3FDB];
	_ =	sdelay $0x1  }
0x99: {  	s4 =	simm.s32 $_scs_section_size  }
0x9a: {  	s5 =	simm.s32 $_size__tile_overlayer_lowered;
	s6 =	simm.s32 $_tile_overlayer_lowered  }
0x9b: {  	s22 =	simm.s32 $0x1BFF;
	s21 =	sshll.u32 s6, $0x1;
	s3 =	sadd.s32 s4, s19  }
0x9c: {  	s7 =	simm.s32 $0x0;
	s20 =	sshll.u32 s5, $0x1;
	s5 =	sadd.s32 s21, s3  }
0x9d: {  	[timem:s7], [sflag:s22] =	dma.local [hbm:s5], s20  }
0x9e: {  	_ =	swait.ge [sflag:s22], s20  }
0x9f: {  	s4 =	ssub.s32 $0x0, s20;
	[sflag:s22] =	ssyncset.done $0x0  }
0xa0: {  	[sflag:s22] =	ssyncadd.s32 s4;
	_ =	sdelay $0x1  }
0xa1: {  	s23 =	simm.s32 $0x1B8B  }
0xa2: {  	_ =	swait.ge [sflag:s23], $0x1  }
0xa3: {  	[sflag:s23] =	ssyncset.done $0x0  }
0xa4: {  	s25 =	simm.s32 $0x1B8E;
	s24 =	sld [smem:$0x3FFE];
	[sflag:s23] =	ssyncadd.s32 $0xFFFFFFFF  }
0xa5: {  	s26 =	simm.s32 $execute0_lowered;
	[smem:$0x3FD2] =	sst s25  }
0xa6: {  	s5 =	sshll.u32 s26, $0x1;
	_ =	strace $0x80000046;
	[dreg:$0x1] =	wrdreg $0xFFFFFFFF  }
0xa7: {  	s28 =	simm.s32 $_size_execute0_lowered;
	s3 =	sadd.s32 s3, s5;
	[dreg:$0x0] =	wrdreg $0x0  }
0xa8: {  	s5 =	sshll.u32 s28, $0x1;
	[dreg:$0x2] =	wrdreg s3  }
0xa9: {  	[dreg:$0x3] =	wrdreg s5  }
0xaa: {  	[dreg:$0x4] =	wrdreg $0xC0  }
0xab: {  	_ =	task [dreg:s7], $0x5FFFF  }
0xac: {  	[dreg:$0x1] =	wrdreg $0xFFFFFFFF  }
0xad: {  	[dreg:$0x0] =	wrdreg $0x60  }
0xae: {  	[dreg:$0x2] =	wrdreg s24  }
0xaf: {  	[dreg:$0x3] =	wrdreg s2  }
0xb0: {  	[dreg:$0x4] =	wrdreg $0x9  }
0xb1: {  	_ =	task.clear_ibuf [dreg:s7], $0x5FFFF;
	_ =	strace $0x90000046  }
0xb2: {  	s29 =	simm.s32 $0x9;
	_ =	strace $0x80000048  }
0xb3: {  	_ =	swait.ge [sflag:s29], $0x1  }
0xb4: {  	[sflag:s29] =	ssyncadd.s32 $0xFFFFFFFF  }
0xb5: {  	_ =	strace $0x90000048  }
0xb6: {  	_ =	sfence  }
0xb7: {  	s30 =	sld [smem:$0x0];
	_ =	sdelay $0x2  }
0xb8: {  	s31 =	sshll.u32 s1, $0xD;
	s1 =	sshrl.u32 s1, $0x2  }
0xb9: {  	s3 =	sand.u32 $0x4000, s31;
	s1 =	sadd.s32 s1, s30  }
0xba: {  	s0 =	sor.u32 s3, s0;
	s1 =	sshll.u32 s1, $0x11  }
0xbb: {  	s0 =	sor.u32 s1, s0  }
0xbc: {  	s0 =	sadd.s32 $0x8F2B, s0  }
0xbd: {  	[sflag:s0] =	ssyncadd.remote.s32 $0x1  }
0xbe: {  	_ =	sfence.sel $0xFFFF  }
0xbf: {  	[dreg:$0x0] =	wrdreg $0xFFFFFFFF;
	(pc) =	sbr.abs _section_cstart, $3  }
0xc0: {  	[dreg:$0x1] =	wrdreg $0xFFFFFFFF  }
0xc1: {  	_ =	task.clear_ibuf [dreg:s7], $0x2FFFF;
	_ =	strace $0x9FFFFFFF  }
0xc2: {  	(tm) =	ssettm $0x7FFFFFFF  }
0xc3: {  	_ =	shalt  }
tec
execute0_lowered:
.L_overlay_start_1:
0x0: {  	(tag) =	ssettag $0x1  }
0x1: {  	v0 =	vlaneseq.u32  }
0x2: {  	s0 =	rddreg [dreg:$0x0];
	s1 =	srdreg.scid;
	v0 =	vmul.u32 $0x88, v0  }
0x3: {  	s3 =	stileid.u32;
	s2 =	rddreg [dreg:$0x1];
	v1 =	vimm.s32 $0x0;
	vm0 =	vcmask $0x300;
	s8 =	simm.s32 $0x9  }
0x4: {  	s9 =	simm.s32 $0x80;
	s12 =	simm.s32 $0x1;
	s13 =	simm.s32 $0x6800;
	v1 =	vsel vm0, $0x3, v1;
	v2 =	vadd.s32 $0x880, v0  }
0x5: {  	s14 =	simm.s32 $0xA800;
	s15 =	simm.s32 $0x2;
	s16 =	simm.s32 $0x8800;
	v3 =	vadd.s32 $0x1100, v0;
	v4 =	vadd.s32 $0x1980, v0;
	v5 =	vor.u32 $0x1, v0  }
0x6: {  	s17 =	simm.s32 $0xCA00;
	s18 =	simm.s32 $0x3;
	s19 =	simm.s32 $0xEC00;
	v6 =	vadd.s32 $0x881, v0;
	v7 =	vadd.s32 $0x1101, v0;
	v8 =	vadd.s32 $0x1981, v0  }
0x7: {  	s20 =	simm.s32 $0x4;
	s21 =	simm.s32 $0x10E00;
	s22 =	simm.s32 $0x5;
	v9 =	vor.u32 $0x2, v0;
	v10 =	vadd.s32 $0x882, v0;
	v11 =	vadd.s32 $0x1102, v0  }
0x8: {  	s23 =	simm.s32 $0x6;
	s1 =	sand.u32 $0x1, s1;
	s4 =	sshll.u32 s3, $0x1;
	v12 =	vadd.s32 $0x1982, v0;
	v13 =	vor.u32 $0x3, v0;
	v14 =	vadd.s32 $0x883, v0  }
0x9: {  	s24 =	simm.s32 $0x7;
	s5 =	sor.u32 s1, s4;
	s1 =	ssub.s32 $0x2, s1;
	v15 =	vadd.s32 $0x1103, v0;
	v16 =	vadd.s32 $0x1983, v0;
	v17 =	vor.u32 $0x4, v0  }
0xa: {  	s3 =	simm.s32 $0x0;
	s6 =	smul.u32 $0x500, s5;
	s7 =	sshrl.u32 s1, $0x1;
	v18 =	vadd.s32 $0x884, v0;
	v19 =	vadd.s32 $0x1104, v0;
	v20 =	vadd.s32 $0x1984, v0  }
0xb: {  	s25 =	simm.s32 $0x8;
	[smem:$0x7FF] =	sst s3;
	v21 =	vor.u32 $0x5, v0;
	v22 =	vadd.s32 $0x885, v0;
	v23 =	vadd.s32 $0x1105, v0;
	s1 =	ssub.s32 s1, s7  }
0xc: {  	s4 =	sadd.s32 $0xA400, s0;
	v24 =	vadd.s32 $0x1985, v0;
	v25 =	vor.u32 $0x6, v0;
	v26 =	vadd.s32 $0x886, v0;
	s0 =	sadd.s32 s6, s0;
	s31 =	smax.u32 s1, $0x1  }
0xd: {  	_ =	strace $0x80000047;
	v27 =	vadd.s32 $0x1106, v0;
	v28 =	vadd.s32 $0x1986, v0;
	v29 =	vor.u32 $0x7, v0;
	s0 =	sadd.s32 $0x400, s0;
	[dreg:$0x4] =	wrdreg s31  }
0xe: {  	s26 =	simm.s32 $0x0;
	s5 =	smul.u32 $0x50, s5;
	v30 =	vadd.s32 $0x887, v0;
	v31 =	vadd.s32 $0x1107, v0;
	v32 =	vadd.s32 $0x1987, v0;
	[dreg:$0x3] =	wrdreg s0  }
.LBB2_1:
0xf: {  	s0 =	rddreg [dreg:$0x3]  }
0x10: {  	[tilespmem:s3], [sflag:$0x9] =	stream.linear.gather [hbm4b:s0+s3], $0x2800, $0x38;
	[tilespmem:$0x13000] =	vst v63  }
0x11: {  	_ =	swait.ge [sflag:s8], $0x2800  }
0x12: {  	[sflag:s8] =	ssyncset.done $0x0  }
0x13: {  	s30 =	simm.s32 $0x2800;
	[sflag:s8] =	ssyncadd.s32 $0xFFFFD800  }
0x14: {  	[tilespmem:s30], [sflag:$0x1] =	stream.indirect.gather [hbm4b:s4+s9], $0x40, s3, s9, $0xb8;
	[tilespmem:$0x13000] =	vst v63  }
0x15: {  	s31 =	simm.s32 $0x4800;
	s28 =	simm.s32 $0x0  }
0x16: {  	[tilespmem:s31], [sflag:$0x2] =	stream.indirect.gather [hbm4b:s4+s9], $0x40, s9, s9, $0xb8;
	[tilespmem:$0x13000] =	vst v63  }
.LBB2_2:
0x17: {  	s31 =	sshll.u32 s28, $0x2  }
0x18: {  	_ =	swait.ge [sflag:s12], $0x2000;
	s30 =	sor.u32 $0x2, s31  }
0x19: {  	s6 =	simm.s32 $0x0;
	[sflag:s12] =	ssyncset.done $0x0;
	s0 =	sshll.u32 s30, $0x7  }
0x1a: {  	p0 =	seq.s32 s28, $0x0;
	[sflag:s12] =	ssyncadd.s32 $0xFFFFE000;
	s0 =	sand.u32 $0x3FFFFF00, s0  }
0x1b: {  	v33 =	vmov s6;
	[tilespmem:s13], [sflag:$0x3] =	stream.indirect.gather [hbm4b:s4+s9], $0x40, s0, s9, $0xb8;
	[tilespmem:$0x13000] =	vst v63  }
0x1c: {  	v33 =	vshrl.u32 v33, $0x3;
	s0 =	simm.s32 @!p0 $0x5  }
0x1d: {  	v33 =	vshll.u32 v33, v1;
	_ =	swait.ge @!p0 [sflag:s0], $0x2000  }
0x1e: {  	v33 =	vbroadcast v33, $0x0;
	[sflag:s0] =	ssyncset.done @!p0 $0x0  }
0x1f: {  	s1 =	simm.s32 $0x2900;
	[sflag:s0] =	ssyncadd.s32 @!p0 $0xFFFFE000  }
0x20: {  	v35 =	vadd.s32 v0, v33;
	v34 =	vld [tilespmem:s1+$0xFFFFFF00];
	_ =	sdelay $0x4  }
0x21: {  	[tilespmem:v35+s14+$0x0] =	vst.idx.msk $0xffff, v34  }
0x22: {  	v56 =	vadd.s32 v2, v33;
	v34 =	vld [tilespmem:s1+$0xFFFFFF10];
	_ =	sdelay $0x4  }
0x23: {  	[tilespmem:v56+s14+$0x0] =	vst.idx.msk $0xffff, v34  }
0x24: {  	v57 =	vadd.s32 v3, v33;
	v34 =	vld [tilespmem:s1+$0xFFFFFF20];
	_ =	sdelay $0x4  }
0x25: {  	[tilespmem:v57+s14+$0x0] =	vst.idx.msk $0xffff, v34  }
0x26: {  	s7 =	simm.s32 $0x1;
	v33 =	vadd.s32 v4, v33;
	v34 =	vld [tilespmem:s1+$0xFFFFFF30]  }
0x27: {  	v58 =	vmov s7  }
0x28: {  	v35 =	vshrl.u32 v58, $0x3  }
0x29: {  	v35 =	vshll.u32 v35, v1  }
0x2a: {  	v35 =	vbroadcast v35, $0x0  }
0x2b: {  	[tilespmem:v33+s14+$0x0] =	vst.idx.msk $0xffff, v34  }
0x2c: {  	v59 =	vadd.s32 v5, v35;
	v33 =	vld [tilespmem:s1+$0xFFFFFF40];
	_ =	sdelay $0x4  }
0x2d: {  	[tilespmem:v59+s14+$0x0] =	vst.idx.msk $0xffff, v33  }
0x2e: {  	v60 =	vadd.s32 v6, v35;
	v33 =	vld [tilespmem:s1+$0xFFFFFF50];
	_ =	sdelay $0x4  }
0x2f: {  	[tilespmem:v60+s14+$0x0] =	vst.idx.msk $0xffff, v33  }
0x30: {  	v61 =	vadd.s32 v7, v35;
	v33 =	vld [tilespmem:s1+$0xFFFFFF60];
	_ =	sdelay $0x4  }
0x31: {  	[tilespmem:v61+s14+$0x0] =	vst.idx.msk $0xffff, v33  }
0x32: {  	s10 =	simm.s32 $0x2;
	v62 =	vadd.s32 v8, v35;
	v33 =	vld [tilespmem:s1+$0xFFFFFF70]  }
0x33: {  	v63 =	vmov s10  }
0x34: {  	v35 =	vshrl.u32 v63, $0x3  }
0x35: {  	v35 =	vshll.u32 v35, v1  }
0x36: {  	v35 =	vbroadcast v35, $0x0  }
0x37: {  	[tilespmem:v62+s14+$0x0] =	vst.idx.msk $0xffff, v33  }
0x38: {  	v36 =	vadd.s32 v9, v35;
	v33 =	vld [tilespmem:s1+$0xFFFFFF80];
	_ =	sdelay $0x4  }
0x39: {  	[tilespmem:v36+s14+$0x0] =	vst.idx.msk $0xffff, v33  }
0x3a: {  	v37 =	vadd.s32 v10, v35;
	v33 =	vld [tilespmem:s1+$0xFFFFFF90];
	_ =	sdelay $0x4  }
0x3b: {  	[tilespmem:v37+s14+$0x0] =	vst.idx.msk $0xffff, v33  }
0x3c: {  	v38 =	vadd.s32 v11, v35;
	v33 =	vld [tilespmem:s1+$0xFFFFFFA0];
	_ =	sdelay $0x4  }
0x3d: {  	[tilespmem:v38+s14+$0x0] =	vst.idx.msk $0xffff, v33  }
0x3e: {  	s11 =	simm.s32 $0x3;
	v39 =	vadd.s32 v12, v35;
	v33 =	vld [tilespmem:s1+$0xFFFFFFB0]  }
0x3f: {  	v40 =	vmov s11  }
0x40: {  	v35 =	vshrl.u32 v40, $0x3  }
0x41: {  	v35 =	vshll.u32 v35, v1  }
0x42: {  	v35 =	vbroadcast v35, $0x0  }
0x43: {  	[tilespmem:v39+s14+$0x0] =	vst.idx.msk $0xffff, v33  }
0x44: {  	v41 =	vadd.s32 v13, v35;
	v33 =	vld [tilespmem:s1+$0xFFFFFFC0];
	_ =	sdelay $0x4  }
0x45: {  	[tilespmem:v41+s14+$0x0] =	vst.idx.msk $0xffff, v33  }
0x46: {  	v42 =	vadd.s32 v14, v35;
	v33 =	vld [tilespmem:s1+$0xFFFFFFD0];
	_ =	sdelay $0x4  }
0x47: {  	[tilespmem:v42+s14+$0x0] =	vst.idx.msk $0xffff, v33  }
0x48: {  	v43 =	vadd.s32 v15, v35;
	v33 =	vld [tilespmem:s1+$0xFFFFFFE0];
	_ =	sdelay $0x4  }
0x49: {  	[tilespmem:v43+s14+$0x0] =	vst.idx.msk $0xffff, v33  }
0x4a: {  	s6 =	simm.s32 $0x4;
	v44 =	vadd.s32 v16, v35;
	v33 =	vld [tilespmem:s1+$0xFFFFFFF0]  }
0x4b: {  	v45 =	vmov s6  }
0x4c: {  	v35 =	vshrl.u32 v45, $0x3  }
0x4d: {  	v35 =	vshll.u32 v35, v1  }
0x4e: {  	v35 =	vbroadcast v35, $0x0  }
0x4f: {  	[tilespmem:v44+s14+$0x0] =	vst.idx.msk $0xffff, v33  }
0x50: {  	v46 =	vadd.s32 v17, v35;
	v33 =	vld [tilespmem:s1+$0x0];
	_ =	sdelay $0x4  }
0x51: {  	[tilespmem:v46+s14+$0x0] =	vst.idx.msk $0xffff, v33  }
0x52: {  	v47 =	vadd.s32 v18, v35;
	v33 =	vld [tilespmem:s1+$0x10];
	_ =	sdelay $0x4  }
0x53: {  	[tilespmem:v47+s14+$0x0] =	vst.idx.msk $0xffff, v33  }
0x54: {  	v48 =	vadd.s32 v19, v35;
	v33 =	vld [tilespmem:s1+$0x20];
	_ =	sdelay $0x4  }
0x55: {  	[tilespmem:v48+s14+$0x0] =	vst.idx.msk $0xffff, v33  }
0x56: {  	s7 =	simm.s32 $0x5;
	v49 =	vadd.s32 v20, v35;
	v33 =	vld [tilespmem:s1+$0x30]  }
0x57: {  	v50 =	vmov s7  }
0x58: {  	v35 =	vshrl.u32 v50, $0x3  }
0x59: {  	v35 =	vshll.u32 v35, v1  }
0x5a: {  	v35 =	vbroadcast v35, $0x0  }
0x5b: {  	[tilespmem:v49+s14+$0x0] =	vst.idx.msk $0xffff, v33  }
0x5c: {  	v51 =	vadd.s32 v21, v35;
	v33 =	vld [tilespmem:s1+$0x40];
	_ =	sdelay $0x4  }
0x5d: {  	[tilespmem:v51+s14+$0x0] =	vst.idx.msk $0xffff, v33  }
0x5e: {  	v52 =	vadd.s32 v22, v35;
	v33 =	vld [tilespmem:s1+$0x50];
	_ =	sdelay $0x4  }
0x5f: {  	[tilespmem:v52+s14+$0x0] =	vst.idx.msk $0xffff, v33  }
0x60: {  	v53 =	vadd.s32 v23, v35;
	v33 =	vld [tilespmem:s1+$0x60];
	_ =	sdelay $0x4  }
0x61: {  	[tilespmem:v53+s14+$0x0] =	vst.idx.msk $0xffff, v33  }
0x62: {  	s10 =	simm.s32 $0x6;
	v54 =	vadd.s32 v24, v35;
	v33 =	vld [tilespmem:s1+$0x70]  }
0x63: {  	v55 =	vmov s10  }
0x64: {  	v35 =	vshrl.u32 v55, $0x3  }
0x65: {  	v35 =	vshll.u32 v35, v1  }
0x66: {  	v35 =	vbroadcast v35, $0x0  }
0x67: {  	[tilespmem:v54+s14+$0x0] =	vst.idx.msk $0xffff, v33  }
0x68: {  	v56 =	vadd.s32 v25, v35;
	v33 =	vld [tilespmem:s1+$0x80];
	_ =	sdelay $0x4  }
0x69: {  	[tilespmem:v56+s14+$0x0] =	vst.idx.msk $0xffff, v33  }
0x6a: {  	v57 =	vadd.s32 v26, v35;
	v33 =	vld [tilespmem:s1+$0x90];
	_ =	sdelay $0x4  }
0x6b: {  	[tilespmem:v57+s14+$0x0] =	vst.idx.msk $0xffff, v33  }
0x6c: {  	v58 =	vadd.s32 v27, v35;
	v33 =	vld [tilespmem:s1+$0xA0];
	_ =	sdelay $0x4  }
0x6d: {  	[tilespmem:v58+s14+$0x0] =	vst.idx.msk $0xffff, v33  }
0x6e: {  	s11 =	simm.s32 $0x7;
	v59 =	vadd.s32 v28, v35;
	v33 =	vld [tilespmem:s1+$0xB0]  }
0x6f: {  	v60 =	vmov s11  }
0x70: {  	v35 =	vshrl.u32 v60, $0x3  }
0x71: {  	v35 =	vshll.u32 v35, v1  }
0x72: {  	v35 =	vbroadcast v35, $0x0  }
0x73: {  	[tilespmem:v59+s14+$0x0] =	vst.idx.msk $0xffff, v33  }
0x74: {  	v61 =	vadd.s32 v29, v35;
	v33 =	vld [tilespmem:s1+$0xC0];
	_ =	sdelay $0x4  }
0x75: {  	[tilespmem:v61+s14+$0x0] =	vst.idx.msk $0xffff, v33  }
0x76: {  	v62 =	vadd.s32 v30, v35;
	v33 =	vld [tilespmem:s1+$0xD0];
	_ =	sdelay $0x4  }
0x77: {  	[tilespmem:v62+s14+$0x0] =	vst.idx.msk $0xffff, v33  }
0x78: {  	v63 =	vadd.s32 v31, v35;
	v33 =	vld [tilespmem:s1+$0xE0];
	_ =	sdelay $0x4  }
0x79: {  	[tilespmem:v63+s14+$0x0] =	vst.idx.msk $0xffff, v33  }
0x7a: {  	s0 =	simm.s32 $0x8;
	v34 =	vadd.s32 v32, v35;
	v33 =	vld [tilespmem:s1+$0xF0]  }
0x7b: {  	s29 =	sadd.s32 s5, s31;
	s10 =	simm.s32 $0x10;
	v35 =	vmov s0  }
.LBB2_3:
0x7c: {  	p1 =	slt.u32 s10, $0x78;
	v35 =	vshrl.u32 v35, $0x3  }
0x7d: {  	v35 =	vshll.u32 v35, v1  }
0x7e: {  	v35 =	vbroadcast v35, $0x0  }
0x7f: {  	s1 =	sadd.s32 $0x200, s1;
	[tilespmem:v34+s14+$0x0] =	vst.idx.msk $0xffff, v33  }
0x80: {  	v33 =	vld [tilespmem:s1+$0xFFFFFF00];
	v34 =	vadd.s32 v0, v35;
	_ =	sdelay $0x4  }
0x81: {  	[tilespmem:v34+s14+$0x0] =	vst.idx.msk $0xffff, v33  }
0x82: {  	v34 =	vadd.s32 v2, v35;
	v33 =	vld [tilespmem:s1+$0xFFFFFF10];
	_ =	sdelay $0x4  }
0x83: {  	[tilespmem:v34+s14+$0x0] =	vst.idx.msk $0xffff, v33  }
0x84: {  	v34 =	vadd.s32 v3, v35;
	v33 =	vld [tilespmem:s1+$0xFFFFFF20];
	_ =	sdelay $0x4  }
0x85: {  	[tilespmem:v34+s14+$0x0] =	vst.idx.msk $0xffff, v33  }
0x86: {  	s11 =	sadd.s32 $0x1, s0;
	v34 =	vadd.s32 v4, v35;
	v33 =	vld [tilespmem:s1+$0xFFFFFF30]  }
0x87: {  	v35 =	vmov s11  }
0x88: {  	v35 =	vshrl.u32 v35, $0x3  }
0x89: {  	v35 =	vshll.u32 v35, v1  }
0x8a: {  	v35 =	vbroadcast v35, $0x0  }
0x8b: {  	[tilespmem:v34+s14+$0x0] =	vst.idx.msk $0xffff, v33  }
0x8c: {  	v34 =	vadd.s32 v5, v35;
	v33 =	vld [tilespmem:s1+$0xFFFFFF40];
	_ =	sdelay $0x4  }
0x8d: {  	[tilespmem:v34+s14+$0x0] =	vst.idx.msk $0xffff, v33  }
0x8e: {  	v34 =	vadd.s32 v6, v35;
	v33 =	vld [tilespmem:s1+$0xFFFFFF50];
	_ =	sdelay $0x4  }
0x8f: {  	[tilespmem:v34+s14+$0x0] =	vst.idx.msk $0xffff, v33  }
0x90: {  	v34 =	vadd.s32 v7, v35;
	v33 =	vld [tilespmem:s1+$0xFFFFFF60];
	_ =	sdelay $0x4  }
0x91: {  	[tilespmem:v34+s14+$0x0] =	vst.idx.msk $0xffff, v33  }
0x92: {  	s11 =	sadd.s32 $0x2, s0;
	v34 =	vadd.s32 v8, v35;
	v33 =	vld [tilespmem:s1+$0xFFFFFF70]  }
0x93: {  	v35 =	vmov s11  }
0x94: {  	v35 =	vshrl.u32 v35, $0x3  }
0x95: {  	v35 =	vshll.u32 v35, v1  }
0x96: {  	v35 =	vbroadcast v35, $0x0  }
0x97: {  	[tilespmem:v34+s14+$0x0] =	vst.idx.msk $0xffff, v33  }
0x98: {  	v34 =	vadd.s32 v9, v35;
	v33 =	vld [tilespmem:s1+$0xFFFFFF80];
	_ =	sdelay $0x4  }
0x99: {  	[tilespmem:v34+s14+$0x0] =	vst.idx.msk $0xffff, v33  }
0x9a: {  	v34 =	vadd.s32 v10, v35;
	v33 =	vld [tilespmem:s1+$0xFFFFFF90];
	_ =	sdelay $0x4  }
0x9b: {  	[tilespmem:v34+s14+$0x0] =	vst.idx.msk $0xffff, v33  }
0x9c: {  	v34 =	vadd.s32 v11, v35;
	v33 =	vld [tilespmem:s1+$0xFFFFFFA0];
	_ =	sdelay $0x4  }
0x9d: {  	[tilespmem:v34+s14+$0x0] =	vst.idx.msk $0xffff, v33  }
0x9e: {  	s11 =	sadd.s32 $0x3, s0;
	v34 =	vadd.s32 v12, v35;
	v33 =	vld [tilespmem:s1+$0xFFFFFFB0]  }
0x9f: {  	v35 =	vmov s11  }
0xa0: {  	v35 =	vshrl.u32 v35, $0x3  }
0xa1: {  	v35 =	vshll.u32 v35, v1  }
0xa2: {  	v35 =	vbroadcast v35, $0x0  }
0xa3: {  	[tilespmem:v34+s14+$0x0] =	vst.idx.msk $0xffff, v33  }
0xa4: {  	v34 =	vadd.s32 v13, v35;
	v33 =	vld [tilespmem:s1+$0xFFFFFFC0];
	_ =	sdelay $0x4  }
0xa5: {  	[tilespmem:v34+s14+$0x0] =	vst.idx.msk $0xffff, v33  }
0xa6: {  	v34 =	vadd.s32 v14, v35;
	v33 =	vld [tilespmem:s1+$0xFFFFFFD0];
	_ =	sdelay $0x4  }
0xa7: {  	[tilespmem:v34+s14+$0x0] =	vst.idx.msk $0xffff, v33  }
0xa8: {  	v34 =	vadd.s32 v15, v35;
	v33 =	vld [tilespmem:s1+$0xFFFFFFE0];
	_ =	sdelay $0x4  }
0xa9: {  	[tilespmem:v34+s14+$0x0] =	vst.idx.msk $0xffff, v33  }
0xaa: {  	s11 =	sadd.s32 $0x4, s0;
	v34 =	vadd.s32 v16, v35;
	v33 =	vld [tilespmem:s1+$0xFFFFFFF0]  }
0xab: {  	v35 =	vmov s11  }
0xac: {  	v35 =	vshrl.u32 v35, $0x3  }
0xad: {  	v35 =	vshll.u32 v35, v1  }
0xae: {  	v35 =	vbroadcast v35, $0x0  }
0xaf: {  	[tilespmem:v34+s14+$0x0] =	vst.idx.msk $0xffff, v33  }
0xb0: {  	v34 =	vadd.s32 v17, v35;
	v33 =	vld [tilespmem:s1+$0x0];
	_ =	sdelay $0x4  }
0xb1: {  	[tilespmem:v34+s14+$0x0] =	vst.idx.msk $0xffff, v33  }
0xb2: {  	v34 =	vadd.s32 v18, v35;
	v33 =	vld [tilespmem:s1+$0x10];
	_ =	sdelay $0x4  }
0xb3: {  	[tilespmem:v34+s14+$0x0] =	vst.idx.msk $0xffff, v33  }
0xb4: {  	v34 =	vadd.s32 v19, v35;
	v33 =	vld [tilespmem:s1+$0x20];
	_ =	sdelay $0x4  }
0xb5: {  	[tilespmem:v34+s14+$0x0] =	vst.idx.msk $0xffff, v33  }
0xb6: {  	s11 =	sadd.s32 $0x5, s0;
	v34 =	vadd.s32 v20, v35;
	v33 =	vld [tilespmem:s1+$0x30]  }
0xb7: {  	v35 =	vmov s11  }
0xb8: {  	v35 =	vshrl.u32 v35, $0x3  }
0xb9: {  	v35 =	vshll.u32 v35, v1  }
0xba: {  	v35 =	vbroadcast v35, $0x0  }
0xbb: {  	[tilespmem:v34+s14+$0x0] =	vst.idx.msk $0xffff, v33  }
0xbc: {  	v34 =	vadd.s32 v21, v35;
	v33 =	vld [tilespmem:s1+$0x40];
	_ =	sdelay $0x4  }
0xbd: {  	[tilespmem:v34+s14+$0x0] =	vst.idx.msk $0xffff, v33  }
0xbe: {  	v34 =	vadd.s32 v22, v35;
	v33 =	vld [tilespmem:s1+$0x50];
	_ =	sdelay $0x4  }
0xbf: {  	[tilespmem:v34+s14+$0x0] =	vst.idx.msk $0xffff, v33  }
0xc0: {  	v34 =	vadd.s32 v23, v35;
	v33 =	vld [tilespmem:s1+$0x60];
	_ =	sdelay $0x4  }
0xc1: {  	[tilespmem:v34+s14+$0x0] =	vst.idx.msk $0xffff, v33  }
0xc2: {  	s11 =	sadd.s32 $0x6, s0;
	v34 =	vadd.s32 v24, v35;
	v33 =	vld [tilespmem:s1+$0x70]  }
0xc3: {  	v35 =	vmov s11  }
0xc4: {  	v35 =	vshrl.u32 v35, $0x3  }
0xc5: {  	v35 =	vshll.u32 v35, v1  }
0xc6: {  	v35 =	vbroadcast v35, $0x0  }
0xc7: {  	[tilespmem:v34+s14+$0x0] =	vst.idx.msk $0xffff, v33  }
0xc8: {  	v34 =	vadd.s32 v25, v35;
	v33 =	vld [tilespmem:s1+$0x80];
	_ =	sdelay $0x4  }
0xc9: {  	[tilespmem:v34+s14+$0x0] =	vst.idx.msk $0xffff, v33  }
0xca: {  	v34 =	vadd.s32 v26, v35;
	v33 =	vld [tilespmem:s1+$0x90];
	_ =	sdelay $0x4  }
0xcb: {  	[tilespmem:v34+s14+$0x0] =	vst.idx.msk $0xffff, v33  }
0xcc: {  	v34 =	vadd.s32 v27, v35;
	v33 =	vld [tilespmem:s1+$0xA0];
	_ =	sdelay $0x4  }
0xcd: {  	[tilespmem:v34+s14+$0x0] =	vst.idx.msk $0xffff, v33  }
0xce: {  	s11 =	sadd.s32 $0x7, s0;
	s0 =	smov.u32 s10;
	v34 =	vadd.s32 v28, v35;
	v33 =	vld [tilespmem:s1+$0xB0]  }
0xcf: {  	v35 =	vmov s11  }
0xd0: {  	v35 =	vshrl.u32 v35, $0x3  }
0xd1: {  	v35 =	vshll.u32 v35, v1  }
0xd2: {  	v35 =	vbroadcast v35, $0x0  }
0xd3: {  	[tilespmem:v34+s14+$0x0] =	vst.idx.msk $0xffff, v33  }
0xd4: {  	v34 =	vadd.s32 v29, v35;
	v33 =	vld [tilespmem:s1+$0xC0];
	_ =	sdelay $0x4  }
0xd5: {  	[tilespmem:v34+s14+$0x0] =	vst.idx.msk $0xffff, v33  }
0xd6: {  	v34 =	vadd.s32 v30, v35;
	v33 =	vld [tilespmem:s1+$0xD0];
	_ =	sdelay $0x4  }
0xd7: {  	[tilespmem:v34+s14+$0x0] =	vst.idx.msk $0xffff, v33  }
0xd8: {  	v34 =	vadd.s32 v31, v35;
	v33 =	vld [tilespmem:s1+$0xE0];
	_ =	sdelay $0x2  }
.Ltmp0:
0xd9: {  	(pc) =	sbr.rel @p1 .LBB2_3-.Ltmp0, $4  }
0xda: {  	_ = 	snop  }
0xdb: {  	[tilespmem:v34+s14+$0x0] =	vst.idx.msk $0xffff, v33  }
0xdc: {  	v34 =	vadd.s32 v32, v35;
	v33 =	vld [tilespmem:s1+$0xF0]  }
0xdd: {  	s10 =	sadd.s32 $0x8, s10;
	v35 =	vmov s0  }
0xde: {  	_ = 	snop  }
0xdf: {  	v35 =	vshrl.u32 v35, $0x3  }
0xe0: {  	v35 =	vshll.u32 v35, v1  }
0xe1: {  	v35 =	vbroadcast v35, $0x0  }
0xe2: {  	s1 =	sadd.s32 $0x200, s1;
	[tilespmem:v34+s14+$0x0] =	vst.idx.msk $0xffff, v33  }
0xe3: {  	v33 =	vld [tilespmem:s1+$0xFFFFFF00];
	v53 =	vadd.s32 v0, v35;
	_ =	sdelay $0x4  }
0xe4: {  	[tilespmem:v53+s14+$0x0] =	vst.idx.msk $0xffff, v33  }
0xe5: {  	v54 =	vadd.s32 v2, v35;
	v33 =	vld [tilespmem:s1+$0xFFFFFF10];
	_ =	sdelay $0x4  }
0xe6: {  	[tilespmem:v54+s14+$0x0] =	vst.idx.msk $0xffff, v33  }
0xe7: {  	v55 =	vadd.s32 v3, v35;
	v33 =	vld [tilespmem:s1+$0xFFFFFF20];
	_ =	sdelay $0x4  }
0xe8: {  	[tilespmem:v55+s14+$0x0] =	vst.idx.msk $0xffff, v33  }
0xe9: {  	s10 =	sadd.s32 $0x1, s0;
	v56 =	vadd.s32 v4, v35;
	v33 =	vld [tilespmem:s1+$0xFFFFFF30]  }
0xea: {  	v57 =	vmov s10  }
0xeb: {  	v35 =	vshrl.u32 v57, $0x3  }
0xec: {  	v35 =	vshll.u32 v35, v1  }
0xed: {  	v35 =	vbroadcast v35, $0x0  }
0xee: {  	[tilespmem:v56+s14+$0x0] =	vst.idx.msk $0xffff, v33  }
0xef: {  	v58 =	vadd.s32 v5, v35;
	v33 =	vld [tilespmem:s1+$0xFFFFFF40];
	_ =	sdelay $0x4  }
0xf0: {  	[tilespmem:v58+s14+$0x0] =	vst.idx.msk $0xffff, v33  }
0xf1: {  	v59 =	vadd.s32 v6, v35;
	v33 =	vld [tilespmem:s1+$0xFFFFFF50];
	_ =	sdelay $0x4  }
0xf2: {  	[tilespmem:v59+s14+$0x0] =	vst.idx.msk $0xffff, v33  }
0xf3: {  	v60 =	vadd.s32 v7, v35;
	v33 =	vld [tilespmem:s1+$0xFFFFFF60];
	_ =	sdelay $0x4  }
0xf4: {  	[tilespmem:v60+s14+$0x0] =	vst.idx.msk $0xffff, v33  }
0xf5: {  	s7 =	sadd.s32 $0x2, s0;
	v61 =	vadd.s32 v8, v35;
	v33 =	vld [tilespmem:s1+$0xFFFFFF70]  }
0xf6: {  	v62 =	vmov s7  }
0xf7: {  	v35 =	vshrl.u32 v62, $0x3  }
0xf8: {  	v35 =	vshll.u32 v35, v1  }
0xf9: {  	v35 =	vbroadcast v35, $0x0  }
0xfa: {  	[tilespmem:v61+s14+$0x0] =	vst.idx.msk $0xffff, v33  }
0xfb: {  	v63 =	vadd.s32 v9, v35;
	v33 =	vld [tilespmem:s1+$0xFFFFFF80];
	_ =	sdelay $0x4  }
0xfc: {  	[tilespmem:v63+s14+$0x0] =	vst.idx.msk $0xffff, v33  }
0xfd: {  	v36 =	vadd.s32 v10, v35;
	v33 =	vld [tilespmem:s1+$0xFFFFFF90];
	_ =	sdelay $0x4  }
0xfe: {  	[tilespmem:v36+s14+$0x0] =	vst.idx.msk $0xffff, v33  }
0xff: {  	v37 =	vadd.s32 v11, v35;
	v33 =	vld [tilespmem:s1+$0xFFFFFFA0];
	_ =	sdelay $0x4  }
0x100: {  	[tilespmem:v37+s14+$0x0] =	vst.idx.msk $0xffff, v33  }
0x101: {  	s11 =	sadd.s32 $0x3, s0;
	v38 =	vadd.s32 v12, v35;
	v33 =	vld [tilespmem:s1+$0xFFFFFFB0]  }
0x102: {  	v39 =	vmov s11  }
0x103: {  	v35 =	vshrl.u32 v39, $0x3  }
0x104: {  	v35 =	vshll.u32 v35, v1  }
0x105: {  	v35 =	vbroadcast v35, $0x0  }
0x106: {  	[tilespmem:v38+s14+$0x0] =	vst.idx.msk $0xffff, v33  }
0x107: {  	v40 =	vadd.s32 v13, v35;
	v33 =	vld [tilespmem:s1+$0xFFFFFFC0];
	_ =	sdelay $0x4  }
0x108: {  	[tilespmem:v40+s14+$0x0] =	vst.idx.msk $0xffff, v33  }
0x109: {  	v41 =	vadd.s32 v14, v35;
	v33 =	vld [tilespmem:s1+$0xFFFFFFD0];
	_ =	sdelay $0x4  }
0x10a: {  	[tilespmem:v41+s14+$0x0] =	vst.idx.msk $0xffff, v33  }
0x10b: {  	v42 =	vadd.s32 v15, v35;
	v33 =	vld [tilespmem:s1+$0xFFFFFFE0];
	_ =	sdelay $0x4  }
0x10c: {  	[tilespmem:v42+s14+$0x0] =	vst.idx.msk $0xffff, v33  }
0x10d: {  	s6 =	sadd.s32 $0x4, s0;
	v43 =	vadd.s32 v16, v35;
	v33 =	vld [tilespmem:s1+$0xFFFFFFF0]  }
0x10e: {  	v44 =	vmov s6  }
0x10f: {  	v35 =	vshrl.u32 v44, $0x3  }
0x110: {  	v35 =	vshll.u32 v35, v1  }
0x111: {  	v35 =	vbroadcast v35, $0x0  }
0x112: {  	[tilespmem:v43+s14+$0x0] =	vst.idx.msk $0xffff, v33  }
0x113: {  	v45 =	vadd.s32 v17, v35;
	v33 =	vld [tilespmem:s1+$0x0];
	_ =	sdelay $0x4  }
0x114: {  	[tilespmem:v45+s14+$0x0] =	vst.idx.msk $0xffff, v33  }
0x115: {  	v46 =	vadd.s32 v18, v35;
	v33 =	vld [tilespmem:s1+$0x10];
	_ =	sdelay $0x4  }
0x116: {  	[tilespmem:v46+s14+$0x0] =	vst.idx.msk $0xffff, v33  }
0x117: {  	v47 =	vadd.s32 v19, v35;
	v33 =	vld [tilespmem:s1+$0x20];
	_ =	sdelay $0x4  }
0x118: {  	[tilespmem:v47+s14+$0x0] =	vst.idx.msk $0xffff, v33  }
0x119: {  	s7 =	sadd.s32 $0x5, s0;
	v48 =	vadd.s32 v20, v35;
	v33 =	vld [tilespmem:s1+$0x30]  }
0x11a: {  	v49 =	vmov s7  }
0x11b: {  	v35 =	vshrl.u32 v49, $0x3  }
0x11c: {  	v35 =	vshll.u32 v35, v1  }
0x11d: {  	v35 =	vbroadcast v35, $0x0  }
0x11e: {  	[tilespmem:v48+s14+$0x0] =	vst.idx.msk $0xffff, v33  }
0x11f: {  	v50 =	vadd.s32 v21, v35;
	v33 =	vld [tilespmem:s1+$0x40];
	_ =	sdelay $0x4  }
0x120: {  	[tilespmem:v50+s14+$0x0] =	vst.idx.msk $0xffff, v33  }
0x121: {  	v51 =	vadd.s32 v22, v35;
	v33 =	vld [tilespmem:s1+$0x50];
	_ =	sdelay $0x4  }
0x122: {  	[tilespmem:v51+s14+$0x0] =	vst.idx.msk $0xffff, v33  }
0x123: {  	v52 =	vadd.s32 v23, v35;
	v33 =	vld [tilespmem:s1+$0x60];
	_ =	sdelay $0x4  }
0x124: {  	[tilespmem:v52+s14+$0x0] =	vst.idx.msk $0xffff, v33  }
0x125: {  	s11 =	sadd.s32 $0x6, s0;
	v53 =	vadd.s32 v24, v35;
	v33 =	vld [tilespmem:s1+$0x70]  }
0x126: {  	v54 =	vmov s11  }
0x127: {  	v35 =	vshrl.u32 v54, $0x3  }
0x128: {  	v35 =	vshll.u32 v35, v1  }
0x129: {  	v35 =	vbroadcast v35, $0x0  }
0x12a: {  	[tilespmem:v53+s14+$0x0] =	vst.idx.msk $0xffff, v33  }
0x12b: {  	v55 =	vadd.s32 v25, v35;
	v33 =	vld [tilespmem:s1+$0x80];
	_ =	sdelay $0x4  }
0x12c: {  	[tilespmem:v55+s14+$0x0] =	vst.idx.msk $0xffff, v33  }
0x12d: {  	v56 =	vadd.s32 v26, v35;
	v33 =	vld [tilespmem:s1+$0x90];
	_ =	sdelay $0x4  }
0x12e: {  	[tilespmem:v56+s14+$0x0] =	vst.idx.msk $0xffff, v33  }
0x12f: {  	v57 =	vadd.s32 v27, v35;
	v33 =	vld [tilespmem:s1+$0xA0];
	_ =	sdelay $0x4  }
0x130: {  	[tilespmem:v57+s14+$0x0] =	vst.idx.msk $0xffff, v33  }
0x131: {  	s6 =	sadd.s32 $0x7, s0;
	v58 =	vadd.s32 v28, v35;
	v33 =	vld [tilespmem:s1+$0xB0]  }
0x132: {  	v59 =	vmov s6  }
0x133: {  	v35 =	vshrl.u32 v59, $0x3  }
0x134: {  	v35 =	vshll.u32 v35, v1  }
0x135: {  	v35 =	vbroadcast v35, $0x0  }
0x136: {  	[tilespmem:v58+s14+$0x0] =	vst.idx.msk $0xffff, v33  }
0x137: {  	v60 =	vadd.s32 v29, v35;
	v33 =	vld [tilespmem:s1+$0xC0];
	_ =	sdelay $0x4  }
0x138: {  	[tilespmem:v60+s14+$0x0] =	vst.idx.msk $0xffff, v33  }
0x139: {  	v61 =	vadd.s32 v30, v35;
	v33 =	vld [tilespmem:s1+$0xD0];
	_ =	sdelay $0x4  }
0x13a: {  	[tilespmem:v61+s14+$0x0] =	vst.idx.msk $0xffff, v33  }
0x13b: {  	v62 =	vadd.s32 v31, v35;
	v33 =	vld [tilespmem:s1+$0xE0];
	_ =	sdelay $0x4  }
0x13c: {  	[tilespmem:v62+s14+$0x0] =	vst.idx.msk $0xffff, v33  }
0x13d: {  	v63 =	vadd.s32 v32, v35;
	v33 =	vld [tilespmem:s1+$0xF0];
	_ =	sdelay $0x1  }
0x13e: {  	s7 =	sshll.u32 s29, $0x7  }
0x13f: {  	s10 =	sshll.u32 s29, $0xA;
	s0 =	sand.u32 $0x3E00, s7  }
0x140: {  	s0 =	sadd.s32 s2, s0;
	s1 =	sand.u32 $0xFFE0000, s10  }
0x141: {  	s11 =	simm.s32 $0xA800;
	s1 =	sadd.s32 s1, s0;
	[tilespmem:v63+s14+$0x0] =	vst.idx.msk $0xffff, v33  }
0x142: {  	[hbm4b:s1+s3] =	stream.linear.scatter [tilespmem:s11], [sflag:$0x5], $0x80, $0x38;
	[tilespmem:$0x13000] =	vst v63  }
0x143: {  	s6 =	simm.s32 $0xA888;
	s7 =	sadd.s32 $0x10, s1  }
0x144: {  	[hbm4b:s7+s3] =	stream.linear.scatter [tilespmem:s6], [sflag:$0x5], $0x80, $0x38;
	[tilespmem:$0x13000] =	vst v63  }
0x145: {  	s10 =	simm.s32 $0xA910;
	s11 =	sadd.s32 $0x20, s1  }
0x146: {  	[hbm4b:s11+s3] =	stream.linear.scatter [tilespmem:s10], [sflag:$0x5], $0x80, $0x38;
	[tilespmem:$0x13000] =	vst v63  }
0x147: {  	s6 =	simm.s32 $0xA998;
	s7 =	sadd.s32 $0x30, s1  }
0x148: {  	[hbm4b:s7+s3] =	stream.linear.scatter [tilespmem:s6], [sflag:$0x5], $0x80, $0x38;
	[tilespmem:$0x13000] =	vst v63  }
0x149: {  	s10 =	simm.s32 $0xAA20;
	s11 =	sadd.s32 $0x40, s1  }
0x14a: {  	[hbm4b:s11+s3] =	stream.linear.scatter [tilespmem:s10], [sflag:$0x5], $0x80, $0x38;
	[tilespmem:$0x13000] =	vst v63  }
0x14b: {  	s29 =	simm.s32 $0xABB8;
	s6 =	simm.s32 $0xAAA8;
	s7 =	sadd.s32 $0x50, s1  }
0x14c: {  	[hbm4b:s7+s3] =	stream.linear.scatter [tilespmem:s6], [sflag:$0x5], $0x80, $0x38;
	[tilespmem:$0x13000] =	vst v63  }
0x14d: {  	s0 =	simm.s32 $0x440;
	s10 =	simm.s32 $0xAB30;
	s11 =	sadd.s32 $0x60, s1  }
0x14e: {  	[hbm4b:s11+s3] =	stream.linear.scatter [tilespmem:s10], [sflag:$0x5], $0x80, $0x38;
	[tilespmem:$0x13000] =	vst v63  }
0x14f: {  	s10 =	simm.s32 $0x2200;
	s11 =	sadd.s32 $0x70, s1;
	s1 =	sadd.s32 $0x4000, s1  }
.LBB2_5:
0x150: {  	[hbm4b:s11+s3] =	stream.linear.scatter [tilespmem:s29], [sflag:$0x5], $0x80, $0x38;
	[tilespmem:$0x13000] =	vst v63  }
0x151: {  	s11 =	smov.u32 s0;
	s0 =	smov.u32 s10  }
0x152: {  	s6 =	sadd.s32 $0x1100, s10;
	s0 =	sshra.s32 s0, $0x2;
	s29 =	sadd.s32 $0xA800, s11  }
0x153: {  	[hbm4b:s1+s3] =	stream.linear.scatter [tilespmem:s29], [sflag:$0x5], $0x80, $0x38;
	[tilespmem:$0x13000] =	vst v63  }
0x154: {  	p1 =	sne.s32 s10, $0x7700;
	s10 =	sadd.s32 $0xA888, s11;
	s29 =	sadd.s32 $0x10, s1  }
0x155: {  	[hbm4b:s29+s3] =	stream.linear.scatter [tilespmem:s10], [sflag:$0x5], $0x80, $0x38;
	[tilespmem:$0x13000] =	vst v63  }
0x156: {  	s10 =	sadd.s32 $0xA910, s11;
	s29 =	sadd.s32 $0x20, s1  }
0x157: {  	[hbm4b:s29+s3] =	stream.linear.scatter [tilespmem:s10], [sflag:$0x5], $0x80, $0x38;
	[tilespmem:$0x13000] =	vst v63  }
0x158: {  	s10 =	sadd.s32 $0xA998, s11;
	s29 =	sadd.s32 $0x30, s1  }
0x159: {  	[hbm4b:s29+s3] =	stream.linear.scatter [tilespmem:s10], [sflag:$0x5], $0x80, $0x38;
	[tilespmem:$0x13000] =	vst v63  }
0x15a: {  	s10 =	sadd.s32 $0xAA20, s11;
	s29 =	sadd.s32 $0x40, s1  }
0x15b: {  	[hbm4b:s29+s3] =	stream.linear.scatter [tilespmem:s10], [sflag:$0x5], $0x80, $0x38;
	[tilespmem:$0x13000] =	vst v63  }
0x15c: {  	s10 =	sadd.s32 $0xAAA8, s11;
	s29 =	sadd.s32 $0x50, s1  }
0x15d: {  	[hbm4b:s29+s3] =	stream.linear.scatter [tilespmem:s10], [sflag:$0x5], $0x80, $0x38;
	[tilespmem:$0x13000] =	vst v63  }
.Ltmp1:
0x15e: {  	_ = 	snop;
	(pc) =	sbr.rel @p1 .LBB2_5-.Ltmp1, $4  }
0x15f: {  	s10 =	sadd.s32 $0xAB30, s11;
	s29 =	sadd.s32 $0x60, s1  }
0x160: {  	[hbm4b:s29+s3] =	stream.linear.scatter [tilespmem:s10], [sflag:$0x5], $0x80, $0x38;
	[tilespmem:$0x13000] =	vst v63  }
0x161: {  	s29 =	sadd.s32 $0xABB8, s11  }
0x162: {  	s11 =	sadd.s32 $0x70, s1;
	s1 =	sadd.s32 $0x4000, s1;
	s10 =	smov.u32 s6  }
0x163: {  	[hbm4b:s11+s3] =	stream.linear.scatter [tilespmem:s29], [sflag:$0x5], $0x80, $0x38;
	[tilespmem:$0x13000] =	vst v63  }
0x164: {  	s6 =	sadd.s32 $0xA800, s0  }
0x165: {  	[hbm4b:s1+s3] =	stream.linear.scatter [tilespmem:s6], [sflag:$0x5], $0x80, $0x38;
	[tilespmem:$0x13000] =	vst v63  }
0x166: {  	s7 =	sadd.s32 $0xA888, s0;
	s10 =	sadd.s32 $0x10, s1  }
0x167: {  	[hbm4b:s10+s3] =	stream.linear.scatter [tilespmem:s7], [sflag:$0x5], $0x80, $0x38;
	[tilespmem:$0x13000] =	vst v63  }
0x168: {  	s11 =	sadd.s32 $0xA910, s0;
	s7 =	sadd.s32 $0x20, s1  }
0x169: {  	[hbm4b:s7+s3] =	stream.linear.scatter [tilespmem:s11], [sflag:$0x5], $0x80, $0x38;
	[tilespmem:$0x13000] =	vst v63  }
0x16a: {  	s11 =	sadd.s32 $0xA998, s0;
	s7 =	sadd.s32 $0x30, s1  }
0x16b: {  	[hbm4b:s7+s3] =	stream.linear.scatter [tilespmem:s11], [sflag:$0x5], $0x80, $0x38;
	[tilespmem:$0x13000] =	vst v63  }
0x16c: {  	s11 =	sadd.s32 $0xAA20, s0;
	s7 =	sadd.s32 $0x40, s1  }
0x16d: {  	[hbm4b:s7+s3] =	stream.linear.scatter [tilespmem:s11], [sflag:$0x5], $0x80, $0x38;
	[tilespmem:$0x13000] =	vst v63  }
0x16e: {  	s11 =	sadd.s32 $0xAAA8, s0;
	s7 =	sadd.s32 $0x50, s1  }
0x16f: {  	[hbm4b:s7+s3] =	stream.linear.scatter [tilespmem:s11], [sflag:$0x5], $0x80, $0x38;
	[tilespmem:$0x13000] =	vst v63  }
0x170: {  	s10 =	sadd.s32 $0xAB30, s0;
	s11 =	sadd.s32 $0x60, s1  }
0x171: {  	[hbm4b:s11+s3] =	stream.linear.scatter [tilespmem:s10], [sflag:$0x5], $0x80, $0x38;
	[tilespmem:$0x13000] =	vst v63  }
0x172: {  	s6 =	sadd.s32 $0xABB8, s0;
	s7 =	sadd.s32 $0x70, s1  }
0x173: {  	[hbm4b:s7+s3] =	stream.linear.scatter [tilespmem:s6], [sflag:$0x5], $0x80, $0x38;
	[tilespmem:$0x13000] =	vst v63  }
0x174: {  	s29 =	sor.u32 $0x3, s31;
	_ =	swait.ge [sflag:s15], $0x2000  }
0x175: {  	s10 =	sshll.u32 s29, $0x7;
	[sflag:s15] =	ssyncset.done $0x0  }
0x176: {  	s11 =	simm.s32 $0x0;
	s0 =	sand.u32 $0x3FFFFF80, s10;
	[sflag:s15] =	ssyncadd.s32 $0xFFFFE000  }
0x177: {  	v33 =	vmov s11;
	[tilespmem:s16], [sflag:$0x4] =	stream.indirect.gather [hbm4b:s4+s9], $0x40, s0, s9, $0xb8;
	[tilespmem:$0x13000] =	vst v63  }
0x178: {  	v33 =	vshrl.u32 v33, $0x3;
	s0 =	simm.s32 @!p0 $0x6  }
0x179: {  	v33 =	vshll.u32 v33, v1;
	_ =	swait.ge @!p0 [sflag:s0], $0x2000  }
0x17a: {  	v33 =	vbroadcast v33, $0x0;
	[sflag:s0] =	ssyncset.done @!p0 $0x0  }
0x17b: {  	s1 =	simm.s32 $0x49F0;
	[sflag:s0] =	ssyncadd.s32 @!p0 $0xFFFFE000  }
0x17c: {  	v35 =	vadd.s32 v0, v33;
	v34 =	vld [tilespmem:s1+$0xFFFFFE10];
	_ =	sdelay $0x4  }
0x17d: {  	[tilespmem:v35+s17+$0x0] =	vst.idx.msk $0xffff, v34  }
0x17e: {  	v56 =	vadd.s32 v2, v33;
	v34 =	vld [tilespmem:s1+$0xFFFFFE20];
	_ =	sdelay $0x4  }
0x17f: {  	[tilespmem:v56+s17+$0x0] =	vst.idx.msk $0xffff, v34  }
0x180: {  	v57 =	vadd.s32 v3, v33;
	v34 =	vld [tilespmem:s1+$0xFFFFFE30];
	_ =	sdelay $0x4  }
0x181: {  	[tilespmem:v57+s17+$0x0] =	vst.idx.msk $0xffff, v34  }
0x182: {  	s6 =	simm.s32 $0x1;
	v33 =	vadd.s32 v4, v33;
	v34 =	vld [tilespmem:s1+$0xFFFFFE40]  }
0x183: {  	v58 =	vmov s6  }
0x184: {  	v35 =	vshrl.u32 v58, $0x3  }
0x185: {  	v35 =	vshll.u32 v35, v1  }
0x186: {  	v35 =	vbroadcast v35, $0x0  }
0x187: {  	[tilespmem:v33+s17+$0x0] =	vst.idx.msk $0xffff, v34  }
0x188: {  	v59 =	vadd.s32 v5, v35;
	v33 =	vld [tilespmem:s1+$0xFFFFFE50];
	_ =	sdelay $0x4  }
0x189: {  	[tilespmem:v59+s17+$0x0] =	vst.idx.msk $0xffff, v33  }
0x18a: {  	v60 =	vadd.s32 v6, v35;
	v33 =	vld [tilespmem:s1+$0xFFFFFE60];
	_ =	sdelay $0x4  }
0x18b: {  	[tilespmem:v60+s17+$0x0] =	vst.idx.msk $0xffff, v33  }
0x18c: {  	v61 =	vadd.s32 v7, v35;
	v33 =	vld [tilespmem:s1+$0xFFFFFE70];
	_ =	sdelay $0x4  }
0x18d: {  	[tilespmem:v61+s17+$0x0] =	vst.idx.msk $0xffff, v33  }
0x18e: {  	s7 =	simm.s32 $0x2;
	v62 =	vadd.s32 v8, v35;
	v33 =	vld [tilespmem:s1+$0xFFFFFE80]  }
0x18f: {  	v63 =	vmov s7  }
0x190: {  	v35 =	vshrl.u32 v63, $0x3  }
0x191: {  	v35 =	vshll.u32 v35, v1  }
0x192: {  	v35 =	vbroadcast v35, $0x0  }
0x193: {  	[tilespmem:v62+s17+$0x0] =	vst.idx.msk $0xffff, v33  }
0x194: {  	v36 =	vadd.s32 v9, v35;
	v33 =	vld [tilespmem:s1+$0xFFFFFE90];
	_ =	sdelay $0x4  }
0x195: {  	[tilespmem:v36+s17+$0x0] =	vst.idx.msk $0xffff, v33  }
0x196: {  	v37 =	vadd.s32 v10, v35;
	v33 =	vld [tilespmem:s1+$0xFFFFFEA0];
	_ =	sdelay $0x4  }
0x197: {  	[tilespmem:v37+s17+$0x0] =	vst.idx.msk $0xffff, v33  }
0x198: {  	v38 =	vadd.s32 v11, v35;
	v33 =	vld [tilespmem:s1+$0xFFFFFEB0];
	_ =	sdelay $0x4  }
0x199: {  	[tilespmem:v38+s17+$0x0] =	vst.idx.msk $0xffff, v33  }
0x19a: {  	s10 =	simm.s32 $0x3;
	v39 =	vadd.s32 v12, v35;
	v33 =	vld [tilespmem:s1+$0xFFFFFEC0]  }
0x19b: {  	v40 =	vmov s10  }
0x19c: {  	v35 =	vshrl.u32 v40, $0x3  }
0x19d: {  	v35 =	vshll.u32 v35, v1  }
0x19e: {  	v35 =	vbroadcast v35, $0x0  }
0x19f: {  	[tilespmem:v39+s17+$0x0] =	vst.idx.msk $0xffff, v33  }
0x1a0: {  	v41 =	vadd.s32 v13, v35;
	v33 =	vld [tilespmem:s1+$0xFFFFFED0];
	_ =	sdelay $0x4  }
0x1a1: {  	[tilespmem:v41+s17+$0x0] =	vst.idx.msk $0xffff, v33  }
0x1a2: {  	v42 =	vadd.s32 v14, v35;
	v33 =	vld [tilespmem:s1+$0xFFFFFEE0];
	_ =	sdelay $0x4  }
0x1a3: {  	[tilespmem:v42+s17+$0x0] =	vst.idx.msk $0xffff, v33  }
0x1a4: {  	v43 =	vadd.s32 v15, v35;
	v33 =	vld [tilespmem:s1+$0xFFFFFEF0];
	_ =	sdelay $0x4  }
0x1a5: {  	[tilespmem:v43+s17+$0x0] =	vst.idx.msk $0xffff, v33  }
0x1a6: {  	s11 =	simm.s32 $0x4;
	v44 =	vadd.s32 v16, v35;
	v33 =	vld [tilespmem:s1+$0xFFFFFF00]  }
0x1a7: {  	v45 =	vmov s11  }
0x1a8: {  	v35 =	vshrl.u32 v45, $0x3  }
0x1a9: {  	v35 =	vshll.u32 v35, v1  }
0x1aa: {  	v35 =	vbroadcast v35, $0x0  }
0x1ab: {  	[tilespmem:v44+s17+$0x0] =	vst.idx.msk $0xffff, v33  }
0x1ac: {  	v46 =	vadd.s32 v17, v35;
	v33 =	vld [tilespmem:s1+$0xFFFFFF10];
	_ =	sdelay $0x4  }
0x1ad: {  	[tilespmem:v46+s17+$0x0] =	vst.idx.msk $0xffff, v33  }
0x1ae: {  	v47 =	vadd.s32 v18, v35;
	v33 =	vld [tilespmem:s1+$0xFFFFFF20];
	_ =	sdelay $0x4  }
0x1af: {  	[tilespmem:v47+s17+$0x0] =	vst.idx.msk $0xffff, v33  }
0x1b0: {  	v48 =	vadd.s32 v19, v35;
	v33 =	vld [tilespmem:s1+$0xFFFFFF30];
	_ =	sdelay $0x4  }
0x1b1: {  	[tilespmem:v48+s17+$0x0] =	vst.idx.msk $0xffff, v33  }
0x1b2: {  	s6 =	simm.s32 $0x5;
	v49 =	vadd.s32 v20, v35;
	v33 =	vld [tilespmem:s1+$0xFFFFFF40]  }
0x1b3: {  	v50 =	vmov s6  }
0x1b4: {  	v35 =	vshrl.u32 v50, $0x3  }
0x1b5: {  	v35 =	vshll.u32 v35, v1  }
0x1b6: {  	v35 =	vbroadcast v35, $0x0  }
0x1b7: {  	[tilespmem:v49+s17+$0x0] =	vst.idx.msk $0xffff, v33  }
0x1b8: {  	v51 =	vadd.s32 v21, v35;
	v33 =	vld [tilespmem:s1+$0xFFFFFF50];
	_ =	sdelay $0x4  }
0x1b9: {  	[tilespmem:v51+s17+$0x0] =	vst.idx.msk $0xffff, v33  }
0x1ba: {  	v52 =	vadd.s32 v22, v35;
	v33 =	vld [tilespmem:s1+$0xFFFFFF60];
	_ =	sdelay $0x4  }
0x1bb: {  	[tilespmem:v52+s17+$0x0] =	vst.idx.msk $0xffff, v33  }
0x1bc: {  	v53 =	vadd.s32 v23, v35;
	v33 =	vld [tilespmem:s1+$0xFFFFFF70];
	_ =	sdelay $0x4  }
0x1bd: {  	[tilespmem:v53+s17+$0x0] =	vst.idx.msk $0xffff, v33  }
0x1be: {  	s7 =	simm.s32 $0x6;
	v54 =	vadd.s32 v24, v35;
	v33 =	vld [tilespmem:s1+$0xFFFFFF80]  }
0x1bf: {  	v55 =	vmov s7  }
0x1c0: {  	v35 =	vshrl.u32 v55, $0x3  }
0x1c1: {  	v35 =	vshll.u32 v35, v1  }
0x1c2: {  	v35 =	vbroadcast v35, $0x0  }
0x1c3: {  	[tilespmem:v54+s17+$0x0] =	vst.idx.msk $0xffff, v33  }
0x1c4: {  	v56 =	vadd.s32 v25, v35;
	v33 =	vld [tilespmem:s1+$0xFFFFFF90];
	_ =	sdelay $0x4  }
0x1c5: {  	[tilespmem:v56+s17+$0x0] =	vst.idx.msk $0xffff, v33  }
0x1c6: {  	v57 =	vadd.s32 v26, v35;
	v33 =	vld [tilespmem:s1+$0xFFFFFFA0];
	_ =	sdelay $0x4  }
0x1c7: {  	[tilespmem:v57+s17+$0x0] =	vst.idx.msk $0xffff, v33  }
0x1c8: {  	v58 =	vadd.s32 v27, v35;
	v33 =	vld [tilespmem:s1+$0xFFFFFFB0];
	_ =	sdelay $0x4  }
0x1c9: {  	[tilespmem:v58+s17+$0x0] =	vst.idx.msk $0xffff, v33  }
0x1ca: {  	s10 =	simm.s32 $0x7;
	v59 =	vadd.s32 v28, v35;
	v33 =	vld [tilespmem:s1+$0xFFFFFFC0]  }
0x1cb: {  	v60 =	vmov s10  }
0x1cc: {  	v35 =	vshrl.u32 v60, $0x3  }
0x1cd: {  	v35 =	vshll.u32 v35, v1  }
0x1ce: {  	v35 =	vbroadcast v35, $0x0  }
0x1cf: {  	[tilespmem:v59+s17+$0x0] =	vst.idx.msk $0xffff, v33  }
0x1d0: {  	v61 =	vadd.s32 v29, v35;
	v33 =	vld [tilespmem:s1+$0xFFFFFFD0];
	_ =	sdelay $0x4  }
0x1d1: {  	[tilespmem:v61+s17+$0x0] =	vst.idx.msk $0xffff, v33  }
0x1d2: {  	v62 =	vadd.s32 v30, v35;
	v33 =	vld [tilespmem:s1+$0xFFFFFFE0];
	_ =	sdelay $0x4  }
0x1d3: {  	[tilespmem:v62+s17+$0x0] =	vst.idx.msk $0xffff, v33  }
0x1d4: {  	v63 =	vadd.s32 v31, v35;
	v33 =	vld [tilespmem:s1+$0xFFFFFFF0];
	_ =	sdelay $0x4  }
0x1d5: {  	[tilespmem:v63+s17+$0x0] =	vst.idx.msk $0xffff, v33  }
0x1d6: {  	s11 =	sadd.s32 s31, s5;
	s0 =	simm.s32 $0x8;
	v34 =	vadd.s32 v32, v35;
	v33 =	vld [tilespmem:s1+$0x0]  }
0x1d7: {  	s31 =	sadd.s32 $0x1, s11;
	s10 =	simm.s32 $0x10;
	v35 =	vmov s0  }
.LBB2_7:
0x1d8: {  	p0 =	slt.u32 s10, $0x78;
	v35 =	vshrl.u32 v35, $0x3  }
0x1d9: {  	v35 =	vshll.u32 v35, v1  }
0x1da: {  	v35 =	vbroadcast v35, $0x0  }
0x1db: {  	s1 =	sadd.s32 $0x200, s1;
	[tilespmem:v34+s17+$0x0] =	vst.idx.msk $0xffff, v33  }
0x1dc: {  	v33 =	vld [tilespmem:s1+$0xFFFFFE10];
	v34 =	vadd.s32 v0, v35;
	_ =	sdelay $0x4  }
0x1dd: {  	[tilespmem:v34+s17+$0x0] =	vst.idx.msk $0xffff, v33  }
0x1de: {  	v34 =	vadd.s32 v2, v35;
	v33 =	vld [tilespmem:s1+$0xFFFFFE20];
	_ =	sdelay $0x4  }
0x1df: {  	[tilespmem:v34+s17+$0x0] =	vst.idx.msk $0xffff, v33  }
0x1e0: {  	v34 =	vadd.s32 v3, v35;
	v33 =	vld [tilespmem:s1+$0xFFFFFE30];
	_ =	sdelay $0x4  }
0x1e1: {  	[tilespmem:v34+s17+$0x0] =	vst.idx.msk $0xffff, v33  }
0x1e2: {  	s6 =	sadd.s32 $0x1, s0;
	v34 =	vadd.s32 v4, v35;
	v33 =	vld [tilespmem:s1+$0xFFFFFE40]  }
0x1e3: {  	v35 =	vmov s6  }
0x1e4: {  	v35 =	vshrl.u32 v35, $0x3  }
0x1e5: {  	v35 =	vshll.u32 v35, v1  }
0x1e6: {  	v35 =	vbroadcast v35, $0x0  }
0x1e7: {  	[tilespmem:v34+s17+$0x0] =	vst.idx.msk $0xffff, v33  }
0x1e8: {  	v34 =	vadd.s32 v5, v35;
	v33 =	vld [tilespmem:s1+$0xFFFFFE50];
	_ =	sdelay $0x4  }
0x1e9: {  	[tilespmem:v34+s17+$0x0] =	vst.idx.msk $0xffff, v33  }
0x1ea: {  	v34 =	vadd.s32 v6, v35;
	v33 =	vld [tilespmem:s1+$0xFFFFFE60];
	_ =	sdelay $0x4  }
0x1eb: {  	[tilespmem:v34+s17+$0x0] =	vst.idx.msk $0xffff, v33  }
0x1ec: {  	v34 =	vadd.s32 v7, v35;
	v33 =	vld [tilespmem:s1+$0xFFFFFE70];
	_ =	sdelay $0x4  }
0x1ed: {  	[tilespmem:v34+s17+$0x0] =	vst.idx.msk $0xffff, v33  }
0x1ee: {  	s6 =	sadd.s32 $0x2, s0;
	v34 =	vadd.s32 v8, v35;
	v33 =	vld [tilespmem:s1+$0xFFFFFE80]  }
0x1ef: {  	v35 =	vmov s6  }
0x1f0: {  	v35 =	vshrl.u32 v35, $0x3  }
0x1f1: {  	v35 =	vshll.u32 v35, v1  }
0x1f2: {  	v35 =	vbroadcast v35, $0x0  }
0x1f3: {  	[tilespmem:v34+s17+$0x0] =	vst.idx.msk $0xffff, v33  }
0x1f4: {  	v34 =	vadd.s32 v9, v35;
	v33 =	vld [tilespmem:s1+$0xFFFFFE90];
	_ =	sdelay $0x4  }
0x1f5: {  	[tilespmem:v34+s17+$0x0] =	vst.idx.msk $0xffff, v33  }
0x1f6: {  	v34 =	vadd.s32 v10, v35;
	v33 =	vld [tilespmem:s1+$0xFFFFFEA0];
	_ =	sdelay $0x4  }
0x1f7: {  	[tilespmem:v34+s17+$0x0] =	vst.idx.msk $0xffff, v33  }
0x1f8: {  	v34 =	vadd.s32 v11, v35;
	v33 =	vld [tilespmem:s1+$0xFFFFFEB0];
	_ =	sdelay $0x4  }
0x1f9: {  	[tilespmem:v34+s17+$0x0] =	vst.idx.msk $0xffff, v33  }
0x1fa: {  	s6 =	sadd.s32 $0x3, s0;
	v34 =	vadd.s32 v12, v35;
	v33 =	vld [tilespmem:s1+$0xFFFFFEC0]  }
0x1fb: {  	v35 =	vmov s6  }
0x1fc: {  	v35 =	vshrl.u32 v35, $0x3  }
0x1fd: {  	v35 =	vshll.u32 v35, v1  }
0x1fe: {  	v35 =	vbroadcast v35, $0x0  }
0x1ff: {  	[tilespmem:v34+s17+$0x0] =	vst.idx.msk $0xffff, v33  }
0x200: {  	v34 =	vadd.s32 v13, v35;
	v33 =	vld [tilespmem:s1+$0xFFFFFED0];
	_ =	sdelay $0x4  }
0x201: {  	[tilespmem:v34+s17+$0x0] =	vst.idx.msk $0xffff, v33  }
0x202: {  	v34 =	vadd.s32 v14, v35;
	v33 =	vld [tilespmem:s1+$0xFFFFFEE0];
	_ =	sdelay $0x4  }
0x203: {  	[tilespmem:v34+s17+$0x0] =	vst.idx.msk $0xffff, v33  }
0x204: {  	v34 =	vadd.s32 v15, v35;
	v33 =	vld [tilespmem:s1+$0xFFFFFEF0];
	_ =	sdelay $0x4  }
0x205: {  	[tilespmem:v34+s17+$0x0] =	vst.idx.msk $0xffff, v33  }
0x206: {  	s6 =	sadd.s32 $0x4, s0;
	v34 =	vadd.s32 v16, v35;
	v33 =	vld [tilespmem:s1+$0xFFFFFF00]  }
0x207: {  	v35 =	vmov s6  }
0x208: {  	v35 =	vshrl.u32 v35, $0x3  }
0x209: {  	v35 =	vshll.u32 v35, v1  }
0x20a: {  	v35 =	vbroadcast v35, $0x0  }
0x20b: {  	[tilespmem:v34+s17+$0x0] =	vst.idx.msk $0xffff, v33  }
0x20c: {  	v34 =	vadd.s32 v17, v35;
	v33 =	vld [tilespmem:s1+$0xFFFFFF10];
	_ =	sdelay $0x4  }
0x20d: {  	[tilespmem:v34+s17+$0x0] =	vst.idx.msk $0xffff, v33  }
0x20e: {  	v34 =	vadd.s32 v18, v35;
	v33 =	vld [tilespmem:s1+$0xFFFFFF20];
	_ =	sdelay $0x4  }
0x20f: {  	[tilespmem:v34+s17+$0x0] =	vst.idx.msk $0xffff, v33  }
0x210: {  	v34 =	vadd.s32 v19, v35;
	v33 =	vld [tilespmem:s1+$0xFFFFFF30];
	_ =	sdelay $0x4  }
0x211: {  	[tilespmem:v34+s17+$0x0] =	vst.idx.msk $0xffff, v33  }
0x212: {  	s6 =	sadd.s32 $0x5, s0;
	v34 =	vadd.s32 v20, v35;
	v33 =	vld [tilespmem:s1+$0xFFFFFF40]  }
0x213: {  	v35 =	vmov s6  }
0x214: {  	v35 =	vshrl.u32 v35, $0x3  }
0x215: {  	v35 =	vshll.u32 v35, v1  }
0x216: {  	v35 =	vbroadcast v35, $0x0  }
0x217: {  	[tilespmem:v34+s17+$0x0] =	vst.idx.msk $0xffff, v33  }
0x218: {  	v34 =	vadd.s32 v21, v35;
	v33 =	vld [tilespmem:s1+$0xFFFFFF50];
	_ =	sdelay $0x4  }
0x219: {  	[tilespmem:v34+s17+$0x0] =	vst.idx.msk $0xffff, v33  }
0x21a: {  	v34 =	vadd.s32 v22, v35;
	v33 =	vld [tilespmem:s1+$0xFFFFFF60];
	_ =	sdelay $0x4  }
0x21b: {  	[tilespmem:v34+s17+$0x0] =	vst.idx.msk $0xffff, v33  }
0x21c: {  	v34 =	vadd.s32 v23, v35;
	v33 =	vld [tilespmem:s1+$0xFFFFFF70];
	_ =	sdelay $0x4  }
0x21d: {  	[tilespmem:v34+s17+$0x0] =	vst.idx.msk $0xffff, v33  }
0x21e: {  	s6 =	sadd.s32 $0x6, s0;
	v34 =	vadd.s32 v24, v35;
	v33 =	vld [tilespmem:s1+$0xFFFFFF80]  }
0x21f: {  	v35 =	vmov s6  }
0x220: {  	v35 =	vshrl.u32 v35, $0x3  }
0x221: {  	v35 =	vshll.u32 v35, v1  }
0x222: {  	v35 =	vbroadcast v35, $0x0  }
0x223: {  	[tilespmem:v34+s17+$0x0] =	vst.idx.msk $0xffff, v33  }
0x224: {  	v34 =	vadd.s32 v25, v35;
	v33 =	vld [tilespmem:s1+$0xFFFFFF90];
	_ =	sdelay $0x4  }
0x225: {  	[tilespmem:v34+s17+$0x0] =	vst.idx.msk $0xffff, v33  }
0x226: {  	v34 =	vadd.s32 v26, v35;
	v33 =	vld [tilespmem:s1+$0xFFFFFFA0];
	_ =	sdelay $0x4  }
0x227: {  	[tilespmem:v34+s17+$0x0] =	vst.idx.msk $0xffff, v33  }
0x228: {  	v34 =	vadd.s32 v27, v35;
	v33 =	vld [tilespmem:s1+$0xFFFFFFB0];
	_ =	sdelay $0x4  }
0x229: {  	[tilespmem:v34+s17+$0x0] =	vst.idx.msk $0xffff, v33  }
0x22a: {  	s6 =	sadd.s32 $0x7, s0;
	s0 =	smov.u32 s10;
	v34 =	vadd.s32 v28, v35;
	v33 =	vld [tilespmem:s1+$0xFFFFFFC0]  }
0x22b: {  	v35 =	vmov s6  }
0x22c: {  	v35 =	vshrl.u32 v35, $0x3  }
0x22d: {  	v35 =	vshll.u32 v35, v1  }
0x22e: {  	v35 =	vbroadcast v35, $0x0  }
0x22f: {  	[tilespmem:v34+s17+$0x0] =	vst.idx.msk $0xffff, v33  }
0x230: {  	v34 =	vadd.s32 v29, v35;
	v33 =	vld [tilespmem:s1+$0xFFFFFFD0];
	_ =	sdelay $0x4  }
0x231: {  	[tilespmem:v34+s17+$0x0] =	vst.idx.msk $0xffff, v33  }
0x232: {  	v34 =	vadd.s32 v30, v35;
	v33 =	vld [tilespmem:s1+$0xFFFFFFE0];
	_ =	sdelay $0x4  }
0x233: {  	[tilespmem:v34+s17+$0x0] =	vst.idx.msk $0xffff, v33  }
0x234: {  	v34 =	vadd.s32 v31, v35;
	v33 =	vld [tilespmem:s1+$0xFFFFFFF0];
	_ =	sdelay $0x2  }
.Ltmp2:
0x235: {  	(pc) =	sbr.rel @p0 .LBB2_7-.Ltmp2, $4  }
0x236: {  	_ = 	snop  }
0x237: {  	[tilespmem:v34+s17+$0x0] =	vst.idx.msk $0xffff, v33  }
0x238: {  	v34 =	vadd.s32 v32, v35;
	v33 =	vld [tilespmem:s1+$0x0]  }
0x239: {  	s10 =	sadd.s32 $0x8, s10;
	v35 =	vmov s0  }
0x23a: {  	_ = 	snop  }
0x23b: {  	v35 =	vshrl.u32 v35, $0x3  }
0x23c: {  	v35 =	vshll.u32 v35, v1  }
0x23d: {  	v35 =	vbroadcast v35, $0x0  }
0x23e: {  	s1 =	sadd.s32 $0x200, s1;
	[tilespmem:v34+s17+$0x0] =	vst.idx.msk $0xffff, v33  }
0x23f: {  	v33 =	vld [tilespmem:s1+$0xFFFFFE10];
	v53 =	vadd.s32 v0, v35;
	_ =	sdelay $0x4  }
0x240: {  	[tilespmem:v53+s17+$0x0] =	vst.idx.msk $0xffff, v33  }
0x241: {  	v54 =	vadd.s32 v2, v35;
	v33 =	vld [tilespmem:s1+$0xFFFFFE20];
	_ =	sdelay $0x4  }
0x242: {  	[tilespmem:v54+s17+$0x0] =	vst.idx.msk $0xffff, v33  }
0x243: {  	v55 =	vadd.s32 v3, v35;
	v33 =	vld [tilespmem:s1+$0xFFFFFE30];
	_ =	sdelay $0x4  }
0x244: {  	[tilespmem:v55+s17+$0x0] =	vst.idx.msk $0xffff, v33  }
0x245: {  	s6 =	sadd.s32 $0x1, s0;
	v56 =	vadd.s32 v4, v35;
	v33 =	vld [tilespmem:s1+$0xFFFFFE40]  }
0x246: {  	v57 =	vmov s6  }
0x247: {  	v35 =	vshrl.u32 v57, $0x3  }
0x248: {  	v35 =	vshll.u32 v35, v1  }
0x249: {  	v35 =	vbroadcast v35, $0x0  }
0x24a: {  	[tilespmem:v56+s17+$0x0] =	vst.idx.msk $0xffff, v33  }
0x24b: {  	v58 =	vadd.s32 v5, v35;
	v33 =	vld [tilespmem:s1+$0xFFFFFE50];
	_ =	sdelay $0x4  }
0x24c: {  	[tilespmem:v58+s17+$0x0] =	vst.idx.msk $0xffff, v33  }
0x24d: {  	v59 =	vadd.s32 v6, v35;
	v33 =	vld [tilespmem:s1+$0xFFFFFE60];
	_ =	sdelay $0x4  }
0x24e: {  	[tilespmem:v59+s17+$0x0] =	vst.idx.msk $0xffff, v33  }
0x24f: {  	v60 =	vadd.s32 v7, v35;
	v33 =	vld [tilespmem:s1+$0xFFFFFE70];
	_ =	sdelay $0x4  }
0x250: {  	[tilespmem:v60+s17+$0x0] =	vst.idx.msk $0xffff, v33  }
0x251: {  	s10 =	sadd.s32 $0x2, s0;
	v61 =	vadd.s32 v8, v35;
	v33 =	vld [tilespmem:s1+$0xFFFFFE80]  }
0x252: {  	v62 =	vmov s10  }
0x253: {  	v35 =	vshrl.u32 v62, $0x3  }
0x254: {  	v35 =	vshll.u32 v35, v1  }
0x255: {  	v35 =	vbroadcast v35, $0x0  }
0x256: {  	[tilespmem:v61+s17+$0x0] =	vst.idx.msk $0xffff, v33  }
0x257: {  	v63 =	vadd.s32 v9, v35;
	v33 =	vld [tilespmem:s1+$0xFFFFFE90];
	_ =	sdelay $0x4  }
0x258: {  	[tilespmem:v63+s17+$0x0] =	vst.idx.msk $0xffff, v33  }
0x259: {  	v36 =	vadd.s32 v10, v35;
	v33 =	vld [tilespmem:s1+$0xFFFFFEA0];
	_ =	sdelay $0x4  }
0x25a: {  	[tilespmem:v36+s17+$0x0] =	vst.idx.msk $0xffff, v33  }
0x25b: {  	v37 =	vadd.s32 v11, v35;
	v33 =	vld [tilespmem:s1+$0xFFFFFEB0];
	_ =	sdelay $0x4  }
0x25c: {  	[tilespmem:v37+s17+$0x0] =	vst.idx.msk $0xffff, v33  }
0x25d: {  	s11 =	sadd.s32 $0x3, s0;
	v38 =	vadd.s32 v12, v35;
	v33 =	vld [tilespmem:s1+$0xFFFFFEC0]  }
0x25e: {  	v39 =	vmov s11  }
0x25f: {  	v35 =	vshrl.u32 v39, $0x3  }
0x260: {  	v35 =	vshll.u32 v35, v1  }
0x261: {  	v35 =	vbroadcast v35, $0x0  }
0x262: {  	[tilespmem:v38+s17+$0x0] =	vst.idx.msk $0xffff, v33  }
0x263: {  	v40 =	vadd.s32 v13, v35;
	v33 =	vld [tilespmem:s1+$0xFFFFFED0];
	_ =	sdelay $0x4  }
0x264: {  	[tilespmem:v40+s17+$0x0] =	vst.idx.msk $0xffff, v33  }
0x265: {  	v41 =	vadd.s32 v14, v35;
	v33 =	vld [tilespmem:s1+$0xFFFFFEE0];
	_ =	sdelay $0x4  }
0x266: {  	[tilespmem:v41+s17+$0x0] =	vst.idx.msk $0xffff, v33  }
0x267: {  	v42 =	vadd.s32 v15, v35;
	v33 =	vld [tilespmem:s1+$0xFFFFFEF0];
	_ =	sdelay $0x4  }
0x268: {  	[tilespmem:v42+s17+$0x0] =	vst.idx.msk $0xffff, v33  }
0x269: {  	s7 =	sadd.s32 $0x4, s0;
	v43 =	vadd.s32 v16, v35;
	v33 =	vld [tilespmem:s1+$0xFFFFFF00]  }
0x26a: {  	v44 =	vmov s7  }
0x26b: {  	v35 =	vshrl.u32 v44, $0x3  }
0x26c: {  	v35 =	vshll.u32 v35, v1  }
0x26d: {  	v35 =	vbroadcast v35, $0x0  }
0x26e: {  	[tilespmem:v43+s17+$0x0] =	vst.idx.msk $0xffff, v33  }
0x26f: {  	v45 =	vadd.s32 v17, v35;
	v33 =	vld [tilespmem:s1+$0xFFFFFF10];
	_ =	sdelay $0x4  }
0x270: {  	[tilespmem:v45+s17+$0x0] =	vst.idx.msk $0xffff, v33  }
0x271: {  	v46 =	vadd.s32 v18, v35;
	v33 =	vld [tilespmem:s1+$0xFFFFFF20];
	_ =	sdelay $0x4  }
0x272: {  	[tilespmem:v46+s17+$0x0] =	vst.idx.msk $0xffff, v33  }
0x273: {  	v47 =	vadd.s32 v19, v35;
	v33 =	vld [tilespmem:s1+$0xFFFFFF30];
	_ =	sdelay $0x4  }
0x274: {  	[tilespmem:v47+s17+$0x0] =	vst.idx.msk $0xffff, v33  }
0x275: {  	s10 =	sadd.s32 $0x5, s0;
	v48 =	vadd.s32 v20, v35;
	v33 =	vld [tilespmem:s1+$0xFFFFFF40]  }
0x276: {  	v49 =	vmov s10  }
0x277: {  	v35 =	vshrl.u32 v49, $0x3  }
0x278: {  	v35 =	vshll.u32 v35, v1  }
0x279: {  	v35 =	vbroadcast v35, $0x0  }
0x27a: {  	[tilespmem:v48+s17+$0x0] =	vst.idx.msk $0xffff, v33  }
0x27b: {  	v50 =	vadd.s32 v21, v35;
	v33 =	vld [tilespmem:s1+$0xFFFFFF50];
	_ =	sdelay $0x4  }
0x27c: {  	[tilespmem:v50+s17+$0x0] =	vst.idx.msk $0xffff, v33  }
0x27d: {  	v51 =	vadd.s32 v22, v35;
	v33 =	vld [tilespmem:s1+$0xFFFFFF60];
	_ =	sdelay $0x4  }
0x27e: {  	[tilespmem:v51+s17+$0x0] =	vst.idx.msk $0xffff, v33  }
0x27f: {  	v52 =	vadd.s32 v23, v35;
	v33 =	vld [tilespmem:s1+$0xFFFFFF70];
	_ =	sdelay $0x4  }
0x280: {  	[tilespmem:v52+s17+$0x0] =	vst.idx.msk $0xffff, v33  }
0x281: {  	s11 =	sadd.s32 $0x6, s0;
	v53 =	vadd.s32 v24, v35;
	v33 =	vld [tilespmem:s1+$0xFFFFFF80]  }
0x282: {  	v54 =	vmov s11  }
0x283: {  	v35 =	vshrl.u32 v54, $0x3  }
0x284: {  	v35 =	vshll.u32 v35, v1  }
0x285: {  	v35 =	vbroadcast v35, $0x0  }
0x286: {  	[tilespmem:v53+s17+$0x0] =	vst.idx.msk $0xffff, v33  }
0x287: {  	v55 =	vadd.s32 v25, v35;
	v33 =	vld [tilespmem:s1+$0xFFFFFF90];
	_ =	sdelay $0x4  }
0x288: {  	[tilespmem:v55+s17+$0x0] =	vst.idx.msk $0xffff, v33  }
0x289: {  	v56 =	vadd.s32 v26, v35;
	v33 =	vld [tilespmem:s1+$0xFFFFFFA0];
	_ =	sdelay $0x4  }
0x28a: {  	[tilespmem:v56+s17+$0x0] =	vst.idx.msk $0xffff, v33  }
0x28b: {  	v57 =	vadd.s32 v27, v35;
	v33 =	vld [tilespmem:s1+$0xFFFFFFB0];
	_ =	sdelay $0x4  }
0x28c: {  	[tilespmem:v57+s17+$0x0] =	vst.idx.msk $0xffff, v33  }
0x28d: {  	s6 =	sadd.s32 $0x7, s0;
	v58 =	vadd.s32 v28, v35;
	v33 =	vld [tilespmem:s1+$0xFFFFFFC0]  }
0x28e: {  	v59 =	vmov s6  }
0x28f: {  	v35 =	vshrl.u32 v59, $0x3  }
0x290: {  	v35 =	vshll.u32 v35, v1  }
0x291: {  	v35 =	vbroadcast v35, $0x0  }
0x292: {  	[tilespmem:v58+s17+$0x0] =	vst.idx.msk $0xffff, v33  }
0x293: {  	v60 =	vadd.s32 v29, v35;
	v33 =	vld [tilespmem:s1+$0xFFFFFFD0];
	_ =	sdelay $0x4  }
0x294: {  	[tilespmem:v60+s17+$0x0] =	vst.idx.msk $0xffff, v33  }
0x295: {  	v61 =	vadd.s32 v30, v35;
	v33 =	vld [tilespmem:s1+$0xFFFFFFE0];
	_ =	sdelay $0x4  }
0x296: {  	[tilespmem:v61+s17+$0x0] =	vst.idx.msk $0xffff, v33  }
0x297: {  	v62 =	vadd.s32 v31, v35;
	v33 =	vld [tilespmem:s1+$0xFFFFFFF0];
	_ =	sdelay $0x4  }
0x298: {  	[tilespmem:v62+s17+$0x0] =	vst.idx.msk $0xffff, v33  }
0x299: {  	v63 =	vadd.s32 v32, v35;
	v33 =	vld [tilespmem:s1+$0x0];
	_ =	sdelay $0x1  }
0x29a: {  	s7 =	sshll.u32 s31, $0x7  }
0x29b: {  	s10 =	sshll.u32 s31, $0xA;
	s0 =	sand.u32 $0x3E80, s7  }
0x29c: {  	s0 =	sadd.s32 s2, s0;
	s1 =	sand.u32 $0xFFE0000, s10  }
0x29d: {  	s11 =	simm.s32 $0xCA00;
	s1 =	sadd.s32 s1, s0;
	[tilespmem:v63+s17+$0x0] =	vst.idx.msk $0xffff, v33  }
0x29e: {  	[hbm4b:s1+s3] =	stream.linear.scatter [tilespmem:s11], [sflag:$0x6], $0x80, $0x38;
	[tilespmem:$0x13000] =	vst v63  }
0x29f: {  	s6 =	simm.s32 $0xCA88;
	s7 =	sadd.s32 $0x10, s1  }
0x2a0: {  	[hbm4b:s7+s3] =	stream.linear.scatter [tilespmem:s6], [sflag:$0x6], $0x80, $0x38;
	[tilespmem:$0x13000] =	vst v63  }
0x2a1: {  	s10 =	simm.s32 $0xCB10;
	s11 =	sadd.s32 $0x20, s1  }
0x2a2: {  	[hbm4b:s11+s3] =	stream.linear.scatter [tilespmem:s10], [sflag:$0x6], $0x80, $0x38;
	[tilespmem:$0x13000] =	vst v63  }
0x2a3: {  	s6 =	simm.s32 $0xCB98;
	s7 =	sadd.s32 $0x30, s1  }
0x2a4: {  	[hbm4b:s7+s3] =	stream.linear.scatter [tilespmem:s6], [sflag:$0x6], $0x80, $0x38;
	[tilespmem:$0x13000] =	vst v63  }
0x2a5: {  	s10 =	simm.s32 $0xCC20;
	s11 =	sadd.s32 $0x40, s1  }
0x2a6: {  	[hbm4b:s11+s3] =	stream.linear.scatter [tilespmem:s10], [sflag:$0x6], $0x80, $0x38;
	[tilespmem:$0x13000] =	vst v63  }
0x2a7: {  	s31 =	simm.s32 $0xCDB8;
	s6 =	simm.s32 $0xCCA8;
	s7 =	sadd.s32 $0x50, s1  }
0x2a8: {  	[hbm4b:s7+s3] =	stream.linear.scatter [tilespmem:s6], [sflag:$0x6], $0x80, $0x38;
	[tilespmem:$0x13000] =	vst v63  }
0x2a9: {  	s0 =	simm.s32 $0x440;
	s10 =	simm.s32 $0xCD30;
	s11 =	sadd.s32 $0x60, s1  }
0x2aa: {  	[hbm4b:s11+s3] =	stream.linear.scatter [tilespmem:s10], [sflag:$0x6], $0x80, $0x38;
	[tilespmem:$0x13000] =	vst v63  }
0x2ab: {  	s10 =	simm.s32 $0x2200;
	s11 =	sadd.s32 $0x70, s1;
	s1 =	sadd.s32 $0x4000, s1  }
.LBB2_9:
0x2ac: {  	[hbm4b:s11+s3] =	stream.linear.scatter [tilespmem:s31], [sflag:$0x6], $0x80, $0x38;
	[tilespmem:$0x13000] =	vst v63  }
0x2ad: {  	s6 =	smov.u32 s0;
	s0 =	smov.u32 s10  }
0x2ae: {  	s7 =	sadd.s32 $0x1100, s10;
	s0 =	sshra.s32 s0, $0x2;
	s11 =	sadd.s32 $0xCA00, s6  }
0x2af: {  	[hbm4b:s1+s3] =	stream.linear.scatter [tilespmem:s11], [sflag:$0x6], $0x80, $0x38;
	[tilespmem:$0x13000] =	vst v63  }
0x2b0: {  	p0 =	sne.s32 s10, $0x7700;
	s10 =	sadd.s32 $0xCA88, s6;
	s11 =	sadd.s32 $0x10, s1  }
0x2b1: {  	[hbm4b:s11+s3] =	stream.linear.scatter [tilespmem:s10], [sflag:$0x6], $0x80, $0x38;
	[tilespmem:$0x13000] =	vst v63  }
0x2b2: {  	s10 =	sadd.s32 $0xCB10, s6;
	s11 =	sadd.s32 $0x20, s1  }
0x2b3: {  	[hbm4b:s11+s3] =	stream.linear.scatter [tilespmem:s10], [sflag:$0x6], $0x80, $0x38;
	[tilespmem:$0x13000] =	vst v63  }
0x2b4: {  	s10 =	sadd.s32 $0xCB98, s6;
	s11 =	sadd.s32 $0x30, s1  }
0x2b5: {  	[hbm4b:s11+s3] =	stream.linear.scatter [tilespmem:s10], [sflag:$0x6], $0x80, $0x38;
	[tilespmem:$0x13000] =	vst v63  }
0x2b6: {  	s10 =	sadd.s32 $0xCC20, s6;
	s11 =	sadd.s32 $0x40, s1  }
0x2b7: {  	[hbm4b:s11+s3] =	stream.linear.scatter [tilespmem:s10], [sflag:$0x6], $0x80, $0x38;
	[tilespmem:$0x13000] =	vst v63  }
.Ltmp3:
0x2b8: {  	s10 =	sadd.s32 $0xCCA8, s6;
	s11 =	sadd.s32 $0x50, s1;
	(pc) =	sbr.rel @p0 .LBB2_9-.Ltmp3, $4  }
0x2b9: {  	[hbm4b:s11+s3] =	stream.linear.scatter [tilespmem:s10], [sflag:$0x6], $0x80, $0x38;
	[tilespmem:$0x13000] =	vst v63  }
0x2ba: {  	s31 =	sadd.s32 $0xCDB8, s6;
	s10 =	sadd.s32 $0xCD30, s6;
	s11 =	sadd.s32 $0x60, s1  }
0x2bb: {  	[hbm4b:s11+s3] =	stream.linear.scatter [tilespmem:s10], [sflag:$0x6], $0x80, $0x38;
	[tilespmem:$0x13000] =	vst v63  }
0x2bc: {  	s11 =	sadd.s32 $0x70, s1;
	s1 =	sadd.s32 $0x4000, s1;
	s10 =	smov.u32 s7  }
0x2bd: {  	[hbm4b:s11+s3] =	stream.linear.scatter [tilespmem:s31], [sflag:$0x6], $0x80, $0x38;
	[tilespmem:$0x13000] =	vst v63  }
0x2be: {  	s6 =	sadd.s32 $0xCA00, s0  }
0x2bf: {  	[hbm4b:s1+s3] =	stream.linear.scatter [tilespmem:s6], [sflag:$0x6], $0x80, $0x38;
	[tilespmem:$0x13000] =	vst v63  }
0x2c0: {  	s11 =	sadd.s32 $0xCA88, s0;
	s7 =	sadd.s32 $0x10, s1  }
0x2c1: {  	[hbm4b:s7+s3] =	stream.linear.scatter [tilespmem:s11], [sflag:$0x6], $0x80, $0x38;
	[tilespmem:$0x13000] =	vst v63  }
0x2c2: {  	s10 =	sadd.s32 $0xCB10, s0;
	s11 =	sadd.s32 $0x20, s1  }
0x2c3: {  	[hbm4b:s11+s3] =	stream.linear.scatter [tilespmem:s10], [sflag:$0x6], $0x80, $0x38;
	[tilespmem:$0x13000] =	vst v63  }
0x2c4: {  	s10 =	sadd.s32 $0xCB98, s0;
	s11 =	sadd.s32 $0x30, s1  }
0x2c5: {  	[hbm4b:s11+s3] =	stream.linear.scatter [tilespmem:s10], [sflag:$0x6], $0x80, $0x38;
	[tilespmem:$0x13000] =	vst v63  }
0x2c6: {  	s10 =	sadd.s32 $0xCC20, s0;
	s11 =	sadd.s32 $0x40, s1  }
0x2c7: {  	[hbm4b:s11+s3] =	stream.linear.scatter [tilespmem:s10], [sflag:$0x6], $0x80, $0x38;
	[tilespmem:$0x13000] =	vst v63  }
0x2c8: {  	s10 =	sadd.s32 $0xCCA8, s0;
	s11 =	sadd.s32 $0x50, s1  }
0x2c9: {  	[hbm4b:s11+s3] =	stream.linear.scatter [tilespmem:s10], [sflag:$0x6], $0x80, $0x38;
	[tilespmem:$0x13000] =	vst v63  }
0x2ca: {  	s10 =	sadd.s32 $0xCD30, s0;
	s11 =	sadd.s32 $0x60, s1  }
0x2cb: {  	[hbm4b:s11+s3] =	stream.linear.scatter [tilespmem:s10], [sflag:$0x6], $0x80, $0x38;
	[tilespmem:$0x13000] =	vst v63  }
0x2cc: {  	p0 =	seq.s32 s28, $0x13;
	s10 =	sadd.s32 $0xCDB8, s0;
	s11 =	sadd.s32 $0x70, s1  }
0x2cd: {  	[hbm4b:s11+s3] =	stream.linear.scatter [tilespmem:s10], [sflag:$0x6], $0x80, $0x38;
	[tilespmem:$0x13000] =	vst v63  }
0x2ce: {  	s0 =	sshll.u32 @!p0 s28, $0x9;
	_ =	swait.ge [sflag:s18], $0x2000  }
0x2cf: {  	s6 =	simm.s32 @!p0 $0x2800;
	s31 =	sand.u32 @!p0 $0x3FFFFE00, s0;
	[sflag:s18] =	ssyncset.done $0x0  }
0x2d0: {  	s1 =	simm.s32 @!p0 $0x80;
	s0 =	sadd.s32 @!p0 $0x200, s31;
	[sflag:s18] =	ssyncadd.s32 $0xFFFFE000  }
0x2d1: {  	[tilespmem:s6], [sflag:$0x1] =	stream.indirect.gather @!p0 [hbm4b:s4+s1], $0x40, s0, s1, $0xb8;
	[tilespmem:$0x13000] =	vst v63  }
0x2d2: {  	s6 =	simm.s32 $0x0  }
0x2d3: {  	p1 =	seq.s32 @!p0 s28, $0x0;
	v33 =	vmov s6  }
0x2d4: {  	p1 =	por p0, !p1;
	v33 =	vshrl.u32 v33, $0x3  }
0x2d5: {  	_ =	swait.ge @p1 [sflag:s24], $0x2000;
	v33 =	vshll.u32 v33, v1  }
0x2d6: {  	[sflag:s24] =	ssyncset.done @p1 $0x0;
	v33 =	vbroadcast v33, $0x0  }
0x2d7: {  	s1 =	simm.s32 $0x69F0;
	[sflag:s24] =	ssyncadd.s32 @p1 $0xFFFFE000  }
0x2d8: {  	v34 =	vld [tilespmem:s1+$0xFFFFFE10];
	v35 =	vadd.s32 v0, v33;
	_ =	sdelay $0x4  }
0x2d9: {  	[tilespmem:v35+s19+$0x0] =	vst.idx.msk $0xffff, v34  }
0x2da: {  	v56 =	vadd.s32 v2, v33;
	v34 =	vld [tilespmem:s1+$0xFFFFFE20];
	_ =	sdelay $0x4  }
0x2db: {  	[tilespmem:v56+s19+$0x0] =	vst.idx.msk $0xffff, v34  }
0x2dc: {  	v57 =	vadd.s32 v3, v33;
	v34 =	vld [tilespmem:s1+$0xFFFFFE30];
	_ =	sdelay $0x4  }
0x2dd: {  	[tilespmem:v57+s19+$0x0] =	vst.idx.msk $0xffff, v34  }
0x2de: {  	s7 =	simm.s32 $0x1;
	v33 =	vadd.s32 v4, v33;
	v34 =	vld [tilespmem:s1+$0xFFFFFE40]  }
0x2df: {  	v58 =	vmov s7  }
0x2e0: {  	v35 =	vshrl.u32 v58, $0x3  }
0x2e1: {  	v35 =	vshll.u32 v35, v1  }
0x2e2: {  	v35 =	vbroadcast v35, $0x0  }
0x2e3: {  	[tilespmem:v33+s19+$0x0] =	vst.idx.msk $0xffff, v34  }
0x2e4: {  	v59 =	vadd.s32 v5, v35;
	v33 =	vld [tilespmem:s1+$0xFFFFFE50];
	_ =	sdelay $0x4  }
0x2e5: {  	[tilespmem:v59+s19+$0x0] =	vst.idx.msk $0xffff, v33  }
0x2e6: {  	v60 =	vadd.s32 v6, v35;
	v33 =	vld [tilespmem:s1+$0xFFFFFE60];
	_ =	sdelay $0x4  }
0x2e7: {  	[tilespmem:v60+s19+$0x0] =	vst.idx.msk $0xffff, v33  }
0x2e8: {  	v61 =	vadd.s32 v7, v35;
	v33 =	vld [tilespmem:s1+$0xFFFFFE70];
	_ =	sdelay $0x4  }
0x2e9: {  	[tilespmem:v61+s19+$0x0] =	vst.idx.msk $0xffff, v33  }
0x2ea: {  	s10 =	simm.s32 $0x2;
	v62 =	vadd.s32 v8, v35;
	v33 =	vld [tilespmem:s1+$0xFFFFFE80]  }
0x2eb: {  	v63 =	vmov s10  }
0x2ec: {  	v35 =	vshrl.u32 v63, $0x3  }
0x2ed: {  	v35 =	vshll.u32 v35, v1  }
0x2ee: {  	v35 =	vbroadcast v35, $0x0  }
0x2ef: {  	[tilespmem:v62+s19+$0x0] =	vst.idx.msk $0xffff, v33  }
0x2f0: {  	v36 =	vadd.s32 v9, v35;
	v33 =	vld [tilespmem:s1+$0xFFFFFE90];
	_ =	sdelay $0x4  }
0x2f1: {  	[tilespmem:v36+s19+$0x0] =	vst.idx.msk $0xffff, v33  }
0x2f2: {  	v37 =	vadd.s32 v10, v35;
	v33 =	vld [tilespmem:s1+$0xFFFFFEA0];
	_ =	sdelay $0x4  }
0x2f3: {  	[tilespmem:v37+s19+$0x0] =	vst.idx.msk $0xffff, v33  }
0x2f4: {  	v38 =	vadd.s32 v11, v35;
	v33 =	vld [tilespmem:s1+$0xFFFFFEB0];
	_ =	sdelay $0x4  }
0x2f5: {  	[tilespmem:v38+s19+$0x0] =	vst.idx.msk $0xffff, v33  }
0x2f6: {  	s11 =	simm.s32 $0x3;
	v39 =	vadd.s32 v12, v35;
	v33 =	vld [tilespmem:s1+$0xFFFFFEC0]  }
0x2f7: {  	v40 =	vmov s11  }
0x2f8: {  	v35 =	vshrl.u32 v40, $0x3  }
0x2f9: {  	v35 =	vshll.u32 v35, v1  }
0x2fa: {  	v35 =	vbroadcast v35, $0x0  }
0x2fb: {  	[tilespmem:v39+s19+$0x0] =	vst.idx.msk $0xffff, v33  }
0x2fc: {  	v41 =	vadd.s32 v13, v35;
	v33 =	vld [tilespmem:s1+$0xFFFFFED0];
	_ =	sdelay $0x4  }
0x2fd: {  	[tilespmem:v41+s19+$0x0] =	vst.idx.msk $0xffff, v33  }
0x2fe: {  	v42 =	vadd.s32 v14, v35;
	v33 =	vld [tilespmem:s1+$0xFFFFFEE0];
	_ =	sdelay $0x4  }
0x2ff: {  	[tilespmem:v42+s19+$0x0] =	vst.idx.msk $0xffff, v33  }
0x300: {  	v43 =	vadd.s32 v15, v35;
	v33 =	vld [tilespmem:s1+$0xFFFFFEF0];
	_ =	sdelay $0x4  }
0x301: {  	[tilespmem:v43+s19+$0x0] =	vst.idx.msk $0xffff, v33  }
0x302: {  	s6 =	simm.s32 $0x4;
	v44 =	vadd.s32 v16, v35;
	v33 =	vld [tilespmem:s1+$0xFFFFFF00]  }
0x303: {  	v45 =	vmov s6  }
0x304: {  	v35 =	vshrl.u32 v45, $0x3  }
0x305: {  	v35 =	vshll.u32 v35, v1  }
0x306: {  	v35 =	vbroadcast v35, $0x0  }
0x307: {  	[tilespmem:v44+s19+$0x0] =	vst.idx.msk $0xffff, v33  }
0x308: {  	v46 =	vadd.s32 v17, v35;
	v33 =	vld [tilespmem:s1+$0xFFFFFF10];
	_ =	sdelay $0x4  }
0x309: {  	[tilespmem:v46+s19+$0x0] =	vst.idx.msk $0xffff, v33  }
0x30a: {  	v47 =	vadd.s32 v18, v35;
	v33 =	vld [tilespmem:s1+$0xFFFFFF20];
	_ =	sdelay $0x4  }
0x30b: {  	[tilespmem:v47+s19+$0x0] =	vst.idx.msk $0xffff, v33  }
0x30c: {  	v48 =	vadd.s32 v19, v35;
	v33 =	vld [tilespmem:s1+$0xFFFFFF30];
	_ =	sdelay $0x4  }
0x30d: {  	[tilespmem:v48+s19+$0x0] =	vst.idx.msk $0xffff, v33  }
0x30e: {  	s7 =	simm.s32 $0x5;
	v49 =	vadd.s32 v20, v35;
	v33 =	vld [tilespmem:s1+$0xFFFFFF40]  }
0x30f: {  	v50 =	vmov s7  }
0x310: {  	v35 =	vshrl.u32 v50, $0x3  }
0x311: {  	v35 =	vshll.u32 v35, v1  }
0x312: {  	v35 =	vbroadcast v35, $0x0  }
0x313: {  	[tilespmem:v49+s19+$0x0] =	vst.idx.msk $0xffff, v33  }
0x314: {  	v51 =	vadd.s32 v21, v35;
	v33 =	vld [tilespmem:s1+$0xFFFFFF50];
	_ =	sdelay $0x4  }
0x315: {  	[tilespmem:v51+s19+$0x0] =	vst.idx.msk $0xffff, v33  }
0x316: {  	v52 =	vadd.s32 v22, v35;
	v33 =	vld [tilespmem:s1+$0xFFFFFF60];
	_ =	sdelay $0x4  }
0x317: {  	[tilespmem:v52+s19+$0x0] =	vst.idx.msk $0xffff, v33  }
0x318: {  	v53 =	vadd.s32 v23, v35;
	v33 =	vld [tilespmem:s1+$0xFFFFFF70];
	_ =	sdelay $0x4  }
0x319: {  	[tilespmem:v53+s19+$0x0] =	vst.idx.msk $0xffff, v33  }
0x31a: {  	s10 =	simm.s32 $0x6;
	v54 =	vadd.s32 v24, v35;
	v33 =	vld [tilespmem:s1+$0xFFFFFF80]  }
0x31b: {  	v55 =	vmov s10  }
0x31c: {  	v35 =	vshrl.u32 v55, $0x3  }
0x31d: {  	v35 =	vshll.u32 v35, v1  }
0x31e: {  	v35 =	vbroadcast v35, $0x0  }
0x31f: {  	[tilespmem:v54+s19+$0x0] =	vst.idx.msk $0xffff, v33  }
0x320: {  	v56 =	vadd.s32 v25, v35;
	v33 =	vld [tilespmem:s1+$0xFFFFFF90];
	_ =	sdelay $0x4  }
0x321: {  	[tilespmem:v56+s19+$0x0] =	vst.idx.msk $0xffff, v33  }
0x322: {  	v57 =	vadd.s32 v26, v35;
	v33 =	vld [tilespmem:s1+$0xFFFFFFA0];
	_ =	sdelay $0x4  }
0x323: {  	[tilespmem:v57+s19+$0x0] =	vst.idx.msk $0xffff, v33  }
0x324: {  	v58 =	vadd.s32 v27, v35;
	v33 =	vld [tilespmem:s1+$0xFFFFFFB0];
	_ =	sdelay $0x4  }
0x325: {  	[tilespmem:v58+s19+$0x0] =	vst.idx.msk $0xffff, v33  }
0x326: {  	s11 =	simm.s32 $0x7;
	v59 =	vadd.s32 v28, v35;
	v33 =	vld [tilespmem:s1+$0xFFFFFFC0]  }
0x327: {  	v60 =	vmov s11  }
0x328: {  	v35 =	vshrl.u32 v60, $0x3  }
0x329: {  	v35 =	vshll.u32 v35, v1  }
0x32a: {  	v35 =	vbroadcast v35, $0x0  }
0x32b: {  	[tilespmem:v59+s19+$0x0] =	vst.idx.msk $0xffff, v33  }
0x32c: {  	v61 =	vadd.s32 v29, v35;
	v33 =	vld [tilespmem:s1+$0xFFFFFFD0];
	_ =	sdelay $0x4  }
0x32d: {  	[tilespmem:v61+s19+$0x0] =	vst.idx.msk $0xffff, v33  }
0x32e: {  	v62 =	vadd.s32 v30, v35;
	v33 =	vld [tilespmem:s1+$0xFFFFFFE0];
	_ =	sdelay $0x4  }
0x32f: {  	[tilespmem:v62+s19+$0x0] =	vst.idx.msk $0xffff, v33  }
0x330: {  	v63 =	vadd.s32 v31, v35;
	v33 =	vld [tilespmem:s1+$0xFFFFFFF0];
	_ =	sdelay $0x4  }
0x331: {  	[tilespmem:v63+s19+$0x0] =	vst.idx.msk $0xffff, v33  }
0x332: {  	s0 =	simm.s32 $0x8;
	v34 =	vadd.s32 v32, v35;
	v33 =	vld [tilespmem:s1+$0x0]  }
0x333: {  	s30 =	sadd.s32 s5, s30;
	s10 =	simm.s32 $0x10;
	v35 =	vmov s0  }
.LBB2_11:
0x334: {  	p2 =	slt.u32 s10, $0x78;
	v35 =	vshrl.u32 v35, $0x3  }
0x335: {  	v35 =	vshll.u32 v35, v1  }
0x336: {  	v35 =	vbroadcast v35, $0x0  }
0x337: {  	s1 =	sadd.s32 $0x200, s1;
	[tilespmem:v34+s19+$0x0] =	vst.idx.msk $0xffff, v33  }
0x338: {  	v33 =	vld [tilespmem:s1+$0xFFFFFE10];
	v34 =	vadd.s32 v0, v35;
	_ =	sdelay $0x4  }
0x339: {  	[tilespmem:v34+s19+$0x0] =	vst.idx.msk $0xffff, v33  }
0x33a: {  	v34 =	vadd.s32 v2, v35;
	v33 =	vld [tilespmem:s1+$0xFFFFFE20];
	_ =	sdelay $0x4  }
0x33b: {  	[tilespmem:v34+s19+$0x0] =	vst.idx.msk $0xffff, v33  }
0x33c: {  	v34 =	vadd.s32 v3, v35;
	v33 =	vld [tilespmem:s1+$0xFFFFFE30];
	_ =	sdelay $0x4  }
0x33d: {  	[tilespmem:v34+s19+$0x0] =	vst.idx.msk $0xffff, v33  }
0x33e: {  	s6 =	sadd.s32 $0x1, s0;
	v34 =	vadd.s32 v4, v35;
	v33 =	vld [tilespmem:s1+$0xFFFFFE40]  }
0x33f: {  	v35 =	vmov s6  }
0x340: {  	v35 =	vshrl.u32 v35, $0x3  }
0x341: {  	v35 =	vshll.u32 v35, v1  }
0x342: {  	v35 =	vbroadcast v35, $0x0  }
0x343: {  	[tilespmem:v34+s19+$0x0] =	vst.idx.msk $0xffff, v33  }
0x344: {  	v34 =	vadd.s32 v5, v35;
	v33 =	vld [tilespmem:s1+$0xFFFFFE50];
	_ =	sdelay $0x4  }
0x345: {  	[tilespmem:v34+s19+$0x0] =	vst.idx.msk $0xffff, v33  }
0x346: {  	v34 =	vadd.s32 v6, v35;
	v33 =	vld [tilespmem:s1+$0xFFFFFE60];
	_ =	sdelay $0x4  }
0x347: {  	[tilespmem:v34+s19+$0x0] =	vst.idx.msk $0xffff, v33  }
0x348: {  	v34 =	vadd.s32 v7, v35;
	v33 =	vld [tilespmem:s1+$0xFFFFFE70];
	_ =	sdelay $0x4  }
0x349: {  	[tilespmem:v34+s19+$0x0] =	vst.idx.msk $0xffff, v33  }
0x34a: {  	s6 =	sadd.s32 $0x2, s0;
	v34 =	vadd.s32 v8, v35;
	v33 =	vld [tilespmem:s1+$0xFFFFFE80]  }
0x34b: {  	v35 =	vmov s6  }
0x34c: {  	v35 =	vshrl.u32 v35, $0x3  }
0x34d: {  	v35 =	vshll.u32 v35, v1  }
0x34e: {  	v35 =	vbroadcast v35, $0x0  }
0x34f: {  	[tilespmem:v34+s19+$0x0] =	vst.idx.msk $0xffff, v33  }
0x350: {  	v34 =	vadd.s32 v9, v35;
	v33 =	vld [tilespmem:s1+$0xFFFFFE90];
	_ =	sdelay $0x4  }
0x351: {  	[tilespmem:v34+s19+$0x0] =	vst.idx.msk $0xffff, v33  }
0x352: {  	v34 =	vadd.s32 v10, v35;
	v33 =	vld [tilespmem:s1+$0xFFFFFEA0];
	_ =	sdelay $0x4  }
0x353: {  	[tilespmem:v34+s19+$0x0] =	vst.idx.msk $0xffff, v33  }
0x354: {  	v34 =	vadd.s32 v11, v35;
	v33 =	vld [tilespmem:s1+$0xFFFFFEB0];
	_ =	sdelay $0x4  }
0x355: {  	[tilespmem:v34+s19+$0x0] =	vst.idx.msk $0xffff, v33  }
0x356: {  	s6 =	sadd.s32 $0x3, s0;
	v34 =	vadd.s32 v12, v35;
	v33 =	vld [tilespmem:s1+$0xFFFFFEC0]  }
0x357: {  	v35 =	vmov s6  }
0x358: {  	v35 =	vshrl.u32 v35, $0x3  }
0x359: {  	v35 =	vshll.u32 v35, v1  }
0x35a: {  	v35 =	vbroadcast v35, $0x0  }
0x35b: {  	[tilespmem:v34+s19+$0x0] =	vst.idx.msk $0xffff, v33  }
0x35c: {  	v34 =	vadd.s32 v13, v35;
	v33 =	vld [tilespmem:s1+$0xFFFFFED0];
	_ =	sdelay $0x4  }
0x35d: {  	[tilespmem:v34+s19+$0x0] =	vst.idx.msk $0xffff, v33  }
0x35e: {  	v34 =	vadd.s32 v14, v35;
	v33 =	vld [tilespmem:s1+$0xFFFFFEE0];
	_ =	sdelay $0x4  }
0x35f: {  	[tilespmem:v34+s19+$0x0] =	vst.idx.msk $0xffff, v33  }
0x360: {  	v34 =	vadd.s32 v15, v35;
	v33 =	vld [tilespmem:s1+$0xFFFFFEF0];
	_ =	sdelay $0x4  }
0x361: {  	[tilespmem:v34+s19+$0x0] =	vst.idx.msk $0xffff, v33  }
0x362: {  	s6 =	sadd.s32 $0x4, s0;
	v34 =	vadd.s32 v16, v35;
	v33 =	vld [tilespmem:s1+$0xFFFFFF00]  }
0x363: {  	v35 =	vmov s6  }
0x364: {  	v35 =	vshrl.u32 v35, $0x3  }
0x365: {  	v35 =	vshll.u32 v35, v1  }
0x366: {  	v35 =	vbroadcast v35, $0x0  }
0x367: {  	[tilespmem:v34+s19+$0x0] =	vst.idx.msk $0xffff, v33  }
0x368: {  	v34 =	vadd.s32 v17, v35;
	v33 =	vld [tilespmem:s1+$0xFFFFFF10];
	_ =	sdelay $0x4  }
0x369: {  	[tilespmem:v34+s19+$0x0] =	vst.idx.msk $0xffff, v33  }
0x36a: {  	v34 =	vadd.s32 v18, v35;
	v33 =	vld [tilespmem:s1+$0xFFFFFF20];
	_ =	sdelay $0x4  }
0x36b: {  	[tilespmem:v34+s19+$0x0] =	vst.idx.msk $0xffff, v33  }
0x36c: {  	v34 =	vadd.s32 v19, v35;
	v33 =	vld [tilespmem:s1+$0xFFFFFF30];
	_ =	sdelay $0x4  }
0x36d: {  	[tilespmem:v34+s19+$0x0] =	vst.idx.msk $0xffff, v33  }
0x36e: {  	s6 =	sadd.s32 $0x5, s0;
	v34 =	vadd.s32 v20, v35;
	v33 =	vld [tilespmem:s1+$0xFFFFFF40]  }
0x36f: {  	v35 =	vmov s6  }
0x370: {  	v35 =	vshrl.u32 v35, $0x3  }
0x371: {  	v35 =	vshll.u32 v35, v1  }
0x372: {  	v35 =	vbroadcast v35, $0x0  }
0x373: {  	[tilespmem:v34+s19+$0x0] =	vst.idx.msk $0xffff, v33  }
0x374: {  	v34 =	vadd.s32 v21, v35;
	v33 =	vld [tilespmem:s1+$0xFFFFFF50];
	_ =	sdelay $0x4  }
0x375: {  	[tilespmem:v34+s19+$0x0] =	vst.idx.msk $0xffff, v33  }
0x376: {  	v34 =	vadd.s32 v22, v35;
	v33 =	vld [tilespmem:s1+$0xFFFFFF60];
	_ =	sdelay $0x4  }
0x377: {  	[tilespmem:v34+s19+$0x0] =	vst.idx.msk $0xffff, v33  }
0x378: {  	v34 =	vadd.s32 v23, v35;
	v33 =	vld [tilespmem:s1+$0xFFFFFF70];
	_ =	sdelay $0x4  }
0x379: {  	[tilespmem:v34+s19+$0x0] =	vst.idx.msk $0xffff, v33  }
0x37a: {  	s6 =	sadd.s32 $0x6, s0;
	v34 =	vadd.s32 v24, v35;
	v33 =	vld [tilespmem:s1+$0xFFFFFF80]  }
0x37b: {  	v35 =	vmov s6  }
0x37c: {  	v35 =	vshrl.u32 v35, $0x3  }
0x37d: {  	v35 =	vshll.u32 v35, v1  }
0x37e: {  	v35 =	vbroadcast v35, $0x0  }
0x37f: {  	[tilespmem:v34+s19+$0x0] =	vst.idx.msk $0xffff, v33  }
0x380: {  	v34 =	vadd.s32 v25, v35;
	v33 =	vld [tilespmem:s1+$0xFFFFFF90];
	_ =	sdelay $0x4  }
0x381: {  	[tilespmem:v34+s19+$0x0] =	vst.idx.msk $0xffff, v33  }
0x382: {  	v34 =	vadd.s32 v26, v35;
	v33 =	vld [tilespmem:s1+$0xFFFFFFA0];
	_ =	sdelay $0x4  }
0x383: {  	[tilespmem:v34+s19+$0x0] =	vst.idx.msk $0xffff, v33  }
0x384: {  	v34 =	vadd.s32 v27, v35;
	v33 =	vld [tilespmem:s1+$0xFFFFFFB0];
	_ =	sdelay $0x4  }
0x385: {  	[tilespmem:v34+s19+$0x0] =	vst.idx.msk $0xffff, v33  }
0x386: {  	s6 =	sadd.s32 $0x7, s0;
	s0 =	smov.u32 s10;
	v34 =	vadd.s32 v28, v35;
	v33 =	vld [tilespmem:s1+$0xFFFFFFC0]  }
0x387: {  	v35 =	vmov s6  }
0x388: {  	v35 =	vshrl.u32 v35, $0x3  }
0x389: {  	v35 =	vshll.u32 v35, v1  }
0x38a: {  	v35 =	vbroadcast v35, $0x0  }
0x38b: {  	[tilespmem:v34+s19+$0x0] =	vst.idx.msk $0xffff, v33  }
0x38c: {  	v34 =	vadd.s32 v29, v35;
	v33 =	vld [tilespmem:s1+$0xFFFFFFD0];
	_ =	sdelay $0x4  }
0x38d: {  	[tilespmem:v34+s19+$0x0] =	vst.idx.msk $0xffff, v33  }
0x38e: {  	v34 =	vadd.s32 v30, v35;
	v33 =	vld [tilespmem:s1+$0xFFFFFFE0];
	_ =	sdelay $0x4  }
0x38f: {  	[tilespmem:v34+s19+$0x0] =	vst.idx.msk $0xffff, v33  }
0x390: {  	v34 =	vadd.s32 v31, v35;
	v33 =	vld [tilespmem:s1+$0xFFFFFFF0];
	_ =	sdelay $0x2  }
.Ltmp4:
0x391: {  	(pc) =	sbr.rel @p2 .LBB2_11-.Ltmp4, $4  }
0x392: {  	_ = 	snop  }
0x393: {  	[tilespmem:v34+s19+$0x0] =	vst.idx.msk $0xffff, v33  }
0x394: {  	v34 =	vadd.s32 v32, v35;
	v33 =	vld [tilespmem:s1+$0x0]  }
0x395: {  	s10 =	sadd.s32 $0x8, s10;
	v35 =	vmov s0  }
0x396: {  	_ = 	snop  }
0x397: {  	v35 =	vshrl.u32 v35, $0x3  }
0x398: {  	v35 =	vshll.u32 v35, v1  }
0x399: {  	v35 =	vbroadcast v35, $0x0  }
0x39a: {  	s1 =	sadd.s32 $0x200, s1;
	[tilespmem:v34+s19+$0x0] =	vst.idx.msk $0xffff, v33  }
0x39b: {  	v33 =	vld [tilespmem:s1+$0xFFFFFE10];
	v53 =	vadd.s32 v0, v35;
	_ =	sdelay $0x4  }
0x39c: {  	[tilespmem:v53+s19+$0x0] =	vst.idx.msk $0xffff, v33  }
0x39d: {  	v54 =	vadd.s32 v2, v35;
	v33 =	vld [tilespmem:s1+$0xFFFFFE20];
	_ =	sdelay $0x4  }
0x39e: {  	[tilespmem:v54+s19+$0x0] =	vst.idx.msk $0xffff, v33  }
0x39f: {  	v55 =	vadd.s32 v3, v35;
	v33 =	vld [tilespmem:s1+$0xFFFFFE30];
	_ =	sdelay $0x4  }
0x3a0: {  	[tilespmem:v55+s19+$0x0] =	vst.idx.msk $0xffff, v33  }
0x3a1: {  	s6 =	sadd.s32 $0x1, s0;
	v56 =	vadd.s32 v4, v35;
	v33 =	vld [tilespmem:s1+$0xFFFFFE40]  }
0x3a2: {  	v57 =	vmov s6  }
0x3a3: {  	v35 =	vshrl.u32 v57, $0x3  }
0x3a4: {  	v35 =	vshll.u32 v35, v1  }
0x3a5: {  	v35 =	vbroadcast v35, $0x0  }
0x3a6: {  	[tilespmem:v56+s19+$0x0] =	vst.idx.msk $0xffff, v33  }
0x3a7: {  	v58 =	vadd.s32 v5, v35;
	v33 =	vld [tilespmem:s1+$0xFFFFFE50];
	_ =	sdelay $0x4  }
0x3a8: {  	[tilespmem:v58+s19+$0x0] =	vst.idx.msk $0xffff, v33  }
0x3a9: {  	v59 =	vadd.s32 v6, v35;
	v33 =	vld [tilespmem:s1+$0xFFFFFE60];
	_ =	sdelay $0x4  }
0x3aa: {  	[tilespmem:v59+s19+$0x0] =	vst.idx.msk $0xffff, v33  }
0x3ab: {  	v60 =	vadd.s32 v7, v35;
	v33 =	vld [tilespmem:s1+$0xFFFFFE70];
	_ =	sdelay $0x4  }
0x3ac: {  	[tilespmem:v60+s19+$0x0] =	vst.idx.msk $0xffff, v33  }
0x3ad: {  	s10 =	sadd.s32 $0x2, s0;
	v61 =	vadd.s32 v8, v35;
	v33 =	vld [tilespmem:s1+$0xFFFFFE80]  }
0x3ae: {  	v62 =	vmov s10  }
0x3af: {  	v35 =	vshrl.u32 v62, $0x3  }
0x3b0: {  	v35 =	vshll.u32 v35, v1  }
0x3b1: {  	v35 =	vbroadcast v35, $0x0  }
0x3b2: {  	[tilespmem:v61+s19+$0x0] =	vst.idx.msk $0xffff, v33  }
0x3b3: {  	v63 =	vadd.s32 v9, v35;
	v33 =	vld [tilespmem:s1+$0xFFFFFE90];
	_ =	sdelay $0x4  }
0x3b4: {  	[tilespmem:v63+s19+$0x0] =	vst.idx.msk $0xffff, v33  }
0x3b5: {  	v36 =	vadd.s32 v10, v35;
	v33 =	vld [tilespmem:s1+$0xFFFFFEA0];
	_ =	sdelay $0x4  }
0x3b6: {  	[tilespmem:v36+s19+$0x0] =	vst.idx.msk $0xffff, v33  }
0x3b7: {  	v37 =	vadd.s32 v11, v35;
	v33 =	vld [tilespmem:s1+$0xFFFFFEB0];
	_ =	sdelay $0x4  }
0x3b8: {  	[tilespmem:v37+s19+$0x0] =	vst.idx.msk $0xffff, v33  }
0x3b9: {  	s11 =	sadd.s32 $0x3, s0;
	v38 =	vadd.s32 v12, v35;
	v33 =	vld [tilespmem:s1+$0xFFFFFEC0]  }
0x3ba: {  	v39 =	vmov s11  }
0x3bb: {  	v35 =	vshrl.u32 v39, $0x3  }
0x3bc: {  	v35 =	vshll.u32 v35, v1  }
0x3bd: {  	v35 =	vbroadcast v35, $0x0  }
0x3be: {  	[tilespmem:v38+s19+$0x0] =	vst.idx.msk $0xffff, v33  }
0x3bf: {  	v40 =	vadd.s32 v13, v35;
	v33 =	vld [tilespmem:s1+$0xFFFFFED0];
	_ =	sdelay $0x4  }
0x3c0: {  	[tilespmem:v40+s19+$0x0] =	vst.idx.msk $0xffff, v33  }
0x3c1: {  	v41 =	vadd.s32 v14, v35;
	v33 =	vld [tilespmem:s1+$0xFFFFFEE0];
	_ =	sdelay $0x4  }
0x3c2: {  	[tilespmem:v41+s19+$0x0] =	vst.idx.msk $0xffff, v33  }
0x3c3: {  	v42 =	vadd.s32 v15, v35;
	v33 =	vld [tilespmem:s1+$0xFFFFFEF0];
	_ =	sdelay $0x4  }
0x3c4: {  	[tilespmem:v42+s19+$0x0] =	vst.idx.msk $0xffff, v33  }
0x3c5: {  	s7 =	sadd.s32 $0x4, s0;
	v43 =	vadd.s32 v16, v35;
	v33 =	vld [tilespmem:s1+$0xFFFFFF00]  }
0x3c6: {  	v44 =	vmov s7  }
0x3c7: {  	v35 =	vshrl.u32 v44, $0x3  }
0x3c8: {  	v35 =	vshll.u32 v35, v1  }
0x3c9: {  	v35 =	vbroadcast v35, $0x0  }
0x3ca: {  	[tilespmem:v43+s19+$0x0] =	vst.idx.msk $0xffff, v33  }
0x3cb: {  	v45 =	vadd.s32 v17, v35;
	v33 =	vld [tilespmem:s1+$0xFFFFFF10];
	_ =	sdelay $0x4  }
0x3cc: {  	[tilespmem:v45+s19+$0x0] =	vst.idx.msk $0xffff, v33  }
0x3cd: {  	v46 =	vadd.s32 v18, v35;
	v33 =	vld [tilespmem:s1+$0xFFFFFF20];
	_ =	sdelay $0x4  }
0x3ce: {  	[tilespmem:v46+s19+$0x0] =	vst.idx.msk $0xffff, v33  }
0x3cf: {  	v47 =	vadd.s32 v19, v35;
	v33 =	vld [tilespmem:s1+$0xFFFFFF30];
	_ =	sdelay $0x4  }
0x3d0: {  	[tilespmem:v47+s19+$0x0] =	vst.idx.msk $0xffff, v33  }
0x3d1: {  	s10 =	sadd.s32 $0x5, s0;
	v48 =	vadd.s32 v20, v35;
	v33 =	vld [tilespmem:s1+$0xFFFFFF40]  }
0x3d2: {  	v49 =	vmov s10  }
0x3d3: {  	v35 =	vshrl.u32 v49, $0x3  }
0x3d4: {  	v35 =	vshll.u32 v35, v1  }
0x3d5: {  	v35 =	vbroadcast v35, $0x0  }
0x3d6: {  	[tilespmem:v48+s19+$0x0] =	vst.idx.msk $0xffff, v33  }
0x3d7: {  	v50 =	vadd.s32 v21, v35;
	v33 =	vld [tilespmem:s1+$0xFFFFFF50];
	_ =	sdelay $0x4  }
0x3d8: {  	[tilespmem:v50+s19+$0x0] =	vst.idx.msk $0xffff, v33  }
0x3d9: {  	v51 =	vadd.s32 v22, v35;
	v33 =	vld [tilespmem:s1+$0xFFFFFF60];
	_ =	sdelay $0x4  }
0x3da: {  	[tilespmem:v51+s19+$0x0] =	vst.idx.msk $0xffff, v33  }
0x3db: {  	v52 =	vadd.s32 v23, v35;
	v33 =	vld [tilespmem:s1+$0xFFFFFF70];
	_ =	sdelay $0x4  }
0x3dc: {  	[tilespmem:v52+s19+$0x0] =	vst.idx.msk $0xffff, v33  }
0x3dd: {  	s11 =	sadd.s32 $0x6, s0;
	v53 =	vadd.s32 v24, v35;
	v33 =	vld [tilespmem:s1+$0xFFFFFF80]  }
0x3de: {  	v54 =	vmov s11  }
0x3df: {  	v35 =	vshrl.u32 v54, $0x3  }
0x3e0: {  	v35 =	vshll.u32 v35, v1  }
0x3e1: {  	v35 =	vbroadcast v35, $0x0  }
0x3e2: {  	[tilespmem:v53+s19+$0x0] =	vst.idx.msk $0xffff, v33  }
0x3e3: {  	v55 =	vadd.s32 v25, v35;
	v33 =	vld [tilespmem:s1+$0xFFFFFF90];
	_ =	sdelay $0x4  }
0x3e4: {  	[tilespmem:v55+s19+$0x0] =	vst.idx.msk $0xffff, v33  }
0x3e5: {  	v56 =	vadd.s32 v26, v35;
	v33 =	vld [tilespmem:s1+$0xFFFFFFA0];
	_ =	sdelay $0x4  }
0x3e6: {  	[tilespmem:v56+s19+$0x0] =	vst.idx.msk $0xffff, v33  }
0x3e7: {  	v57 =	vadd.s32 v27, v35;
	v33 =	vld [tilespmem:s1+$0xFFFFFFB0];
	_ =	sdelay $0x4  }
0x3e8: {  	[tilespmem:v57+s19+$0x0] =	vst.idx.msk $0xffff, v33  }
0x3e9: {  	s6 =	sadd.s32 $0x7, s0;
	v58 =	vadd.s32 v28, v35;
	v33 =	vld [tilespmem:s1+$0xFFFFFFC0]  }
0x3ea: {  	v59 =	vmov s6  }
0x3eb: {  	v35 =	vshrl.u32 v59, $0x3  }
0x3ec: {  	v35 =	vshll.u32 v35, v1  }
0x3ed: {  	v35 =	vbroadcast v35, $0x0  }
0x3ee: {  	[tilespmem:v58+s19+$0x0] =	vst.idx.msk $0xffff, v33  }
0x3ef: {  	v60 =	vadd.s32 v29, v35;
	v33 =	vld [tilespmem:s1+$0xFFFFFFD0];
	_ =	sdelay $0x4  }
0x3f0: {  	[tilespmem:v60+s19+$0x0] =	vst.idx.msk $0xffff, v33  }
0x3f1: {  	v61 =	vadd.s32 v30, v35;
	v33 =	vld [tilespmem:s1+$0xFFFFFFE0];
	_ =	sdelay $0x4  }
0x3f2: {  	[tilespmem:v61+s19+$0x0] =	vst.idx.msk $0xffff, v33  }
0x3f3: {  	v62 =	vadd.s32 v31, v35;
	v33 =	vld [tilespmem:s1+$0xFFFFFFF0];
	_ =	sdelay $0x4  }
0x3f4: {  	[tilespmem:v62+s19+$0x0] =	vst.idx.msk $0xffff, v33  }
0x3f5: {  	v63 =	vadd.s32 v32, v35;
	v33 =	vld [tilespmem:s1+$0x0];
	_ =	sdelay $0x1  }
0x3f6: {  	s7 =	sshll.u32 s30, $0x7  }
0x3f7: {  	s10 =	sshll.u32 s30, $0xA;
	s0 =	sand.u32 $0x3F00, s7  }
0x3f8: {  	s0 =	sadd.s32 s2, s0;
	s1 =	sand.u32 $0xFFE0000, s10  }
0x3f9: {  	s11 =	simm.s32 $0xEC00;
	s1 =	sadd.s32 s1, s0;
	[tilespmem:v63+s19+$0x0] =	vst.idx.msk $0xffff, v33  }
0x3fa: {  	[hbm4b:s1+s3] =	stream.linear.scatter [tilespmem:s11], [sflag:$0x7], $0x80, $0x38;
	[tilespmem:$0x13000] =	vst v63  }
0x3fb: {  	s6 =	simm.s32 $0xEC88;
	s7 =	sadd.s32 $0x10, s1  }
0x3fc: {  	[hbm4b:s7+s3] =	stream.linear.scatter [tilespmem:s6], [sflag:$0x7], $0x80, $0x38;
	[tilespmem:$0x13000] =	vst v63  }
0x3fd: {  	s10 =	simm.s32 $0xED10;
	s11 =	sadd.s32 $0x20, s1  }
0x3fe: {  	[hbm4b:s11+s3] =	stream.linear.scatter [tilespmem:s10], [sflag:$0x7], $0x80, $0x38;
	[tilespmem:$0x13000] =	vst v63  }
0x3ff: {  	s6 =	simm.s32 $0xED98;
	s7 =	sadd.s32 $0x30, s1  }
0x400: {  	[hbm4b:s7+s3] =	stream.linear.scatter [tilespmem:s6], [sflag:$0x7], $0x80, $0x38;
	[tilespmem:$0x13000] =	vst v63  }
0x401: {  	s10 =	simm.s32 $0xEE20;
	s11 =	sadd.s32 $0x40, s1  }
0x402: {  	[hbm4b:s11+s3] =	stream.linear.scatter [tilespmem:s10], [sflag:$0x7], $0x80, $0x38;
	[tilespmem:$0x13000] =	vst v63  }
0x403: {  	s30 =	simm.s32 $0xEFB8;
	s6 =	simm.s32 $0xEEA8;
	s7 =	sadd.s32 $0x50, s1  }
0x404: {  	[hbm4b:s7+s3] =	stream.linear.scatter [tilespmem:s6], [sflag:$0x7], $0x80, $0x38;
	[tilespmem:$0x13000] =	vst v63  }
0x405: {  	s0 =	simm.s32 $0x440;
	s10 =	simm.s32 $0xEF30;
	s11 =	sadd.s32 $0x60, s1  }
0x406: {  	[hbm4b:s11+s3] =	stream.linear.scatter [tilespmem:s10], [sflag:$0x7], $0x80, $0x38;
	[tilespmem:$0x13000] =	vst v63  }
0x407: {  	s10 =	simm.s32 $0x2200;
	s11 =	sadd.s32 $0x70, s1;
	s1 =	sadd.s32 $0x4000, s1  }
.LBB2_13:
0x408: {  	[hbm4b:s11+s3] =	stream.linear.scatter [tilespmem:s30], [sflag:$0x7], $0x80, $0x38;
	[tilespmem:$0x13000] =	vst v63  }
0x409: {  	s6 =	smov.u32 s0;
	s0 =	smov.u32 s10  }
0x40a: {  	s7 =	sadd.s32 $0x1100, s10;
	s0 =	sshra.s32 s0, $0x2;
	s11 =	sadd.s32 $0xEC00, s6  }
0x40b: {  	[hbm4b:s1+s3] =	stream.linear.scatter [tilespmem:s11], [sflag:$0x7], $0x80, $0x38;
	[tilespmem:$0x13000] =	vst v63  }
0x40c: {  	p2 =	sne.s32 s10, $0x7700;
	s10 =	sadd.s32 $0xEC88, s6;
	s11 =	sadd.s32 $0x10, s1  }
0x40d: {  	[hbm4b:s11+s3] =	stream.linear.scatter [tilespmem:s10], [sflag:$0x7], $0x80, $0x38;
	[tilespmem:$0x13000] =	vst v63  }
0x40e: {  	s10 =	sadd.s32 $0xED10, s6;
	s11 =	sadd.s32 $0x20, s1  }
0x40f: {  	[hbm4b:s11+s3] =	stream.linear.scatter [tilespmem:s10], [sflag:$0x7], $0x80, $0x38;
	[tilespmem:$0x13000] =	vst v63  }
0x410: {  	s10 =	sadd.s32 $0xED98, s6;
	s11 =	sadd.s32 $0x30, s1  }
0x411: {  	[hbm4b:s11+s3] =	stream.linear.scatter [tilespmem:s10], [sflag:$0x7], $0x80, $0x38;
	[tilespmem:$0x13000] =	vst v63  }
0x412: {  	s10 =	sadd.s32 $0xEE20, s6;
	s11 =	sadd.s32 $0x40, s1  }
0x413: {  	[hbm4b:s11+s3] =	stream.linear.scatter [tilespmem:s10], [sflag:$0x7], $0x80, $0x38;
	[tilespmem:$0x13000] =	vst v63  }
.Ltmp5:
0x414: {  	s10 =	sadd.s32 $0xEEA8, s6;
	s11 =	sadd.s32 $0x50, s1;
	(pc) =	sbr.rel @p2 .LBB2_13-.Ltmp5, $4  }
0x415: {  	[hbm4b:s11+s3] =	stream.linear.scatter [tilespmem:s10], [sflag:$0x7], $0x80, $0x38;
	[tilespmem:$0x13000] =	vst v63  }
0x416: {  	s30 =	sadd.s32 $0xEFB8, s6;
	s10 =	sadd.s32 $0xEF30, s6;
	s11 =	sadd.s32 $0x60, s1  }
0x417: {  	[hbm4b:s11+s3] =	stream.linear.scatter [tilespmem:s10], [sflag:$0x7], $0x80, $0x38;
	[tilespmem:$0x13000] =	vst v63  }
0x418: {  	s11 =	sadd.s32 $0x70, s1;
	s1 =	sadd.s32 $0x4000, s1;
	s10 =	smov.u32 s7  }
0x419: {  	[hbm4b:s11+s3] =	stream.linear.scatter [tilespmem:s30], [sflag:$0x7], $0x80, $0x38;
	[tilespmem:$0x13000] =	vst v63  }
0x41a: {  	s6 =	sadd.s32 $0xEC00, s0  }
0x41b: {  	[hbm4b:s1+s3] =	stream.linear.scatter [tilespmem:s6], [sflag:$0x7], $0x80, $0x38;
	[tilespmem:$0x13000] =	vst v63  }
0x41c: {  	s10 =	sadd.s32 $0xEC88, s0;
	s7 =	sadd.s32 $0x10, s1  }
0x41d: {  	[hbm4b:s7+s3] =	stream.linear.scatter [tilespmem:s10], [sflag:$0x7], $0x80, $0x38;
	[tilespmem:$0x13000] =	vst v63  }
0x41e: {  	s11 =	sadd.s32 $0xED10, s0;
	s30 =	sadd.s32 $0x20, s1  }
0x41f: {  	[hbm4b:s30+s3] =	stream.linear.scatter [tilespmem:s11], [sflag:$0x7], $0x80, $0x38;
	[tilespmem:$0x13000] =	vst v63  }
0x420: {  	s7 =	sadd.s32 $0xED98, s0;
	s10 =	sadd.s32 $0x30, s1  }
0x421: {  	[hbm4b:s10+s3] =	stream.linear.scatter [tilespmem:s7], [sflag:$0x7], $0x80, $0x38;
	[tilespmem:$0x13000] =	vst v63  }
0x422: {  	s11 =	sadd.s32 $0xEE20, s0;
	s30 =	sadd.s32 $0x40, s1  }
0x423: {  	[hbm4b:s30+s3] =	stream.linear.scatter [tilespmem:s11], [sflag:$0x7], $0x80, $0x38;
	[tilespmem:$0x13000] =	vst v63  }
0x424: {  	s7 =	sadd.s32 $0xEEA8, s0;
	s10 =	sadd.s32 $0x50, s1  }
0x425: {  	[hbm4b:s10+s3] =	stream.linear.scatter [tilespmem:s7], [sflag:$0x7], $0x80, $0x38;
	[tilespmem:$0x13000] =	vst v63  }
0x426: {  	s11 =	sadd.s32 $0xEF30, s0;
	s30 =	sadd.s32 $0x60, s1  }
0x427: {  	[hbm4b:s30+s3] =	stream.linear.scatter [tilespmem:s11], [sflag:$0x7], $0x80, $0x38;
	[tilespmem:$0x13000] =	vst v63  }
0x428: {  	s10 =	sadd.s32 $0xEFB8, s0;
	s11 =	sadd.s32 $0x70, s1  }
0x429: {  	[hbm4b:s11+s3] =	stream.linear.scatter [tilespmem:s10], [sflag:$0x7], $0x80, $0x38;
	[tilespmem:$0x13000] =	vst v63  }
0x42a: {  	_ =	swait.ge [sflag:s20], $0x2000  }
0x42b: {  	s6 =	simm.s32 @!p0 $0x4800;
	s30 =	simm.s32 $0x0;
	[sflag:s20] =	ssyncset.done $0x0  }
0x42c: {  	s0 =	sadd.s32 @!p0 $0x280, s31;
	s1 =	simm.s32 @!p0 $0x80;
	v33 =	vmov s30;
	[sflag:s20] =	ssyncadd.s32 $0xFFFFE000  }
0x42d: {  	v33 =	vshrl.u32 v33, $0x3;
	[tilespmem:s6], [sflag:$0x2] =	stream.indirect.gather @!p0 [hbm4b:s4+s1], $0x40, s0, s1, $0xb8;
	[tilespmem:$0x13000] =	vst v63  }
0x42e: {  	v33 =	vshll.u32 v33, v1;
	_ =	swait.ge @p1 [sflag:s25], $0x2000  }
0x42f: {  	v33 =	vbroadcast v33, $0x0;
	[sflag:s25] =	ssyncset.done @p1 $0x0  }
0x430: {  	s1 =	simm.s32 $0x89F0;
	[sflag:s25] =	ssyncadd.s32 @p1 $0xFFFFE000  }
0x431: {  	v35 =	vadd.s32 v0, v33;
	v34 =	vld [tilespmem:s1+$0xFFFFFE10];
	_ =	sdelay $0x4  }
0x432: {  	[tilespmem:v35+s21+$0x0] =	vst.idx.msk $0xffff, v34  }
0x433: {  	v56 =	vadd.s32 v2, v33;
	v34 =	vld [tilespmem:s1+$0xFFFFFE20];
	_ =	sdelay $0x4  }
0x434: {  	[tilespmem:v56+s21+$0x0] =	vst.idx.msk $0xffff, v34  }
0x435: {  	v57 =	vadd.s32 v3, v33;
	v34 =	vld [tilespmem:s1+$0xFFFFFE30];
	_ =	sdelay $0x4  }
0x436: {  	[tilespmem:v57+s21+$0x0] =	vst.idx.msk $0xffff, v34  }
0x437: {  	s31 =	simm.s32 $0x1;
	v33 =	vadd.s32 v4, v33;
	v34 =	vld [tilespmem:s1+$0xFFFFFE40]  }
0x438: {  	v58 =	vmov s31  }
0x439: {  	v35 =	vshrl.u32 v58, $0x3  }
0x43a: {  	v35 =	vshll.u32 v35, v1  }
0x43b: {  	v35 =	vbroadcast v35, $0x0  }
0x43c: {  	[tilespmem:v33+s21+$0x0] =	vst.idx.msk $0xffff, v34  }
0x43d: {  	v59 =	vadd.s32 v5, v35;
	v33 =	vld [tilespmem:s1+$0xFFFFFE50];
	_ =	sdelay $0x4  }
0x43e: {  	[tilespmem:v59+s21+$0x0] =	vst.idx.msk $0xffff, v33  }
0x43f: {  	v60 =	vadd.s32 v6, v35;
	v33 =	vld [tilespmem:s1+$0xFFFFFE60];
	_ =	sdelay $0x4  }
0x440: {  	[tilespmem:v60+s21+$0x0] =	vst.idx.msk $0xffff, v33  }
0x441: {  	v61 =	vadd.s32 v7, v35;
	v33 =	vld [tilespmem:s1+$0xFFFFFE70];
	_ =	sdelay $0x4  }
0x442: {  	[tilespmem:v61+s21+$0x0] =	vst.idx.msk $0xffff, v33  }
0x443: {  	s6 =	simm.s32 $0x2;
	v62 =	vadd.s32 v8, v35;
	v33 =	vld [tilespmem:s1+$0xFFFFFE80]  }
0x444: {  	v63 =	vmov s6  }
0x445: {  	v35 =	vshrl.u32 v63, $0x3  }
0x446: {  	v35 =	vshll.u32 v35, v1  }
0x447: {  	v35 =	vbroadcast v35, $0x0  }
0x448: {  	[tilespmem:v62+s21+$0x0] =	vst.idx.msk $0xffff, v33  }
0x449: {  	v36 =	vadd.s32 v9, v35;
	v33 =	vld [tilespmem:s1+$0xFFFFFE90];
	_ =	sdelay $0x4  }
0x44a: {  	[tilespmem:v36+s21+$0x0] =	vst.idx.msk $0xffff, v33  }
0x44b: {  	v37 =	vadd.s32 v10, v35;
	v33 =	vld [tilespmem:s1+$0xFFFFFEA0];
	_ =	sdelay $0x4  }
0x44c: {  	[tilespmem:v37+s21+$0x0] =	vst.idx.msk $0xffff, v33  }
0x44d: {  	v38 =	vadd.s32 v11, v35;
	v33 =	vld [tilespmem:s1+$0xFFFFFEB0];
	_ =	sdelay $0x4  }
0x44e: {  	[tilespmem:v38+s21+$0x0] =	vst.idx.msk $0xffff, v33  }
0x44f: {  	s7 =	simm.s32 $0x3;
	v39 =	vadd.s32 v12, v35;
	v33 =	vld [tilespmem:s1+$0xFFFFFEC0]  }
0x450: {  	v40 =	vmov s7  }
0x451: {  	v35 =	vshrl.u32 v40, $0x3  }
0x452: {  	v35 =	vshll.u32 v35, v1  }
0x453: {  	v35 =	vbroadcast v35, $0x0  }
0x454: {  	[tilespmem:v39+s21+$0x0] =	vst.idx.msk $0xffff, v33  }
0x455: {  	v41 =	vadd.s32 v13, v35;
	v33 =	vld [tilespmem:s1+$0xFFFFFED0];
	_ =	sdelay $0x4  }
0x456: {  	[tilespmem:v41+s21+$0x0] =	vst.idx.msk $0xffff, v33  }
0x457: {  	v42 =	vadd.s32 v14, v35;
	v33 =	vld [tilespmem:s1+$0xFFFFFEE0];
	_ =	sdelay $0x4  }
0x458: {  	[tilespmem:v42+s21+$0x0] =	vst.idx.msk $0xffff, v33  }
0x459: {  	v43 =	vadd.s32 v15, v35;
	v33 =	vld [tilespmem:s1+$0xFFFFFEF0];
	_ =	sdelay $0x4  }
0x45a: {  	[tilespmem:v43+s21+$0x0] =	vst.idx.msk $0xffff, v33  }
0x45b: {  	s10 =	simm.s32 $0x4;
	v44 =	vadd.s32 v16, v35;
	v33 =	vld [tilespmem:s1+$0xFFFFFF00]  }
0x45c: {  	v45 =	vmov s10  }
0x45d: {  	v35 =	vshrl.u32 v45, $0x3  }
0x45e: {  	v35 =	vshll.u32 v35, v1  }
0x45f: {  	v35 =	vbroadcast v35, $0x0  }
0x460: {  	[tilespmem:v44+s21+$0x0] =	vst.idx.msk $0xffff, v33  }
0x461: {  	v46 =	vadd.s32 v17, v35;
	v33 =	vld [tilespmem:s1+$0xFFFFFF10];
	_ =	sdelay $0x4  }
0x462: {  	[tilespmem:v46+s21+$0x0] =	vst.idx.msk $0xffff, v33  }
0x463: {  	v47 =	vadd.s32 v18, v35;
	v33 =	vld [tilespmem:s1+$0xFFFFFF20];
	_ =	sdelay $0x4  }
0x464: {  	[tilespmem:v47+s21+$0x0] =	vst.idx.msk $0xffff, v33  }
0x465: {  	v48 =	vadd.s32 v19, v35;
	v33 =	vld [tilespmem:s1+$0xFFFFFF30];
	_ =	sdelay $0x4  }
0x466: {  	[tilespmem:v48+s21+$0x0] =	vst.idx.msk $0xffff, v33  }
0x467: {  	s11 =	simm.s32 $0x5;
	v49 =	vadd.s32 v20, v35;
	v33 =	vld [tilespmem:s1+$0xFFFFFF40]  }
0x468: {  	v50 =	vmov s11  }
0x469: {  	v35 =	vshrl.u32 v50, $0x3  }
0x46a: {  	v35 =	vshll.u32 v35, v1  }
0x46b: {  	v35 =	vbroadcast v35, $0x0  }
0x46c: {  	[tilespmem:v49+s21+$0x0] =	vst.idx.msk $0xffff, v33  }
0x46d: {  	v51 =	vadd.s32 v21, v35;
	v33 =	vld [tilespmem:s1+$0xFFFFFF50];
	_ =	sdelay $0x4  }
0x46e: {  	[tilespmem:v51+s21+$0x0] =	vst.idx.msk $0xffff, v33  }
0x46f: {  	v52 =	vadd.s32 v22, v35;
	v33 =	vld [tilespmem:s1+$0xFFFFFF60];
	_ =	sdelay $0x4  }
0x470: {  	[tilespmem:v52+s21+$0x0] =	vst.idx.msk $0xffff, v33  }
0x471: {  	v53 =	vadd.s32 v23, v35;
	v33 =	vld [tilespmem:s1+$0xFFFFFF70];
	_ =	sdelay $0x4  }
0x472: {  	[tilespmem:v53+s21+$0x0] =	vst.idx.msk $0xffff, v33  }
0x473: {  	s30 =	simm.s32 $0x6;
	v54 =	vadd.s32 v24, v35;
	v33 =	vld [tilespmem:s1+$0xFFFFFF80]  }
0x474: {  	v55 =	vmov s30  }
0x475: {  	v35 =	vshrl.u32 v55, $0x3  }
0x476: {  	v35 =	vshll.u32 v35, v1  }
0x477: {  	v35 =	vbroadcast v35, $0x0  }
0x478: {  	[tilespmem:v54+s21+$0x0] =	vst.idx.msk $0xffff, v33  }
0x479: {  	v56 =	vadd.s32 v25, v35;
	v33 =	vld [tilespmem:s1+$0xFFFFFF90];
	_ =	sdelay $0x4  }
0x47a: {  	[tilespmem:v56+s21+$0x0] =	vst.idx.msk $0xffff, v33  }
0x47b: {  	v57 =	vadd.s32 v26, v35;
	v33 =	vld [tilespmem:s1+$0xFFFFFFA0];
	_ =	sdelay $0x4  }
0x47c: {  	[tilespmem:v57+s21+$0x0] =	vst.idx.msk $0xffff, v33  }
0x47d: {  	v58 =	vadd.s32 v27, v35;
	v33 =	vld [tilespmem:s1+$0xFFFFFFB0];
	_ =	sdelay $0x4  }
0x47e: {  	[tilespmem:v58+s21+$0x0] =	vst.idx.msk $0xffff, v33  }
0x47f: {  	s31 =	simm.s32 $0x7;
	v59 =	vadd.s32 v28, v35;
	v33 =	vld [tilespmem:s1+$0xFFFFFFC0]  }
0x480: {  	v60 =	vmov s31  }
0x481: {  	v35 =	vshrl.u32 v60, $0x3  }
0x482: {  	v35 =	vshll.u32 v35, v1  }
0x483: {  	v35 =	vbroadcast v35, $0x0  }
0x484: {  	[tilespmem:v59+s21+$0x0] =	vst.idx.msk $0xffff, v33  }
0x485: {  	v61 =	vadd.s32 v29, v35;
	v33 =	vld [tilespmem:s1+$0xFFFFFFD0];
	_ =	sdelay $0x4  }
0x486: {  	[tilespmem:v61+s21+$0x0] =	vst.idx.msk $0xffff, v33  }
0x487: {  	v62 =	vadd.s32 v30, v35;
	v33 =	vld [tilespmem:s1+$0xFFFFFFE0];
	_ =	sdelay $0x4  }
0x488: {  	[tilespmem:v62+s21+$0x0] =	vst.idx.msk $0xffff, v33  }
0x489: {  	v63 =	vadd.s32 v31, v35;
	v33 =	vld [tilespmem:s1+$0xFFFFFFF0];
	_ =	sdelay $0x4  }
0x48a: {  	[tilespmem:v63+s21+$0x0] =	vst.idx.msk $0xffff, v33  }
0x48b: {  	s0 =	simm.s32 $0x8;
	v34 =	vadd.s32 v32, v35;
	v33 =	vld [tilespmem:s1+$0x0]  }
0x48c: {  	s29 =	sadd.s32 s5, s29;
	s10 =	simm.s32 $0x10;
	v35 =	vmov s0  }
.LBB2_15:
0x48d: {  	p0 =	slt.u32 s10, $0x78;
	v35 =	vshrl.u32 v35, $0x3  }
0x48e: {  	v35 =	vshll.u32 v35, v1  }
0x48f: {  	v35 =	vbroadcast v35, $0x0  }
0x490: {  	s1 =	sadd.s32 $0x200, s1;
	[tilespmem:v34+s21+$0x0] =	vst.idx.msk $0xffff, v33  }
0x491: {  	v33 =	vld [tilespmem:s1+$0xFFFFFE10];
	v34 =	vadd.s32 v0, v35;
	_ =	sdelay $0x4  }
0x492: {  	[tilespmem:v34+s21+$0x0] =	vst.idx.msk $0xffff, v33  }
0x493: {  	v34 =	vadd.s32 v2, v35;
	v33 =	vld [tilespmem:s1+$0xFFFFFE20];
	_ =	sdelay $0x4  }
0x494: {  	[tilespmem:v34+s21+$0x0] =	vst.idx.msk $0xffff, v33  }
0x495: {  	v34 =	vadd.s32 v3, v35;
	v33 =	vld [tilespmem:s1+$0xFFFFFE30];
	_ =	sdelay $0x4  }
0x496: {  	[tilespmem:v34+s21+$0x0] =	vst.idx.msk $0xffff, v33  }
0x497: {  	s6 =	sadd.s32 $0x1, s0;
	v34 =	vadd.s32 v4, v35;
	v33 =	vld [tilespmem:s1+$0xFFFFFE40]  }
0x498: {  	v35 =	vmov s6  }
0x499: {  	v35 =	vshrl.u32 v35, $0x3  }
0x49a: {  	v35 =	vshll.u32 v35, v1  }
0x49b: {  	v35 =	vbroadcast v35, $0x0  }
0x49c: {  	[tilespmem:v34+s21+$0x0] =	vst.idx.msk $0xffff, v33  }
0x49d: {  	v34 =	vadd.s32 v5, v35;
	v33 =	vld [tilespmem:s1+$0xFFFFFE50];
	_ =	sdelay $0x4  }
0x49e: {  	[tilespmem:v34+s21+$0x0] =	vst.idx.msk $0xffff, v33  }
0x49f: {  	v34 =	vadd.s32 v6, v35;
	v33 =	vld [tilespmem:s1+$0xFFFFFE60];
	_ =	sdelay $0x4  }
0x4a0: {  	[tilespmem:v34+s21+$0x0] =	vst.idx.msk $0xffff, v33  }
0x4a1: {  	v34 =	vadd.s32 v7, v35;
	v33 =	vld [tilespmem:s1+$0xFFFFFE70];
	_ =	sdelay $0x4  }
0x4a2: {  	[tilespmem:v34+s21+$0x0] =	vst.idx.msk $0xffff, v33  }
0x4a3: {  	s6 =	sadd.s32 $0x2, s0;
	v34 =	vadd.s32 v8, v35;
	v33 =	vld [tilespmem:s1+$0xFFFFFE80]  }
0x4a4: {  	v35 =	vmov s6  }
0x4a5: {  	v35 =	vshrl.u32 v35, $0x3  }
0x4a6: {  	v35 =	vshll.u32 v35, v1  }
0x4a7: {  	v35 =	vbroadcast v35, $0x0  }
0x4a8: {  	[tilespmem:v34+s21+$0x0] =	vst.idx.msk $0xffff, v33  }
0x4a9: {  	v34 =	vadd.s32 v9, v35;
	v33 =	vld [tilespmem:s1+$0xFFFFFE90];
	_ =	sdelay $0x4  }
0x4aa: {  	[tilespmem:v34+s21+$0x0] =	vst.idx.msk $0xffff, v33  }
0x4ab: {  	v34 =	vadd.s32 v10, v35;
	v33 =	vld [tilespmem:s1+$0xFFFFFEA0];
	_ =	sdelay $0x4  }
0x4ac: {  	[tilespmem:v34+s21+$0x0] =	vst.idx.msk $0xffff, v33  }
0x4ad: {  	v34 =	vadd.s32 v11, v35;
	v33 =	vld [tilespmem:s1+$0xFFFFFEB0];
	_ =	sdelay $0x4  }
0x4ae: {  	[tilespmem:v34+s21+$0x0] =	vst.idx.msk $0xffff, v33  }
0x4af: {  	s6 =	sadd.s32 $0x3, s0;
	v34 =	vadd.s32 v12, v35;
	v33 =	vld [tilespmem:s1+$0xFFFFFEC0]  }
0x4b0: {  	v35 =	vmov s6  }
0x4b1: {  	v35 =	vshrl.u32 v35, $0x3  }
0x4b2: {  	v35 =	vshll.u32 v35, v1  }
0x4b3: {  	v35 =	vbroadcast v35, $0x0  }
0x4b4: {  	[tilespmem:v34+s21+$0x0] =	vst.idx.msk $0xffff, v33  }
0x4b5: {  	v34 =	vadd.s32 v13, v35;
	v33 =	vld [tilespmem:s1+$0xFFFFFED0];
	_ =	sdelay $0x4  }
0x4b6: {  	[tilespmem:v34+s21+$0x0] =	vst.idx.msk $0xffff, v33  }
0x4b7: {  	v34 =	vadd.s32 v14, v35;
	v33 =	vld [tilespmem:s1+$0xFFFFFEE0];
	_ =	sdelay $0x4  }
0x4b8: {  	[tilespmem:v34+s21+$0x0] =	vst.idx.msk $0xffff, v33  }
0x4b9: {  	v34 =	vadd.s32 v15, v35;
	v33 =	vld [tilespmem:s1+$0xFFFFFEF0];
	_ =	sdelay $0x4  }
0x4ba: {  	[tilespmem:v34+s21+$0x0] =	vst.idx.msk $0xffff, v33  }
0x4bb: {  	s6 =	sadd.s32 $0x4, s0;
	v34 =	vadd.s32 v16, v35;
	v33 =	vld [tilespmem:s1+$0xFFFFFF00]  }
0x4bc: {  	v35 =	vmov s6  }
0x4bd: {  	v35 =	vshrl.u32 v35, $0x3  }
0x4be: {  	v35 =	vshll.u32 v35, v1  }
0x4bf: {  	v35 =	vbroadcast v35, $0x0  }
0x4c0: {  	[tilespmem:v34+s21+$0x0] =	vst.idx.msk $0xffff, v33  }
0x4c1: {  	v34 =	vadd.s32 v17, v35;
	v33 =	vld [tilespmem:s1+$0xFFFFFF10];
	_ =	sdelay $0x4  }
0x4c2: {  	[tilespmem:v34+s21+$0x0] =	vst.idx.msk $0xffff, v33  }
0x4c3: {  	v34 =	vadd.s32 v18, v35;
	v33 =	vld [tilespmem:s1+$0xFFFFFF20];
	_ =	sdelay $0x4  }
0x4c4: {  	[tilespmem:v34+s21+$0x0] =	vst.idx.msk $0xffff, v33  }
0x4c5: {  	v34 =	vadd.s32 v19, v35;
	v33 =	vld [tilespmem:s1+$0xFFFFFF30];
	_ =	sdelay $0x4  }
0x4c6: {  	[tilespmem:v34+s21+$0x0] =	vst.idx.msk $0xffff, v33  }
0x4c7: {  	s6 =	sadd.s32 $0x5, s0;
	v34 =	vadd.s32 v20, v35;
	v33 =	vld [tilespmem:s1+$0xFFFFFF40]  }
0x4c8: {  	v35 =	vmov s6  }
0x4c9: {  	v35 =	vshrl.u32 v35, $0x3  }
0x4ca: {  	v35 =	vshll.u32 v35, v1  }
0x4cb: {  	v35 =	vbroadcast v35, $0x0  }
0x4cc: {  	[tilespmem:v34+s21+$0x0] =	vst.idx.msk $0xffff, v33  }
0x4cd: {  	v34 =	vadd.s32 v21, v35;
	v33 =	vld [tilespmem:s1+$0xFFFFFF50];
	_ =	sdelay $0x4  }
0x4ce: {  	[tilespmem:v34+s21+$0x0] =	vst.idx.msk $0xffff, v33  }
0x4cf: {  	v34 =	vadd.s32 v22, v35;
	v33 =	vld [tilespmem:s1+$0xFFFFFF60];
	_ =	sdelay $0x4  }
0x4d0: {  	[tilespmem:v34+s21+$0x0] =	vst.idx.msk $0xffff, v33  }
0x4d1: {  	v34 =	vadd.s32 v23, v35;
	v33 =	vld [tilespmem:s1+$0xFFFFFF70];
	_ =	sdelay $0x4  }
0x4d2: {  	[tilespmem:v34+s21+$0x0] =	vst.idx.msk $0xffff, v33  }
0x4d3: {  	s6 =	sadd.s32 $0x6, s0;
	v34 =	vadd.s32 v24, v35;
	v33 =	vld [tilespmem:s1+$0xFFFFFF80]  }
0x4d4: {  	v35 =	vmov s6  }
0x4d5: {  	v35 =	vshrl.u32 v35, $0x3  }
0x4d6: {  	v35 =	vshll.u32 v35, v1  }
0x4d7: {  	v35 =	vbroadcast v35, $0x0  }
0x4d8: {  	[tilespmem:v34+s21+$0x0] =	vst.idx.msk $0xffff, v33  }
0x4d9: {  	v34 =	vadd.s32 v25, v35;
	v33 =	vld [tilespmem:s1+$0xFFFFFF90];
	_ =	sdelay $0x4  }
0x4da: {  	[tilespmem:v34+s21+$0x0] =	vst.idx.msk $0xffff, v33  }
0x4db: {  	v34 =	vadd.s32 v26, v35;
	v33 =	vld [tilespmem:s1+$0xFFFFFFA0];
	_ =	sdelay $0x4  }
0x4dc: {  	[tilespmem:v34+s21+$0x0] =	vst.idx.msk $0xffff, v33  }
0x4dd: {  	v34 =	vadd.s32 v27, v35;
	v33 =	vld [tilespmem:s1+$0xFFFFFFB0];
	_ =	sdelay $0x4  }
0x4de: {  	[tilespmem:v34+s21+$0x0] =	vst.idx.msk $0xffff, v33  }
0x4df: {  	s6 =	sadd.s32 $0x7, s0;
	s0 =	smov.u32 s10;
	v34 =	vadd.s32 v28, v35;
	v33 =	vld [tilespmem:s1+$0xFFFFFFC0]  }
0x4e0: {  	v35 =	vmov s6  }
0x4e1: {  	v35 =	vshrl.u32 v35, $0x3  }
0x4e2: {  	v35 =	vshll.u32 v35, v1  }
0x4e3: {  	v35 =	vbroadcast v35, $0x0  }
0x4e4: {  	[tilespmem:v34+s21+$0x0] =	vst.idx.msk $0xffff, v33  }
0x4e5: {  	v34 =	vadd.s32 v29, v35;
	v33 =	vld [tilespmem:s1+$0xFFFFFFD0];
	_ =	sdelay $0x4  }
0x4e6: {  	[tilespmem:v34+s21+$0x0] =	vst.idx.msk $0xffff, v33  }
0x4e7: {  	v34 =	vadd.s32 v30, v35;
	v33 =	vld [tilespmem:s1+$0xFFFFFFE0];
	_ =	sdelay $0x4  }
0x4e8: {  	[tilespmem:v34+s21+$0x0] =	vst.idx.msk $0xffff, v33  }
0x4e9: {  	v34 =	vadd.s32 v31, v35;
	v33 =	vld [tilespmem:s1+$0xFFFFFFF0];
	_ =	sdelay $0x2  }
.Ltmp6:
0x4ea: {  	(pc) =	sbr.rel @p0 .LBB2_15-.Ltmp6, $4  }
0x4eb: {  	_ = 	snop  }
0x4ec: {  	[tilespmem:v34+s21+$0x0] =	vst.idx.msk $0xffff, v33  }
0x4ed: {  	v34 =	vadd.s32 v32, v35;
	v33 =	vld [tilespmem:s1+$0x0]  }
0x4ee: {  	s10 =	sadd.s32 $0x8, s10;
	v35 =	vmov s0  }
0x4ef: {  	_ = 	snop  }
0x4f0: {  	v35 =	vshrl.u32 v35, $0x3  }
0x4f1: {  	v35 =	vshll.u32 v35, v1  }
0x4f2: {  	v35 =	vbroadcast v35, $0x0  }
0x4f3: {  	s1 =	sadd.s32 $0x200, s1;
	[tilespmem:v34+s21+$0x0] =	vst.idx.msk $0xffff, v33  }
0x4f4: {  	v33 =	vld [tilespmem:s1+$0xFFFFFE10];
	v53 =	vadd.s32 v0, v35;
	_ =	sdelay $0x4  }
0x4f5: {  	[tilespmem:v53+s21+$0x0] =	vst.idx.msk $0xffff, v33  }
0x4f6: {  	v54 =	vadd.s32 v2, v35;
	v33 =	vld [tilespmem:s1+$0xFFFFFE20];
	_ =	sdelay $0x4  }
0x4f7: {  	[tilespmem:v54+s21+$0x0] =	vst.idx.msk $0xffff, v33  }
0x4f8: {  	v55 =	vadd.s32 v3, v35;
	v33 =	vld [tilespmem:s1+$0xFFFFFE30];
	_ =	sdelay $0x4  }
0x4f9: {  	[tilespmem:v55+s21+$0x0] =	vst.idx.msk $0xffff, v33  }
0x4fa: {  	s6 =	sadd.s32 $0x1, s0;
	v56 =	vadd.s32 v4, v35;
	v33 =	vld [tilespmem:s1+$0xFFFFFE40]  }
0x4fb: {  	v57 =	vmov s6  }
0x4fc: {  	v35 =	vshrl.u32 v57, $0x3  }
0x4fd: {  	v35 =	vshll.u32 v35, v1  }
0x4fe: {  	v35 =	vbroadcast v35, $0x0  }
0x4ff: {  	[tilespmem:v56+s21+$0x0] =	vst.idx.msk $0xffff, v33  }
0x500: {  	v58 =	vadd.s32 v5, v35;
	v33 =	vld [tilespmem:s1+$0xFFFFFE50];
	_ =	sdelay $0x4  }
0x501: {  	[tilespmem:v58+s21+$0x0] =	vst.idx.msk $0xffff, v33  }
0x502: {  	v59 =	vadd.s32 v6, v35;
	v33 =	vld [tilespmem:s1+$0xFFFFFE60];
	_ =	sdelay $0x4  }
0x503: {  	[tilespmem:v59+s21+$0x0] =	vst.idx.msk $0xffff, v33  }
0x504: {  	v60 =	vadd.s32 v7, v35;
	v33 =	vld [tilespmem:s1+$0xFFFFFE70];
	_ =	sdelay $0x4  }
0x505: {  	[tilespmem:v60+s21+$0x0] =	vst.idx.msk $0xffff, v33  }
0x506: {  	s10 =	sadd.s32 $0x2, s0;
	v61 =	vadd.s32 v8, v35;
	v33 =	vld [tilespmem:s1+$0xFFFFFE80]  }
0x507: {  	v62 =	vmov s10  }
0x508: {  	v35 =	vshrl.u32 v62, $0x3  }
0x509: {  	v35 =	vshll.u32 v35, v1  }
0x50a: {  	v35 =	vbroadcast v35, $0x0  }
0x50b: {  	[tilespmem:v61+s21+$0x0] =	vst.idx.msk $0xffff, v33  }
0x50c: {  	v63 =	vadd.s32 v9, v35;
	v33 =	vld [tilespmem:s1+$0xFFFFFE90];
	_ =	sdelay $0x4  }
0x50d: {  	[tilespmem:v63+s21+$0x0] =	vst.idx.msk $0xffff, v33  }
0x50e: {  	v36 =	vadd.s32 v10, v35;
	v33 =	vld [tilespmem:s1+$0xFFFFFEA0];
	_ =	sdelay $0x4  }
0x50f: {  	[tilespmem:v36+s21+$0x0] =	vst.idx.msk $0xffff, v33  }
0x510: {  	v37 =	vadd.s32 v11, v35;
	v33 =	vld [tilespmem:s1+$0xFFFFFEB0];
	_ =	sdelay $0x4  }
0x511: {  	[tilespmem:v37+s21+$0x0] =	vst.idx.msk $0xffff, v33  }
0x512: {  	s11 =	sadd.s32 $0x3, s0;
	v38 =	vadd.s32 v12, v35;
	v33 =	vld [tilespmem:s1+$0xFFFFFEC0]  }
0x513: {  	v39 =	vmov s11  }
0x514: {  	v35 =	vshrl.u32 v39, $0x3  }
0x515: {  	v35 =	vshll.u32 v35, v1  }
0x516: {  	v35 =	vbroadcast v35, $0x0  }
0x517: {  	[tilespmem:v38+s21+$0x0] =	vst.idx.msk $0xffff, v33  }
0x518: {  	v40 =	vadd.s32 v13, v35;
	v33 =	vld [tilespmem:s1+$0xFFFFFED0];
	_ =	sdelay $0x4  }
0x519: {  	[tilespmem:v40+s21+$0x0] =	vst.idx.msk $0xffff, v33  }
0x51a: {  	v41 =	vadd.s32 v14, v35;
	v33 =	vld [tilespmem:s1+$0xFFFFFEE0];
	_ =	sdelay $0x4  }
0x51b: {  	[tilespmem:v41+s21+$0x0] =	vst.idx.msk $0xffff, v33  }
0x51c: {  	v42 =	vadd.s32 v15, v35;
	v33 =	vld [tilespmem:s1+$0xFFFFFEF0];
	_ =	sdelay $0x4  }
0x51d: {  	[tilespmem:v42+s21+$0x0] =	vst.idx.msk $0xffff, v33  }
0x51e: {  	s30 =	sadd.s32 $0x4, s0;
	v43 =	vadd.s32 v16, v35;
	v33 =	vld [tilespmem:s1+$0xFFFFFF00]  }
0x51f: {  	v44 =	vmov s30  }
0x520: {  	v35 =	vshrl.u32 v44, $0x3  }
0x521: {  	v35 =	vshll.u32 v35, v1  }
0x522: {  	v35 =	vbroadcast v35, $0x0  }
0x523: {  	[tilespmem:v43+s21+$0x0] =	vst.idx.msk $0xffff, v33  }
0x524: {  	v45 =	vadd.s32 v17, v35;
	v33 =	vld [tilespmem:s1+$0xFFFFFF10];
	_ =	sdelay $0x4  }
0x525: {  	[tilespmem:v45+s21+$0x0] =	vst.idx.msk $0xffff, v33  }
0x526: {  	v46 =	vadd.s32 v18, v35;
	v33 =	vld [tilespmem:s1+$0xFFFFFF20];
	_ =	sdelay $0x4  }
0x527: {  	[tilespmem:v46+s21+$0x0] =	vst.idx.msk $0xffff, v33  }
0x528: {  	v47 =	vadd.s32 v19, v35;
	v33 =	vld [tilespmem:s1+$0xFFFFFF30];
	_ =	sdelay $0x4  }
0x529: {  	[tilespmem:v47+s21+$0x0] =	vst.idx.msk $0xffff, v33  }
0x52a: {  	s31 =	sadd.s32 $0x5, s0;
	v48 =	vadd.s32 v20, v35;
	v33 =	vld [tilespmem:s1+$0xFFFFFF40]  }
0x52b: {  	v49 =	vmov s31  }
0x52c: {  	v35 =	vshrl.u32 v49, $0x3  }
0x52d: {  	v35 =	vshll.u32 v35, v1  }
0x52e: {  	v35 =	vbroadcast v35, $0x0  }
0x52f: {  	[tilespmem:v48+s21+$0x0] =	vst.idx.msk $0xffff, v33  }
0x530: {  	v50 =	vadd.s32 v21, v35;
	v33 =	vld [tilespmem:s1+$0xFFFFFF50];
	_ =	sdelay $0x4  }
0x531: {  	[tilespmem:v50+s21+$0x0] =	vst.idx.msk $0xffff, v33  }
0x532: {  	v51 =	vadd.s32 v22, v35;
	v33 =	vld [tilespmem:s1+$0xFFFFFF60];
	_ =	sdelay $0x4  }
0x533: {  	[tilespmem:v51+s21+$0x0] =	vst.idx.msk $0xffff, v33  }
0x534: {  	v52 =	vadd.s32 v23, v35;
	v33 =	vld [tilespmem:s1+$0xFFFFFF70];
	_ =	sdelay $0x4  }
0x535: {  	[tilespmem:v52+s21+$0x0] =	vst.idx.msk $0xffff, v33  }
0x536: {  	s7 =	sadd.s32 $0x6, s0;
	v53 =	vadd.s32 v24, v35;
	v33 =	vld [tilespmem:s1+$0xFFFFFF80]  }
0x537: {  	v54 =	vmov s7  }
0x538: {  	v35 =	vshrl.u32 v54, $0x3  }
0x539: {  	v35 =	vshll.u32 v35, v1  }
0x53a: {  	v35 =	vbroadcast v35, $0x0  }
0x53b: {  	[tilespmem:v53+s21+$0x0] =	vst.idx.msk $0xffff, v33  }
0x53c: {  	v55 =	vadd.s32 v25, v35;
	v33 =	vld [tilespmem:s1+$0xFFFFFF90];
	_ =	sdelay $0x4  }
0x53d: {  	[tilespmem:v55+s21+$0x0] =	vst.idx.msk $0xffff, v33  }
0x53e: {  	v56 =	vadd.s32 v26, v35;
	v33 =	vld [tilespmem:s1+$0xFFFFFFA0];
	_ =	sdelay $0x4  }
0x53f: {  	[tilespmem:v56+s21+$0x0] =	vst.idx.msk $0xffff, v33  }
0x540: {  	v57 =	vadd.s32 v27, v35;
	v33 =	vld [tilespmem:s1+$0xFFFFFFB0];
	_ =	sdelay $0x4  }
0x541: {  	[tilespmem:v57+s21+$0x0] =	vst.idx.msk $0xffff, v33  }
0x542: {  	s10 =	sadd.s32 $0x7, s0;
	v58 =	vadd.s32 v28, v35;
	v33 =	vld [tilespmem:s1+$0xFFFFFFC0]  }
0x543: {  	v59 =	vmov s10  }
0x544: {  	v35 =	vshrl.u32 v59, $0x3  }
0x545: {  	v35 =	vshll.u32 v35, v1  }
0x546: {  	v35 =	vbroadcast v35, $0x0  }
0x547: {  	[tilespmem:v58+s21+$0x0] =	vst.idx.msk $0xffff, v33  }
0x548: {  	v60 =	vadd.s32 v29, v35;
	v33 =	vld [tilespmem:s1+$0xFFFFFFD0];
	_ =	sdelay $0x4  }
0x549: {  	[tilespmem:v60+s21+$0x0] =	vst.idx.msk $0xffff, v33  }
0x54a: {  	v61 =	vadd.s32 v30, v35;
	v33 =	vld [tilespmem:s1+$0xFFFFFFE0];
	_ =	sdelay $0x4  }
0x54b: {  	[tilespmem:v61+s21+$0x0] =	vst.idx.msk $0xffff, v33  }
0x54c: {  	v62 =	vadd.s32 v31, v35;
	v33 =	vld [tilespmem:s1+$0xFFFFFFF0];
	_ =	sdelay $0x4  }
0x54d: {  	[tilespmem:v62+s21+$0x0] =	vst.idx.msk $0xffff, v33  }
0x54e: {  	v63 =	vadd.s32 v32, v35;
	v33 =	vld [tilespmem:s1+$0x0];
	_ =	sdelay $0x1  }
0x54f: {  	s11 =	sshll.u32 s29, $0x7  }
0x550: {  	s30 =	sshll.u32 s29, $0xA;
	s0 =	sand.u32 $0x3F80, s11  }
0x551: {  	s0 =	sadd.s32 s2, s0;
	s1 =	sand.u32 $0xFFE0000, s30  }
0x552: {  	s31 =	simm.s32 $0x10E00;
	s1 =	sadd.s32 s1, s0;
	[tilespmem:v63+s21+$0x0] =	vst.idx.msk $0xffff, v33  }
0x553: {  	[hbm4b:s1+s3] =	stream.linear.scatter [tilespmem:s31], [sflag:$0x8], $0x80, $0x38;
	[tilespmem:$0x13000] =	vst v63  }
0x554: {  	s6 =	simm.s32 $0x10E88;
	s7 =	sadd.s32 $0x10, s1  }
0x555: {  	[hbm4b:s7+s3] =	stream.linear.scatter [tilespmem:s6], [sflag:$0x8], $0x80, $0x38;
	[tilespmem:$0x13000] =	vst v63  }
0x556: {  	s29 =	simm.s32 $0x111B8;
	s10 =	simm.s32 $0x10F10;
	s11 =	sadd.s32 $0x20, s1  }
0x557: {  	[hbm4b:s11+s3] =	stream.linear.scatter [tilespmem:s10], [sflag:$0x8], $0x80, $0x38;
	[tilespmem:$0x13000] =	vst v63  }
0x558: {  	s30 =	simm.s32 $0x10F98;
	s0 =	simm.s32 $0x440;
	s31 =	sadd.s32 $0x30, s1  }
0x559: {  	[hbm4b:s31+s3] =	stream.linear.scatter [tilespmem:s30], [sflag:$0x8], $0x80, $0x38;
	[tilespmem:$0x13000] =	vst v63  }
0x55a: {  	s6 =	simm.s32 $0x11020;
	s7 =	sadd.s32 $0x40, s1;
	s10 =	simm.s32 $0x110A8  }
0x55b: {  	[hbm4b:s7+s3] =	stream.linear.scatter [tilespmem:s6], [sflag:$0x8], $0x80, $0x38;
	[tilespmem:$0x13000] =	vst v63  }
0x55c: {  	s11 =	sadd.s32 $0x50, s1;
	s30 =	simm.s32 $0x11130;
	s31 =	sadd.s32 $0x60, s1  }
0x55d: {  	[hbm4b:s11+s3] =	stream.linear.scatter [tilespmem:s10], [sflag:$0x8], $0x80, $0x38;
	[tilespmem:$0x13000] =	vst v63  }
0x55e: {  	s10 =	simm.s32 $0x2200;
	s11 =	sadd.s32 $0x70, s1;
	s1 =	sadd.s32 $0x4000, s1  }
0x55f: {  	[hbm4b:s31+s3] =	stream.linear.scatter [tilespmem:s30], [sflag:$0x8], $0x80, $0x38;
	[tilespmem:$0x13000] =	vst v63  }
.LBB2_17:
0x560: {  	[hbm4b:s11+s3] =	stream.linear.scatter [tilespmem:s29], [sflag:$0x8], $0x80, $0x38;
	[tilespmem:$0x13000] =	vst v63  }
0x561: {  	s6 =	smov.u32 s0;
	s0 =	smov.u32 s10  }
0x562: {  	s7 =	sadd.s32 $0x1100, s10;
	s0 =	sshra.s32 s0, $0x2;
	s11 =	sadd.s32 $0x10E00, s6  }
0x563: {  	[hbm4b:s1+s3] =	stream.linear.scatter [tilespmem:s11], [sflag:$0x8], $0x80, $0x38;
	[tilespmem:$0x13000] =	vst v63  }
0x564: {  	p0 =	sne.s32 s10, $0x7700;
	s10 =	sadd.s32 $0x10E88, s6;
	s11 =	sadd.s32 $0x10, s1  }
0x565: {  	[hbm4b:s11+s3] =	stream.linear.scatter [tilespmem:s10], [sflag:$0x8], $0x80, $0x38;
	[tilespmem:$0x13000] =	vst v63  }
0x566: {  	s10 =	sadd.s32 $0x10F10, s6;
	s11 =	sadd.s32 $0x20, s1  }
0x567: {  	[hbm4b:s11+s3] =	stream.linear.scatter [tilespmem:s10], [sflag:$0x8], $0x80, $0x38;
	[tilespmem:$0x13000] =	vst v63  }
0x568: {  	s10 =	sadd.s32 $0x10F98, s6;
	s11 =	sadd.s32 $0x30, s1  }
0x569: {  	[hbm4b:s11+s3] =	stream.linear.scatter [tilespmem:s10], [sflag:$0x8], $0x80, $0x38;
	[tilespmem:$0x13000] =	vst v63  }
0x56a: {  	s10 =	sadd.s32 $0x11020, s6;
	s11 =	sadd.s32 $0x40, s1  }
0x56b: {  	[hbm4b:s11+s3] =	stream.linear.scatter [tilespmem:s10], [sflag:$0x8], $0x80, $0x38;
	[tilespmem:$0x13000] =	vst v63  }
.Ltmp7:
0x56c: {  	s10 =	sadd.s32 $0x110A8, s6;
	s11 =	sadd.s32 $0x50, s1;
	(pc) =	sbr.rel @p0 .LBB2_17-.Ltmp7, $4  }
0x56d: {  	[hbm4b:s11+s3] =	stream.linear.scatter [tilespmem:s10], [sflag:$0x8], $0x80, $0x38;
	[tilespmem:$0x13000] =	vst v63  }
0x56e: {  	s29 =	sadd.s32 $0x111B8, s6;
	s10 =	sadd.s32 $0x11130, s6;
	s11 =	sadd.s32 $0x60, s1  }
0x56f: {  	[hbm4b:s11+s3] =	stream.linear.scatter [tilespmem:s10], [sflag:$0x8], $0x80, $0x38;
	[tilespmem:$0x13000] =	vst v63  }
0x570: {  	s11 =	sadd.s32 $0x70, s1;
	s1 =	sadd.s32 $0x4000, s1;
	s10 =	smov.u32 s7  }
0x571: {  	[hbm4b:s11+s3] =	stream.linear.scatter [tilespmem:s29], [sflag:$0x8], $0x80, $0x38;
	[tilespmem:$0x13000] =	vst v63  }
0x572: {  	s6 =	sadd.s32 $0x10E00, s0  }
0x573: {  	[hbm4b:s1+s3] =	stream.linear.scatter [tilespmem:s6], [sflag:$0x8], $0x80, $0x38;
	[tilespmem:$0x13000] =	vst v63  }
0x574: {  	s31 =	sadd.s32 $0x10E88, s0;
	s7 =	sadd.s32 $0x10, s1  }
0x575: {  	[hbm4b:s7+s3] =	stream.linear.scatter [tilespmem:s31], [sflag:$0x8], $0x80, $0x38;
	[tilespmem:$0x13000] =	vst v63  }
0x576: {  	s10 =	sadd.s32 $0x20, s1;
	s7 =	sadd.s32 $0x10F10, s0  }
0x577: {  	[hbm4b:s10+s3] =	stream.linear.scatter [tilespmem:s7], [sflag:$0x8], $0x80, $0x38;
	[tilespmem:$0x13000] =	vst v63  }
0x578: {  	s11 =	sadd.s32 $0x10F98, s0;
	s29 =	sadd.s32 $0x30, s1  }
0x579: {  	[hbm4b:s29+s3] =	stream.linear.scatter [tilespmem:s11], [sflag:$0x8], $0x80, $0x38;
	[tilespmem:$0x13000] =	vst v63  }
0x57a: {  	s30 =	sadd.s32 $0x11020, s0;
	s28 =	sadd.s32 $0x1, s28;
	s31 =	sadd.s32 $0x40, s1  }
0x57b: {  	[hbm4b:s31+s3] =	stream.linear.scatter [tilespmem:s30], [sflag:$0x8], $0x80, $0x38;
	[tilespmem:$0x13000] =	vst v63  }
0x57c: {  	p0 =	sne.s32 s28, $0x14;
	s7 =	sadd.s32 $0x110A8, s0;
	s10 =	sadd.s32 $0x50, s1  }
0x57d: {  	[hbm4b:s10+s3] =	stream.linear.scatter [tilespmem:s7], [sflag:$0x8], $0x80, $0x38;
	[tilespmem:$0x13000] =	vst v63  }
.Ltmp8:
0x57e: {  	_ = 	snop;
	(pc) =	sbr.rel @p0 .LBB2_2-.Ltmp8, $4  }
0x57f: {  	s11 =	sadd.s32 $0x11130, s0;
	s29 =	sadd.s32 $0x60, s1  }
0x580: {  	[hbm4b:s29+s3] =	stream.linear.scatter [tilespmem:s11], [sflag:$0x8], $0x80, $0x38;
	[tilespmem:$0x13000] =	vst v63  }
0x581: {  	s30 =	sadd.s32 $0x111B8, s0;
	s31 =	sadd.s32 $0x70, s1  }
0x582: {  	[hbm4b:s31+s3] =	stream.linear.scatter [tilespmem:s30], [sflag:$0x8], $0x80, $0x38;
	[tilespmem:$0x13000] =	vst v63  }
0x583: {  	_ =	swait.ge [sflag:s22], $0x2000  }
0x584: {  	[sflag:s22] =	ssyncset.done $0x0  }
0x585: {  	[sflag:s22] =	ssyncadd.s32 $0xFFFFE000  }
0x586: {  	_ =	swait.ge [sflag:s23], $0x2000  }
0x587: {  	[sflag:s23] =	ssyncset.done $0x0  }
0x588: {  	[sflag:s23] =	ssyncadd.s32 $0xFFFFE000  }
0x589: {  	_ =	swait.ge [sflag:s24], $0x2000  }
0x58a: {  	[sflag:s24] =	ssyncset.done $0x0  }
0x58b: {  	[sflag:s24] =	ssyncadd.s32 $0xFFFFE000  }
0x58c: {  	_ =	swait.ge [sflag:s25], $0x2000  }
0x58d: {  	s26 =	sadd.s32 $0x1, s26;
	s0 =	rddreg [dreg:$0x4]  }
0x58e: {  	p0 =	sne.s32 s26, s0  }
.Ltmp9:
0x58f: {  	_ = 	snop;
	(pc) =	sbr.rel @p0 .LBB2_1-.Ltmp9, $3  }
0x590: {  	_ =	sdelay $0x1  }
0x591: {  	[sflag:s25] =	ssyncset.done $0x0  }
0x592: {  	[sflag:s25] =	ssyncadd.s32 $0xFFFFE000  }
0x593: {  	_ =	sfence.sel $0x180000  }
0x594: {  	[bflag:$0x0] =	sbarrier.arrive $0xFFFF  }
0x595: {  	_ =	strace $0x90000047  }
0x596: {  	s0 =	stileid.u32;
	[bflag:$0x2] =	sbarrier.arrive $0xFFFF  }
0x597: {  	p0 =	sne.s32 s0, $0x0;
	s0 =	rddreg [dreg:$0x2]  }
0x598: {  	s0 =	sadd.s32 @!p0 $0x100000, s0  }
0x599: {  	[sflag:s0] =	ssyncadd.tile.s32 @!p0 $0x1;
	_ =	shalt  }
.Lfunc_end2:
_tile_overlayer_lowered:
.L_overlay_start_2:
0x59a: {  	(tag) =	ssettag $0x2  }
0x59b: {  	s0 =	rddreg [dreg:$0x0];
	s2 =	stileid.u32  }
0x59c: {  	s1 =	rddreg [dreg:$0x1];
	p0 =	sne.s32 s2, $0x0  }
0x59d: {  	s3 =	rddreg [dreg:$0x2];
	[bflag:$0x3] =	sbarrier.arrive $0xFFFF;
	s2 =	simm.s32 @!p0 $0x1C09  }
0x59e: {  	[timem:s3], [sflag:s2] =	dma.local @!p0 [hbm:s0], s1  }
0x59f: {  	s0 =	simm.s32 @!p0 $0x9  }
0x5a0: {  	_ =	swait.ge @!p0 [sflag:s0], s1  }
0x5a1: {  	s1 =	ssub.s32 @!p0 $0x0, s1;
	[sflag:s0] =	ssyncset.done @!p0 $0x0  }
0x5a2: {  	[sflag:s0] =	ssyncadd.s32 @!p0 s1  }
0x5a3: {  	[bflag:$0x3] =	sbarrier.arrive $0xFFFF  }
0x5a4: {  	_ =	shalt  }

</sc_bundles>
